<compile_context>
chip_gen: v7x
topology: tpu7x:2x2x1
jax: 0.10.2.dev20260603
libtpu: 0.0.44.dev20260713+nightly
codegen_flags: <defaults>
</compile_context>

<pallas_src>
import functools

import jax
import jax.numpy as jnp
from jax import lax
from jax.experimental import pallas as pl
from jax.experimental.pallas import tpu as pltpu
from jax.experimental.pallas import tpu_sc as plsc

_NB = 2_000_000
_NA = 4_000_000
_NBT = 1000
_NAT = 2000
_NLJ = 500
_T = 200
_TP = 208

_C = 16000
_BLK = _C // 128
_NBC = _NB // _C
_NAC = _NA // _C
_NS = 2
_NW = 32


def _ff_body(btab_h, atab_h, sig_h, eps_h, bidx_h, aidx_h, ljidx_h,
             bond_o, angle_o, b_o,
             btab_v, atab_v, sig_v, eps_v, ljx_v, sg_v, esq_v, row_v,
             i0, i1, o0, o1, si0, si1, so0, so1):
    ci = lax.axis_index("c")
    si = lax.axis_index("s")
    wid = si * 2 + ci

    hb = pltpu.async_copy(btab_h, btab_v, si0)
    ha = pltpu.async_copy(atab_h, atab_v, si1)
    hb.wait()
    ha.wait()

    iota = lax.iota(jnp.int32, 16)
    zv = jnp.zeros((16,), jnp.int32)
    ov = zv + 1

    _NCC = _NBC + _NAC
    nch = (jnp.int32(_NCC) - wid + (_NW - 1)) // _NW

    def start_in(t, ibuf, isem):
        c = wid + t * _NW

        @pl.when(c < _NBC)
        def _():
            pltpu.async_copy(bidx_h.at[pl.ds(c * _C, _C)], ibuf, isem)

        @pl.when(c >= _NBC)
        def _():
            pltpu.async_copy(
                aidx_h.at[pl.ds((c - _NBC) * _C, _C)], ibuf, isem)

    def wait_in(ibuf, isem):
        pltpu.make_async_copy(bidx_h.at[pl.ds(0, _C)], ibuf, isem).wait()

    def start_out(t, obuf, osem):
        c = wid + t * _NW

        @pl.when(c < _NBC)
        def _():
            pltpu.async_copy(obuf, bond_o.at[pl.ds(c * _BLK, _BLK)], osem)

        @pl.when(c >= _NBC)
        def _():
            pltpu.async_copy(
                obuf, angle_o.at[pl.ds((c - _NBC) * _BLK, _BLK)], osem)

    def wait_out(obuf, osem):
        pltpu.make_async_copy(obuf, bond_o.at[pl.ds(0, _BLK)], osem).wait()

    def compute(t, ibuf, obuf):
        c = wid + t * _NW

        def gather_from(tab_v):
            @plsc.parallel_loop(0, _BLK)
            def inner(b):
                for s in range(8):
                    iv = ibuf[pl.ds(b * 128 + s * 16, 16)]
                    k0 = plsc.load_gather(tab_v, [iv, zv])
                    rq = plsc.load_gather(tab_v, [iv, ov])
                    obuf[b, 0, pl.ds(s * 16, 16)] = k0
                    obuf[b, 1, pl.ds(s * 16, 16)] = rq

        @pl.when(c < _NBC)
        def _():
            gather_from(btab_v)

        @pl.when(c >= _NBC)
        def _():
            gather_from(atab_v)

    ibufs = (i0, i1)
    isems = (si0, si1)
    obufs = (o0, o1)
    osems = (so0, so1)

    for s in range(_NS):
        @pl.when(nch > s)
        def _(s=s):
            start_in(s, ibufs[s], isems[s])

    def slot(tg, t, ibuf, isem, obuf, osem):
        @pl.when(t < nch)
        def _():
            wait_in(ibuf, isem)

            @pl.when(tg > 0)
            def _():
                wait_out(obuf, osem)

            compute(t, ibuf, obuf)
            start_out(t, obuf, osem)

            @pl.when(t + _NS < nch)
            def _():
                start_in(t + _NS, ibuf, isem)

    def group(tg, carry):
        for s in range(_NS):
            slot(tg, tg * _NS + s, ibufs[s], isems[s], obufs[s], osems[s])
        return carry

    lax.fori_loop(0, (nch + _NS - 1) // _NS, group, 0)

    for s in range(_NS):
        @pl.when(nch > s)
        def _(s=s):
            wait_out(obufs[s], osems[s])

    h1 = pltpu.async_copy(sig_h, sig_v, si0)
    h2 = pltpu.async_copy(eps_h, eps_v, si1)
    ljx_v[pl.ds(192, 16)] = jnp.zeros((16,), jnp.int32)
    h3 = pltpu.async_copy(ljidx_h, ljx_v.at[pl.ds(0, _T)], so0)
    h1.wait()
    h2.wait()
    h3.wait()

    for k in range(_TP // 16):
        lj = ljx_v[pl.ds(k * 16, 16)]
        sv = plsc.load_gather(sig_v, [lj])
        ev = plsc.load_gather(eps_v, [lj])
        r = plsc.bitcast(
            jnp.int32(0x5F3759DF)
            - lax.shift_right_logical(plsc.bitcast(ev, jnp.int32), 1),
            jnp.float32)
        for _ in range(3):
            r = r * (1.5 - 0.5 * ev * r * r)
        sg_v[pl.ds(k * 16, 16)] = sv
        esq_v[pl.ds(k * 16, 16)] = ev * r

    def b_row(t, carry):
        rr = wid + t * _NW
        rv = zv + rr
        siv = plsc.load_gather(sg_v, [rv])
        eiv = plsc.load_gather(esq_v, [rv])
        for k in range(_TP // 16):
            sj = sg_v[pl.ds(k * 16, 16)]
            ej = esq_v[pl.ds(k * 16, 16)]
            s = 0.5 * (siv + sj)
            s2 = s * s
            s6 = s2 * s2 * s2
            row_v[pl.ds(k * 16, 16)] = (4.0 * s6) * (eiv * ej)
        pltpu.sync_copy(row_v.at[pl.ds(0, _T)], b_o.at[pl.ds(rr * _T, _T)])
        return carry

    nrows = jnp.where(wid < _T % _NW, _T // _NW + 1, _T // _NW)
    lax.fori_loop(0, nrows, b_row, 0)


_ff = functools.partial(
    pl.kernel,
    mesh=plsc.VectorSubcoreMesh(core_axis_name="c", subcore_axis_name="s"),
    compiler_params=pltpu.CompilerParams(
        needs_layout_passes=False, use_tc_tiling_on_sc=False),
    out_type=[
        jax.ShapeDtypeStruct((_NB // 128, 2, 128), jnp.float32),
        jax.ShapeDtypeStruct((_NA // 128, 2, 128), jnp.float32),
        jax.ShapeDtypeStruct((_T * _T,), jnp.float32),
    ],
    scratch_types=[
        pltpu.VMEM((_NBT, 2), jnp.float32),
        pltpu.VMEM((_NAT, 2), jnp.float32),
        pltpu.VMEM((_NLJ,), jnp.float32),
        pltpu.VMEM((_NLJ,), jnp.float32),
        pltpu.VMEM((_TP,), jnp.int32),
        pltpu.VMEM((_TP,), jnp.float32),
        pltpu.VMEM((_TP,), jnp.float32),
        pltpu.VMEM((_TP,), jnp.float32),
        pltpu.VMEM((_C,), jnp.int32),
        pltpu.VMEM((_C,), jnp.int32),
        pltpu.VMEM((_BLK, 2, 128), jnp.float32),
        pltpu.VMEM((_BLK, 2, 128), jnp.float32),
        pltpu.SemaphoreType.DMA,
        pltpu.SemaphoreType.DMA,
        pltpu.SemaphoreType.DMA,
        pltpu.SemaphoreType.DMA,
    ],
)
_ff_call = _ff(_ff_body)


@jax.jit
def kernel(bond_params, angle_params, lj_sigma, lj_epsilon,
           bond_idx, angle_idx, lj_idx):
    bond_p, angle_p, b = _ff_call(
        bond_params, angle_params, lj_sigma, lj_epsilon,
        bond_idx.astype(jnp.int32), angle_idx.astype(jnp.int32),
        lj_idx.astype(jnp.int32))
    return (bond_p.transpose(0, 2, 1).reshape(_NB, 2),
            angle_p.transpose(0, 2, 1).reshape(_NA, 2),
            b.reshape(_T, _T))

# --- scband reference (transcript-rebuilt; emitter-appended) ---
"""Pipeline reference for scband-learnable-force-field-76020921139238 (READ-ONLY COPY).

The authoritative reference and input builder live on the scoring server;
editing this copy changes nothing except your own understanding.
"""

import jax, jax.numpy as jnp
import numpy as np

N_BOND_TYPES = 1000
N_ANGLE_TYPES = 2000
N_LJ_TYPES = 500
N_BONDS = 2000000
N_ANGLES = 4000000
N_UQ_ATOMTYPES = 200


def setup_inputs(seed: int = 0) -> dict:
    key = jax.random.key(seed)
    k1, k2, k3, k4, k5, k6, k7 = jax.random.split(key, 7)
    bond_params = jax.random.normal(k1, (N_BOND_TYPES, 2), dtype=jnp.float32)
    angle_params = jax.random.normal(k2, (N_ANGLE_TYPES, 2), dtype=jnp.float32)
    # sigma/epsilon must be positive (sqrt / physical meaning)
    lj_sigma = jax.random.uniform(k3, (N_LJ_TYPES,), dtype=jnp.float32) + 0.5
    lj_epsilon = jax.random.uniform(k4, (N_LJ_TYPES,), dtype=jnp.float32) + 0.1
    bond_idx = jax.random.randint(k5, (N_BONDS,), 0, N_BOND_TYPES, dtype=jnp.int64 if jax.config.jax_enable_x64 else jnp.int32)
    angle_idx = jax.random.randint(k6, (N_ANGLES,), 0, N_ANGLE_TYPES, dtype=jnp.int64 if jax.config.jax_enable_x64 else jnp.int32)
    lj_idx = jax.random.randint(k7, (N_UQ_ATOMTYPES,), 0, N_LJ_TYPES, dtype=jnp.int64 if jax.config.jax_enable_x64 else jnp.int32)
    return {
        "bond_params": bond_params,
        "angle_params": angle_params,
        "lj_sigma": lj_sigma,
        "lj_epsilon": lj_epsilon,
        "bond_idx": bond_idx,
        "angle_idx": angle_idx,
        "lj_idx": lj_idx,
    }


def reference(bond_params, angle_params, lj_sigma, lj_epsilon, bond_idx, angle_idx, lj_idx):
    # apply_params: gather learned force-field parameters per bond/angle/atom-type
    bond_p = jnp.take(bond_params, bond_idx, axis=0)        # [N_BONDS, 2]  (k0, req)
    angle_p = jnp.take(angle_params, angle_idx, axis=0)     # [N_ANGLES, 2] (k0, theta0)
    sigma = jnp.take(lj_sigma, lj_idx, axis=0)              # [T]
    epsilon = jnp.take(lj_epsilon, lj_idx, axis=0)          # [T]
    # Lorentz-Berthelot combining rules -> pairwise LJ B table
    sigma_table = 0.5 * (sigma + sigma[:, None])            # [T, T]
    eps_table = jnp.sqrt(epsilon * epsilon[:, None])        # [T, T]
    sigma_table_6 = sigma_table ** 6
    B = eps_table * 4.0 * sigma_table_6                     # [T, T]
    return (bond_p, angle_p, B)

if __name__ == "__main__":
    import jax
    _d = setup_inputs()
    print(jax.jit(kernel)(*tuple(_d.values())))

</pallas_src>

<mosaic_0001>
#map = affine_map<(d0, d1) -> (0, 0)>
#map1 = affine_map<(d0, d1) -> (0)>
#map2 = affine_map<(d0, d1) -> (0, 0, 0)>
module attributes {stable_mosaic.version = 14 : i64} {
  func.func @_ff_body(%arg0: i32, %arg1: i32, %arg2: memref<1000x2xf32, #tpu.memory_space<hbm>>, %arg3: memref<2000x2xf32, #tpu.memory_space<hbm>>, %arg4: memref<500xf32, #tpu.memory_space<hbm>>, %arg5: memref<500xf32, #tpu.memory_space<hbm>>, %arg6: memref<2000000xi32, #tpu.memory_space<hbm>>, %arg7: memref<4000000xi32, #tpu.memory_space<hbm>>, %arg8: memref<200xi32, #tpu.memory_space<hbm>>, %arg9: memref<15625x2x128xf32, #tpu.memory_space<hbm>>, %arg10: memref<31250x2x128xf32, #tpu.memory_space<hbm>>, %arg11: memref<40000xf32, #tpu.memory_space<hbm>>, %arg12: memref<1000x2xf32, #tpu.memory_space<vmem>>, %arg13: memref<2000x2xf32, #tpu.memory_space<vmem>>, %arg14: memref<500xf32, #tpu.memory_space<vmem>>, %arg15: memref<500xf32, #tpu.memory_space<vmem>>, %arg16: memref<208xi32, #tpu.memory_space<vmem>>, %arg17: memref<208xf32, #tpu.memory_space<vmem>>, %arg18: memref<208xf32, #tpu.memory_space<vmem>>, %arg19: memref<208xf32, #tpu.memory_space<vmem>>, %arg20: memref<16000xi32, #tpu.memory_space<vmem>>, %arg21: memref<16000xi32, #tpu.memory_space<vmem>>, %arg22: memref<125x2x128xf32, #tpu.memory_space<vmem>>, %arg23: memref<125x2x128xf32, #tpu.memory_space<vmem>>, %arg24: memref<!tpu.dma_semaphore, #tpu.memory_space<semaphore_mem>>, %arg25: memref<!tpu.dma_semaphore, #tpu.memory_space<semaphore_mem>>, %arg26: memref<!tpu.dma_semaphore, #tpu.memory_space<semaphore_mem>>, %arg27: memref<!tpu.dma_semaphore, #tpu.memory_space<semaphore_mem>>) attributes {dimension_semantics = [#tpu.dimension_semantics<core_parallel>, #tpu.dimension_semantics<subcore_parallel>], iteration_bounds = array<i64: 2, 16>, scalar_prefetch = 0 : i64, scratch_operands = 16 : i64, tpu.core_type = #tpu.core_type<sc_vector_subcore>, window_params = [{transform_indices = #map}, {transform_indices = #map}, {transform_indices = #map1}, {transform_indices = #map1}, {transform_indices = #map1}, {transform_indices = #map1}, {transform_indices = #map1}, {transform_indices = #map2}, {transform_indices = #map2}, {transform_indices = #map1}]} {
    %mul3A = arith.constant 2 : i32
    %mul3A_0 = arith.muli %arg1, %mul3A : i32
    %add3A = arith.addi %mul3A_0, %arg0 : i32
    tpu.enqueue_dma source(%arg2 : memref<1000x2xf32, #tpu.memory_space<hbm>>) target(%arg12 : memref<1000x2xf32, #tpu.memory_space<vmem>>) target_semaphore(%arg24 : memref<!tpu.dma_semaphore, #tpu.memory_space<semaphore_mem>>)
    tpu.enqueue_dma source(%arg3 : memref<2000x2xf32, #tpu.memory_space<hbm>>) target(%arg13 : memref<2000x2xf32, #tpu.memory_space<vmem>>) target_semaphore(%arg25 : memref<!tpu.dma_semaphore, #tpu.memory_space<semaphore_mem>>)
    tpu.wait_dma2 semaphore(%arg24 : memref<!tpu.dma_semaphore, #tpu.memory_space<semaphore_mem>>) src(%arg2 : memref<1000x2xf32, #tpu.memory_space<hbm>>) dst(%arg12 : memref<1000x2xf32, #tpu.memory_space<vmem>>)
    tpu.wait_dma2 semaphore(%arg25 : memref<!tpu.dma_semaphore, #tpu.memory_space<semaphore_mem>>) src(%arg3 : memref<2000x2xf32, #tpu.memory_space<hbm>>) dst(%arg13 : memref<2000x2xf32, #tpu.memory_space<vmem>>)
    %iota3A = tpu.iota {dimensions = array<i32: 0>} : vector<16xi32>
    %broadcast_in_dim3A = arith.constant 0 : i32
    %broadcast_in_dim3A_1 = vector.broadcast %broadcast_in_dim3A : i32 to vector<16xi32>
    %add3A_2 = arith.constant 1 : i32
    %add3A_3 = vector.broadcast %add3A_2 : i32 to vector<16xi32>
    %add3A_4 = arith.addi %broadcast_in_dim3A_1, %add3A_3 : vector<16xi32>
    %sub3A = arith.constant 375 : i32
    %sub3A_5 = arith.subi %sub3A, %add3A : i32
    %add3A_6 = arith.constant 31 : i32
    %add3A_7 = arith.addi %sub3A_5, %add3A_6 : i32
    %jit3A = arith.constant 32 : i32
    %div3A = arith.divsi %add3A_7, %jit3A : i32
    %sign3A = arith.constant 0 : i32
    %sign3A_8 = arith.cmpi sgt, %add3A_7, %sign3A : i32
    %sign3A_9 = arith.extui %sign3A_8 : i1 to i32
    %sign3A_10 = arith.constant 0 : i32
    %sign3A_11 = arith.cmpi slt, %add3A_7, %sign3A_10 : i32
    %sign3A_12 = arith.extui %sign3A_11 : i1 to i32
    %sign3A_13 = arith.subi %sign3A_9, %sign3A_12 : i32
    %sign3A_14 = arith.constant 0 : i32
    %sign3A_15 = arith.cmpi sgt, %jit3A, %sign3A_14 : i32
    %sign3A_16 = arith.extui %sign3A_15 : i1 to i32
    %sign3A_17 = arith.constant 0 : i32
    %sign3A_18 = arith.cmpi slt, %jit3A, %sign3A_17 : i32
    %sign3A_19 = arith.extui %sign3A_18 : i1 to i32
    %sign3A_20 = arith.subi %sign3A_16, %sign3A_19 : i32
    %ne3A = arith.cmpi ne, %sign3A_13, %sign3A_20 : i32
    %rem3A = arith.remsi %add3A_7, %jit3A : i32
    %ne3A_21 = arith.constant 0 : i32
    %ne3A_22 = arith.cmpi ne, %rem3A, %ne3A_21 : i32
    %and3A = arith.andi %ne3A, %ne3A_22 : i1
    %sub3A_23 = arith.constant 1 : i32
    %sub3A_24 = arith.subi %div3A, %sub3A_23 : i32
    %select_n3A = arith.select %and3A, %sub3A_24, %div3A : i32
    %gt3A = arith.constant 0 : i32
    %gt3A_25 = arith.cmpi sgt, %select_n3A, %gt3A : i32
    %convert_element_type3A = arith.extui %gt3A_25 : i1 to i32
    %cond3A = arith.constant 0 : i32
    %cond3A_26 = arith.cmpi ne, %convert_element_type3A, %cond3A : i32
    scf.if %cond3A_26 {
      %add3A_670 = arith.constant 0 : i32
      %add3A_671 = arith.addi %add3A, %add3A_670 : i32
      %lt3A_672 = arith.constant 125 : i32
      %lt3A_673 = arith.cmpi slt, %add3A_671, %lt3A_672 : i32
      %convert_element_type3A_674 = arith.extui %lt3A_673 : i1 to i32
      %cond3A_675 = arith.constant 0 : i32
      %cond3A_676 = arith.cmpi ne, %convert_element_type3A_674, %cond3A_675 : i32
      scf.if %cond3A_676 {
        %mul3A_681 = arith.constant 16000 : i32
        %mul3A_682 = arith.muli %add3A_671, %mul3A_681 : i32
        %dma_start3A_683 = tpu.memref_slice %arg6[%mul3A_682] : memref<2000000xi32, #tpu.memory_space<hbm>> -> memref<16000xi32, #tpu.memory_space<hbm>>
        %dma_start3A_684 = tpu.memref_slice %arg6[%mul3A_682] : memref<2000000xi32, #tpu.memory_space<hbm>> -> memref<16000xi32, #tpu.memory_space<hbm>>
        tpu.enqueue_dma source(%dma_start3A_684 : memref<16000xi32, #tpu.memory_space<hbm>>) target(%arg20 : memref<16000xi32, #tpu.memory_space<vmem>>) target_semaphore(%arg24 : memref<!tpu.dma_semaphore, #tpu.memory_space<semaphore_mem>>)
      } else {
      }
      %ge3A = arith.constant 125 : i32
      %ge3A_677 = arith.cmpi sge, %add3A_671, %ge3A : i32
      %convert_element_type3A_678 = arith.extui %ge3A_677 : i1 to i32
      %cond3A_679 = arith.constant 0 : i32
      %cond3A_680 = arith.cmpi ne, %convert_element_type3A_678, %cond3A_679 : i32
      scf.if %cond3A_680 {
        %sub3A_681 = arith.constant 125 : i32
        %sub3A_682 = arith.subi %add3A_671, %sub3A_681 : i32
        %mul3A_683 = arith.constant 16000 : i32
        %mul3A_684 = arith.muli %sub3A_682, %mul3A_683 : i32
        %dma_start3A_685 = tpu.memref_slice %arg7[%mul3A_684] : memref<4000000xi32, #tpu.memory_space<hbm>> -> memref<16000xi32, #tpu.memory_space<hbm>>
        %dma_start3A_686 = tpu.memref_slice %arg7[%mul3A_684] : memref<4000000xi32, #tpu.memory_space<hbm>> -> memref<16000xi32, #tpu.memory_space<hbm>>
        tpu.enqueue_dma source(%dma_start3A_686 : memref<16000xi32, #tpu.memory_space<hbm>>) target(%arg20 : memref<16000xi32, #tpu.memory_space<vmem>>) target_semaphore(%arg24 : memref<!tpu.dma_semaphore, #tpu.memory_space<semaphore_mem>>)
      } else {
      }
    } else {
    }
    %gt3A_27 = arith.constant 1 : i32
    %gt3A_28 = arith.cmpi sgt, %select_n3A, %gt3A_27 : i32
    %convert_element_type3A_29 = arith.extui %gt3A_28 : i1 to i32
    %cond3A_30 = arith.constant 0 : i32
    %cond3A_31 = arith.cmpi ne, %convert_element_type3A_29, %cond3A_30 : i32
    scf.if %cond3A_31 {
      %add3A_670 = arith.constant 32 : i32
      %add3A_671 = arith.addi %add3A, %add3A_670 : i32
      %lt3A_672 = arith.constant 125 : i32
      %lt3A_673 = arith.cmpi slt, %add3A_671, %lt3A_672 : i32
      %convert_element_type3A_674 = arith.extui %lt3A_673 : i1 to i32
      %cond3A_675 = arith.constant 0 : i32
      %cond3A_676 = arith.cmpi ne, %convert_element_type3A_674, %cond3A_675 : i32
      scf.if %cond3A_676 {
        %mul3A_681 = arith.constant 16000 : i32
        %mul3A_682 = arith.muli %add3A_671, %mul3A_681 : i32
        %dma_start3A_683 = tpu.memref_slice %arg6[%mul3A_682] : memref<2000000xi32, #tpu.memory_space<hbm>> -> memref<16000xi32, #tpu.memory_space<hbm>>
        %dma_start3A_684 = tpu.memref_slice %arg6[%mul3A_682] : memref<2000000xi32, #tpu.memory_space<hbm>> -> memref<16000xi32, #tpu.memory_space<hbm>>
        tpu.enqueue_dma source(%dma_start3A_684 : memref<16000xi32, #tpu.memory_space<hbm>>) target(%arg21 : memref<16000xi32, #tpu.memory_space<vmem>>) target_semaphore(%arg25 : memref<!tpu.dma_semaphore, #tpu.memory_space<semaphore_mem>>)
      } else {
      }
      %ge3A = arith.constant 125 : i32
      %ge3A_677 = arith.cmpi sge, %add3A_671, %ge3A : i32
      %convert_element_type3A_678 = arith.extui %ge3A_677 : i1 to i32
      %cond3A_679 = arith.constant 0 : i32
      %cond3A_680 = arith.cmpi ne, %convert_element_type3A_678, %cond3A_679 : i32
      scf.if %cond3A_680 {
        %sub3A_681 = arith.constant 125 : i32
        %sub3A_682 = arith.subi %add3A_671, %sub3A_681 : i32
        %mul3A_683 = arith.constant 16000 : i32
        %mul3A_684 = arith.muli %sub3A_682, %mul3A_683 : i32
        %dma_start3A_685 = tpu.memref_slice %arg7[%mul3A_684] : memref<4000000xi32, #tpu.memory_space<hbm>> -> memref<16000xi32, #tpu.memory_space<hbm>>
        %dma_start3A_686 = tpu.memref_slice %arg7[%mul3A_684] : memref<4000000xi32, #tpu.memory_space<hbm>> -> memref<16000xi32, #tpu.memory_space<hbm>>
        tpu.enqueue_dma source(%dma_start3A_686 : memref<16000xi32, #tpu.memory_space<hbm>>) target(%arg21 : memref<16000xi32, #tpu.memory_space<vmem>>) target_semaphore(%arg25 : memref<!tpu.dma_semaphore, #tpu.memory_space<semaphore_mem>>)
      } else {
      }
    } else {
    }
    %add3A_32 = arith.constant 2 : i32
    %add3A_33 = arith.addi %select_n3A, %add3A_32 : i32
    %sub3A_34 = arith.constant 1 : i32
    %sub3A_35 = arith.subi %add3A_33, %sub3A_34 : i32
    %jit3A_36 = arith.constant 2 : i32
    %div3A_37 = arith.divsi %sub3A_35, %jit3A_36 : i32
    %sign3A_38 = arith.constant 0 : i32
    %sign3A_39 = arith.cmpi sgt, %sub3A_35, %sign3A_38 : i32
    %sign3A_40 = arith.extui %sign3A_39 : i1 to i32
    %sign3A_41 = arith.constant 0 : i32
    %sign3A_42 = arith.cmpi slt, %sub3A_35, %sign3A_41 : i32
    %sign3A_43 = arith.extui %sign3A_42 : i1 to i32
    %sign3A_44 = arith.subi %sign3A_40, %sign3A_43 : i32
    %sign3A_45 = arith.constant 0 : i32
    %sign3A_46 = arith.cmpi sgt, %jit3A_36, %sign3A_45 : i32
    %sign3A_47 = arith.extui %sign3A_46 : i1 to i32
    %sign3A_48 = arith.constant 0 : i32
    %sign3A_49 = arith.cmpi slt, %jit3A_36, %sign3A_48 : i32
    %sign3A_50 = arith.extui %sign3A_49 : i1 to i32
    %sign3A_51 = arith.subi %sign3A_47, %sign3A_50 : i32
    %ne3A_52 = arith.cmpi ne, %sign3A_44, %sign3A_51 : i32
    %rem3A_53 = arith.remsi %sub3A_35, %jit3A_36 : i32
    %ne3A_54 = arith.constant 0 : i32
    %ne3A_55 = arith.cmpi ne, %rem3A_53, %ne3A_54 : i32
    %and3A_56 = arith.andi %ne3A_52, %ne3A_55 : i1
    %sub3A_57 = arith.constant 1 : i32
    %sub3A_58 = arith.subi %div3A_37, %sub3A_57 : i32
    %select_n3A_59 = arith.select %and3A_56, %sub3A_58, %div3A_37 : i32
    %while3A = arith.constant 0 : i32
    %while3A_60 = arith.constant 0 : i32
    %while3A_61 = arith.subi %select_n3A_59, %while3A_60 : i32
    %while3A_62 = arith.addi %while3A_60, %while3A_61 : i32
    %while3A_63 = arith.constant 1 : i32
    %while3A_64 = arith.divsi %while3A_61, %while3A_63 : i32
    %while3A_65 = arith.muli %while3A_64, %while3A_63 : i32
    %while3A_66 = arith.addi %while3A_60, %while3A_65 : i32
    %while3A_67 = arith.constant 1 : i32
    scf.for %while3A_670 = %while3A_60 to %while3A_66 step %while3A_67  : i32 {
      %mul3A_671 = arith.constant 2 : i32
      %mul3A_672 = arith.muli %while3A_670, %mul3A_671 : i32
      %add3A_673 = arith.constant 0 : i32
      %add3A_674 = arith.addi %mul3A_672, %add3A_673 : i32
      %lt3A_675 = arith.cmpi slt, %add3A_674, %select_n3A : i32
      %convert_element_type3A_676 = arith.extui %lt3A_675 : i1 to i32
      %cond3A_677 = arith.constant 0 : i32
      %cond3A_678 = arith.cmpi ne, %convert_element_type3A_676, %cond3A_677 : i32
      scf.if %cond3A_678 {
        %dma_wait3A_687 = arith.constant 0 : i32
        %dma_wait3A_688 = tpu.memref_slice %arg6[%dma_wait3A_687] : memref<2000000xi32, #tpu.memory_space<hbm>> -> memref<16000xi32, #tpu.memory_space<hbm>>
        %dma_wait3A_689 = arith.constant 0 : i32
        %dma_wait3A_690 = tpu.memref_slice %arg6[%dma_wait3A_689] : memref<2000000xi32, #tpu.memory_space<hbm>> -> memref<16000xi32, #tpu.memory_space<hbm>>
        tpu.wait_dma2 semaphore(%arg24 : memref<!tpu.dma_semaphore, #tpu.memory_space<semaphore_mem>>) src(%dma_wait3A_690 : memref<16000xi32, #tpu.memory_space<hbm>>) dst(%arg20 : memref<16000xi32, #tpu.memory_space<vmem>>)
        %gt3A_691 = arith.constant 0 : i32
        %gt3A_692 = arith.cmpi sgt, %while3A_670, %gt3A_691 : i32
        %convert_element_type3A_693 = arith.extui %gt3A_692 : i1 to i32
        %cond3A_694 = arith.constant 0 : i32
        %cond3A_695 = arith.cmpi ne, %convert_element_type3A_693, %cond3A_694 : i32
        scf.if %cond3A_695 {
          %dma_wait3A_727 = arith.constant 0 : i32
          %dma_wait3A_728 = arith.constant 0 : i32
          %dma_wait3A_729 = arith.constant 0 : i32
          %dma_wait3A_730 = tpu.memref_slice %arg9[%dma_wait3A_727, %dma_wait3A_728, %dma_wait3A_729] : memref<15625x2x128xf32, #tpu.memory_space<hbm>> -> memref<125x2x128xf32, #tpu.memory_space<hbm>>
          %dma_wait3A_731 = arith.constant 0 : i32
          %dma_wait3A_732 = arith.constant 0 : i32
          %dma_wait3A_733 = arith.constant 0 : i32
          %dma_wait3A_734 = tpu.memref_slice %arg9[%dma_wait3A_731, %dma_wait3A_732, %dma_wait3A_733] : memref<15625x2x128xf32, #tpu.memory_space<hbm>> -> memref<125x2x128xf32, #tpu.memory_space<hbm>>
          tpu.wait_dma2 semaphore(%arg26 : memref<!tpu.dma_semaphore, #tpu.memory_space<semaphore_mem>>) src(%arg22 : memref<125x2x128xf32, #tpu.memory_space<vmem>>) dst(%dma_wait3A_734 : memref<125x2x128xf32, #tpu.memory_space<hbm>>)
        } else {
        }
        %mul3A_696 = arith.constant 32 : i32
        %mul3A_697 = arith.muli %add3A_674, %mul3A_696 : i32
        %add3A_698 = arith.addi %add3A, %mul3A_697 : i32
        %lt3A_699 = arith.constant 125 : i32
        %lt3A_700 = arith.cmpi slt, %add3A_698, %lt3A_699 : i32
        %convert_element_type3A_701 = arith.extui %lt3A_700 : i1 to i32
        %cond3A_702 = arith.constant 0 : i32
        %cond3A_703 = arith.cmpi ne, %convert_element_type3A_701, %cond3A_702 : i32
        scf.if %cond3A_703 {
          %parallel_loop3A = arith.constant 0 : i32
          %parallel_loop3A_727 = arith.constant 125 : i32
          %parallel_loop3A_728 = arith.constant 1 : i32
          scf.for %parallel_loop3A_729 = %parallel_loop3A to %parallel_loop3A_727 step %parallel_loop3A_728  : i32 {
            %parallel_loop3A_730 = arith.constant 128 : i32
            %parallel_loop3A_731 = arith.muli %parallel_loop3A_729, %parallel_loop3A_730 : i32
            %parallel_loop3A_732 = arith.constant 0 : i32
            %parallel_loop3A_733 = arith.addi %parallel_loop3A_731, %parallel_loop3A_732 : i32
            %parallel_loop3A_734 = arith.index_cast %parallel_loop3A_733 : i32 to index
            %parallel_loop3A_735 = tpu.vector_load %arg20[%parallel_loop3A_734] {strides = array<i32>} : memref<16000xi32, #tpu.memory_space<vmem>>, vector<16xi32>,
            %parallel_loop3A_736 = tpu.vector_load_idx %arg12[%parallel_loop3A_735, %broadcast_in_dim3A_1] : memref<1000x2xf32, #tpu.memory_space<vmem>>[vector<16xi32>, vector<16xi32>], vector<16xf32>,
            %parallel_loop3A_737 = tpu.vector_load_idx %arg12[%parallel_loop3A_735, %add3A_4] : memref<1000x2xf32, #tpu.memory_space<vmem>>[vector<16xi32>, vector<16xi32>], vector<16xf32>,
            %parallel_loop3A_738 = arith.constant 0 : i32
            %parallel_loop3A_739 = arith.index_cast %parallel_loop3A_729 : i32 to index
            %parallel_loop3A_740 = arith.index_cast %parallel_loop3A_738 : i32 to index
            %parallel_loop3A_741 = arith.constant 0 : index
            %parallel_loop3A_742 = tpu.vector_load %arg22[%parallel_loop3A_739, %parallel_loop3A_740, %parallel_loop3A_741] {strides = array<i32>} : memref<125x2x128xf32, #tpu.memory_space<vmem>>, vector<16xf32>,
            tpu.vector_store %arg22[%parallel_loop3A_739, %parallel_loop3A_740, %parallel_loop3A_741], %parallel_loop3A_736 {strides = array<i32>} : memref<125x2x128xf32, #tpu.memory_space<vmem>>, vector<16xf32>,
            %parallel_loop3A_743 = arith.constant 1 : i32
            %parallel_loop3A_744 = arith.index_cast %parallel_loop3A_729 : i32 to index
            %parallel_loop3A_745 = arith.index_cast %parallel_loop3A_743 : i32 to index
            %parallel_loop3A_746 = arith.constant 0 : index
            %parallel_loop3A_747 = tpu.vector_load %arg22[%parallel_loop3A_744, %parallel_loop3A_745, %parallel_loop3A_746] {strides = array<i32>} : memref<125x2x128xf32, #tpu.memory_space<vmem>>, vector<16xf32>,
            tpu.vector_store %arg22[%parallel_loop3A_744, %parallel_loop3A_745, %parallel_loop3A_746], %parallel_loop3A_737 {strides = array<i32>} : memref<125x2x128xf32, #tpu.memory_space<vmem>>, vector<16xf32>,
            %parallel_loop3A_748 = arith.constant 128 : i32
            %parallel_loop3A_749 = arith.muli %parallel_loop3A_729, %parallel_loop3A_748 : i32
            %parallel_loop3A_750 = arith.constant 16 : i32
            %parallel_loop3A_751 = arith.addi %parallel_loop3A_749, %parallel_loop3A_750 : i32
            %parallel_loop3A_752 = arith.index_cast %parallel_loop3A_751 : i32 to index
            %parallel_loop3A_753 = tpu.vector_load %arg20[%parallel_loop3A_752] {strides = array<i32>} : memref<16000xi32, #tpu.memory_space<vmem>>, vector<16xi32>,
            %parallel_loop3A_754 = tpu.vector_load_idx %arg12[%parallel_loop3A_753, %broadcast_in_dim3A_1] : memref<1000x2xf32, #tpu.memory_space<vmem>>[vector<16xi32>, vector<16xi32>], vector<16xf32>,
            %parallel_loop3A_755 = tpu.vector_load_idx %arg12[%parallel_loop3A_753, %add3A_4] : memref<1000x2xf32, #tpu.memory_space<vmem>>[vector<16xi32>, vector<16xi32>], vector<16xf32>,
            %parallel_loop3A_756 = arith.constant 0 : i32
            %parallel_loop3A_757 = arith.index_cast %parallel_loop3A_729 : i32 to index
            %parallel_loop3A_758 = arith.index_cast %parallel_loop3A_756 : i32 to index
            %parallel_loop3A_759 = arith.constant 16 : index
            %parallel_loop3A_760 = tpu.vector_load %arg22[%parallel_loop3A_757, %parallel_loop3A_758, %parallel_loop3A_759] {strides = array<i32>} : memref<125x2x128xf32, #tpu.memory_space<vmem>>, vector<16xf32>,
            tpu.vector_store %arg22[%parallel_loop3A_757, %parallel_loop3A_758, %parallel_loop3A_759], %parallel_loop3A_754 {strides = array<i32>} : memref<125x2x128xf32, #tpu.memory_space<vmem>>, vector<16xf32>,
            %parallel_loop3A_761 = arith.constant 1 : i32
            %parallel_loop3A_762 = arith.index_cast %parallel_loop3A_729 : i32 to index
            %parallel_loop3A_763 = arith.index_cast %parallel_loop3A_761 : i32 to index
            %parallel_loop3A_764 = arith.constant 16 : index
            %parallel_loop3A_765 = tpu.vector_load %arg22[%parallel_loop3A_762, %parallel_loop3A_763, %parallel_loop3A_764] {strides = array<i32>} : memref<125x2x128xf32, #tpu.memory_space<vmem>>, vector<16xf32>,
            tpu.vector_store %arg22[%parallel_loop3A_762, %parallel_loop3A_763, %parallel_loop3A_764], %parallel_loop3A_755 {strides = array<i32>} : memref<125x2x128xf32, #tpu.memory_space<vmem>>, vector<16xf32>,
            %parallel_loop3A_766 = arith.constant 128 : i32
            %parallel_loop3A_767 = arith.muli %parallel_loop3A_729, %parallel_loop3A_766 : i32
            %parallel_loop3A_768 = arith.constant 32 : i32
            %parallel_loop3A_769 = arith.addi %parallel_loop3A_767, %parallel_loop3A_768 : i32
            %parallel_loop3A_770 = arith.index_cast %parallel_loop3A_769 : i32 to index
            %parallel_loop3A_771 = tpu.vector_load %arg20[%parallel_loop3A_770] {strides = array<i32>} : memref<16000xi32, #tpu.memory_space<vmem>>, vector<16xi32>,
            %parallel_loop3A_772 = tpu.vector_load_idx %arg12[%parallel_loop3A_771, %broadcast_in_dim3A_1] : memref<1000x2xf32, #tpu.memory_space<vmem>>[vector<16xi32>, vector<16xi32>], vector<16xf32>,
            %parallel_loop3A_773 = tpu.vector_load_idx %arg12[%parallel_loop3A_771, %add3A_4] : memref<1000x2xf32, #tpu.memory_space<vmem>>[vector<16xi32>, vector<16xi32>], vector<16xf32>,
            %parallel_loop3A_774 = arith.constant 0 : i32
            %parallel_loop3A_775 = arith.index_cast %parallel_loop3A_729 : i32 to index
            %parallel_loop3A_776 = arith.index_cast %parallel_loop3A_774 : i32 to index
            %parallel_loop3A_777 = arith.constant 32 : index
            %parallel_loop3A_778 = tpu.vector_load %arg22[%parallel_loop3A_775, %parallel_loop3A_776, %parallel_loop3A_777] {strides = array<i32>} : memref<125x2x128xf32, #tpu.memory_space<vmem>>, vector<16xf32>,
            tpu.vector_store %arg22[%parallel_loop3A_775, %parallel_loop3A_776, %parallel_loop3A_777], %parallel_loop3A_772 {strides = array<i32>} : memref<125x2x128xf32, #tpu.memory_space<vmem>>, vector<16xf32>,
            %parallel_loop3A_779 = arith.constant 1 : i32
            %parallel_loop3A_780 = arith.index_cast %parallel_loop3A_729 : i32 to index
            %parallel_loop3A_781 = arith.index_cast %parallel_loop3A_779 : i32 to index
            %parallel_loop3A_782 = arith.constant 32 : index
            %parallel_loop3A_783 = tpu.vector_load %arg22[%parallel_loop3A_780, %parallel_loop3A_781, %parallel_loop3A_782] {strides = array<i32>} : memref<125x2x128xf32, #tpu.memory_space<vmem>>, vector<16xf32>,
            tpu.vector_store %arg22[%parallel_loop3A_780, %parallel_loop3A_781, %parallel_loop3A_782], %parallel_loop3A_773 {strides = array<i32>} : memref<125x2x128xf32, #tpu.memory_space<vmem>>, vector<16xf32>,
            %parallel_loop3A_784 = arith.constant 128 : i32
            %parallel_loop3A_785 = arith.muli %parallel_loop3A_729, %parallel_loop3A_784 : i32
            %parallel_loop3A_786 = arith.constant 48 : i32
            %parallel_loop3A_787 = arith.addi %parallel_loop3A_785, %parallel_loop3A_786 : i32
            %parallel_loop3A_788 = arith.index_cast %parallel_loop3A_787 : i32 to index
            %parallel_loop3A_789 = tpu.vector_load %arg20[%parallel_loop3A_788] {strides = array<i32>} : memref<16000xi32, #tpu.memory_space<vmem>>, vector<16xi32>,
            %parallel_loop3A_790 = tpu.vector_load_idx %arg12[%parallel_loop3A_789, %broadcast_in_dim3A_1] : memref<1000x2xf32, #tpu.memory_space<vmem>>[vector<16xi32>, vector<16xi32>], vector<16xf32>,
            %parallel_loop3A_791 = tpu.vector_load_idx %arg12[%parallel_loop3A_789, %add3A_4] : memref<1000x2xf32, #tpu.memory_space<vmem>>[vector<16xi32>, vector<16xi32>], vector<16xf32>,
            %parallel_loop3A_792 = arith.constant 0 : i32
            %parallel_loop3A_793 = arith.index_cast %parallel_loop3A_729 : i32 to index
            %parallel_loop3A_794 = arith.index_cast %parallel_loop3A_792 : i32 to index
            %parallel_loop3A_795 = arith.constant 48 : index
            %parallel_loop3A_796 = tpu.vector_load %arg22[%parallel_loop3A_793, %parallel_loop3A_794, %parallel_loop3A_795] {strides = array<i32>} : memref<125x2x128xf32, #tpu.memory_space<vmem>>, vector<16xf32>,
            tpu.vector_store %arg22[%parallel_loop3A_793, %parallel_loop3A_794, %parallel_loop3A_795], %parallel_loop3A_790 {strides = array<i32>} : memref<125x2x128xf32, #tpu.memory_space<vmem>>, vector<16xf32>,
            %parallel_loop3A_797 = arith.constant 1 : i32
            %parallel_loop3A_798 = arith.index_cast %parallel_loop3A_729 : i32 to index
            %parallel_loop3A_799 = arith.index_cast %parallel_loop3A_797 : i32 to index
            %parallel_loop3A_800 = arith.constant 48 : index
            %parallel_loop3A_801 = tpu.vector_load %arg22[%parallel_loop3A_798, %parallel_loop3A_799, %parallel_loop3A_800] {strides = array<i32>} : memref<125x2x128xf32, #tpu.memory_space<vmem>>, vector<16xf32>,
            tpu.vector_store %arg22[%parallel_loop3A_798, %parallel_loop3A_799, %parallel_loop3A_800], %parallel_loop3A_791 {strides = array<i32>} : memref<125x2x128xf32, #tpu.memory_space<vmem>>, vector<16xf32>,
            %parallel_loop3A_802 = arith.constant 128 : i32
            %parallel_loop3A_803 = arith.muli %parallel_loop3A_729, %parallel_loop3A_802 : i32
            %parallel_loop3A_804 = arith.constant 64 : i32
            %parallel_loop3A_805 = arith.addi %parallel_loop3A_803, %parallel_loop3A_804 : i32
            %parallel_loop3A_806 = arith.index_cast %parallel_loop3A_805 : i32 to index
            %parallel_loop3A_807 = tpu.vector_load %arg20[%parallel_loop3A_806] {strides = array<i32>} : memref<16000xi32, #tpu.memory_space<vmem>>, vector<16xi32>,
            %parallel_loop3A_808 = tpu.vector_load_idx %arg12[%parallel_loop3A_807, %broadcast_in_dim3A_1] : memref<1000x2xf32, #tpu.memory_space<vmem>>[vector<16xi32>, vector<16xi32>], vector<16xf32>,
            %parallel_loop3A_809 = tpu.vector_load_idx %arg12[%parallel_loop3A_807, %add3A_4] : memref<1000x2xf32, #tpu.memory_space<vmem>>[vector<16xi32>, vector<16xi32>], vector<16xf32>,
            %parallel_loop3A_810 = arith.constant 0 : i32
            %parallel_loop3A_811 = arith.index_cast %parallel_loop3A_729 : i32 to index
            %parallel_loop3A_812 = arith.index_cast %parallel_loop3A_810 : i32 to index
            %parallel_loop3A_813 = arith.constant 64 : index
            %parallel_loop3A_814 = tpu.vector_load %arg22[%parallel_loop3A_811, %parallel_loop3A_812, %parallel_loop3A_813] {strides = array<i32>} : memref<125x2x128xf32, #tpu.memory_space<vmem>>, vector<16xf32>,
            tpu.vector_store %arg22[%parallel_loop3A_811, %parallel_loop3A_812, %parallel_loop3A_813], %parallel_loop3A_808 {strides = array<i32>} : memref<125x2x128xf32, #tpu.memory_space<vmem>>, vector<16xf32>,
            %parallel_loop3A_815 = arith.constant 1 : i32
            %parallel_loop3A_816 = arith.index_cast %parallel_loop3A_729 : i32 to index
            %parallel_loop3A_817 = arith.index_cast %parallel_loop3A_815 : i32 to index
            %parallel_loop3A_818 = arith.constant 64 : index
            %parallel_loop3A_819 = tpu.vector_load %arg22[%parallel_loop3A_816, %parallel_loop3A_817, %parallel_loop3A_818] {strides = array<i32>} : memref<125x2x128xf32, #tpu.memory_space<vmem>>, vector<16xf32>,
            tpu.vector_store %arg22[%parallel_loop3A_816, %parallel_loop3A_817, %parallel_loop3A_818], %parallel_loop3A_809 {strides = array<i32>} : memref<125x2x128xf32, #tpu.memory_space<vmem>>, vector<16xf32>,
            %parallel_loop3A_820 = arith.constant 128 : i32
            %parallel_loop3A_821 = arith.muli %parallel_loop3A_729, %parallel_loop3A_820 : i32
            %parallel_loop3A_822 = arith.constant 80 : i32
            %parallel_loop3A_823 = arith.addi %parallel_loop3A_821, %parallel_loop3A_822 : i32
            %parallel_loop3A_824 = arith.index_cast %parallel_loop3A_823 : i32 to index
            %parallel_loop3A_825 = tpu.vector_load %arg20[%parallel_loop3A_824] {strides = array<i32>} : memref<16000xi32, #tpu.memory_space<vmem>>, vector<16xi32>,
            %parallel_loop3A_826 = tpu.vector_load_idx %arg12[%parallel_loop3A_825, %broadcast_in_dim3A_1] : memref<1000x2xf32, #tpu.memory_space<vmem>>[vector<16xi32>, vector<16xi32>], vector<16xf32>,
            %parallel_loop3A_827 = tpu.vector_load_idx %arg12[%parallel_loop3A_825, %add3A_4] : memref<1000x2xf32, #tpu.memory_space<vmem>>[vector<16xi32>, vector<16xi32>], vector<16xf32>,
            %parallel_loop3A_828 = arith.constant 0 : i32
            %parallel_loop3A_829 = arith.index_cast %parallel_loop3A_729 : i32 to index
            %parallel_loop3A_830 = arith.index_cast %parallel_loop3A_828 : i32 to index
            %parallel_loop3A_831 = arith.constant 80 : index
            %parallel_loop3A_832 = tpu.vector_load %arg22[%parallel_loop3A_829, %parallel_loop3A_830, %parallel_loop3A_831] {strides = array<i32>} : memref<125x2x128xf32, #tpu.memory_space<vmem>>, vector<16xf32>,
            tpu.vector_store %arg22[%parallel_loop3A_829, %parallel_loop3A_830, %parallel_loop3A_831], %parallel_loop3A_826 {strides = array<i32>} : memref<125x2x128xf32, #tpu.memory_space<vmem>>, vector<16xf32>,
            %parallel_loop3A_833 = arith.constant 1 : i32
            %parallel_loop3A_834 = arith.index_cast %parallel_loop3A_729 : i32 to index
            %parallel_loop3A_835 = arith.index_cast %parallel_loop3A_833 : i32 to index
            %parallel_loop3A_836 = arith.constant 80 : index
            %parallel_loop3A_837 = tpu.vector_load %arg22[%parallel_loop3A_834, %parallel_loop3A_835, %parallel_loop3A_836] {strides = array<i32>} : memref<125x2x128xf32, #tpu.memory_space<vmem>>, vector<16xf32>,
            tpu.vector_store %arg22[%parallel_loop3A_834, %parallel_loop3A_835, %parallel_loop3A_836], %parallel_loop3A_827 {strides = array<i32>} : memref<125x2x128xf32, #tpu.memory_space<vmem>>, vector<16xf32>,
            %parallel_loop3A_838 = arith.constant 128 : i32
            %parallel_loop3A_839 = arith.muli %parallel_loop3A_729, %parallel_loop3A_838 : i32
            %parallel_loop3A_840 = arith.constant 96 : i32
            %parallel_loop3A_841 = arith.addi %parallel_loop3A_839, %parallel_loop3A_840 : i32
            %parallel_loop3A_842 = arith.index_cast %parallel_loop3A_841 : i32 to index
            %parallel_loop3A_843 = tpu.vector_load %arg20[%parallel_loop3A_842] {strides = array<i32>} : memref<16000xi32, #tpu.memory_space<vmem>>, vector<16xi32>,
            %parallel_loop3A_844 = tpu.vector_load_idx %arg12[%parallel_loop3A_843, %broadcast_in_dim3A_1] : memref<1000x2xf32, #tpu.memory_space<vmem>>[vector<16xi32>, vector<16xi32>], vector<16xf32>,
            %parallel_loop3A_845 = tpu.vector_load_idx %arg12[%parallel_loop3A_843, %add3A_4] : memref<1000x2xf32, #tpu.memory_space<vmem>>[vector<16xi32>, vector<16xi32>], vector<16xf32>,
            %parallel_loop3A_846 = arith.constant 0 : i32
            %parallel_loop3A_847 = arith.index_cast %parallel_loop3A_729 : i32 to index
            %parallel_loop3A_848 = arith.index_cast %parallel_loop3A_846 : i32 to index
            %parallel_loop3A_849 = arith.constant 96 : index
            %parallel_loop3A_850 = tpu.vector_load %arg22[%parallel_loop3A_847, %parallel_loop3A_848, %parallel_loop3A_849] {strides = array<i32>} : memref<125x2x128xf32, #tpu.memory_space<vmem>>, vector<16xf32>,
            tpu.vector_store %arg22[%parallel_loop3A_847, %parallel_loop3A_848, %parallel_loop3A_849], %parallel_loop3A_844 {strides = array<i32>} : memref<125x2x128xf32, #tpu.memory_space<vmem>>, vector<16xf32>,
            %parallel_loop3A_851 = arith.constant 1 : i32
            %parallel_loop3A_852 = arith.index_cast %parallel_loop3A_729 : i32 to index
            %parallel_loop3A_853 = arith.index_cast %parallel_loop3A_851 : i32 to index
            %parallel_loop3A_854 = arith.constant 96 : index
            %parallel_loop3A_855 = tpu.vector_load %arg22[%parallel_loop3A_852, %parallel_loop3A_853, %parallel_loop3A_854] {strides = array<i32>} : memref<125x2x128xf32, #tpu.memory_space<vmem>>, vector<16xf32>,
            tpu.vector_store %arg22[%parallel_loop3A_852, %parallel_loop3A_853, %parallel_loop3A_854], %parallel_loop3A_845 {strides = array<i32>} : memref<125x2x128xf32, #tpu.memory_space<vmem>>, vector<16xf32>,
            %parallel_loop3A_856 = arith.constant 128 : i32
            %parallel_loop3A_857 = arith.muli %parallel_loop3A_729, %parallel_loop3A_856 : i32
            %parallel_loop3A_858 = arith.constant 112 : i32
            %parallel_loop3A_859 = arith.addi %parallel_loop3A_857, %parallel_loop3A_858 : i32
            %parallel_loop3A_860 = arith.index_cast %parallel_loop3A_859 : i32 to index
            %parallel_loop3A_861 = tpu.vector_load %arg20[%parallel_loop3A_860] {strides = array<i32>} : memref<16000xi32, #tpu.memory_space<vmem>>, vector<16xi32>,
            %parallel_loop3A_862 = tpu.vector_load_idx %arg12[%parallel_loop3A_861, %broadcast_in_dim3A_1] : memref<1000x2xf32, #tpu.memory_space<vmem>>[vector<16xi32>, vector<16xi32>], vector<16xf32>,
            %parallel_loop3A_863 = tpu.vector_load_idx %arg12[%parallel_loop3A_861, %add3A_4] : memref<1000x2xf32, #tpu.memory_space<vmem>>[vector<16xi32>, vector<16xi32>], vector<16xf32>,
            %parallel_loop3A_864 = arith.constant 0 : i32
            %parallel_loop3A_865 = arith.index_cast %parallel_loop3A_729 : i32 to index
            %parallel_loop3A_866 = arith.index_cast %parallel_loop3A_864 : i32 to index
            %parallel_loop3A_867 = arith.constant 112 : index
            %parallel_loop3A_868 = tpu.vector_load %arg22[%parallel_loop3A_865, %parallel_loop3A_866, %parallel_loop3A_867] {strides = array<i32>} : memref<125x2x128xf32, #tpu.memory_space<vmem>>, vector<16xf32>,
            tpu.vector_store %arg22[%parallel_loop3A_865, %parallel_loop3A_866, %parallel_loop3A_867], %parallel_loop3A_862 {strides = array<i32>} : memref<125x2x128xf32, #tpu.memory_space<vmem>>, vector<16xf32>,
            %parallel_loop3A_869 = arith.constant 1 : i32
            %parallel_loop3A_870 = arith.index_cast %parallel_loop3A_729 : i32 to index
            %parallel_loop3A_871 = arith.index_cast %parallel_loop3A_869 : i32 to index
            %parallel_loop3A_872 = arith.constant 112 : index
            %parallel_loop3A_873 = tpu.vector_load %arg22[%parallel_loop3A_870, %parallel_loop3A_871, %parallel_loop3A_872] {strides = array<i32>} : memref<125x2x128xf32, #tpu.memory_space<vmem>>, vector<16xf32>,
            tpu.vector_store %arg22[%parallel_loop3A_870, %parallel_loop3A_871, %parallel_loop3A_872], %parallel_loop3A_863 {strides = array<i32>} : memref<125x2x128xf32, #tpu.memory_space<vmem>>, vector<16xf32>,
          } {sc.loop_unroll_factor = 1 : i64, sc.parallel_access}
        } else {
        }
        %ge3A = arith.constant 125 : i32
        %ge3A_704 = arith.cmpi sge, %add3A_698, %ge3A : i32
        %convert_element_type3A_705 = arith.extui %ge3A_704 : i1 to i32
        %cond3A_706 = arith.constant 0 : i32
        %cond3A_707 = arith.cmpi ne, %convert_element_type3A_705, %cond3A_706 : i32
        scf.if %cond3A_707 {
          %parallel_loop3A = arith.constant 0 : i32
          %parallel_loop3A_727 = arith.constant 125 : i32
          %parallel_loop3A_728 = arith.constant 1 : i32
          scf.for %parallel_loop3A_729 = %parallel_loop3A to %parallel_loop3A_727 step %parallel_loop3A_728  : i32 {
            %parallel_loop3A_730 = arith.constant 128 : i32
            %parallel_loop3A_731 = arith.muli %parallel_loop3A_729, %parallel_loop3A_730 : i32
            %parallel_loop3A_732 = arith.constant 0 : i32
            %parallel_loop3A_733 = arith.addi %parallel_loop3A_731, %parallel_loop3A_732 : i32
            %parallel_loop3A_734 = arith.index_cast %parallel_loop3A_733 : i32 to index
            %parallel_loop3A_735 = tpu.vector_load %arg20[%parallel_loop3A_734] {strides = array<i32>} : memref<16000xi32, #tpu.memory_space<vmem>>, vector<16xi32>,
            %parallel_loop3A_736 = tpu.vector_load_idx %arg13[%parallel_loop3A_735, %broadcast_in_dim3A_1] : memref<2000x2xf32, #tpu.memory_space<vmem>>[vector<16xi32>, vector<16xi32>], vector<16xf32>,
            %parallel_loop3A_737 = tpu.vector_load_idx %arg13[%parallel_loop3A_735, %add3A_4] : memref<2000x2xf32, #tpu.memory_space<vmem>>[vector<16xi32>, vector<16xi32>], vector<16xf32>,
            %parallel_loop3A_738 = arith.constant 0 : i32
            %parallel_loop3A_739 = arith.index_cast %parallel_loop3A_729 : i32 to index
            %parallel_loop3A_740 = arith.index_cast %parallel_loop3A_738 : i32 to index
            %parallel_loop3A_741 = arith.constant 0 : index
            %parallel_loop3A_742 = tpu.vector_load %arg22[%parallel_loop3A_739, %parallel_loop3A_740, %parallel_loop3A_741] {strides = array<i32>} : memref<125x2x128xf32, #tpu.memory_space<vmem>>, vector<16xf32>,
            tpu.vector_store %arg22[%parallel_loop3A_739, %parallel_loop3A_740, %parallel_loop3A_741], %parallel_loop3A_736 {strides = array<i32>} : memref<125x2x128xf32, #tpu.memory_space<vmem>>, vector<16xf32>,
            %parallel_loop3A_743 = arith.constant 1 : i32
            %parallel_loop3A_744 = arith.index_cast %parallel_loop3A_729 : i32 to index
            %parallel_loop3A_745 = arith.index_cast %parallel_loop3A_743 : i32 to index
            %parallel_loop3A_746 = arith.constant 0 : index
            %parallel_loop3A_747 = tpu.vector_load %arg22[%parallel_loop3A_744, %parallel_loop3A_745, %parallel_loop3A_746] {strides = array<i32>} : memref<125x2x128xf32, #tpu.memory_space<vmem>>, vector<16xf32>,
            tpu.vector_store %arg22[%parallel_loop3A_744, %parallel_loop3A_745, %parallel_loop3A_746], %parallel_loop3A_737 {strides = array<i32>} : memref<125x2x128xf32, #tpu.memory_space<vmem>>, vector<16xf32>,
            %parallel_loop3A_748 = arith.constant 128 : i32
            %parallel_loop3A_749 = arith.muli %parallel_loop3A_729, %parallel_loop3A_748 : i32
            %parallel_loop3A_750 = arith.constant 16 : i32
            %parallel_loop3A_751 = arith.addi %parallel_loop3A_749, %parallel_loop3A_750 : i32
            %parallel_loop3A_752 = arith.index_cast %parallel_loop3A_751 : i32 to index
            %parallel_loop3A_753 = tpu.vector_load %arg20[%parallel_loop3A_752] {strides = array<i32>} : memref<16000xi32, #tpu.memory_space<vmem>>, vector<16xi32>,
            %parallel_loop3A_754 = tpu.vector_load_idx %arg13[%parallel_loop3A_753, %broadcast_in_dim3A_1] : memref<2000x2xf32, #tpu.memory_space<vmem>>[vector<16xi32>, vector<16xi32>], vector<16xf32>,
            %parallel_loop3A_755 = tpu.vector_load_idx %arg13[%parallel_loop3A_753, %add3A_4] : memref<2000x2xf32, #tpu.memory_space<vmem>>[vector<16xi32>, vector<16xi32>], vector<16xf32>,
            %parallel_loop3A_756 = arith.constant 0 : i32
            %parallel_loop3A_757 = arith.index_cast %parallel_loop3A_729 : i32 to index
            %parallel_loop3A_758 = arith.index_cast %parallel_loop3A_756 : i32 to index
            %parallel_loop3A_759 = arith.constant 16 : index
            %parallel_loop3A_760 = tpu.vector_load %arg22[%parallel_loop3A_757, %parallel_loop3A_758, %parallel_loop3A_759] {strides = array<i32>} : memref<125x2x128xf32, #tpu.memory_space<vmem>>, vector<16xf32>,
            tpu.vector_store %arg22[%parallel_loop3A_757, %parallel_loop3A_758, %parallel_loop3A_759], %parallel_loop3A_754 {strides = array<i32>} : memref<125x2x128xf32, #tpu.memory_space<vmem>>, vector<16xf32>,
            %parallel_loop3A_761 = arith.constant 1 : i32
            %parallel_loop3A_762 = arith.index_cast %parallel_loop3A_729 : i32 to index
            %parallel_loop3A_763 = arith.index_cast %parallel_loop3A_761 : i32 to index
            %parallel_loop3A_764 = arith.constant 16 : index
            %parallel_loop3A_765 = tpu.vector_load %arg22[%parallel_loop3A_762, %parallel_loop3A_763, %parallel_loop3A_764] {strides = array<i32>} : memref<125x2x128xf32, #tpu.memory_space<vmem>>, vector<16xf32>,
            tpu.vector_store %arg22[%parallel_loop3A_762, %parallel_loop3A_763, %parallel_loop3A_764], %parallel_loop3A_755 {strides = array<i32>} : memref<125x2x128xf32, #tpu.memory_space<vmem>>, vector<16xf32>,
            %parallel_loop3A_766 = arith.constant 128 : i32
            %parallel_loop3A_767 = arith.muli %parallel_loop3A_729, %parallel_loop3A_766 : i32
            %parallel_loop3A_768 = arith.constant 32 : i32
            %parallel_loop3A_769 = arith.addi %parallel_loop3A_767, %parallel_loop3A_768 : i32
            %parallel_loop3A_770 = arith.index_cast %parallel_loop3A_769 : i32 to index
            %parallel_loop3A_771 = tpu.vector_load %arg20[%parallel_loop3A_770] {strides = array<i32>} : memref<16000xi32, #tpu.memory_space<vmem>>, vector<16xi32>,
            %parallel_loop3A_772 = tpu.vector_load_idx %arg13[%parallel_loop3A_771, %broadcast_in_dim3A_1] : memref<2000x2xf32, #tpu.memory_space<vmem>>[vector<16xi32>, vector<16xi32>], vector<16xf32>,
            %parallel_loop3A_773 = tpu.vector_load_idx %arg13[%parallel_loop3A_771, %add3A_4] : memref<2000x2xf32, #tpu.memory_space<vmem>>[vector<16xi32>, vector<16xi32>], vector<16xf32>,
            %parallel_loop3A_774 = arith.constant 0 : i32
            %parallel_loop3A_775 = arith.index_cast %parallel_loop3A_729 : i32 to index
            %parallel_loop3A_776 = arith.index_cast %parallel_loop3A_774 : i32 to index
            %parallel_loop3A_777 = arith.constant 32 : index
            %parallel_loop3A_778 = tpu.vector_load %arg22[%parallel_loop3A_775, %parallel_loop3A_776, %parallel_loop3A_777] {strides = array<i32>} : memref<125x2x128xf32, #tpu.memory_space<vmem>>, vector<16xf32>,
            tpu.vector_store %arg22[%parallel_loop3A_775, %parallel_loop3A_776, %parallel_loop3A_777], %parallel_loop3A_772 {strides = array<i32>} : memref<125x2x128xf32, #tpu.memory_space<vmem>>, vector<16xf32>,
            %parallel_loop3A_779 = arith.constant 1 : i32
            %parallel_loop3A_780 = arith.index_cast %parallel_loop3A_729 : i32 to index
            %parallel_loop3A_781 = arith.index_cast %parallel_loop3A_779 : i32 to index
            %parallel_loop3A_782 = arith.constant 32 : index
            %parallel_loop3A_783 = tpu.vector_load %arg22[%parallel_loop3A_780, %parallel_loop3A_781, %parallel_loop3A_782] {strides = array<i32>} : memref<125x2x128xf32, #tpu.memory_space<vmem>>, vector<16xf32>,
            tpu.vector_store %arg22[%parallel_loop3A_780, %parallel_loop3A_781, %parallel_loop3A_782], %parallel_loop3A_773 {strides = array<i32>} : memref<125x2x128xf32, #tpu.memory_space<vmem>>, vector<16xf32>,
            %parallel_loop3A_784 = arith.constant 128 : i32
            %parallel_loop3A_785 = arith.muli %parallel_loop3A_729, %parallel_loop3A_784 : i32
            %parallel_loop3A_786 = arith.constant 48 : i32
            %parallel_loop3A_787 = arith.addi %parallel_loop3A_785, %parallel_loop3A_786 : i32
            %parallel_loop3A_788 = arith.index_cast %parallel_loop3A_787 : i32 to index
            %parallel_loop3A_789 = tpu.vector_load %arg20[%parallel_loop3A_788] {strides = array<i32>} : memref<16000xi32, #tpu.memory_space<vmem>>, vector<16xi32>,
            %parallel_loop3A_790 = tpu.vector_load_idx %arg13[%parallel_loop3A_789, %broadcast_in_dim3A_1] : memref<2000x2xf32, #tpu.memory_space<vmem>>[vector<16xi32>, vector<16xi32>], vector<16xf32>,
            %parallel_loop3A_791 = tpu.vector_load_idx %arg13[%parallel_loop3A_789, %add3A_4] : memref<2000x2xf32, #tpu.memory_space<vmem>>[vector<16xi32>, vector<16xi32>], vector<16xf32>,
            %parallel_loop3A_792 = arith.constant 0 : i32
            %parallel_loop3A_793 = arith.index_cast %parallel_loop3A_729 : i32 to index
            %parallel_loop3A_794 = arith.index_cast %parallel_loop3A_792 : i32 to index
            %parallel_loop3A_795 = arith.constant 48 : index
            %parallel_loop3A_796 = tpu.vector_load %arg22[%parallel_loop3A_793, %parallel_loop3A_794, %parallel_loop3A_795] {strides = array<i32>} : memref<125x2x128xf32, #tpu.memory_space<vmem>>, vector<16xf32>,
            tpu.vector_store %arg22[%parallel_loop3A_793, %parallel_loop3A_794, %parallel_loop3A_795], %parallel_loop3A_790 {strides = array<i32>} : memref<125x2x128xf32, #tpu.memory_space<vmem>>, vector<16xf32>,
            %parallel_loop3A_797 = arith.constant 1 : i32
            %parallel_loop3A_798 = arith.index_cast %parallel_loop3A_729 : i32 to index
            %parallel_loop3A_799 = arith.index_cast %parallel_loop3A_797 : i32 to index
            %parallel_loop3A_800 = arith.constant 48 : index
            %parallel_loop3A_801 = tpu.vector_load %arg22[%parallel_loop3A_798, %parallel_loop3A_799, %parallel_loop3A_800] {strides = array<i32>} : memref<125x2x128xf32, #tpu.memory_space<vmem>>, vector<16xf32>,
            tpu.vector_store %arg22[%parallel_loop3A_798, %parallel_loop3A_799, %parallel_loop3A_800], %parallel_loop3A_791 {strides = array<i32>} : memref<125x2x128xf32, #tpu.memory_space<vmem>>, vector<16xf32>,
            %parallel_loop3A_802 = arith.constant 128 : i32
            %parallel_loop3A_803 = arith.muli %parallel_loop3A_729, %parallel_loop3A_802 : i32
            %parallel_loop3A_804 = arith.constant 64 : i32
            %parallel_loop3A_805 = arith.addi %parallel_loop3A_803, %parallel_loop3A_804 : i32
            %parallel_loop3A_806 = arith.index_cast %parallel_loop3A_805 : i32 to index
            %parallel_loop3A_807 = tpu.vector_load %arg20[%parallel_loop3A_806] {strides = array<i32>} : memref<16000xi32, #tpu.memory_space<vmem>>, vector<16xi32>,
            %parallel_loop3A_808 = tpu.vector_load_idx %arg13[%parallel_loop3A_807, %broadcast_in_dim3A_1] : memref<2000x2xf32, #tpu.memory_space<vmem>>[vector<16xi32>, vector<16xi32>], vector<16xf32>,
            %parallel_loop3A_809 = tpu.vector_load_idx %arg13[%parallel_loop3A_807, %add3A_4] : memref<2000x2xf32, #tpu.memory_space<vmem>>[vector<16xi32>, vector<16xi32>], vector<16xf32>,
            %parallel_loop3A_810 = arith.constant 0 : i32
            %parallel_loop3A_811 = arith.index_cast %parallel_loop3A_729 : i32 to index
            %parallel_loop3A_812 = arith.index_cast %parallel_loop3A_810 : i32 to index
            %parallel_loop3A_813 = arith.constant 64 : index
            %parallel_loop3A_814 = tpu.vector_load %arg22[%parallel_loop3A_811, %parallel_loop3A_812, %parallel_loop3A_813] {strides = array<i32>} : memref<125x2x128xf32, #tpu.memory_space<vmem>>, vector<16xf32>,
            tpu.vector_store %arg22[%parallel_loop3A_811, %parallel_loop3A_812, %parallel_loop3A_813], %parallel_loop3A_808 {strides = array<i32>} : memref<125x2x128xf32, #tpu.memory_space<vmem>>, vector<16xf32>,
            %parallel_loop3A_815 = arith.constant 1 : i32
            %parallel_loop3A_816 = arith.index_cast %parallel_loop3A_729 : i32 to index
            %parallel_loop3A_817 = arith.index_cast %parallel_loop3A_815 : i32 to index
            %parallel_loop3A_818 = arith.constant 64 : index
            %parallel_loop3A_819 = tpu.vector_load %arg22[%parallel_loop3A_816, %parallel_loop3A_817, %parallel_loop3A_818] {strides = array<i32>} : memref<125x2x128xf32, #tpu.memory_space<vmem>>, vector<16xf32>,
            tpu.vector_store %arg22[%parallel_loop3A_816, %parallel_loop3A_817, %parallel_loop3A_818], %parallel_loop3A_809 {strides = array<i32>} : memref<125x2x128xf32, #tpu.memory_space<vmem>>, vector<16xf32>,
            %parallel_loop3A_820 = arith.constant 128 : i32
            %parallel_loop3A_821 = arith.muli %parallel_loop3A_729, %parallel_loop3A_820 : i32
            %parallel_loop3A_822 = arith.constant 80 : i32
            %parallel_loop3A_823 = arith.addi %parallel_loop3A_821, %parallel_loop3A_822 : i32
            %parallel_loop3A_824 = arith.index_cast %parallel_loop3A_823 : i32 to index
            %parallel_loop3A_825 = tpu.vector_load %arg20[%parallel_loop3A_824] {strides = array<i32>} : memref<16000xi32, #tpu.memory_space<vmem>>, vector<16xi32>,
            %parallel_loop3A_826 = tpu.vector_load_idx %arg13[%parallel_loop3A_825, %broadcast_in_dim3A_1] : memref<2000x2xf32, #tpu.memory_space<vmem>>[vector<16xi32>, vector<16xi32>], vector<16xf32>,
            %parallel_loop3A_827 = tpu.vector_load_idx %arg13[%parallel_loop3A_825, %add3A_4] : memref<2000x2xf32, #tpu.memory_space<vmem>>[vector<16xi32>, vector<16xi32>], vector<16xf32>,
            %parallel_loop3A_828 = arith.constant 0 : i32
            %parallel_loop3A_829 = arith.index_cast %parallel_loop3A_729 : i32 to index
            %parallel_loop3A_830 = arith.index_cast %parallel_loop3A_828 : i32 to index
            %parallel_loop3A_831 = arith.constant 80 : index
            %parallel_loop3A_832 = tpu.vector_load %arg22[%parallel_loop3A_829, %parallel_loop3A_830, %parallel_loop3A_831] {strides = array<i32>} : memref<125x2x128xf32, #tpu.memory_space<vmem>>, vector<16xf32>,
            tpu.vector_store %arg22[%parallel_loop3A_829, %parallel_loop3A_830, %parallel_loop3A_831], %parallel_loop3A_826 {strides = array<i32>} : memref<125x2x128xf32, #tpu.memory_space<vmem>>, vector<16xf32>,
            %parallel_loop3A_833 = arith.constant 1 : i32
            %parallel_loop3A_834 = arith.index_cast %parallel_loop3A_729 : i32 to index
            %parallel_loop3A_835 = arith.index_cast %parallel_loop3A_833 : i32 to index
            %parallel_loop3A_836 = arith.constant 80 : index
            %parallel_loop3A_837 = tpu.vector_load %arg22[%parallel_loop3A_834, %parallel_loop3A_835, %parallel_loop3A_836] {strides = array<i32>} : memref<125x2x128xf32, #tpu.memory_space<vmem>>, vector<16xf32>,
            tpu.vector_store %arg22[%parallel_loop3A_834, %parallel_loop3A_835, %parallel_loop3A_836], %parallel_loop3A_827 {strides = array<i32>} : memref<125x2x128xf32, #tpu.memory_space<vmem>>, vector<16xf32>,
            %parallel_loop3A_838 = arith.constant 128 : i32
            %parallel_loop3A_839 = arith.muli %parallel_loop3A_729, %parallel_loop3A_838 : i32
            %parallel_loop3A_840 = arith.constant 96 : i32
            %parallel_loop3A_841 = arith.addi %parallel_loop3A_839, %parallel_loop3A_840 : i32
            %parallel_loop3A_842 = arith.index_cast %parallel_loop3A_841 : i32 to index
            %parallel_loop3A_843 = tpu.vector_load %arg20[%parallel_loop3A_842] {strides = array<i32>} : memref<16000xi32, #tpu.memory_space<vmem>>, vector<16xi32>,
            %parallel_loop3A_844 = tpu.vector_load_idx %arg13[%parallel_loop3A_843, %broadcast_in_dim3A_1] : memref<2000x2xf32, #tpu.memory_space<vmem>>[vector<16xi32>, vector<16xi32>], vector<16xf32>,
            %parallel_loop3A_845 = tpu.vector_load_idx %arg13[%parallel_loop3A_843, %add3A_4] : memref<2000x2xf32, #tpu.memory_space<vmem>>[vector<16xi32>, vector<16xi32>], vector<16xf32>,
            %parallel_loop3A_846 = arith.constant 0 : i32
            %parallel_loop3A_847 = arith.index_cast %parallel_loop3A_729 : i32 to index
            %parallel_loop3A_848 = arith.index_cast %parallel_loop3A_846 : i32 to index
            %parallel_loop3A_849 = arith.constant 96 : index
            %parallel_loop3A_850 = tpu.vector_load %arg22[%parallel_loop3A_847, %parallel_loop3A_848, %parallel_loop3A_849] {strides = array<i32>} : memref<125x2x128xf32, #tpu.memory_space<vmem>>, vector<16xf32>,
            tpu.vector_store %arg22[%parallel_loop3A_847, %parallel_loop3A_848, %parallel_loop3A_849], %parallel_loop3A_844 {strides = array<i32>} : memref<125x2x128xf32, #tpu.memory_space<vmem>>, vector<16xf32>,
            %parallel_loop3A_851 = arith.constant 1 : i32
            %parallel_loop3A_852 = arith.index_cast %parallel_loop3A_729 : i32 to index
            %parallel_loop3A_853 = arith.index_cast %parallel_loop3A_851 : i32 to index
            %parallel_loop3A_854 = arith.constant 96 : index
            %parallel_loop3A_855 = tpu.vector_load %arg22[%parallel_loop3A_852, %parallel_loop3A_853, %parallel_loop3A_854] {strides = array<i32>} : memref<125x2x128xf32, #tpu.memory_space<vmem>>, vector<16xf32>,
            tpu.vector_store %arg22[%parallel_loop3A_852, %parallel_loop3A_853, %parallel_loop3A_854], %parallel_loop3A_845 {strides = array<i32>} : memref<125x2x128xf32, #tpu.memory_space<vmem>>, vector<16xf32>,
            %parallel_loop3A_856 = arith.constant 128 : i32
            %parallel_loop3A_857 = arith.muli %parallel_loop3A_729, %parallel_loop3A_856 : i32
            %parallel_loop3A_858 = arith.constant 112 : i32
            %parallel_loop3A_859 = arith.addi %parallel_loop3A_857, %parallel_loop3A_858 : i32
            %parallel_loop3A_860 = arith.index_cast %parallel_loop3A_859 : i32 to index
            %parallel_loop3A_861 = tpu.vector_load %arg20[%parallel_loop3A_860] {strides = array<i32>} : memref<16000xi32, #tpu.memory_space<vmem>>, vector<16xi32>,
            %parallel_loop3A_862 = tpu.vector_load_idx %arg13[%parallel_loop3A_861, %broadcast_in_dim3A_1] : memref<2000x2xf32, #tpu.memory_space<vmem>>[vector<16xi32>, vector<16xi32>], vector<16xf32>,
            %parallel_loop3A_863 = tpu.vector_load_idx %arg13[%parallel_loop3A_861, %add3A_4] : memref<2000x2xf32, #tpu.memory_space<vmem>>[vector<16xi32>, vector<16xi32>], vector<16xf32>,
            %parallel_loop3A_864 = arith.constant 0 : i32
            %parallel_loop3A_865 = arith.index_cast %parallel_loop3A_729 : i32 to index
            %parallel_loop3A_866 = arith.index_cast %parallel_loop3A_864 : i32 to index
            %parallel_loop3A_867 = arith.constant 112 : index
            %parallel_loop3A_868 = tpu.vector_load %arg22[%parallel_loop3A_865, %parallel_loop3A_866, %parallel_loop3A_867] {strides = array<i32>} : memref<125x2x128xf32, #tpu.memory_space<vmem>>, vector<16xf32>,
            tpu.vector_store %arg22[%parallel_loop3A_865, %parallel_loop3A_866, %parallel_loop3A_867], %parallel_loop3A_862 {strides = array<i32>} : memref<125x2x128xf32, #tpu.memory_space<vmem>>, vector<16xf32>,
            %parallel_loop3A_869 = arith.constant 1 : i32
            %parallel_loop3A_870 = arith.index_cast %parallel_loop3A_729 : i32 to index
            %parallel_loop3A_871 = arith.index_cast %parallel_loop3A_869 : i32 to index
            %parallel_loop3A_872 = arith.constant 112 : index
            %parallel_loop3A_873 = tpu.vector_load %arg22[%parallel_loop3A_870, %parallel_loop3A_871, %parallel_loop3A_872] {strides = array<i32>} : memref<125x2x128xf32, #tpu.memory_space<vmem>>, vector<16xf32>,
            tpu.vector_store %arg22[%parallel_loop3A_870, %parallel_loop3A_871, %parallel_loop3A_872], %parallel_loop3A_863 {strides = array<i32>} : memref<125x2x128xf32, #tpu.memory_space<vmem>>, vector<16xf32>,
          } {sc.loop_unroll_factor = 1 : i64, sc.parallel_access}
        } else {
        }
        %mul3A_708 = arith.constant 32 : i32
        %mul3A_709 = arith.muli %add3A_674, %mul3A_708 : i32
        %add3A_710 = arith.addi %add3A, %mul3A_709 : i32
        %lt3A_711 = arith.constant 125 : i32
        %lt3A_712 = arith.cmpi slt, %add3A_710, %lt3A_711 : i32
        %convert_element_type3A_713 = arith.extui %lt3A_712 : i1 to i32
        %cond3A_714 = arith.constant 0 : i32
        %cond3A_715 = arith.cmpi ne, %convert_element_type3A_713, %cond3A_714 : i32
        scf.if %cond3A_715 {
          %mul3A_727 = arith.constant 125 : i32
          %mul3A_728 = arith.muli %add3A_710, %mul3A_727 : i32
          %dma_start3A_729 = arith.constant 0 : i32
          %dma_start3A_730 = arith.constant 0 : i32
          %dma_start3A_731 = tpu.memref_slice %arg9[%mul3A_728, %dma_start3A_729, %dma_start3A_730] : memref<15625x2x128xf32, #tpu.memory_space<hbm>> -> memref<125x2x128xf32, #tpu.memory_space<hbm>>
          %dma_start3A_732 = arith.constant 0 : i32
          %dma_start3A_733 = arith.constant 0 : i32
          %dma_start3A_734 = tpu.memref_slice %arg9[%mul3A_728, %dma_start3A_732, %dma_start3A_733] : memref<15625x2x128xf32, #tpu.memory_space<hbm>> -> memref<125x2x128xf32, #tpu.memory_space<hbm>>
          tpu.enqueue_dma source(%arg22 : memref<125x2x128xf32, #tpu.memory_space<vmem>>) target(%dma_start3A_734 : memref<125x2x128xf32, #tpu.memory_space<hbm>>) target_semaphore(%arg26 : memref<!tpu.dma_semaphore, #tpu.memory_space<semaphore_mem>>)
        } else {
        }
        %ge3A_716 = arith.constant 125 : i32
        %ge3A_717 = arith.cmpi sge, %add3A_710, %ge3A_716 : i32
        %convert_element_type3A_718 = arith.extui %ge3A_717 : i1 to i32
        %cond3A_719 = arith.constant 0 : i32
        %cond3A_720 = arith.cmpi ne, %convert_element_type3A_718, %cond3A_719 : i32
        scf.if %cond3A_720 {
          %sub3A_727 = arith.constant 125 : i32
          %sub3A_728 = arith.subi %add3A_710, %sub3A_727 : i32
          %mul3A_729 = arith.constant 125 : i32
          %mul3A_730 = arith.muli %sub3A_728, %mul3A_729 : i32
          %dma_start3A_731 = arith.constant 0 : i32
          %dma_start3A_732 = arith.constant 0 : i32
          %dma_start3A_733 = tpu.memref_slice %arg10[%mul3A_730, %dma_start3A_731, %dma_start3A_732] : memref<31250x2x128xf32, #tpu.memory_space<hbm>> -> memref<125x2x128xf32, #tpu.memory_space<hbm>>
          %dma_start3A_734 = arith.constant 0 : i32
          %dma_start3A_735 = arith.constant 0 : i32
          %dma_start3A_736 = tpu.memref_slice %arg10[%mul3A_730, %dma_start3A_734, %dma_start3A_735] : memref<31250x2x128xf32, #tpu.memory_space<hbm>> -> memref<125x2x128xf32, #tpu.memory_space<hbm>>
          tpu.enqueue_dma source(%arg22 : memref<125x2x128xf32, #tpu.memory_space<vmem>>) target(%dma_start3A_736 : memref<125x2x128xf32, #tpu.memory_space<hbm>>) target_semaphore(%arg26 : memref<!tpu.dma_semaphore, #tpu.memory_space<semaphore_mem>>)
        } else {
        }
        %add3A_721 = arith.constant 2 : i32
        %add3A_722 = arith.addi %add3A_674, %add3A_721 : i32
        %lt3A_723 = arith.cmpi slt, %add3A_722, %select_n3A : i32
        %convert_element_type3A_724 = arith.extui %lt3A_723 : i1 to i32
        %cond3A_725 = arith.constant 0 : i32
        %cond3A_726 = arith.cmpi ne, %convert_element_type3A_724, %cond3A_725 : i32
        scf.if %cond3A_726 {
          %add3A_727 = arith.constant 2 : i32
          %add3A_728 = arith.addi %add3A_674, %add3A_727 : i32
          %mul3A_729 = arith.constant 32 : i32
          %mul3A_730 = arith.muli %add3A_728, %mul3A_729 : i32
          %add3A_731 = arith.addi %add3A, %mul3A_730 : i32
          %lt3A_732 = arith.constant 125 : i32
          %lt3A_733 = arith.cmpi slt, %add3A_731, %lt3A_732 : i32
          %convert_element_type3A_734 = arith.extui %lt3A_733 : i1 to i32
          %cond3A_735 = arith.constant 0 : i32
          %cond3A_736 = arith.cmpi ne, %convert_element_type3A_734, %cond3A_735 : i32
          scf.if %cond3A_736 {
            %mul3A_742 = arith.constant 16000 : i32
            %mul3A_743 = arith.muli %add3A_731, %mul3A_742 : i32
            %dma_start3A_744 = tpu.memref_slice %arg6[%mul3A_743] : memref<2000000xi32, #tpu.memory_space<hbm>> -> memref<16000xi32, #tpu.memory_space<hbm>>
            %dma_start3A_745 = tpu.memref_slice %arg6[%mul3A_743] : memref<2000000xi32, #tpu.memory_space<hbm>> -> memref<16000xi32, #tpu.memory_space<hbm>>
            tpu.enqueue_dma source(%dma_start3A_745 : memref<16000xi32, #tpu.memory_space<hbm>>) target(%arg20 : memref<16000xi32, #tpu.memory_space<vmem>>) target_semaphore(%arg24 : memref<!tpu.dma_semaphore, #tpu.memory_space<semaphore_mem>>)
          } else {
          }
          %ge3A_737 = arith.constant 125 : i32
          %ge3A_738 = arith.cmpi sge, %add3A_731, %ge3A_737 : i32
          %convert_element_type3A_739 = arith.extui %ge3A_738 : i1 to i32
          %cond3A_740 = arith.constant 0 : i32
          %cond3A_741 = arith.cmpi ne, %convert_element_type3A_739, %cond3A_740 : i32
          scf.if %cond3A_741 {
            %sub3A_742 = arith.constant 125 : i32
            %sub3A_743 = arith.subi %add3A_731, %sub3A_742 : i32
            %mul3A_744 = arith.constant 16000 : i32
            %mul3A_745 = arith.muli %sub3A_743, %mul3A_744 : i32
            %dma_start3A_746 = tpu.memref_slice %arg7[%mul3A_745] : memref<4000000xi32, #tpu.memory_space<hbm>> -> memref<16000xi32, #tpu.memory_space<hbm>>
            %dma_start3A_747 = tpu.memref_slice %arg7[%mul3A_745] : memref<4000000xi32, #tpu.memory_space<hbm>> -> memref<16000xi32, #tpu.memory_space<hbm>>
            tpu.enqueue_dma source(%dma_start3A_747 : memref<16000xi32, #tpu.memory_space<hbm>>) target(%arg20 : memref<16000xi32, #tpu.memory_space<vmem>>) target_semaphore(%arg24 : memref<!tpu.dma_semaphore, #tpu.memory_space<semaphore_mem>>)
          } else {
          }
        } else {
        }
      } else {
      }
      %mul3A_679 = arith.constant 2 : i32
      %mul3A_680 = arith.muli %while3A_670, %mul3A_679 : i32
      %add3A_681 = arith.constant 1 : i32
      %add3A_682 = arith.addi %mul3A_680, %add3A_681 : i32
      %lt3A_683 = arith.cmpi slt, %add3A_682, %select_n3A : i32
      %convert_element_type3A_684 = arith.extui %lt3A_683 : i1 to i32
      %cond3A_685 = arith.constant 0 : i32
      %cond3A_686 = arith.cmpi ne, %convert_element_type3A_684, %cond3A_685 : i32
      scf.if %cond3A_686 {
        %dma_wait3A_687 = arith.constant 0 : i32
        %dma_wait3A_688 = tpu.memref_slice %arg6[%dma_wait3A_687] : memref<2000000xi32, #tpu.memory_space<hbm>> -> memref<16000xi32, #tpu.memory_space<hbm>>
        %dma_wait3A_689 = arith.constant 0 : i32
        %dma_wait3A_690 = tpu.memref_slice %arg6[%dma_wait3A_689] : memref<2000000xi32, #tpu.memory_space<hbm>> -> memref<16000xi32, #tpu.memory_space<hbm>>
        tpu.wait_dma2 semaphore(%arg25 : memref<!tpu.dma_semaphore, #tpu.memory_space<semaphore_mem>>) src(%dma_wait3A_690 : memref<16000xi32, #tpu.memory_space<hbm>>) dst(%arg21 : memref<16000xi32, #tpu.memory_space<vmem>>)
        %gt3A_691 = arith.constant 0 : i32
        %gt3A_692 = arith.cmpi sgt, %while3A_670, %gt3A_691 : i32
        %convert_element_type3A_693 = arith.extui %gt3A_692 : i1 to i32
        %cond3A_694 = arith.constant 0 : i32
        %cond3A_695 = arith.cmpi ne, %convert_element_type3A_693, %cond3A_694 : i32
        scf.if %cond3A_695 {
          %dma_wait3A_727 = arith.constant 0 : i32
          %dma_wait3A_728 = arith.constant 0 : i32
          %dma_wait3A_729 = arith.constant 0 : i32
          %dma_wait3A_730 = tpu.memref_slice %arg9[%dma_wait3A_727, %dma_wait3A_728, %dma_wait3A_729] : memref<15625x2x128xf32, #tpu.memory_space<hbm>> -> memref<125x2x128xf32, #tpu.memory_space<hbm>>
          %dma_wait3A_731 = arith.constant 0 : i32
          %dma_wait3A_732 = arith.constant 0 : i32
          %dma_wait3A_733 = arith.constant 0 : i32
          %dma_wait3A_734 = tpu.memref_slice %arg9[%dma_wait3A_731, %dma_wait3A_732, %dma_wait3A_733] : memref<15625x2x128xf32, #tpu.memory_space<hbm>> -> memref<125x2x128xf32, #tpu.memory_space<hbm>>
          tpu.wait_dma2 semaphore(%arg27 : memref<!tpu.dma_semaphore, #tpu.memory_space<semaphore_mem>>) src(%arg23 : memref<125x2x128xf32, #tpu.memory_space<vmem>>) dst(%dma_wait3A_734 : memref<125x2x128xf32, #tpu.memory_space<hbm>>)
        } else {
        }
        %mul3A_696 = arith.constant 32 : i32
        %mul3A_697 = arith.muli %add3A_682, %mul3A_696 : i32
        %add3A_698 = arith.addi %add3A, %mul3A_697 : i32
        %lt3A_699 = arith.constant 125 : i32
        %lt3A_700 = arith.cmpi slt, %add3A_698, %lt3A_699 : i32
        %convert_element_type3A_701 = arith.extui %lt3A_700 : i1 to i32
        %cond3A_702 = arith.constant 0 : i32
        %cond3A_703 = arith.cmpi ne, %convert_element_type3A_701, %cond3A_702 : i32
        scf.if %cond3A_703 {
          %parallel_loop3A = arith.constant 0 : i32
          %parallel_loop3A_727 = arith.constant 125 : i32
          %parallel_loop3A_728 = arith.constant 1 : i32
          scf.for %parallel_loop3A_729 = %parallel_loop3A to %parallel_loop3A_727 step %parallel_loop3A_728  : i32 {
            %parallel_loop3A_730 = arith.constant 128 : i32
            %parallel_loop3A_731 = arith.muli %parallel_loop3A_729, %parallel_loop3A_730 : i32
            %parallel_loop3A_732 = arith.constant 0 : i32
            %parallel_loop3A_733 = arith.addi %parallel_loop3A_731, %parallel_loop3A_732 : i32
            %parallel_loop3A_734 = arith.index_cast %parallel_loop3A_733 : i32 to index
            %parallel_loop3A_735 = tpu.vector_load %arg21[%parallel_loop3A_734] {strides = array<i32>} : memref<16000xi32, #tpu.memory_space<vmem>>, vector<16xi32>,
            %parallel_loop3A_736 = tpu.vector_load_idx %arg12[%parallel_loop3A_735, %broadcast_in_dim3A_1] : memref<1000x2xf32, #tpu.memory_space<vmem>>[vector<16xi32>, vector<16xi32>], vector<16xf32>,
            %parallel_loop3A_737 = tpu.vector_load_idx %arg12[%parallel_loop3A_735, %add3A_4] : memref<1000x2xf32, #tpu.memory_space<vmem>>[vector<16xi32>, vector<16xi32>], vector<16xf32>,
            %parallel_loop3A_738 = arith.constant 0 : i32
            %parallel_loop3A_739 = arith.index_cast %parallel_loop3A_729 : i32 to index
            %parallel_loop3A_740 = arith.index_cast %parallel_loop3A_738 : i32 to index
            %parallel_loop3A_741 = arith.constant 0 : index
            %parallel_loop3A_742 = tpu.vector_load %arg23[%parallel_loop3A_739, %parallel_loop3A_740, %parallel_loop3A_741] {strides = array<i32>} : memref<125x2x128xf32, #tpu.memory_space<vmem>>, vector<16xf32>,
            tpu.vector_store %arg23[%parallel_loop3A_739, %parallel_loop3A_740, %parallel_loop3A_741], %parallel_loop3A_736 {strides = array<i32>} : memref<125x2x128xf32, #tpu.memory_space<vmem>>, vector<16xf32>,
            %parallel_loop3A_743 = arith.constant 1 : i32
            %parallel_loop3A_744 = arith.index_cast %parallel_loop3A_729 : i32 to index
            %parallel_loop3A_745 = arith.index_cast %parallel_loop3A_743 : i32 to index
            %parallel_loop3A_746 = arith.constant 0 : index
            %parallel_loop3A_747 = tpu.vector_load %arg23[%parallel_loop3A_744, %parallel_loop3A_745, %parallel_loop3A_746] {strides = array<i32>} : memref<125x2x128xf32, #tpu.memory_space<vmem>>, vector<16xf32>,
            tpu.vector_store %arg23[%parallel_loop3A_744, %parallel_loop3A_745, %parallel_loop3A_746], %parallel_loop3A_737 {strides = array<i32>} : memref<125x2x128xf32, #tpu.memory_space<vmem>>, vector<16xf32>,
            %parallel_loop3A_748 = arith.constant 128 : i32
            %parallel_loop3A_749 = arith.muli %parallel_loop3A_729, %parallel_loop3A_748 : i32
            %parallel_loop3A_750 = arith.constant 16 : i32
            %parallel_loop3A_751 = arith.addi %parallel_loop3A_749, %parallel_loop3A_750 : i32
            %parallel_loop3A_752 = arith.index_cast %parallel_loop3A_751 : i32 to index
            %parallel_loop3A_753 = tpu.vector_load %arg21[%parallel_loop3A_752] {strides = array<i32>} : memref<16000xi32, #tpu.memory_space<vmem>>, vector<16xi32>,
            %parallel_loop3A_754 = tpu.vector_load_idx %arg12[%parallel_loop3A_753, %broadcast_in_dim3A_1] : memref<1000x2xf32, #tpu.memory_space<vmem>>[vector<16xi32>, vector<16xi32>], vector<16xf32>,
            %parallel_loop3A_755 = tpu.vector_load_idx %arg12[%parallel_loop3A_753, %add3A_4] : memref<1000x2xf32, #tpu.memory_space<vmem>>[vector<16xi32>, vector<16xi32>], vector<16xf32>,
            %parallel_loop3A_756 = arith.constant 0 : i32
            %parallel_loop3A_757 = arith.index_cast %parallel_loop3A_729 : i32 to index
            %parallel_loop3A_758 = arith.index_cast %parallel_loop3A_756 : i32 to index
            %parallel_loop3A_759 = arith.constant 16 : index
            %parallel_loop3A_760 = tpu.vector_load %arg23[%parallel_loop3A_757, %parallel_loop3A_758, %parallel_loop3A_759] {strides = array<i32>} : memref<125x2x128xf32, #tpu.memory_space<vmem>>, vector<16xf32>,
            tpu.vector_store %arg23[%parallel_loop3A_757, %parallel_loop3A_758, %parallel_loop3A_759], %parallel_loop3A_754 {strides = array<i32>} : memref<125x2x128xf32, #tpu.memory_space<vmem>>, vector<16xf32>,
            %parallel_loop3A_761 = arith.constant 1 : i32
            %parallel_loop3A_762 = arith.index_cast %parallel_loop3A_729 : i32 to index
            %parallel_loop3A_763 = arith.index_cast %parallel_loop3A_761 : i32 to index
            %parallel_loop3A_764 = arith.constant 16 : index
            %parallel_loop3A_765 = tpu.vector_load %arg23[%parallel_loop3A_762, %parallel_loop3A_763, %parallel_loop3A_764] {strides = array<i32>} : memref<125x2x128xf32, #tpu.memory_space<vmem>>, vector<16xf32>,
            tpu.vector_store %arg23[%parallel_loop3A_762, %parallel_loop3A_763, %parallel_loop3A_764], %parallel_loop3A_755 {strides = array<i32>} : memref<125x2x128xf32, #tpu.memory_space<vmem>>, vector<16xf32>,
            %parallel_loop3A_766 = arith.constant 128 : i32
            %parallel_loop3A_767 = arith.muli %parallel_loop3A_729, %parallel_loop3A_766 : i32
            %parallel_loop3A_768 = arith.constant 32 : i32
            %parallel_loop3A_769 = arith.addi %parallel_loop3A_767, %parallel_loop3A_768 : i32
            %parallel_loop3A_770 = arith.index_cast %parallel_loop3A_769 : i32 to index
            %parallel_loop3A_771 = tpu.vector_load %arg21[%parallel_loop3A_770] {strides = array<i32>} : memref<16000xi32, #tpu.memory_space<vmem>>, vector<16xi32>,
            %parallel_loop3A_772 = tpu.vector_load_idx %arg12[%parallel_loop3A_771, %broadcast_in_dim3A_1] : memref<1000x2xf32, #tpu.memory_space<vmem>>[vector<16xi32>, vector<16xi32>], vector<16xf32>,
            %parallel_loop3A_773 = tpu.vector_load_idx %arg12[%parallel_loop3A_771, %add3A_4] : memref<1000x2xf32, #tpu.memory_space<vmem>>[vector<16xi32>, vector<16xi32>], vector<16xf32>,
            %parallel_loop3A_774 = arith.constant 0 : i32
            %parallel_loop3A_775 = arith.index_cast %parallel_loop3A_729 : i32 to index
            %parallel_loop3A_776 = arith.index_cast %parallel_loop3A_774 : i32 to index
            %parallel_loop3A_777 = arith.constant 32 : index
            %parallel_loop3A_778 = tpu.vector_load %arg23[%parallel_loop3A_775, %parallel_loop3A_776, %parallel_loop3A_777] {strides = array<i32>} : memref<125x2x128xf32, #tpu.memory_space<vmem>>, vector<16xf32>,
            tpu.vector_store %arg23[%parallel_loop3A_775, %parallel_loop3A_776, %parallel_loop3A_777], %parallel_loop3A_772 {strides = array<i32>} : memref<125x2x128xf32, #tpu.memory_space<vmem>>, vector<16xf32>,
            %parallel_loop3A_779 = arith.constant 1 : i32
            %parallel_loop3A_780 = arith.index_cast %parallel_loop3A_729 : i32 to index
            %parallel_loop3A_781 = arith.index_cast %parallel_loop3A_779 : i32 to index
            %parallel_loop3A_782 = arith.constant 32 : index
            %parallel_loop3A_783 = tpu.vector_load %arg23[%parallel_loop3A_780, %parallel_loop3A_781, %parallel_loop3A_782] {strides = array<i32>} : memref<125x2x128xf32, #tpu.memory_space<vmem>>, vector<16xf32>,
            tpu.vector_store %arg23[%parallel_loop3A_780, %parallel_loop3A_781, %parallel_loop3A_782], %parallel_loop3A_773 {strides = array<i32>} : memref<125x2x128xf32, #tpu.memory_space<vmem>>, vector<16xf32>,
            %parallel_loop3A_784 = arith.constant 128 : i32
            %parallel_loop3A_785 = arith.muli %parallel_loop3A_729, %parallel_loop3A_784 : i32
            %parallel_loop3A_786 = arith.constant 48 : i32
            %parallel_loop3A_787 = arith.addi %parallel_loop3A_785, %parallel_loop3A_786 : i32
            %parallel_loop3A_788 = arith.index_cast %parallel_loop3A_787 : i32 to index
            %parallel_loop3A_789 = tpu.vector_load %arg21[%parallel_loop3A_788] {strides = array<i32>} : memref<16000xi32, #tpu.memory_space<vmem>>, vector<16xi32>,
            %parallel_loop3A_790 = tpu.vector_load_idx %arg12[%parallel_loop3A_789, %broadcast_in_dim3A_1] : memref<1000x2xf32, #tpu.memory_space<vmem>>[vector<16xi32>, vector<16xi32>], vector<16xf32>,
            %parallel_loop3A_791 = tpu.vector_load_idx %arg12[%parallel_loop3A_789, %add3A_4] : memref<1000x2xf32, #tpu.memory_space<vmem>>[vector<16xi32>, vector<16xi32>], vector<16xf32>,
            %parallel_loop3A_792 = arith.constant 0 : i32
            %parallel_loop3A_793 = arith.index_cast %parallel_loop3A_729 : i32 to index
            %parallel_loop3A_794 = arith.index_cast %parallel_loop3A_792 : i32 to index
            %parallel_loop3A_795 = arith.constant 48 : index
            %parallel_loop3A_796 = tpu.vector_load %arg23[%parallel_loop3A_793, %parallel_loop3A_794, %parallel_loop3A_795] {strides = array<i32>} : memref<125x2x128xf32, #tpu.memory_space<vmem>>, vector<16xf32>,
            tpu.vector_store %arg23[%parallel_loop3A_793, %parallel_loop3A_794, %parallel_loop3A_795], %parallel_loop3A_790 {strides = array<i32>} : memref<125x2x128xf32, #tpu.memory_space<vmem>>, vector<16xf32>,
            %parallel_loop3A_797 = arith.constant 1 : i32
            %parallel_loop3A_798 = arith.index_cast %parallel_loop3A_729 : i32 to index
            %parallel_loop3A_799 = arith.index_cast %parallel_loop3A_797 : i32 to index
            %parallel_loop3A_800 = arith.constant 48 : index
            %parallel_loop3A_801 = tpu.vector_load %arg23[%parallel_loop3A_798, %parallel_loop3A_799, %parallel_loop3A_800] {strides = array<i32>} : memref<125x2x128xf32, #tpu.memory_space<vmem>>, vector<16xf32>,
            tpu.vector_store %arg23[%parallel_loop3A_798, %parallel_loop3A_799, %parallel_loop3A_800], %parallel_loop3A_791 {strides = array<i32>} : memref<125x2x128xf32, #tpu.memory_space<vmem>>, vector<16xf32>,
            %parallel_loop3A_802 = arith.constant 128 : i32
            %parallel_loop3A_803 = arith.muli %parallel_loop3A_729, %parallel_loop3A_802 : i32
            %parallel_loop3A_804 = arith.constant 64 : i32
            %parallel_loop3A_805 = arith.addi %parallel_loop3A_803, %parallel_loop3A_804 : i32
            %parallel_loop3A_806 = arith.index_cast %parallel_loop3A_805 : i32 to index
            %parallel_loop3A_807 = tpu.vector_load %arg21[%parallel_loop3A_806] {strides = array<i32>} : memref<16000xi32, #tpu.memory_space<vmem>>, vector<16xi32>,
            %parallel_loop3A_808 = tpu.vector_load_idx %arg12[%parallel_loop3A_807, %broadcast_in_dim3A_1] : memref<1000x2xf32, #tpu.memory_space<vmem>>[vector<16xi32>, vector<16xi32>], vector<16xf32>,
            %parallel_loop3A_809 = tpu.vector_load_idx %arg12[%parallel_loop3A_807, %add3A_4] : memref<1000x2xf32, #tpu.memory_space<vmem>>[vector<16xi32>, vector<16xi32>], vector<16xf32>,
            %parallel_loop3A_810 = arith.constant 0 : i32
            %parallel_loop3A_811 = arith.index_cast %parallel_loop3A_729 : i32 to index
            %parallel_loop3A_812 = arith.index_cast %parallel_loop3A_810 : i32 to index
            %parallel_loop3A_813 = arith.constant 64 : index
            %parallel_loop3A_814 = tpu.vector_load %arg23[%parallel_loop3A_811, %parallel_loop3A_812, %parallel_loop3A_813] {strides = array<i32>} : memref<125x2x128xf32, #tpu.memory_space<vmem>>, vector<16xf32>,
            tpu.vector_store %arg23[%parallel_loop3A_811, %parallel_loop3A_812, %parallel_loop3A_813], %parallel_loop3A_808 {strides = array<i32>} : memref<125x2x128xf32, #tpu.memory_space<vmem>>, vector<16xf32>,
            %parallel_loop3A_815 = arith.constant 1 : i32
            %parallel_loop3A_816 = arith.index_cast %parallel_loop3A_729 : i32 to index
            %parallel_loop3A_817 = arith.index_cast %parallel_loop3A_815 : i32 to index
            %parallel_loop3A_818 = arith.constant 64 : index
            %parallel_loop3A_819 = tpu.vector_load %arg23[%parallel_loop3A_816, %parallel_loop3A_817, %parallel_loop3A_818] {strides = array<i32>} : memref<125x2x128xf32, #tpu.memory_space<vmem>>, vector<16xf32>,
            tpu.vector_store %arg23[%parallel_loop3A_816, %parallel_loop3A_817, %parallel_loop3A_818], %parallel_loop3A_809 {strides = array<i32>} : memref<125x2x128xf32, #tpu.memory_space<vmem>>, vector<16xf32>,
            %parallel_loop3A_820 = arith.constant 128 : i32
            %parallel_loop3A_821 = arith.muli %parallel_loop3A_729, %parallel_loop3A_820 : i32
            %parallel_loop3A_822 = arith.constant 80 : i32
            %parallel_loop3A_823 = arith.addi %parallel_loop3A_821, %parallel_loop3A_822 : i32
            %parallel_loop3A_824 = arith.index_cast %parallel_loop3A_823 : i32 to index
            %parallel_loop3A_825 = tpu.vector_load %arg21[%parallel_loop3A_824] {strides = array<i32>} : memref<16000xi32, #tpu.memory_space<vmem>>, vector<16xi32>,
            %parallel_loop3A_826 = tpu.vector_load_idx %arg12[%parallel_loop3A_825, %broadcast_in_dim3A_1] : memref<1000x2xf32, #tpu.memory_space<vmem>>[vector<16xi32>, vector<16xi32>], vector<16xf32>,
            %parallel_loop3A_827 = tpu.vector_load_idx %arg12[%parallel_loop3A_825, %add3A_4] : memref<1000x2xf32, #tpu.memory_space<vmem>>[vector<16xi32>, vector<16xi32>], vector<16xf32>,
            %parallel_loop3A_828 = arith.constant 0 : i32
            %parallel_loop3A_829 = arith.index_cast %parallel_loop3A_729 : i32 to index
            %parallel_loop3A_830 = arith.index_cast %parallel_loop3A_828 : i32 to index
            %parallel_loop3A_831 = arith.constant 80 : index
            %parallel_loop3A_832 = tpu.vector_load %arg23[%parallel_loop3A_829, %parallel_loop3A_830, %parallel_loop3A_831] {strides = array<i32>} : memref<125x2x128xf32, #tpu.memory_space<vmem>>, vector<16xf32>,
            tpu.vector_store %arg23[%parallel_loop3A_829, %parallel_loop3A_830, %parallel_loop3A_831], %parallel_loop3A_826 {strides = array<i32>} : memref<125x2x128xf32, #tpu.memory_space<vmem>>, vector<16xf32>,
            %parallel_loop3A_833 = arith.constant 1 : i32
            %parallel_loop3A_834 = arith.index_cast %parallel_loop3A_729 : i32 to index
            %parallel_loop3A_835 = arith.index_cast %parallel_loop3A_833 : i32 to index
            %parallel_loop3A_836 = arith.constant 80 : index
            %parallel_loop3A_837 = tpu.vector_load %arg23[%parallel_loop3A_834, %parallel_loop3A_835, %parallel_loop3A_836] {strides = array<i32>} : memref<125x2x128xf32, #tpu.memory_space<vmem>>, vector<16xf32>,
            tpu.vector_store %arg23[%parallel_loop3A_834, %parallel_loop3A_835, %parallel_loop3A_836], %parallel_loop3A_827 {strides = array<i32>} : memref<125x2x128xf32, #tpu.memory_space<vmem>>, vector<16xf32>,
            %parallel_loop3A_838 = arith.constant 128 : i32
            %parallel_loop3A_839 = arith.muli %parallel_loop3A_729, %parallel_loop3A_838 : i32
            %parallel_loop3A_840 = arith.constant 96 : i32
            %parallel_loop3A_841 = arith.addi %parallel_loop3A_839, %parallel_loop3A_840 : i32
            %parallel_loop3A_842 = arith.index_cast %parallel_loop3A_841 : i32 to index
            %parallel_loop3A_843 = tpu.vector_load %arg21[%parallel_loop3A_842] {strides = array<i32>} : memref<16000xi32, #tpu.memory_space<vmem>>, vector<16xi32>,
            %parallel_loop3A_844 = tpu.vector_load_idx %arg12[%parallel_loop3A_843, %broadcast_in_dim3A_1] : memref<1000x2xf32, #tpu.memory_space<vmem>>[vector<16xi32>, vector<16xi32>], vector<16xf32>,
            %parallel_loop3A_845 = tpu.vector_load_idx %arg12[%parallel_loop3A_843, %add3A_4] : memref<1000x2xf32, #tpu.memory_space<vmem>>[vector<16xi32>, vector<16xi32>], vector<16xf32>,
            %parallel_loop3A_846 = arith.constant 0 : i32
            %parallel_loop3A_847 = arith.index_cast %parallel_loop3A_729 : i32 to index
            %parallel_loop3A_848 = arith.index_cast %parallel_loop3A_846 : i32 to index
            %parallel_loop3A_849 = arith.constant 96 : index
            %parallel_loop3A_850 = tpu.vector_load %arg23[%parallel_loop3A_847, %parallel_loop3A_848, %parallel_loop3A_849] {strides = array<i32>} : memref<125x2x128xf32, #tpu.memory_space<vmem>>, vector<16xf32>,
            tpu.vector_store %arg23[%parallel_loop3A_847, %parallel_loop3A_848, %parallel_loop3A_849], %parallel_loop3A_844 {strides = array<i32>} : memref<125x2x128xf32, #tpu.memory_space<vmem>>, vector<16xf32>,
            %parallel_loop3A_851 = arith.constant 1 : i32
            %parallel_loop3A_852 = arith.index_cast %parallel_loop3A_729 : i32 to index
            %parallel_loop3A_853 = arith.index_cast %parallel_loop3A_851 : i32 to index
            %parallel_loop3A_854 = arith.constant 96 : index
            %parallel_loop3A_855 = tpu.vector_load %arg23[%parallel_loop3A_852, %parallel_loop3A_853, %parallel_loop3A_854] {strides = array<i32>} : memref<125x2x128xf32, #tpu.memory_space<vmem>>, vector<16xf32>,
            tpu.vector_store %arg23[%parallel_loop3A_852, %parallel_loop3A_853, %parallel_loop3A_854], %parallel_loop3A_845 {strides = array<i32>} : memref<125x2x128xf32, #tpu.memory_space<vmem>>, vector<16xf32>,
            %parallel_loop3A_856 = arith.constant 128 : i32
            %parallel_loop3A_857 = arith.muli %parallel_loop3A_729, %parallel_loop3A_856 : i32
            %parallel_loop3A_858 = arith.constant 112 : i32
            %parallel_loop3A_859 = arith.addi %parallel_loop3A_857, %parallel_loop3A_858 : i32
            %parallel_loop3A_860 = arith.index_cast %parallel_loop3A_859 : i32 to index
            %parallel_loop3A_861 = tpu.vector_load %arg21[%parallel_loop3A_860] {strides = array<i32>} : memref<16000xi32, #tpu.memory_space<vmem>>, vector<16xi32>,
            %parallel_loop3A_862 = tpu.vector_load_idx %arg12[%parallel_loop3A_861, %broadcast_in_dim3A_1] : memref<1000x2xf32, #tpu.memory_space<vmem>>[vector<16xi32>, vector<16xi32>], vector<16xf32>,
            %parallel_loop3A_863 = tpu.vector_load_idx %arg12[%parallel_loop3A_861, %add3A_4] : memref<1000x2xf32, #tpu.memory_space<vmem>>[vector<16xi32>, vector<16xi32>], vector<16xf32>,
            %parallel_loop3A_864 = arith.constant 0 : i32
            %parallel_loop3A_865 = arith.index_cast %parallel_loop3A_729 : i32 to index
            %parallel_loop3A_866 = arith.index_cast %parallel_loop3A_864 : i32 to index
            %parallel_loop3A_867 = arith.constant 112 : index
            %parallel_loop3A_868 = tpu.vector_load %arg23[%parallel_loop3A_865, %parallel_loop3A_866, %parallel_loop3A_867] {strides = array<i32>} : memref<125x2x128xf32, #tpu.memory_space<vmem>>, vector<16xf32>,
            tpu.vector_store %arg23[%parallel_loop3A_865, %parallel_loop3A_866, %parallel_loop3A_867], %parallel_loop3A_862 {strides = array<i32>} : memref<125x2x128xf32, #tpu.memory_space<vmem>>, vector<16xf32>,
            %parallel_loop3A_869 = arith.constant 1 : i32
            %parallel_loop3A_870 = arith.index_cast %parallel_loop3A_729 : i32 to index
            %parallel_loop3A_871 = arith.index_cast %parallel_loop3A_869 : i32 to index
            %parallel_loop3A_872 = arith.constant 112 : index
            %parallel_loop3A_873 = tpu.vector_load %arg23[%parallel_loop3A_870, %parallel_loop3A_871, %parallel_loop3A_872] {strides = array<i32>} : memref<125x2x128xf32, #tpu.memory_space<vmem>>, vector<16xf32>,
            tpu.vector_store %arg23[%parallel_loop3A_870, %parallel_loop3A_871, %parallel_loop3A_872], %parallel_loop3A_863 {strides = array<i32>} : memref<125x2x128xf32, #tpu.memory_space<vmem>>, vector<16xf32>,
          } {sc.loop_unroll_factor = 1 : i64, sc.parallel_access}
        } else {
        }
        %ge3A = arith.constant 125 : i32
        %ge3A_704 = arith.cmpi sge, %add3A_698, %ge3A : i32
        %convert_element_type3A_705 = arith.extui %ge3A_704 : i1 to i32
        %cond3A_706 = arith.constant 0 : i32
        %cond3A_707 = arith.cmpi ne, %convert_element_type3A_705, %cond3A_706 : i32
        scf.if %cond3A_707 {
          %parallel_loop3A = arith.constant 0 : i32
          %parallel_loop3A_727 = arith.constant 125 : i32
          %parallel_loop3A_728 = arith.constant 1 : i32
          scf.for %parallel_loop3A_729 = %parallel_loop3A to %parallel_loop3A_727 step %parallel_loop3A_728  : i32 {
            %parallel_loop3A_730 = arith.constant 128 : i32
            %parallel_loop3A_731 = arith.muli %parallel_loop3A_729, %parallel_loop3A_730 : i32
            %parallel_loop3A_732 = arith.constant 0 : i32
            %parallel_loop3A_733 = arith.addi %parallel_loop3A_731, %parallel_loop3A_732 : i32
            %parallel_loop3A_734 = arith.index_cast %parallel_loop3A_733 : i32 to index
            %parallel_loop3A_735 = tpu.vector_load %arg21[%parallel_loop3A_734] {strides = array<i32>} : memref<16000xi32, #tpu.memory_space<vmem>>, vector<16xi32>,
            %parallel_loop3A_736 = tpu.vector_load_idx %arg13[%parallel_loop3A_735, %broadcast_in_dim3A_1] : memref<2000x2xf32, #tpu.memory_space<vmem>>[vector<16xi32>, vector<16xi32>], vector<16xf32>,
            %parallel_loop3A_737 = tpu.vector_load_idx %arg13[%parallel_loop3A_735, %add3A_4] : memref<2000x2xf32, #tpu.memory_space<vmem>>[vector<16xi32>, vector<16xi32>], vector<16xf32>,
            %parallel_loop3A_738 = arith.constant 0 : i32
            %parallel_loop3A_739 = arith.index_cast %parallel_loop3A_729 : i32 to index
            %parallel_loop3A_740 = arith.index_cast %parallel_loop3A_738 : i32 to index
            %parallel_loop3A_741 = arith.constant 0 : index
            %parallel_loop3A_742 = tpu.vector_load %arg23[%parallel_loop3A_739, %parallel_loop3A_740, %parallel_loop3A_741] {strides = array<i32>} : memref<125x2x128xf32, #tpu.memory_space<vmem>>, vector<16xf32>,
            tpu.vector_store %arg23[%parallel_loop3A_739, %parallel_loop3A_740, %parallel_loop3A_741], %parallel_loop3A_736 {strides = array<i32>} : memref<125x2x128xf32, #tpu.memory_space<vmem>>, vector<16xf32>,
            %parallel_loop3A_743 = arith.constant 1 : i32
            %parallel_loop3A_744 = arith.index_cast %parallel_loop3A_729 : i32 to index
            %parallel_loop3A_745 = arith.index_cast %parallel_loop3A_743 : i32 to index
            %parallel_loop3A_746 = arith.constant 0 : index
            %parallel_loop3A_747 = tpu.vector_load %arg23[%parallel_loop3A_744, %parallel_loop3A_745, %parallel_loop3A_746] {strides = array<i32>} : memref<125x2x128xf32, #tpu.memory_space<vmem>>, vector<16xf32>,
            tpu.vector_store %arg23[%parallel_loop3A_744, %parallel_loop3A_745, %parallel_loop3A_746], %parallel_loop3A_737 {strides = array<i32>} : memref<125x2x128xf32, #tpu.memory_space<vmem>>, vector<16xf32>,
            %parallel_loop3A_748 = arith.constant 128 : i32
            %parallel_loop3A_749 = arith.muli %parallel_loop3A_729, %parallel_loop3A_748 : i32
            %parallel_loop3A_750 = arith.constant 16 : i32
            %parallel_loop3A_751 = arith.addi %parallel_loop3A_749, %parallel_loop3A_750 : i32
            %parallel_loop3A_752 = arith.index_cast %parallel_loop3A_751 : i32 to index
            %parallel_loop3A_753 = tpu.vector_load %arg21[%parallel_loop3A_752] {strides = array<i32>} : memref<16000xi32, #tpu.memory_space<vmem>>, vector<16xi32>,
            %parallel_loop3A_754 = tpu.vector_load_idx %arg13[%parallel_loop3A_753, %broadcast_in_dim3A_1] : memref<2000x2xf32, #tpu.memory_space<vmem>>[vector<16xi32>, vector<16xi32>], vector<16xf32>,
            %parallel_loop3A_755 = tpu.vector_load_idx %arg13[%parallel_loop3A_753, %add3A_4] : memref<2000x2xf32, #tpu.memory_space<vmem>>[vector<16xi32>, vector<16xi32>], vector<16xf32>,
            %parallel_loop3A_756 = arith.constant 0 : i32
            %parallel_loop3A_757 = arith.index_cast %parallel_loop3A_729 : i32 to index
            %parallel_loop3A_758 = arith.index_cast %parallel_loop3A_756 : i32 to index
            %parallel_loop3A_759 = arith.constant 16 : index
            %parallel_loop3A_760 = tpu.vector_load %arg23[%parallel_loop3A_757, %parallel_loop3A_758, %parallel_loop3A_759] {strides = array<i32>} : memref<125x2x128xf32, #tpu.memory_space<vmem>>, vector<16xf32>,
            tpu.vector_store %arg23[%parallel_loop3A_757, %parallel_loop3A_758, %parallel_loop3A_759], %parallel_loop3A_754 {strides = array<i32>} : memref<125x2x128xf32, #tpu.memory_space<vmem>>, vector<16xf32>,
            %parallel_loop3A_761 = arith.constant 1 : i32
            %parallel_loop3A_762 = arith.index_cast %parallel_loop3A_729 : i32 to index
            %parallel_loop3A_763 = arith.index_cast %parallel_loop3A_761 : i32 to index
            %parallel_loop3A_764 = arith.constant 16 : index
            %parallel_loop3A_765 = tpu.vector_load %arg23[%parallel_loop3A_762, %parallel_loop3A_763, %parallel_loop3A_764] {strides = array<i32>} : memref<125x2x128xf32, #tpu.memory_space<vmem>>, vector<16xf32>,
            tpu.vector_store %arg23[%parallel_loop3A_762, %parallel_loop3A_763, %parallel_loop3A_764], %parallel_loop3A_755 {strides = array<i32>} : memref<125x2x128xf32, #tpu.memory_space<vmem>>, vector<16xf32>,
            %parallel_loop3A_766 = arith.constant 128 : i32
            %parallel_loop3A_767 = arith.muli %parallel_loop3A_729, %parallel_loop3A_766 : i32
            %parallel_loop3A_768 = arith.constant 32 : i32
            %parallel_loop3A_769 = arith.addi %parallel_loop3A_767, %parallel_loop3A_768 : i32
            %parallel_loop3A_770 = arith.index_cast %parallel_loop3A_769 : i32 to index
            %parallel_loop3A_771 = tpu.vector_load %arg21[%parallel_loop3A_770] {strides = array<i32>} : memref<16000xi32, #tpu.memory_space<vmem>>, vector<16xi32>,
            %parallel_loop3A_772 = tpu.vector_load_idx %arg13[%parallel_loop3A_771, %broadcast_in_dim3A_1] : memref<2000x2xf32, #tpu.memory_space<vmem>>[vector<16xi32>, vector<16xi32>], vector<16xf32>,
            %parallel_loop3A_773 = tpu.vector_load_idx %arg13[%parallel_loop3A_771, %add3A_4] : memref<2000x2xf32, #tpu.memory_space<vmem>>[vector<16xi32>, vector<16xi32>], vector<16xf32>,
            %parallel_loop3A_774 = arith.constant 0 : i32
            %parallel_loop3A_775 = arith.index_cast %parallel_loop3A_729 : i32 to index
            %parallel_loop3A_776 = arith.index_cast %parallel_loop3A_774 : i32 to index
            %parallel_loop3A_777 = arith.constant 32 : index
            %parallel_loop3A_778 = tpu.vector_load %arg23[%parallel_loop3A_775, %parallel_loop3A_776, %parallel_loop3A_777] {strides = array<i32>} : memref<125x2x128xf32, #tpu.memory_space<vmem>>, vector<16xf32>,
            tpu.vector_store %arg23[%parallel_loop3A_775, %parallel_loop3A_776, %parallel_loop3A_777], %parallel_loop3A_772 {strides = array<i32>} : memref<125x2x128xf32, #tpu.memory_space<vmem>>, vector<16xf32>,
            %parallel_loop3A_779 = arith.constant 1 : i32
            %parallel_loop3A_780 = arith.index_cast %parallel_loop3A_729 : i32 to index
            %parallel_loop3A_781 = arith.index_cast %parallel_loop3A_779 : i32 to index
            %parallel_loop3A_782 = arith.constant 32 : index
            %parallel_loop3A_783 = tpu.vector_load %arg23[%parallel_loop3A_780, %parallel_loop3A_781, %parallel_loop3A_782] {strides = array<i32>} : memref<125x2x128xf32, #tpu.memory_space<vmem>>, vector<16xf32>,
            tpu.vector_store %arg23[%parallel_loop3A_780, %parallel_loop3A_781, %parallel_loop3A_782], %parallel_loop3A_773 {strides = array<i32>} : memref<125x2x128xf32, #tpu.memory_space<vmem>>, vector<16xf32>,
            %parallel_loop3A_784 = arith.constant 128 : i32
            %parallel_loop3A_785 = arith.muli %parallel_loop3A_729, %parallel_loop3A_784 : i32
            %parallel_loop3A_786 = arith.constant 48 : i32
            %parallel_loop3A_787 = arith.addi %parallel_loop3A_785, %parallel_loop3A_786 : i32
            %parallel_loop3A_788 = arith.index_cast %parallel_loop3A_787 : i32 to index
            %parallel_loop3A_789 = tpu.vector_load %arg21[%parallel_loop3A_788] {strides = array<i32>} : memref<16000xi32, #tpu.memory_space<vmem>>, vector<16xi32>,
            %parallel_loop3A_790 = tpu.vector_load_idx %arg13[%parallel_loop3A_789, %broadcast_in_dim3A_1] : memref<2000x2xf32, #tpu.memory_space<vmem>>[vector<16xi32>, vector<16xi32>], vector<16xf32>,
            %parallel_loop3A_791 = tpu.vector_load_idx %arg13[%parallel_loop3A_789, %add3A_4] : memref<2000x2xf32, #tpu.memory_space<vmem>>[vector<16xi32>, vector<16xi32>], vector<16xf32>,
            %parallel_loop3A_792 = arith.constant 0 : i32
            %parallel_loop3A_793 = arith.index_cast %parallel_loop3A_729 : i32 to index
            %parallel_loop3A_794 = arith.index_cast %parallel_loop3A_792 : i32 to index
            %parallel_loop3A_795 = arith.constant 48 : index
            %parallel_loop3A_796 = tpu.vector_load %arg23[%parallel_loop3A_793, %parallel_loop3A_794, %parallel_loop3A_795] {strides = array<i32>} : memref<125x2x128xf32, #tpu.memory_space<vmem>>, vector<16xf32>,
            tpu.vector_store %arg23[%parallel_loop3A_793, %parallel_loop3A_794, %parallel_loop3A_795], %parallel_loop3A_790 {strides = array<i32>} : memref<125x2x128xf32, #tpu.memory_space<vmem>>, vector<16xf32>,
            %parallel_loop3A_797 = arith.constant 1 : i32
            %parallel_loop3A_798 = arith.index_cast %parallel_loop3A_729 : i32 to index
            %parallel_loop3A_799 = arith.index_cast %parallel_loop3A_797 : i32 to index
            %parallel_loop3A_800 = arith.constant 48 : index
            %parallel_loop3A_801 = tpu.vector_load %arg23[%parallel_loop3A_798, %parallel_loop3A_799, %parallel_loop3A_800] {strides = array<i32>} : memref<125x2x128xf32, #tpu.memory_space<vmem>>, vector<16xf32>,
            tpu.vector_store %arg23[%parallel_loop3A_798, %parallel_loop3A_799, %parallel_loop3A_800], %parallel_loop3A_791 {strides = array<i32>} : memref<125x2x128xf32, #tpu.memory_space<vmem>>, vector<16xf32>,
            %parallel_loop3A_802 = arith.constant 128 : i32
            %parallel_loop3A_803 = arith.muli %parallel_loop3A_729, %parallel_loop3A_802 : i32
            %parallel_loop3A_804 = arith.constant 64 : i32
            %parallel_loop3A_805 = arith.addi %parallel_loop3A_803, %parallel_loop3A_804 : i32
            %parallel_loop3A_806 = arith.index_cast %parallel_loop3A_805 : i32 to index
            %parallel_loop3A_807 = tpu.vector_load %arg21[%parallel_loop3A_806] {strides = array<i32>} : memref<16000xi32, #tpu.memory_space<vmem>>, vector<16xi32>,
            %parallel_loop3A_808 = tpu.vector_load_idx %arg13[%parallel_loop3A_807, %broadcast_in_dim3A_1] : memref<2000x2xf32, #tpu.memory_space<vmem>>[vector<16xi32>, vector<16xi32>], vector<16xf32>,
            %parallel_loop3A_809 = tpu.vector_load_idx %arg13[%parallel_loop3A_807, %add3A_4] : memref<2000x2xf32, #tpu.memory_space<vmem>>[vector<16xi32>, vector<16xi32>], vector<16xf32>,
            %parallel_loop3A_810 = arith.constant 0 : i32
            %parallel_loop3A_811 = arith.index_cast %parallel_loop3A_729 : i32 to index
            %parallel_loop3A_812 = arith.index_cast %parallel_loop3A_810 : i32 to index
            %parallel_loop3A_813 = arith.constant 64 : index
            %parallel_loop3A_814 = tpu.vector_load %arg23[%parallel_loop3A_811, %parallel_loop3A_812, %parallel_loop3A_813] {strides = array<i32>} : memref<125x2x128xf32, #tpu.memory_space<vmem>>, vector<16xf32>,
            tpu.vector_store %arg23[%parallel_loop3A_811, %parallel_loop3A_812, %parallel_loop3A_813], %parallel_loop3A_808 {strides = array<i32>} : memref<125x2x128xf32, #tpu.memory_space<vmem>>, vector<16xf32>,
            %parallel_loop3A_815 = arith.constant 1 : i32
            %parallel_loop3A_816 = arith.index_cast %parallel_loop3A_729 : i32 to index
            %parallel_loop3A_817 = arith.index_cast %parallel_loop3A_815 : i32 to index
            %parallel_loop3A_818 = arith.constant 64 : index
            %parallel_loop3A_819 = tpu.vector_load %arg23[%parallel_loop3A_816, %parallel_loop3A_817, %parallel_loop3A_818] {strides = array<i32>} : memref<125x2x128xf32, #tpu.memory_space<vmem>>, vector<16xf32>,
            tpu.vector_store %arg23[%parallel_loop3A_816, %parallel_loop3A_817, %parallel_loop3A_818], %parallel_loop3A_809 {strides = array<i32>} : memref<125x2x128xf32, #tpu.memory_space<vmem>>, vector<16xf32>,
            %parallel_loop3A_820 = arith.constant 128 : i32
            %parallel_loop3A_821 = arith.muli %parallel_loop3A_729, %parallel_loop3A_820 : i32
            %parallel_loop3A_822 = arith.constant 80 : i32
            %parallel_loop3A_823 = arith.addi %parallel_loop3A_821, %parallel_loop3A_822 : i32
            %parallel_loop3A_824 = arith.index_cast %parallel_loop3A_823 : i32 to index
            %parallel_loop3A_825 = tpu.vector_load %arg21[%parallel_loop3A_824] {strides = array<i32>} : memref<16000xi32, #tpu.memory_space<vmem>>, vector<16xi32>,
            %parallel_loop3A_826 = tpu.vector_load_idx %arg13[%parallel_loop3A_825, %broadcast_in_dim3A_1] : memref<2000x2xf32, #tpu.memory_space<vmem>>[vector<16xi32>, vector<16xi32>], vector<16xf32>,
            %parallel_loop3A_827 = tpu.vector_load_idx %arg13[%parallel_loop3A_825, %add3A_4] : memref<2000x2xf32, #tpu.memory_space<vmem>>[vector<16xi32>, vector<16xi32>], vector<16xf32>,
            %parallel_loop3A_828 = arith.constant 0 : i32
            %parallel_loop3A_829 = arith.index_cast %parallel_loop3A_729 : i32 to index
            %parallel_loop3A_830 = arith.index_cast %parallel_loop3A_828 : i32 to index
            %parallel_loop3A_831 = arith.constant 80 : index
            %parallel_loop3A_832 = tpu.vector_load %arg23[%parallel_loop3A_829, %parallel_loop3A_830, %parallel_loop3A_831] {strides = array<i32>} : memref<125x2x128xf32, #tpu.memory_space<vmem>>, vector<16xf32>,
            tpu.vector_store %arg23[%parallel_loop3A_829, %parallel_loop3A_830, %parallel_loop3A_831], %parallel_loop3A_826 {strides = array<i32>} : memref<125x2x128xf32, #tpu.memory_space<vmem>>, vector<16xf32>,
            %parallel_loop3A_833 = arith.constant 1 : i32
            %parallel_loop3A_834 = arith.index_cast %parallel_loop3A_729 : i32 to index
            %parallel_loop3A_835 = arith.index_cast %parallel_loop3A_833 : i32 to index
            %parallel_loop3A_836 = arith.constant 80 : index
            %parallel_loop3A_837 = tpu.vector_load %arg23[%parallel_loop3A_834, %parallel_loop3A_835, %parallel_loop3A_836] {strides = array<i32>} : memref<125x2x128xf32, #tpu.memory_space<vmem>>, vector<16xf32>,
            tpu.vector_store %arg23[%parallel_loop3A_834, %parallel_loop3A_835, %parallel_loop3A_836], %parallel_loop3A_827 {strides = array<i32>} : memref<125x2x128xf32, #tpu.memory_space<vmem>>, vector<16xf32>,
            %parallel_loop3A_838 = arith.constant 128 : i32
            %parallel_loop3A_839 = arith.muli %parallel_loop3A_729, %parallel_loop3A_838 : i32
            %parallel_loop3A_840 = arith.constant 96 : i32
            %parallel_loop3A_841 = arith.addi %parallel_loop3A_839, %parallel_loop3A_840 : i32
            %parallel_loop3A_842 = arith.index_cast %parallel_loop3A_841 : i32 to index
            %parallel_loop3A_843 = tpu.vector_load %arg21[%parallel_loop3A_842] {strides = array<i32>} : memref<16000xi32, #tpu.memory_space<vmem>>, vector<16xi32>,
            %parallel_loop3A_844 = tpu.vector_load_idx %arg13[%parallel_loop3A_843, %broadcast_in_dim3A_1] : memref<2000x2xf32, #tpu.memory_space<vmem>>[vector<16xi32>, vector<16xi32>], vector<16xf32>,
            %parallel_loop3A_845 = tpu.vector_load_idx %arg13[%parallel_loop3A_843, %add3A_4] : memref<2000x2xf32, #tpu.memory_space<vmem>>[vector<16xi32>, vector<16xi32>], vector<16xf32>,
            %parallel_loop3A_846 = arith.constant 0 : i32
            %parallel_loop3A_847 = arith.index_cast %parallel_loop3A_729 : i32 to index
            %parallel_loop3A_848 = arith.index_cast %parallel_loop3A_846 : i32 to index
            %parallel_loop3A_849 = arith.constant 96 : index
            %parallel_loop3A_850 = tpu.vector_load %arg23[%parallel_loop3A_847, %parallel_loop3A_848, %parallel_loop3A_849] {strides = array<i32>} : memref<125x2x128xf32, #tpu.memory_space<vmem>>, vector<16xf32>,
            tpu.vector_store %arg23[%parallel_loop3A_847, %parallel_loop3A_848, %parallel_loop3A_849], %parallel_loop3A_844 {strides = array<i32>} : memref<125x2x128xf32, #tpu.memory_space<vmem>>, vector<16xf32>,
            %parallel_loop3A_851 = arith.constant 1 : i32
            %parallel_loop3A_852 = arith.index_cast %parallel_loop3A_729 : i32 to index
            %parallel_loop3A_853 = arith.index_cast %parallel_loop3A_851 : i32 to index
            %parallel_loop3A_854 = arith.constant 96 : index
            %parallel_loop3A_855 = tpu.vector_load %arg23[%parallel_loop3A_852, %parallel_loop3A_853, %parallel_loop3A_854] {strides = array<i32>} : memref<125x2x128xf32, #tpu.memory_space<vmem>>, vector<16xf32>,
            tpu.vector_store %arg23[%parallel_loop3A_852, %parallel_loop3A_853, %parallel_loop3A_854], %parallel_loop3A_845 {strides = array<i32>} : memref<125x2x128xf32, #tpu.memory_space<vmem>>, vector<16xf32>,
            %parallel_loop3A_856 = arith.constant 128 : i32
            %parallel_loop3A_857 = arith.muli %parallel_loop3A_729, %parallel_loop3A_856 : i32
            %parallel_loop3A_858 = arith.constant 112 : i32
            %parallel_loop3A_859 = arith.addi %parallel_loop3A_857, %parallel_loop3A_858 : i32
            %parallel_loop3A_860 = arith.index_cast %parallel_loop3A_859 : i32 to index
            %parallel_loop3A_861 = tpu.vector_load %arg21[%parallel_loop3A_860] {strides = array<i32>} : memref<16000xi32, #tpu.memory_space<vmem>>, vector<16xi32>,
            %parallel_loop3A_862 = tpu.vector_load_idx %arg13[%parallel_loop3A_861, %broadcast_in_dim3A_1] : memref<2000x2xf32, #tpu.memory_space<vmem>>[vector<16xi32>, vector<16xi32>], vector<16xf32>,
            %parallel_loop3A_863 = tpu.vector_load_idx %arg13[%parallel_loop3A_861, %add3A_4] : memref<2000x2xf32, #tpu.memory_space<vmem>>[vector<16xi32>, vector<16xi32>], vector<16xf32>,
            %parallel_loop3A_864 = arith.constant 0 : i32
            %parallel_loop3A_865 = arith.index_cast %parallel_loop3A_729 : i32 to index
            %parallel_loop3A_866 = arith.index_cast %parallel_loop3A_864 : i32 to index
            %parallel_loop3A_867 = arith.constant 112 : index
            %parallel_loop3A_868 = tpu.vector_load %arg23[%parallel_loop3A_865, %parallel_loop3A_866, %parallel_loop3A_867] {strides = array<i32>} : memref<125x2x128xf32, #tpu.memory_space<vmem>>, vector<16xf32>,
            tpu.vector_store %arg23[%parallel_loop3A_865, %parallel_loop3A_866, %parallel_loop3A_867], %parallel_loop3A_862 {strides = array<i32>} : memref<125x2x128xf32, #tpu.memory_space<vmem>>, vector<16xf32>,
            %parallel_loop3A_869 = arith.constant 1 : i32
            %parallel_loop3A_870 = arith.index_cast %parallel_loop3A_729 : i32 to index
            %parallel_loop3A_871 = arith.index_cast %parallel_loop3A_869 : i32 to index
            %parallel_loop3A_872 = arith.constant 112 : index
            %parallel_loop3A_873 = tpu.vector_load %arg23[%parallel_loop3A_870, %parallel_loop3A_871, %parallel_loop3A_872] {strides = array<i32>} : memref<125x2x128xf32, #tpu.memory_space<vmem>>, vector<16xf32>,
            tpu.vector_store %arg23[%parallel_loop3A_870, %parallel_loop3A_871, %parallel_loop3A_872], %parallel_loop3A_863 {strides = array<i32>} : memref<125x2x128xf32, #tpu.memory_space<vmem>>, vector<16xf32>,
          } {sc.loop_unroll_factor = 1 : i64, sc.parallel_access}
        } else {
        }
        %mul3A_708 = arith.constant 32 : i32
        %mul3A_709 = arith.muli %add3A_682, %mul3A_708 : i32
        %add3A_710 = arith.addi %add3A, %mul3A_709 : i32
        %lt3A_711 = arith.constant 125 : i32
        %lt3A_712 = arith.cmpi slt, %add3A_710, %lt3A_711 : i32
        %convert_element_type3A_713 = arith.extui %lt3A_712 : i1 to i32
        %cond3A_714 = arith.constant 0 : i32
        %cond3A_715 = arith.cmpi ne, %convert_element_type3A_713, %cond3A_714 : i32
        scf.if %cond3A_715 {
          %mul3A_727 = arith.constant 125 : i32
          %mul3A_728 = arith.muli %add3A_710, %mul3A_727 : i32
          %dma_start3A_729 = arith.constant 0 : i32
          %dma_start3A_730 = arith.constant 0 : i32
          %dma_start3A_731 = tpu.memref_slice %arg9[%mul3A_728, %dma_start3A_729, %dma_start3A_730] : memref<15625x2x128xf32, #tpu.memory_space<hbm>> -> memref<125x2x128xf32, #tpu.memory_space<hbm>>
          %dma_start3A_732 = arith.constant 0 : i32
          %dma_start3A_733 = arith.constant 0 : i32
          %dma_start3A_734 = tpu.memref_slice %arg9[%mul3A_728, %dma_start3A_732, %dma_start3A_733] : memref<15625x2x128xf32, #tpu.memory_space<hbm>> -> memref<125x2x128xf32, #tpu.memory_space<hbm>>
          tpu.enqueue_dma source(%arg23 : memref<125x2x128xf32, #tpu.memory_space<vmem>>) target(%dma_start3A_734 : memref<125x2x128xf32, #tpu.memory_space<hbm>>) target_semaphore(%arg27 : memref<!tpu.dma_semaphore, #tpu.memory_space<semaphore_mem>>)
        } else {
        }
        %ge3A_716 = arith.constant 125 : i32
        %ge3A_717 = arith.cmpi sge, %add3A_710, %ge3A_716 : i32
        %convert_element_type3A_718 = arith.extui %ge3A_717 : i1 to i32
        %cond3A_719 = arith.constant 0 : i32
        %cond3A_720 = arith.cmpi ne, %convert_element_type3A_718, %cond3A_719 : i32
        scf.if %cond3A_720 {
          %sub3A_727 = arith.constant 125 : i32
          %sub3A_728 = arith.subi %add3A_710, %sub3A_727 : i32
          %mul3A_729 = arith.constant 125 : i32
          %mul3A_730 = arith.muli %sub3A_728, %mul3A_729 : i32
          %dma_start3A_731 = arith.constant 0 : i32
          %dma_start3A_732 = arith.constant 0 : i32
          %dma_start3A_733 = tpu.memref_slice %arg10[%mul3A_730, %dma_start3A_731, %dma_start3A_732] : memref<31250x2x128xf32, #tpu.memory_space<hbm>> -> memref<125x2x128xf32, #tpu.memory_space<hbm>>
          %dma_start3A_734 = arith.constant 0 : i32
          %dma_start3A_735 = arith.constant 0 : i32
          %dma_start3A_736 = tpu.memref_slice %arg10[%mul3A_730, %dma_start3A_734, %dma_start3A_735] : memref<31250x2x128xf32, #tpu.memory_space<hbm>> -> memref<125x2x128xf32, #tpu.memory_space<hbm>>
          tpu.enqueue_dma source(%arg23 : memref<125x2x128xf32, #tpu.memory_space<vmem>>) target(%dma_start3A_736 : memref<125x2x128xf32, #tpu.memory_space<hbm>>) target_semaphore(%arg27 : memref<!tpu.dma_semaphore, #tpu.memory_space<semaphore_mem>>)
        } else {
        }
        %add3A_721 = arith.constant 2 : i32
        %add3A_722 = arith.addi %add3A_682, %add3A_721 : i32
        %lt3A_723 = arith.cmpi slt, %add3A_722, %select_n3A : i32
        %convert_element_type3A_724 = arith.extui %lt3A_723 : i1 to i32
        %cond3A_725 = arith.constant 0 : i32
        %cond3A_726 = arith.cmpi ne, %convert_element_type3A_724, %cond3A_725 : i32
        scf.if %cond3A_726 {
          %add3A_727 = arith.constant 2 : i32
          %add3A_728 = arith.addi %add3A_682, %add3A_727 : i32
          %mul3A_729 = arith.constant 32 : i32
          %mul3A_730 = arith.muli %add3A_728, %mul3A_729 : i32
          %add3A_731 = arith.addi %add3A, %mul3A_730 : i32
          %lt3A_732 = arith.constant 125 : i32
          %lt3A_733 = arith.cmpi slt, %add3A_731, %lt3A_732 : i32
          %convert_element_type3A_734 = arith.extui %lt3A_733 : i1 to i32
          %cond3A_735 = arith.constant 0 : i32
          %cond3A_736 = arith.cmpi ne, %convert_element_type3A_734, %cond3A_735 : i32
          scf.if %cond3A_736 {
            %mul3A_742 = arith.constant 16000 : i32
            %mul3A_743 = arith.muli %add3A_731, %mul3A_742 : i32
            %dma_start3A_744 = tpu.memref_slice %arg6[%mul3A_743] : memref<2000000xi32, #tpu.memory_space<hbm>> -> memref<16000xi32, #tpu.memory_space<hbm>>
            %dma_start3A_745 = tpu.memref_slice %arg6[%mul3A_743] : memref<2000000xi32, #tpu.memory_space<hbm>> -> memref<16000xi32, #tpu.memory_space<hbm>>
            tpu.enqueue_dma source(%dma_start3A_745 : memref<16000xi32, #tpu.memory_space<hbm>>) target(%arg21 : memref<16000xi32, #tpu.memory_space<vmem>>) target_semaphore(%arg25 : memref<!tpu.dma_semaphore, #tpu.memory_space<semaphore_mem>>)
          } else {
          }
          %ge3A_737 = arith.constant 125 : i32
          %ge3A_738 = arith.cmpi sge, %add3A_731, %ge3A_737 : i32
          %convert_element_type3A_739 = arith.extui %ge3A_738 : i1 to i32
          %cond3A_740 = arith.constant 0 : i32
          %cond3A_741 = arith.cmpi ne, %convert_element_type3A_739, %cond3A_740 : i32
          scf.if %cond3A_741 {
            %sub3A_742 = arith.constant 125 : i32
            %sub3A_743 = arith.subi %add3A_731, %sub3A_742 : i32
            %mul3A_744 = arith.constant 16000 : i32
            %mul3A_745 = arith.muli %sub3A_743, %mul3A_744 : i32
            %dma_start3A_746 = tpu.memref_slice %arg7[%mul3A_745] : memref<4000000xi32, #tpu.memory_space<hbm>> -> memref<16000xi32, #tpu.memory_space<hbm>>
            %dma_start3A_747 = tpu.memref_slice %arg7[%mul3A_745] : memref<4000000xi32, #tpu.memory_space<hbm>> -> memref<16000xi32, #tpu.memory_space<hbm>>
            tpu.enqueue_dma source(%dma_start3A_747 : memref<16000xi32, #tpu.memory_space<hbm>>) target(%arg21 : memref<16000xi32, #tpu.memory_space<vmem>>) target_semaphore(%arg25 : memref<!tpu.dma_semaphore, #tpu.memory_space<semaphore_mem>>)
          } else {
          }
        } else {
        }
      } else {
      }
    }
    %while3A_68 = arith.constant 1 : i32
    scf.for %while3A_670 = %while3A_66 to %while3A_62 step %while3A_68  : i32 {
      %mul3A_671 = arith.constant 2 : i32
      %mul3A_672 = arith.muli %while3A_670, %mul3A_671 : i32
      %add3A_673 = arith.constant 0 : i32
      %add3A_674 = arith.addi %mul3A_672, %add3A_673 : i32
      %lt3A_675 = arith.cmpi slt, %add3A_674, %select_n3A : i32
      %convert_element_type3A_676 = arith.extui %lt3A_675 : i1 to i32
      %cond3A_677 = arith.constant 0 : i32
      %cond3A_678 = arith.cmpi ne, %convert_element_type3A_676, %cond3A_677 : i32
      scf.if %cond3A_678 {
        %dma_wait3A_687 = arith.constant 0 : i32
        %dma_wait3A_688 = tpu.memref_slice %arg6[%dma_wait3A_687] : memref<2000000xi32, #tpu.memory_space<hbm>> -> memref<16000xi32, #tpu.memory_space<hbm>>
        %dma_wait3A_689 = arith.constant 0 : i32
        %dma_wait3A_690 = tpu.memref_slice %arg6[%dma_wait3A_689] : memref<2000000xi32, #tpu.memory_space<hbm>> -> memref<16000xi32, #tpu.memory_space<hbm>>
        tpu.wait_dma2 semaphore(%arg24 : memref<!tpu.dma_semaphore, #tpu.memory_space<semaphore_mem>>) src(%dma_wait3A_690 : memref<16000xi32, #tpu.memory_space<hbm>>) dst(%arg20 : memref<16000xi32, #tpu.memory_space<vmem>>)
        %gt3A_691 = arith.constant 0 : i32
        %gt3A_692 = arith.cmpi sgt, %while3A_670, %gt3A_691 : i32
        %convert_element_type3A_693 = arith.extui %gt3A_692 : i1 to i32
        %cond3A_694 = arith.constant 0 : i32
        %cond3A_695 = arith.cmpi ne, %convert_element_type3A_693, %cond3A_694 : i32
        scf.if %cond3A_695 {
          %dma_wait3A_727 = arith.constant 0 : i32
          %dma_wait3A_728 = arith.constant 0 : i32
          %dma_wait3A_729 = arith.constant 0 : i32
          %dma_wait3A_730 = tpu.memref_slice %arg9[%dma_wait3A_727, %dma_wait3A_728, %dma_wait3A_729] : memref<15625x2x128xf32, #tpu.memory_space<hbm>> -> memref<125x2x128xf32, #tpu.memory_space<hbm>>
          %dma_wait3A_731 = arith.constant 0 : i32
          %dma_wait3A_732 = arith.constant 0 : i32
          %dma_wait3A_733 = arith.constant 0 : i32
          %dma_wait3A_734 = tpu.memref_slice %arg9[%dma_wait3A_731, %dma_wait3A_732, %dma_wait3A_733] : memref<15625x2x128xf32, #tpu.memory_space<hbm>> -> memref<125x2x128xf32, #tpu.memory_space<hbm>>
          tpu.wait_dma2 semaphore(%arg26 : memref<!tpu.dma_semaphore, #tpu.memory_space<semaphore_mem>>) src(%arg22 : memref<125x2x128xf32, #tpu.memory_space<vmem>>) dst(%dma_wait3A_734 : memref<125x2x128xf32, #tpu.memory_space<hbm>>)
        } else {
        }
        %mul3A_696 = arith.constant 32 : i32
        %mul3A_697 = arith.muli %add3A_674, %mul3A_696 : i32
        %add3A_698 = arith.addi %add3A, %mul3A_697 : i32
        %lt3A_699 = arith.constant 125 : i32
        %lt3A_700 = arith.cmpi slt, %add3A_698, %lt3A_699 : i32
        %convert_element_type3A_701 = arith.extui %lt3A_700 : i1 to i32
        %cond3A_702 = arith.constant 0 : i32
        %cond3A_703 = arith.cmpi ne, %convert_element_type3A_701, %cond3A_702 : i32
        scf.if %cond3A_703 {
          %parallel_loop3A = arith.constant 0 : i32
          %parallel_loop3A_727 = arith.constant 125 : i32
          %parallel_loop3A_728 = arith.constant 1 : i32
          scf.for %parallel_loop3A_729 = %parallel_loop3A to %parallel_loop3A_727 step %parallel_loop3A_728  : i32 {
            %parallel_loop3A_730 = arith.constant 128 : i32
            %parallel_loop3A_731 = arith.muli %parallel_loop3A_729, %parallel_loop3A_730 : i32
            %parallel_loop3A_732 = arith.constant 0 : i32
            %parallel_loop3A_733 = arith.addi %parallel_loop3A_731, %parallel_loop3A_732 : i32
            %parallel_loop3A_734 = arith.index_cast %parallel_loop3A_733 : i32 to index
            %parallel_loop3A_735 = tpu.vector_load %arg20[%parallel_loop3A_734] {strides = array<i32>} : memref<16000xi32, #tpu.memory_space<vmem>>, vector<16xi32>,
            %parallel_loop3A_736 = tpu.vector_load_idx %arg12[%parallel_loop3A_735, %broadcast_in_dim3A_1] : memref<1000x2xf32, #tpu.memory_space<vmem>>[vector<16xi32>, vector<16xi32>], vector<16xf32>,
            %parallel_loop3A_737 = tpu.vector_load_idx %arg12[%parallel_loop3A_735, %add3A_4] : memref<1000x2xf32, #tpu.memory_space<vmem>>[vector<16xi32>, vector<16xi32>], vector<16xf32>,
            %parallel_loop3A_738 = arith.constant 0 : i32
            %parallel_loop3A_739 = arith.index_cast %parallel_loop3A_729 : i32 to index
            %parallel_loop3A_740 = arith.index_cast %parallel_loop3A_738 : i32 to index
            %parallel_loop3A_741 = arith.constant 0 : index
            %parallel_loop3A_742 = tpu.vector_load %arg22[%parallel_loop3A_739, %parallel_loop3A_740, %parallel_loop3A_741] {strides = array<i32>} : memref<125x2x128xf32, #tpu.memory_space<vmem>>, vector<16xf32>,
            tpu.vector_store %arg22[%parallel_loop3A_739, %parallel_loop3A_740, %parallel_loop3A_741], %parallel_loop3A_736 {strides = array<i32>} : memref<125x2x128xf32, #tpu.memory_space<vmem>>, vector<16xf32>,
            %parallel_loop3A_743 = arith.constant 1 : i32
            %parallel_loop3A_744 = arith.index_cast %parallel_loop3A_729 : i32 to index
            %parallel_loop3A_745 = arith.index_cast %parallel_loop3A_743 : i32 to index
            %parallel_loop3A_746 = arith.constant 0 : index
            %parallel_loop3A_747 = tpu.vector_load %arg22[%parallel_loop3A_744, %parallel_loop3A_745, %parallel_loop3A_746] {strides = array<i32>} : memref<125x2x128xf32, #tpu.memory_space<vmem>>, vector<16xf32>,
            tpu.vector_store %arg22[%parallel_loop3A_744, %parallel_loop3A_745, %parallel_loop3A_746], %parallel_loop3A_737 {strides = array<i32>} : memref<125x2x128xf32, #tpu.memory_space<vmem>>, vector<16xf32>,
            %parallel_loop3A_748 = arith.constant 128 : i32
            %parallel_loop3A_749 = arith.muli %parallel_loop3A_729, %parallel_loop3A_748 : i32
            %parallel_loop3A_750 = arith.constant 16 : i32
            %parallel_loop3A_751 = arith.addi %parallel_loop3A_749, %parallel_loop3A_750 : i32
            %parallel_loop3A_752 = arith.index_cast %parallel_loop3A_751 : i32 to index
            %parallel_loop3A_753 = tpu.vector_load %arg20[%parallel_loop3A_752] {strides = array<i32>} : memref<16000xi32, #tpu.memory_space<vmem>>, vector<16xi32>,
            %parallel_loop3A_754 = tpu.vector_load_idx %arg12[%parallel_loop3A_753, %broadcast_in_dim3A_1] : memref<1000x2xf32, #tpu.memory_space<vmem>>[vector<16xi32>, vector<16xi32>], vector<16xf32>,
            %parallel_loop3A_755 = tpu.vector_load_idx %arg12[%parallel_loop3A_753, %add3A_4] : memref<1000x2xf32, #tpu.memory_space<vmem>>[vector<16xi32>, vector<16xi32>], vector<16xf32>,
            %parallel_loop3A_756 = arith.constant 0 : i32
            %parallel_loop3A_757 = arith.index_cast %parallel_loop3A_729 : i32 to index
            %parallel_loop3A_758 = arith.index_cast %parallel_loop3A_756 : i32 to index
            %parallel_loop3A_759 = arith.constant 16 : index
            %parallel_loop3A_760 = tpu.vector_load %arg22[%parallel_loop3A_757, %parallel_loop3A_758, %parallel_loop3A_759] {strides = array<i32>} : memref<125x2x128xf32, #tpu.memory_space<vmem>>, vector<16xf32>,
            tpu.vector_store %arg22[%parallel_loop3A_757, %parallel_loop3A_758, %parallel_loop3A_759], %parallel_loop3A_754 {strides = array<i32>} : memref<125x2x128xf32, #tpu.memory_space<vmem>>, vector<16xf32>,
            %parallel_loop3A_761 = arith.constant 1 : i32
            %parallel_loop3A_762 = arith.index_cast %parallel_loop3A_729 : i32 to index
            %parallel_loop3A_763 = arith.index_cast %parallel_loop3A_761 : i32 to index
            %parallel_loop3A_764 = arith.constant 16 : index
            %parallel_loop3A_765 = tpu.vector_load %arg22[%parallel_loop3A_762, %parallel_loop3A_763, %parallel_loop3A_764] {strides = array<i32>} : memref<125x2x128xf32, #tpu.memory_space<vmem>>, vector<16xf32>,
            tpu.vector_store %arg22[%parallel_loop3A_762, %parallel_loop3A_763, %parallel_loop3A_764], %parallel_loop3A_755 {strides = array<i32>} : memref<125x2x128xf32, #tpu.memory_space<vmem>>, vector<16xf32>,
            %parallel_loop3A_766 = arith.constant 128 : i32
            %parallel_loop3A_767 = arith.muli %parallel_loop3A_729, %parallel_loop3A_766 : i32
            %parallel_loop3A_768 = arith.constant 32 : i32
            %parallel_loop3A_769 = arith.addi %parallel_loop3A_767, %parallel_loop3A_768 : i32
            %parallel_loop3A_770 = arith.index_cast %parallel_loop3A_769 : i32 to index
            %parallel_loop3A_771 = tpu.vector_load %arg20[%parallel_loop3A_770] {strides = array<i32>} : memref<16000xi32, #tpu.memory_space<vmem>>, vector<16xi32>,
            %parallel_loop3A_772 = tpu.vector_load_idx %arg12[%parallel_loop3A_771, %broadcast_in_dim3A_1] : memref<1000x2xf32, #tpu.memory_space<vmem>>[vector<16xi32>, vector<16xi32>], vector<16xf32>,
            %parallel_loop3A_773 = tpu.vector_load_idx %arg12[%parallel_loop3A_771, %add3A_4] : memref<1000x2xf32, #tpu.memory_space<vmem>>[vector<16xi32>, vector<16xi32>], vector<16xf32>,
            %parallel_loop3A_774 = arith.constant 0 : i32
            %parallel_loop3A_775 = arith.index_cast %parallel_loop3A_729 : i32 to index
            %parallel_loop3A_776 = arith.index_cast %parallel_loop3A_774 : i32 to index
            %parallel_loop3A_777 = arith.constant 32 : index
            %parallel_loop3A_778 = tpu.vector_load %arg22[%parallel_loop3A_775, %parallel_loop3A_776, %parallel_loop3A_777] {strides = array<i32>} : memref<125x2x128xf32, #tpu.memory_space<vmem>>, vector<16xf32>,
            tpu.vector_store %arg22[%parallel_loop3A_775, %parallel_loop3A_776, %parallel_loop3A_777], %parallel_loop3A_772 {strides = array<i32>} : memref<125x2x128xf32, #tpu.memory_space<vmem>>, vector<16xf32>,
            %parallel_loop3A_779 = arith.constant 1 : i32
            %parallel_loop3A_780 = arith.index_cast %parallel_loop3A_729 : i32 to index
            %parallel_loop3A_781 = arith.index_cast %parallel_loop3A_779 : i32 to index
            %parallel_loop3A_782 = arith.constant 32 : index
            %parallel_loop3A_783 = tpu.vector_load %arg22[%parallel_loop3A_780, %parallel_loop3A_781, %parallel_loop3A_782] {strides = array<i32>} : memref<125x2x128xf32, #tpu.memory_space<vmem>>, vector<16xf32>,
            tpu.vector_store %arg22[%parallel_loop3A_780, %parallel_loop3A_781, %parallel_loop3A_782], %parallel_loop3A_773 {strides = array<i32>} : memref<125x2x128xf32, #tpu.memory_space<vmem>>, vector<16xf32>,
            %parallel_loop3A_784 = arith.constant 128 : i32
            %parallel_loop3A_785 = arith.muli %parallel_loop3A_729, %parallel_loop3A_784 : i32
            %parallel_loop3A_786 = arith.constant 48 : i32
            %parallel_loop3A_787 = arith.addi %parallel_loop3A_785, %parallel_loop3A_786 : i32
            %parallel_loop3A_788 = arith.index_cast %parallel_loop3A_787 : i32 to index
            %parallel_loop3A_789 = tpu.vector_load %arg20[%parallel_loop3A_788] {strides = array<i32>} : memref<16000xi32, #tpu.memory_space<vmem>>, vector<16xi32>,
            %parallel_loop3A_790 = tpu.vector_load_idx %arg12[%parallel_loop3A_789, %broadcast_in_dim3A_1] : memref<1000x2xf32, #tpu.memory_space<vmem>>[vector<16xi32>, vector<16xi32>], vector<16xf32>,
            %parallel_loop3A_791 = tpu.vector_load_idx %arg12[%parallel_loop3A_789, %add3A_4] : memref<1000x2xf32, #tpu.memory_space<vmem>>[vector<16xi32>, vector<16xi32>], vector<16xf32>,
            %parallel_loop3A_792 = arith.constant 0 : i32
            %parallel_loop3A_793 = arith.index_cast %parallel_loop3A_729 : i32 to index
            %parallel_loop3A_794 = arith.index_cast %parallel_loop3A_792 : i32 to index
            %parallel_loop3A_795 = arith.constant 48 : index
            %parallel_loop3A_796 = tpu.vector_load %arg22[%parallel_loop3A_793, %parallel_loop3A_794, %parallel_loop3A_795] {strides = array<i32>} : memref<125x2x128xf32, #tpu.memory_space<vmem>>, vector<16xf32>,
            tpu.vector_store %arg22[%parallel_loop3A_793, %parallel_loop3A_794, %parallel_loop3A_795], %parallel_loop3A_790 {strides = array<i32>} : memref<125x2x128xf32, #tpu.memory_space<vmem>>, vector<16xf32>,
            %parallel_loop3A_797 = arith.constant 1 : i32
            %parallel_loop3A_798 = arith.index_cast %parallel_loop3A_729 : i32 to index
            %parallel_loop3A_799 = arith.index_cast %parallel_loop3A_797 : i32 to index
            %parallel_loop3A_800 = arith.constant 48 : index
            %parallel_loop3A_801 = tpu.vector_load %arg22[%parallel_loop3A_798, %parallel_loop3A_799, %parallel_loop3A_800] {strides = array<i32>} : memref<125x2x128xf32, #tpu.memory_space<vmem>>, vector<16xf32>,
            tpu.vector_store %arg22[%parallel_loop3A_798, %parallel_loop3A_799, %parallel_loop3A_800], %parallel_loop3A_791 {strides = array<i32>} : memref<125x2x128xf32, #tpu.memory_space<vmem>>, vector<16xf32>,
            %parallel_loop3A_802 = arith.constant 128 : i32
            %parallel_loop3A_803 = arith.muli %parallel_loop3A_729, %parallel_loop3A_802 : i32
            %parallel_loop3A_804 = arith.constant 64 : i32
            %parallel_loop3A_805 = arith.addi %parallel_loop3A_803, %parallel_loop3A_804 : i32
            %parallel_loop3A_806 = arith.index_cast %parallel_loop3A_805 : i32 to index
            %parallel_loop3A_807 = tpu.vector_load %arg20[%parallel_loop3A_806] {strides = array<i32>} : memref<16000xi32, #tpu.memory_space<vmem>>, vector<16xi32>,
            %parallel_loop3A_808 = tpu.vector_load_idx %arg12[%parallel_loop3A_807, %broadcast_in_dim3A_1] : memref<1000x2xf32, #tpu.memory_space<vmem>>[vector<16xi32>, vector<16xi32>], vector<16xf32>,
            %parallel_loop3A_809 = tpu.vector_load_idx %arg12[%parallel_loop3A_807, %add3A_4] : memref<1000x2xf32, #tpu.memory_space<vmem>>[vector<16xi32>, vector<16xi32>], vector<16xf32>,
            %parallel_loop3A_810 = arith.constant 0 : i32
            %parallel_loop3A_811 = arith.index_cast %parallel_loop3A_729 : i32 to index
            %parallel_loop3A_812 = arith.index_cast %parallel_loop3A_810 : i32 to index
            %parallel_loop3A_813 = arith.constant 64 : index
            %parallel_loop3A_814 = tpu.vector_load %arg22[%parallel_loop3A_811, %parallel_loop3A_812, %parallel_loop3A_813] {strides = array<i32>} : memref<125x2x128xf32, #tpu.memory_space<vmem>>, vector<16xf32>,
            tpu.vector_store %arg22[%parallel_loop3A_811, %parallel_loop3A_812, %parallel_loop3A_813], %parallel_loop3A_808 {strides = array<i32>} : memref<125x2x128xf32, #tpu.memory_space<vmem>>, vector<16xf32>,
            %parallel_loop3A_815 = arith.constant 1 : i32
            %parallel_loop3A_816 = arith.index_cast %parallel_loop3A_729 : i32 to index
            %parallel_loop3A_817 = arith.index_cast %parallel_loop3A_815 : i32 to index
            %parallel_loop3A_818 = arith.constant 64 : index
            %parallel_loop3A_819 = tpu.vector_load %arg22[%parallel_loop3A_816, %parallel_loop3A_817, %parallel_loop3A_818] {strides = array<i32>} : memref<125x2x128xf32, #tpu.memory_space<vmem>>, vector<16xf32>,
            tpu.vector_store %arg22[%parallel_loop3A_816, %parallel_loop3A_817, %parallel_loop3A_818], %parallel_loop3A_809 {strides = array<i32>} : memref<125x2x128xf32, #tpu.memory_space<vmem>>, vector<16xf32>,
            %parallel_loop3A_820 = arith.constant 128 : i32
            %parallel_loop3A_821 = arith.muli %parallel_loop3A_729, %parallel_loop3A_820 : i32
            %parallel_loop3A_822 = arith.constant 80 : i32
            %parallel_loop3A_823 = arith.addi %parallel_loop3A_821, %parallel_loop3A_822 : i32
            %parallel_loop3A_824 = arith.index_cast %parallel_loop3A_823 : i32 to index
            %parallel_loop3A_825 = tpu.vector_load %arg20[%parallel_loop3A_824] {strides = array<i32>} : memref<16000xi32, #tpu.memory_space<vmem>>, vector<16xi32>,
            %parallel_loop3A_826 = tpu.vector_load_idx %arg12[%parallel_loop3A_825, %broadcast_in_dim3A_1] : memref<1000x2xf32, #tpu.memory_space<vmem>>[vector<16xi32>, vector<16xi32>], vector<16xf32>,
            %parallel_loop3A_827 = tpu.vector_load_idx %arg12[%parallel_loop3A_825, %add3A_4] : memref<1000x2xf32, #tpu.memory_space<vmem>>[vector<16xi32>, vector<16xi32>], vector<16xf32>,
            %parallel_loop3A_828 = arith.constant 0 : i32
            %parallel_loop3A_829 = arith.index_cast %parallel_loop3A_729 : i32 to index
            %parallel_loop3A_830 = arith.index_cast %parallel_loop3A_828 : i32 to index
            %parallel_loop3A_831 = arith.constant 80 : index
            %parallel_loop3A_832 = tpu.vector_load %arg22[%parallel_loop3A_829, %parallel_loop3A_830, %parallel_loop3A_831] {strides = array<i32>} : memref<125x2x128xf32, #tpu.memory_space<vmem>>, vector<16xf32>,
            tpu.vector_store %arg22[%parallel_loop3A_829, %parallel_loop3A_830, %parallel_loop3A_831], %parallel_loop3A_826 {strides = array<i32>} : memref<125x2x128xf32, #tpu.memory_space<vmem>>, vector<16xf32>,
            %parallel_loop3A_833 = arith.constant 1 : i32
            %parallel_loop3A_834 = arith.index_cast %parallel_loop3A_729 : i32 to index
            %parallel_loop3A_835 = arith.index_cast %parallel_loop3A_833 : i32 to index
            %parallel_loop3A_836 = arith.constant 80 : index
            %parallel_loop3A_837 = tpu.vector_load %arg22[%parallel_loop3A_834, %parallel_loop3A_835, %parallel_loop3A_836] {strides = array<i32>} : memref<125x2x128xf32, #tpu.memory_space<vmem>>, vector<16xf32>,
            tpu.vector_store %arg22[%parallel_loop3A_834, %parallel_loop3A_835, %parallel_loop3A_836], %parallel_loop3A_827 {strides = array<i32>} : memref<125x2x128xf32, #tpu.memory_space<vmem>>, vector<16xf32>,
            %parallel_loop3A_838 = arith.constant 128 : i32
            %parallel_loop3A_839 = arith.muli %parallel_loop3A_729, %parallel_loop3A_838 : i32
            %parallel_loop3A_840 = arith.constant 96 : i32
            %parallel_loop3A_841 = arith.addi %parallel_loop3A_839, %parallel_loop3A_840 : i32
            %parallel_loop3A_842 = arith.index_cast %parallel_loop3A_841 : i32 to index
            %parallel_loop3A_843 = tpu.vector_load %arg20[%parallel_loop3A_842] {strides = array<i32>} : memref<16000xi32, #tpu.memory_space<vmem>>, vector<16xi32>,
            %parallel_loop3A_844 = tpu.vector_load_idx %arg12[%parallel_loop3A_843, %broadcast_in_dim3A_1] : memref<1000x2xf32, #tpu.memory_space<vmem>>[vector<16xi32>, vector<16xi32>], vector<16xf32>,
            %parallel_loop3A_845 = tpu.vector_load_idx %arg12[%parallel_loop3A_843, %add3A_4] : memref<1000x2xf32, #tpu.memory_space<vmem>>[vector<16xi32>, vector<16xi32>], vector<16xf32>,
            %parallel_loop3A_846 = arith.constant 0 : i32
            %parallel_loop3A_847 = arith.index_cast %parallel_loop3A_729 : i32 to index
            %parallel_loop3A_848 = arith.index_cast %parallel_loop3A_846 : i32 to index
            %parallel_loop3A_849 = arith.constant 96 : index
            %parallel_loop3A_850 = tpu.vector_load %arg22[%parallel_loop3A_847, %parallel_loop3A_848, %parallel_loop3A_849] {strides = array<i32>} : memref<125x2x128xf32, #tpu.memory_space<vmem>>, vector<16xf32>,
            tpu.vector_store %arg22[%parallel_loop3A_847, %parallel_loop3A_848, %parallel_loop3A_849], %parallel_loop3A_844 {strides = array<i32>} : memref<125x2x128xf32, #tpu.memory_space<vmem>>, vector<16xf32>,
            %parallel_loop3A_851 = arith.constant 1 : i32
            %parallel_loop3A_852 = arith.index_cast %parallel_loop3A_729 : i32 to index
            %parallel_loop3A_853 = arith.index_cast %parallel_loop3A_851 : i32 to index
            %parallel_loop3A_854 = arith.constant 96 : index
            %parallel_loop3A_855 = tpu.vector_load %arg22[%parallel_loop3A_852, %parallel_loop3A_853, %parallel_loop3A_854] {strides = array<i32>} : memref<125x2x128xf32, #tpu.memory_space<vmem>>, vector<16xf32>,
            tpu.vector_store %arg22[%parallel_loop3A_852, %parallel_loop3A_853, %parallel_loop3A_854], %parallel_loop3A_845 {strides = array<i32>} : memref<125x2x128xf32, #tpu.memory_space<vmem>>, vector<16xf32>,
            %parallel_loop3A_856 = arith.constant 128 : i32
            %parallel_loop3A_857 = arith.muli %parallel_loop3A_729, %parallel_loop3A_856 : i32
            %parallel_loop3A_858 = arith.constant 112 : i32
            %parallel_loop3A_859 = arith.addi %parallel_loop3A_857, %parallel_loop3A_858 : i32
            %parallel_loop3A_860 = arith.index_cast %parallel_loop3A_859 : i32 to index
            %parallel_loop3A_861 = tpu.vector_load %arg20[%parallel_loop3A_860] {strides = array<i32>} : memref<16000xi32, #tpu.memory_space<vmem>>, vector<16xi32>,
            %parallel_loop3A_862 = tpu.vector_load_idx %arg12[%parallel_loop3A_861, %broadcast_in_dim3A_1] : memref<1000x2xf32, #tpu.memory_space<vmem>>[vector<16xi32>, vector<16xi32>], vector<16xf32>,
            %parallel_loop3A_863 = tpu.vector_load_idx %arg12[%parallel_loop3A_861, %add3A_4] : memref<1000x2xf32, #tpu.memory_space<vmem>>[vector<16xi32>, vector<16xi32>], vector<16xf32>,
            %parallel_loop3A_864 = arith.constant 0 : i32
            %parallel_loop3A_865 = arith.index_cast %parallel_loop3A_729 : i32 to index
            %parallel_loop3A_866 = arith.index_cast %parallel_loop3A_864 : i32 to index
            %parallel_loop3A_867 = arith.constant 112 : index
            %parallel_loop3A_868 = tpu.vector_load %arg22[%parallel_loop3A_865, %parallel_loop3A_866, %parallel_loop3A_867] {strides = array<i32>} : memref<125x2x128xf32, #tpu.memory_space<vmem>>, vector<16xf32>,
            tpu.vector_store %arg22[%parallel_loop3A_865, %parallel_loop3A_866, %parallel_loop3A_867], %parallel_loop3A_862 {strides = array<i32>} : memref<125x2x128xf32, #tpu.memory_space<vmem>>, vector<16xf32>,
            %parallel_loop3A_869 = arith.constant 1 : i32
            %parallel_loop3A_870 = arith.index_cast %parallel_loop3A_729 : i32 to index
            %parallel_loop3A_871 = arith.index_cast %parallel_loop3A_869 : i32 to index
            %parallel_loop3A_872 = arith.constant 112 : index
            %parallel_loop3A_873 = tpu.vector_load %arg22[%parallel_loop3A_870, %parallel_loop3A_871, %parallel_loop3A_872] {strides = array<i32>} : memref<125x2x128xf32, #tpu.memory_space<vmem>>, vector<16xf32>,
            tpu.vector_store %arg22[%parallel_loop3A_870, %parallel_loop3A_871, %parallel_loop3A_872], %parallel_loop3A_863 {strides = array<i32>} : memref<125x2x128xf32, #tpu.memory_space<vmem>>, vector<16xf32>,
          } {sc.loop_unroll_factor = 1 : i64, sc.parallel_access}
        } else {
        }
        %ge3A = arith.constant 125 : i32
        %ge3A_704 = arith.cmpi sge, %add3A_698, %ge3A : i32
        %convert_element_type3A_705 = arith.extui %ge3A_704 : i1 to i32
        %cond3A_706 = arith.constant 0 : i32
        %cond3A_707 = arith.cmpi ne, %convert_element_type3A_705, %cond3A_706 : i32
        scf.if %cond3A_707 {
          %parallel_loop3A = arith.constant 0 : i32
          %parallel_loop3A_727 = arith.constant 125 : i32
          %parallel_loop3A_728 = arith.constant 1 : i32
          scf.for %parallel_loop3A_729 = %parallel_loop3A to %parallel_loop3A_727 step %parallel_loop3A_728  : i32 {
            %parallel_loop3A_730 = arith.constant 128 : i32
            %parallel_loop3A_731 = arith.muli %parallel_loop3A_729, %parallel_loop3A_730 : i32
            %parallel_loop3A_732 = arith.constant 0 : i32
            %parallel_loop3A_733 = arith.addi %parallel_loop3A_731, %parallel_loop3A_732 : i32
            %parallel_loop3A_734 = arith.index_cast %parallel_loop3A_733 : i32 to index
            %parallel_loop3A_735 = tpu.vector_load %arg20[%parallel_loop3A_734] {strides = array<i32>} : memref<16000xi32, #tpu.memory_space<vmem>>, vector<16xi32>,
            %parallel_loop3A_736 = tpu.vector_load_idx %arg13[%parallel_loop3A_735, %broadcast_in_dim3A_1] : memref<2000x2xf32, #tpu.memory_space<vmem>>[vector<16xi32>, vector<16xi32>], vector<16xf32>,
            %parallel_loop3A_737 = tpu.vector_load_idx %arg13[%parallel_loop3A_735, %add3A_4] : memref<2000x2xf32, #tpu.memory_space<vmem>>[vector<16xi32>, vector<16xi32>], vector<16xf32>,
            %parallel_loop3A_738 = arith.constant 0 : i32
            %parallel_loop3A_739 = arith.index_cast %parallel_loop3A_729 : i32 to index
            %parallel_loop3A_740 = arith.index_cast %parallel_loop3A_738 : i32 to index
            %parallel_loop3A_741 = arith.constant 0 : index
            %parallel_loop3A_742 = tpu.vector_load %arg22[%parallel_loop3A_739, %parallel_loop3A_740, %parallel_loop3A_741] {strides = array<i32>} : memref<125x2x128xf32, #tpu.memory_space<vmem>>, vector<16xf32>,
            tpu.vector_store %arg22[%parallel_loop3A_739, %parallel_loop3A_740, %parallel_loop3A_741], %parallel_loop3A_736 {strides = array<i32>} : memref<125x2x128xf32, #tpu.memory_space<vmem>>, vector<16xf32>,
            %parallel_loop3A_743 = arith.constant 1 : i32
            %parallel_loop3A_744 = arith.index_cast %parallel_loop3A_729 : i32 to index
            %parallel_loop3A_745 = arith.index_cast %parallel_loop3A_743 : i32 to index
            %parallel_loop3A_746 = arith.constant 0 : index
            %parallel_loop3A_747 = tpu.vector_load %arg22[%parallel_loop3A_744, %parallel_loop3A_745, %parallel_loop3A_746] {strides = array<i32>} : memref<125x2x128xf32, #tpu.memory_space<vmem>>, vector<16xf32>,
            tpu.vector_store %arg22[%parallel_loop3A_744, %parallel_loop3A_745, %parallel_loop3A_746], %parallel_loop3A_737 {strides = array<i32>} : memref<125x2x128xf32, #tpu.memory_space<vmem>>, vector<16xf32>,
            %parallel_loop3A_748 = arith.constant 128 : i32
            %parallel_loop3A_749 = arith.muli %parallel_loop3A_729, %parallel_loop3A_748 : i32
            %parallel_loop3A_750 = arith.constant 16 : i32
            %parallel_loop3A_751 = arith.addi %parallel_loop3A_749, %parallel_loop3A_750 : i32
            %parallel_loop3A_752 = arith.index_cast %parallel_loop3A_751 : i32 to index
            %parallel_loop3A_753 = tpu.vector_load %arg20[%parallel_loop3A_752] {strides = array<i32>} : memref<16000xi32, #tpu.memory_space<vmem>>, vector<16xi32>,
            %parallel_loop3A_754 = tpu.vector_load_idx %arg13[%parallel_loop3A_753, %broadcast_in_dim3A_1] : memref<2000x2xf32, #tpu.memory_space<vmem>>[vector<16xi32>, vector<16xi32>], vector<16xf32>,
            %parallel_loop3A_755 = tpu.vector_load_idx %arg13[%parallel_loop3A_753, %add3A_4] : memref<2000x2xf32, #tpu.memory_space<vmem>>[vector<16xi32>, vector<16xi32>], vector<16xf32>,
            %parallel_loop3A_756 = arith.constant 0 : i32
            %parallel_loop3A_757 = arith.index_cast %parallel_loop3A_729 : i32 to index
            %parallel_loop3A_758 = arith.index_cast %parallel_loop3A_756 : i32 to index
            %parallel_loop3A_759 = arith.constant 16 : index
            %parallel_loop3A_760 = tpu.vector_load %arg22[%parallel_loop3A_757, %parallel_loop3A_758, %parallel_loop3A_759] {strides = array<i32>} : memref<125x2x128xf32, #tpu.memory_space<vmem>>, vector<16xf32>,
            tpu.vector_store %arg22[%parallel_loop3A_757, %parallel_loop3A_758, %parallel_loop3A_759], %parallel_loop3A_754 {strides = array<i32>} : memref<125x2x128xf32, #tpu.memory_space<vmem>>, vector<16xf32>,
            %parallel_loop3A_761 = arith.constant 1 : i32
            %parallel_loop3A_762 = arith.index_cast %parallel_loop3A_729 : i32 to index
            %parallel_loop3A_763 = arith.index_cast %parallel_loop3A_761 : i32 to index
            %parallel_loop3A_764 = arith.constant 16 : index
            %parallel_loop3A_765 = tpu.vector_load %arg22[%parallel_loop3A_762, %parallel_loop3A_763, %parallel_loop3A_764] {strides = array<i32>} : memref<125x2x128xf32, #tpu.memory_space<vmem>>, vector<16xf32>,
            tpu.vector_store %arg22[%parallel_loop3A_762, %parallel_loop3A_763, %parallel_loop3A_764], %parallel_loop3A_755 {strides = array<i32>} : memref<125x2x128xf32, #tpu.memory_space<vmem>>, vector<16xf32>,
            %parallel_loop3A_766 = arith.constant 128 : i32
            %parallel_loop3A_767 = arith.muli %parallel_loop3A_729, %parallel_loop3A_766 : i32
            %parallel_loop3A_768 = arith.constant 32 : i32
            %parallel_loop3A_769 = arith.addi %parallel_loop3A_767, %parallel_loop3A_768 : i32
            %parallel_loop3A_770 = arith.index_cast %parallel_loop3A_769 : i32 to index
            %parallel_loop3A_771 = tpu.vector_load %arg20[%parallel_loop3A_770] {strides = array<i32>} : memref<16000xi32, #tpu.memory_space<vmem>>, vector<16xi32>,
            %parallel_loop3A_772 = tpu.vector_load_idx %arg13[%parallel_loop3A_771, %broadcast_in_dim3A_1] : memref<2000x2xf32, #tpu.memory_space<vmem>>[vector<16xi32>, vector<16xi32>], vector<16xf32>,
            %parallel_loop3A_773 = tpu.vector_load_idx %arg13[%parallel_loop3A_771, %add3A_4] : memref<2000x2xf32, #tpu.memory_space<vmem>>[vector<16xi32>, vector<16xi32>], vector<16xf32>,
            %parallel_loop3A_774 = arith.constant 0 : i32
            %parallel_loop3A_775 = arith.index_cast %parallel_loop3A_729 : i32 to index
            %parallel_loop3A_776 = arith.index_cast %parallel_loop3A_774 : i32 to index
            %parallel_loop3A_777 = arith.constant 32 : index
            %parallel_loop3A_778 = tpu.vector_load %arg22[%parallel_loop3A_775, %parallel_loop3A_776, %parallel_loop3A_777] {strides = array<i32>} : memref<125x2x128xf32, #tpu.memory_space<vmem>>, vector<16xf32>,
            tpu.vector_store %arg22[%parallel_loop3A_775, %parallel_loop3A_776, %parallel_loop3A_777], %parallel_loop3A_772 {strides = array<i32>} : memref<125x2x128xf32, #tpu.memory_space<vmem>>, vector<16xf32>,
            %parallel_loop3A_779 = arith.constant 1 : i32
            %parallel_loop3A_780 = arith.index_cast %parallel_loop3A_729 : i32 to index
            %parallel_loop3A_781 = arith.index_cast %parallel_loop3A_779 : i32 to index
            %parallel_loop3A_782 = arith.constant 32 : index
            %parallel_loop3A_783 = tpu.vector_load %arg22[%parallel_loop3A_780, %parallel_loop3A_781, %parallel_loop3A_782] {strides = array<i32>} : memref<125x2x128xf32, #tpu.memory_space<vmem>>, vector<16xf32>,
            tpu.vector_store %arg22[%parallel_loop3A_780, %parallel_loop3A_781, %parallel_loop3A_782], %parallel_loop3A_773 {strides = array<i32>} : memref<125x2x128xf32, #tpu.memory_space<vmem>>, vector<16xf32>,
            %parallel_loop3A_784 = arith.constant 128 : i32
            %parallel_loop3A_785 = arith.muli %parallel_loop3A_729, %parallel_loop3A_784 : i32
            %parallel_loop3A_786 = arith.constant 48 : i32
            %parallel_loop3A_787 = arith.addi %parallel_loop3A_785, %parallel_loop3A_786 : i32
            %parallel_loop3A_788 = arith.index_cast %parallel_loop3A_787 : i32 to index
            %parallel_loop3A_789 = tpu.vector_load %arg20[%parallel_loop3A_788] {strides = array<i32>} : memref<16000xi32, #tpu.memory_space<vmem>>, vector<16xi32>,
            %parallel_loop3A_790 = tpu.vector_load_idx %arg13[%parallel_loop3A_789, %broadcast_in_dim3A_1] : memref<2000x2xf32, #tpu.memory_space<vmem>>[vector<16xi32>, vector<16xi32>], vector<16xf32>,
            %parallel_loop3A_791 = tpu.vector_load_idx %arg13[%parallel_loop3A_789, %add3A_4] : memref<2000x2xf32, #tpu.memory_space<vmem>>[vector<16xi32>, vector<16xi32>], vector<16xf32>,
            %parallel_loop3A_792 = arith.constant 0 : i32
            %parallel_loop3A_793 = arith.index_cast %parallel_loop3A_729 : i32 to index
            %parallel_loop3A_794 = arith.index_cast %parallel_loop3A_792 : i32 to index
            %parallel_loop3A_795 = arith.constant 48 : index
            %parallel_loop3A_796 = tpu.vector_load %arg22[%parallel_loop3A_793, %parallel_loop3A_794, %parallel_loop3A_795] {strides = array<i32>} : memref<125x2x128xf32, #tpu.memory_space<vmem>>, vector<16xf32>,
            tpu.vector_store %arg22[%parallel_loop3A_793, %parallel_loop3A_794, %parallel_loop3A_795], %parallel_loop3A_790 {strides = array<i32>} : memref<125x2x128xf32, #tpu.memory_space<vmem>>, vector<16xf32>,
            %parallel_loop3A_797 = arith.constant 1 : i32
            %parallel_loop3A_798 = arith.index_cast %parallel_loop3A_729 : i32 to index
            %parallel_loop3A_799 = arith.index_cast %parallel_loop3A_797 : i32 to index
            %parallel_loop3A_800 = arith.constant 48 : index
            %parallel_loop3A_801 = tpu.vector_load %arg22[%parallel_loop3A_798, %parallel_loop3A_799, %parallel_loop3A_800] {strides = array<i32>} : memref<125x2x128xf32, #tpu.memory_space<vmem>>, vector<16xf32>,
            tpu.vector_store %arg22[%parallel_loop3A_798, %parallel_loop3A_799, %parallel_loop3A_800], %parallel_loop3A_791 {strides = array<i32>} : memref<125x2x128xf32, #tpu.memory_space<vmem>>, vector<16xf32>,
            %parallel_loop3A_802 = arith.constant 128 : i32
            %parallel_loop3A_803 = arith.muli %parallel_loop3A_729, %parallel_loop3A_802 : i32
            %parallel_loop3A_804 = arith.constant 64 : i32
            %parallel_loop3A_805 = arith.addi %parallel_loop3A_803, %parallel_loop3A_804 : i32
            %parallel_loop3A_806 = arith.index_cast %parallel_loop3A_805 : i32 to index
            %parallel_loop3A_807 = tpu.vector_load %arg20[%parallel_loop3A_806] {strides = array<i32>} : memref<16000xi32, #tpu.memory_space<vmem>>, vector<16xi32>,
            %parallel_loop3A_808 = tpu.vector_load_idx %arg13[%parallel_loop3A_807, %broadcast_in_dim3A_1] : memref<2000x2xf32, #tpu.memory_space<vmem>>[vector<16xi32>, vector<16xi32>], vector<16xf32>,
            %parallel_loop3A_809 = tpu.vector_load_idx %arg13[%parallel_loop3A_807, %add3A_4] : memref<2000x2xf32, #tpu.memory_space<vmem>>[vector<16xi32>, vector<16xi32>], vector<16xf32>,
            %parallel_loop3A_810 = arith.constant 0 : i32
            %parallel_loop3A_811 = arith.index_cast %parallel_loop3A_729 : i32 to index
            %parallel_loop3A_812 = arith.index_cast %parallel_loop3A_810 : i32 to index
            %parallel_loop3A_813 = arith.constant 64 : index
            %parallel_loop3A_814 = tpu.vector_load %arg22[%parallel_loop3A_811, %parallel_loop3A_812, %parallel_loop3A_813] {strides = array<i32>} : memref<125x2x128xf32, #tpu.memory_space<vmem>>, vector<16xf32>,
            tpu.vector_store %arg22[%parallel_loop3A_811, %parallel_loop3A_812, %parallel_loop3A_813], %parallel_loop3A_808 {strides = array<i32>} : memref<125x2x128xf32, #tpu.memory_space<vmem>>, vector<16xf32>,
            %parallel_loop3A_815 = arith.constant 1 : i32
            %parallel_loop3A_816 = arith.index_cast %parallel_loop3A_729 : i32 to index
            %parallel_loop3A_817 = arith.index_cast %parallel_loop3A_815 : i32 to index
            %parallel_loop3A_818 = arith.constant 64 : index
            %parallel_loop3A_819 = tpu.vector_load %arg22[%parallel_loop3A_816, %parallel_loop3A_817, %parallel_loop3A_818] {strides = array<i32>} : memref<125x2x128xf32, #tpu.memory_space<vmem>>, vector<16xf32>,
            tpu.vector_store %arg22[%parallel_loop3A_816, %parallel_loop3A_817, %parallel_loop3A_818], %parallel_loop3A_809 {strides = array<i32>} : memref<125x2x128xf32, #tpu.memory_space<vmem>>, vector<16xf32>,
            %parallel_loop3A_820 = arith.constant 128 : i32
            %parallel_loop3A_821 = arith.muli %parallel_loop3A_729, %parallel_loop3A_820 : i32
            %parallel_loop3A_822 = arith.constant 80 : i32
            %parallel_loop3A_823 = arith.addi %parallel_loop3A_821, %parallel_loop3A_822 : i32
            %parallel_loop3A_824 = arith.index_cast %parallel_loop3A_823 : i32 to index
            %parallel_loop3A_825 = tpu.vector_load %arg20[%parallel_loop3A_824] {strides = array<i32>} : memref<16000xi32, #tpu.memory_space<vmem>>, vector<16xi32>,
            %parallel_loop3A_826 = tpu.vector_load_idx %arg13[%parallel_loop3A_825, %broadcast_in_dim3A_1] : memref<2000x2xf32, #tpu.memory_space<vmem>>[vector<16xi32>, vector<16xi32>], vector<16xf32>,
            %parallel_loop3A_827 = tpu.vector_load_idx %arg13[%parallel_loop3A_825, %add3A_4] : memref<2000x2xf32, #tpu.memory_space<vmem>>[vector<16xi32>, vector<16xi32>], vector<16xf32>,
            %parallel_loop3A_828 = arith.constant 0 : i32
            %parallel_loop3A_829 = arith.index_cast %parallel_loop3A_729 : i32 to index
            %parallel_loop3A_830 = arith.index_cast %parallel_loop3A_828 : i32 to index
            %parallel_loop3A_831 = arith.constant 80 : index
            %parallel_loop3A_832 = tpu.vector_load %arg22[%parallel_loop3A_829, %parallel_loop3A_830, %parallel_loop3A_831] {strides = array<i32>} : memref<125x2x128xf32, #tpu.memory_space<vmem>>, vector<16xf32>,
            tpu.vector_store %arg22[%parallel_loop3A_829, %parallel_loop3A_830, %parallel_loop3A_831], %parallel_loop3A_826 {strides = array<i32>} : memref<125x2x128xf32, #tpu.memory_space<vmem>>, vector<16xf32>,
            %parallel_loop3A_833 = arith.constant 1 : i32
            %parallel_loop3A_834 = arith.index_cast %parallel_loop3A_729 : i32 to index
            %parallel_loop3A_835 = arith.index_cast %parallel_loop3A_833 : i32 to index
            %parallel_loop3A_836 = arith.constant 80 : index
            %parallel_loop3A_837 = tpu.vector_load %arg22[%parallel_loop3A_834, %parallel_loop3A_835, %parallel_loop3A_836] {strides = array<i32>} : memref<125x2x128xf32, #tpu.memory_space<vmem>>, vector<16xf32>,
            tpu.vector_store %arg22[%parallel_loop3A_834, %parallel_loop3A_835, %parallel_loop3A_836], %parallel_loop3A_827 {strides = array<i32>} : memref<125x2x128xf32, #tpu.memory_space<vmem>>, vector<16xf32>,
            %parallel_loop3A_838 = arith.constant 128 : i32
            %parallel_loop3A_839 = arith.muli %parallel_loop3A_729, %parallel_loop3A_838 : i32
            %parallel_loop3A_840 = arith.constant 96 : i32
            %parallel_loop3A_841 = arith.addi %parallel_loop3A_839, %parallel_loop3A_840 : i32
            %parallel_loop3A_842 = arith.index_cast %parallel_loop3A_841 : i32 to index
            %parallel_loop3A_843 = tpu.vector_load %arg20[%parallel_loop3A_842] {strides = array<i32>} : memref<16000xi32, #tpu.memory_space<vmem>>, vector<16xi32>,
            %parallel_loop3A_844 = tpu.vector_load_idx %arg13[%parallel_loop3A_843, %broadcast_in_dim3A_1] : memref<2000x2xf32, #tpu.memory_space<vmem>>[vector<16xi32>, vector<16xi32>], vector<16xf32>,
            %parallel_loop3A_845 = tpu.vector_load_idx %arg13[%parallel_loop3A_843, %add3A_4] : memref<2000x2xf32, #tpu.memory_space<vmem>>[vector<16xi32>, vector<16xi32>], vector<16xf32>,
            %parallel_loop3A_846 = arith.constant 0 : i32
            %parallel_loop3A_847 = arith.index_cast %parallel_loop3A_729 : i32 to index
            %parallel_loop3A_848 = arith.index_cast %parallel_loop3A_846 : i32 to index
            %parallel_loop3A_849 = arith.constant 96 : index
            %parallel_loop3A_850 = tpu.vector_load %arg22[%parallel_loop3A_847, %parallel_loop3A_848, %parallel_loop3A_849] {strides = array<i32>} : memref<125x2x128xf32, #tpu.memory_space<vmem>>, vector<16xf32>,
            tpu.vector_store %arg22[%parallel_loop3A_847, %parallel_loop3A_848, %parallel_loop3A_849], %parallel_loop3A_844 {strides = array<i32>} : memref<125x2x128xf32, #tpu.memory_space<vmem>>, vector<16xf32>,
            %parallel_loop3A_851 = arith.constant 1 : i32
            %parallel_loop3A_852 = arith.index_cast %parallel_loop3A_729 : i32 to index
            %parallel_loop3A_853 = arith.index_cast %parallel_loop3A_851 : i32 to index
            %parallel_loop3A_854 = arith.constant 96 : index
            %parallel_loop3A_855 = tpu.vector_load %arg22[%parallel_loop3A_852, %parallel_loop3A_853, %parallel_loop3A_854] {strides = array<i32>} : memref<125x2x128xf32, #tpu.memory_space<vmem>>, vector<16xf32>,
            tpu.vector_store %arg22[%parallel_loop3A_852, %parallel_loop3A_853, %parallel_loop3A_854], %parallel_loop3A_845 {strides = array<i32>} : memref<125x2x128xf32, #tpu.memory_space<vmem>>, vector<16xf32>,
            %parallel_loop3A_856 = arith.constant 128 : i32
            %parallel_loop3A_857 = arith.muli %parallel_loop3A_729, %parallel_loop3A_856 : i32
            %parallel_loop3A_858 = arith.constant 112 : i32
            %parallel_loop3A_859 = arith.addi %parallel_loop3A_857, %parallel_loop3A_858 : i32
            %parallel_loop3A_860 = arith.index_cast %parallel_loop3A_859 : i32 to index
            %parallel_loop3A_861 = tpu.vector_load %arg20[%parallel_loop3A_860] {strides = array<i32>} : memref<16000xi32, #tpu.memory_space<vmem>>, vector<16xi32>,
            %parallel_loop3A_862 = tpu.vector_load_idx %arg13[%parallel_loop3A_861, %broadcast_in_dim3A_1] : memref<2000x2xf32, #tpu.memory_space<vmem>>[vector<16xi32>, vector<16xi32>], vector<16xf32>,
            %parallel_loop3A_863 = tpu.vector_load_idx %arg13[%parallel_loop3A_861, %add3A_4] : memref<2000x2xf32, #tpu.memory_space<vmem>>[vector<16xi32>, vector<16xi32>], vector<16xf32>,
            %parallel_loop3A_864 = arith.constant 0 : i32
            %parallel_loop3A_865 = arith.index_cast %parallel_loop3A_729 : i32 to index
            %parallel_loop3A_866 = arith.index_cast %parallel_loop3A_864 : i32 to index
            %parallel_loop3A_867 = arith.constant 112 : index
            %parallel_loop3A_868 = tpu.vector_load %arg22[%parallel_loop3A_865, %parallel_loop3A_866, %parallel_loop3A_867] {strides = array<i32>} : memref<125x2x128xf32, #tpu.memory_space<vmem>>, vector<16xf32>,
            tpu.vector_store %arg22[%parallel_loop3A_865, %parallel_loop3A_866, %parallel_loop3A_867], %parallel_loop3A_862 {strides = array<i32>} : memref<125x2x128xf32, #tpu.memory_space<vmem>>, vector<16xf32>,
            %parallel_loop3A_869 = arith.constant 1 : i32
            %parallel_loop3A_870 = arith.index_cast %parallel_loop3A_729 : i32 to index
            %parallel_loop3A_871 = arith.index_cast %parallel_loop3A_869 : i32 to index
            %parallel_loop3A_872 = arith.constant 112 : index
            %parallel_loop3A_873 = tpu.vector_load %arg22[%parallel_loop3A_870, %parallel_loop3A_871, %parallel_loop3A_872] {strides = array<i32>} : memref<125x2x128xf32, #tpu.memory_space<vmem>>, vector<16xf32>,
            tpu.vector_store %arg22[%parallel_loop3A_870, %parallel_loop3A_871, %parallel_loop3A_872], %parallel_loop3A_863 {strides = array<i32>} : memref<125x2x128xf32, #tpu.memory_space<vmem>>, vector<16xf32>,
          } {sc.loop_unroll_factor = 1 : i64, sc.parallel_access}
        } else {
        }
        %mul3A_708 = arith.constant 32 : i32
        %mul3A_709 = arith.muli %add3A_674, %mul3A_708 : i32
        %add3A_710 = arith.addi %add3A, %mul3A_709 : i32
        %lt3A_711 = arith.constant 125 : i32
        %lt3A_712 = arith.cmpi slt, %add3A_710, %lt3A_711 : i32
        %convert_element_type3A_713 = arith.extui %lt3A_712 : i1 to i32
        %cond3A_714 = arith.constant 0 : i32
        %cond3A_715 = arith.cmpi ne, %convert_element_type3A_713, %cond3A_714 : i32
        scf.if %cond3A_715 {
          %mul3A_727 = arith.constant 125 : i32
          %mul3A_728 = arith.muli %add3A_710, %mul3A_727 : i32
          %dma_start3A_729 = arith.constant 0 : i32
          %dma_start3A_730 = arith.constant 0 : i32
          %dma_start3A_731 = tpu.memref_slice %arg9[%mul3A_728, %dma_start3A_729, %dma_start3A_730] : memref<15625x2x128xf32, #tpu.memory_space<hbm>> -> memref<125x2x128xf32, #tpu.memory_space<hbm>>
          %dma_start3A_732 = arith.constant 0 : i32
          %dma_start3A_733 = arith.constant 0 : i32
          %dma_start3A_734 = tpu.memref_slice %arg9[%mul3A_728, %dma_start3A_732, %dma_start3A_733] : memref<15625x2x128xf32, #tpu.memory_space<hbm>> -> memref<125x2x128xf32, #tpu.memory_space<hbm>>
          tpu.enqueue_dma source(%arg22 : memref<125x2x128xf32, #tpu.memory_space<vmem>>) target(%dma_start3A_734 : memref<125x2x128xf32, #tpu.memory_space<hbm>>) target_semaphore(%arg26 : memref<!tpu.dma_semaphore, #tpu.memory_space<semaphore_mem>>)
        } else {
        }
        %ge3A_716 = arith.constant 125 : i32
        %ge3A_717 = arith.cmpi sge, %add3A_710, %ge3A_716 : i32
        %convert_element_type3A_718 = arith.extui %ge3A_717 : i1 to i32
        %cond3A_719 = arith.constant 0 : i32
        %cond3A_720 = arith.cmpi ne, %convert_element_type3A_718, %cond3A_719 : i32
        scf.if %cond3A_720 {
          %sub3A_727 = arith.constant 125 : i32
          %sub3A_728 = arith.subi %add3A_710, %sub3A_727 : i32
          %mul3A_729 = arith.constant 125 : i32
          %mul3A_730 = arith.muli %sub3A_728, %mul3A_729 : i32
          %dma_start3A_731 = arith.constant 0 : i32
          %dma_start3A_732 = arith.constant 0 : i32
          %dma_start3A_733 = tpu.memref_slice %arg10[%mul3A_730, %dma_start3A_731, %dma_start3A_732] : memref<31250x2x128xf32, #tpu.memory_space<hbm>> -> memref<125x2x128xf32, #tpu.memory_space<hbm>>
          %dma_start3A_734 = arith.constant 0 : i32
          %dma_start3A_735 = arith.constant 0 : i32
          %dma_start3A_736 = tpu.memref_slice %arg10[%mul3A_730, %dma_start3A_734, %dma_start3A_735] : memref<31250x2x128xf32, #tpu.memory_space<hbm>> -> memref<125x2x128xf32, #tpu.memory_space<hbm>>
          tpu.enqueue_dma source(%arg22 : memref<125x2x128xf32, #tpu.memory_space<vmem>>) target(%dma_start3A_736 : memref<125x2x128xf32, #tpu.memory_space<hbm>>) target_semaphore(%arg26 : memref<!tpu.dma_semaphore, #tpu.memory_space<semaphore_mem>>)
        } else {
        }
        %add3A_721 = arith.constant 2 : i32
        %add3A_722 = arith.addi %add3A_674, %add3A_721 : i32
        %lt3A_723 = arith.cmpi slt, %add3A_722, %select_n3A : i32
        %convert_element_type3A_724 = arith.extui %lt3A_723 : i1 to i32
        %cond3A_725 = arith.constant 0 : i32
        %cond3A_726 = arith.cmpi ne, %convert_element_type3A_724, %cond3A_725 : i32
        scf.if %cond3A_726 {
          %add3A_727 = arith.constant 2 : i32
          %add3A_728 = arith.addi %add3A_674, %add3A_727 : i32
          %mul3A_729 = arith.constant 32 : i32
          %mul3A_730 = arith.muli %add3A_728, %mul3A_729 : i32
          %add3A_731 = arith.addi %add3A, %mul3A_730 : i32
          %lt3A_732 = arith.constant 125 : i32
          %lt3A_733 = arith.cmpi slt, %add3A_731, %lt3A_732 : i32
          %convert_element_type3A_734 = arith.extui %lt3A_733 : i1 to i32
          %cond3A_735 = arith.constant 0 : i32
          %cond3A_736 = arith.cmpi ne, %convert_element_type3A_734, %cond3A_735 : i32
          scf.if %cond3A_736 {
            %mul3A_742 = arith.constant 16000 : i32
            %mul3A_743 = arith.muli %add3A_731, %mul3A_742 : i32
            %dma_start3A_744 = tpu.memref_slice %arg6[%mul3A_743] : memref<2000000xi32, #tpu.memory_space<hbm>> -> memref<16000xi32, #tpu.memory_space<hbm>>
            %dma_start3A_745 = tpu.memref_slice %arg6[%mul3A_743] : memref<2000000xi32, #tpu.memory_space<hbm>> -> memref<16000xi32, #tpu.memory_space<hbm>>
            tpu.enqueue_dma source(%dma_start3A_745 : memref<16000xi32, #tpu.memory_space<hbm>>) target(%arg20 : memref<16000xi32, #tpu.memory_space<vmem>>) target_semaphore(%arg24 : memref<!tpu.dma_semaphore, #tpu.memory_space<semaphore_mem>>)
          } else {
          }
          %ge3A_737 = arith.constant 125 : i32
          %ge3A_738 = arith.cmpi sge, %add3A_731, %ge3A_737 : i32
          %convert_element_type3A_739 = arith.extui %ge3A_738 : i1 to i32
          %cond3A_740 = arith.constant 0 : i32
          %cond3A_741 = arith.cmpi ne, %convert_element_type3A_739, %cond3A_740 : i32
          scf.if %cond3A_741 {
            %sub3A_742 = arith.constant 125 : i32
            %sub3A_743 = arith.subi %add3A_731, %sub3A_742 : i32
            %mul3A_744 = arith.constant 16000 : i32
            %mul3A_745 = arith.muli %sub3A_743, %mul3A_744 : i32
            %dma_start3A_746 = tpu.memref_slice %arg7[%mul3A_745] : memref<4000000xi32, #tpu.memory_space<hbm>> -> memref<16000xi32, #tpu.memory_space<hbm>>
            %dma_start3A_747 = tpu.memref_slice %arg7[%mul3A_745] : memref<4000000xi32, #tpu.memory_space<hbm>> -> memref<16000xi32, #tpu.memory_space<hbm>>
            tpu.enqueue_dma source(%dma_start3A_747 : memref<16000xi32, #tpu.memory_space<hbm>>) target(%arg20 : memref<16000xi32, #tpu.memory_space<vmem>>) target_semaphore(%arg24 : memref<!tpu.dma_semaphore, #tpu.memory_space<semaphore_mem>>)
          } else {
          }
        } else {
        }
      } else {
      }
      %mul3A_679 = arith.constant 2 : i32
      %mul3A_680 = arith.muli %while3A_670, %mul3A_679 : i32
      %add3A_681 = arith.constant 1 : i32
      %add3A_682 = arith.addi %mul3A_680, %add3A_681 : i32
      %lt3A_683 = arith.cmpi slt, %add3A_682, %select_n3A : i32
      %convert_element_type3A_684 = arith.extui %lt3A_683 : i1 to i32
      %cond3A_685 = arith.constant 0 : i32
      %cond3A_686 = arith.cmpi ne, %convert_element_type3A_684, %cond3A_685 : i32
      scf.if %cond3A_686 {
        %dma_wait3A_687 = arith.constant 0 : i32
        %dma_wait3A_688 = tpu.memref_slice %arg6[%dma_wait3A_687] : memref<2000000xi32, #tpu.memory_space<hbm>> -> memref<16000xi32, #tpu.memory_space<hbm>>
        %dma_wait3A_689 = arith.constant 0 : i32
        %dma_wait3A_690 = tpu.memref_slice %arg6[%dma_wait3A_689] : memref<2000000xi32, #tpu.memory_space<hbm>> -> memref<16000xi32, #tpu.memory_space<hbm>>
        tpu.wait_dma2 semaphore(%arg25 : memref<!tpu.dma_semaphore, #tpu.memory_space<semaphore_mem>>) src(%dma_wait3A_690 : memref<16000xi32, #tpu.memory_space<hbm>>) dst(%arg21 : memref<16000xi32, #tpu.memory_space<vmem>>)
        %gt3A_691 = arith.constant 0 : i32
        %gt3A_692 = arith.cmpi sgt, %while3A_670, %gt3A_691 : i32
        %convert_element_type3A_693 = arith.extui %gt3A_692 : i1 to i32
        %cond3A_694 = arith.constant 0 : i32
        %cond3A_695 = arith.cmpi ne, %convert_element_type3A_693, %cond3A_694 : i32
        scf.if %cond3A_695 {
          %dma_wait3A_727 = arith.constant 0 : i32
          %dma_wait3A_728 = arith.constant 0 : i32
          %dma_wait3A_729 = arith.constant 0 : i32
          %dma_wait3A_730 = tpu.memref_slice %arg9[%dma_wait3A_727, %dma_wait3A_728, %dma_wait3A_729] : memref<15625x2x128xf32, #tpu.memory_space<hbm>> -> memref<125x2x128xf32, #tpu.memory_space<hbm>>
          %dma_wait3A_731 = arith.constant 0 : i32
          %dma_wait3A_732 = arith.constant 0 : i32
          %dma_wait3A_733 = arith.constant 0 : i32
          %dma_wait3A_734 = tpu.memref_slice %arg9[%dma_wait3A_731, %dma_wait3A_732, %dma_wait3A_733] : memref<15625x2x128xf32, #tpu.memory_space<hbm>> -> memref<125x2x128xf32, #tpu.memory_space<hbm>>
          tpu.wait_dma2 semaphore(%arg27 : memref<!tpu.dma_semaphore, #tpu.memory_space<semaphore_mem>>) src(%arg23 : memref<125x2x128xf32, #tpu.memory_space<vmem>>) dst(%dma_wait3A_734 : memref<125x2x128xf32, #tpu.memory_space<hbm>>)
        } else {
        }
        %mul3A_696 = arith.constant 32 : i32
        %mul3A_697 = arith.muli %add3A_682, %mul3A_696 : i32
        %add3A_698 = arith.addi %add3A, %mul3A_697 : i32
        %lt3A_699 = arith.constant 125 : i32
        %lt3A_700 = arith.cmpi slt, %add3A_698, %lt3A_699 : i32
        %convert_element_type3A_701 = arith.extui %lt3A_700 : i1 to i32
        %cond3A_702 = arith.constant 0 : i32
        %cond3A_703 = arith.cmpi ne, %convert_element_type3A_701, %cond3A_702 : i32
        scf.if %cond3A_703 {
          %parallel_loop3A = arith.constant 0 : i32
          %parallel_loop3A_727 = arith.constant 125 : i32
          %parallel_loop3A_728 = arith.constant 1 : i32
          scf.for %parallel_loop3A_729 = %parallel_loop3A to %parallel_loop3A_727 step %parallel_loop3A_728  : i32 {
            %parallel_loop3A_730 = arith.constant 128 : i32
            %parallel_loop3A_731 = arith.muli %parallel_loop3A_729, %parallel_loop3A_730 : i32
            %parallel_loop3A_732 = arith.constant 0 : i32
            %parallel_loop3A_733 = arith.addi %parallel_loop3A_731, %parallel_loop3A_732 : i32
            %parallel_loop3A_734 = arith.index_cast %parallel_loop3A_733 : i32 to index
            %parallel_loop3A_735 = tpu.vector_load %arg21[%parallel_loop3A_734] {strides = array<i32>} : memref<16000xi32, #tpu.memory_space<vmem>>, vector<16xi32>,
            %parallel_loop3A_736 = tpu.vector_load_idx %arg12[%parallel_loop3A_735, %broadcast_in_dim3A_1] : memref<1000x2xf32, #tpu.memory_space<vmem>>[vector<16xi32>, vector<16xi32>], vector<16xf32>,
            %parallel_loop3A_737 = tpu.vector_load_idx %arg12[%parallel_loop3A_735, %add3A_4] : memref<1000x2xf32, #tpu.memory_space<vmem>>[vector<16xi32>, vector<16xi32>], vector<16xf32>,
            %parallel_loop3A_738 = arith.constant 0 : i32
            %parallel_loop3A_739 = arith.index_cast %parallel_loop3A_729 : i32 to index
            %parallel_loop3A_740 = arith.index_cast %parallel_loop3A_738 : i32 to index
            %parallel_loop3A_741 = arith.constant 0 : index
            %parallel_loop3A_742 = tpu.vector_load %arg23[%parallel_loop3A_739, %parallel_loop3A_740, %parallel_loop3A_741] {strides = array<i32>} : memref<125x2x128xf32, #tpu.memory_space<vmem>>, vector<16xf32>,
            tpu.vector_store %arg23[%parallel_loop3A_739, %parallel_loop3A_740, %parallel_loop3A_741], %parallel_loop3A_736 {strides = array<i32>} : memref<125x2x128xf32, #tpu.memory_space<vmem>>, vector<16xf32>,
            %parallel_loop3A_743 = arith.constant 1 : i32
            %parallel_loop3A_744 = arith.index_cast %parallel_loop3A_729 : i32 to index
            %parallel_loop3A_745 = arith.index_cast %parallel_loop3A_743 : i32 to index
            %parallel_loop3A_746 = arith.constant 0 : index
            %parallel_loop3A_747 = tpu.vector_load %arg23[%parallel_loop3A_744, %parallel_loop3A_745, %parallel_loop3A_746] {strides = array<i32>} : memref<125x2x128xf32, #tpu.memory_space<vmem>>, vector<16xf32>,
            tpu.vector_store %arg23[%parallel_loop3A_744, %parallel_loop3A_745, %parallel_loop3A_746], %parallel_loop3A_737 {strides = array<i32>} : memref<125x2x128xf32, #tpu.memory_space<vmem>>, vector<16xf32>,
            %parallel_loop3A_748 = arith.constant 128 : i32
            %parallel_loop3A_749 = arith.muli %parallel_loop3A_729, %parallel_loop3A_748 : i32
            %parallel_loop3A_750 = arith.constant 16 : i32
            %parallel_loop3A_751 = arith.addi %parallel_loop3A_749, %parallel_loop3A_750 : i32
            %parallel_loop3A_752 = arith.index_cast %parallel_loop3A_751 : i32 to index
            %parallel_loop3A_753 = tpu.vector_load %arg21[%parallel_loop3A_752] {strides = array<i32>} : memref<16000xi32, #tpu.memory_space<vmem>>, vector<16xi32>,
            %parallel_loop3A_754 = tpu.vector_load_idx %arg12[%parallel_loop3A_753, %broadcast_in_dim3A_1] : memref<1000x2xf32, #tpu.memory_space<vmem>>[vector<16xi32>, vector<16xi32>], vector<16xf32>,
            %parallel_loop3A_755 = tpu.vector_load_idx %arg12[%parallel_loop3A_753, %add3A_4] : memref<1000x2xf32, #tpu.memory_space<vmem>>[vector<16xi32>, vector<16xi32>], vector<16xf32>,
            %parallel_loop3A_756 = arith.constant 0 : i32
            %parallel_loop3A_757 = arith.index_cast %parallel_loop3A_729 : i32 to index
            %parallel_loop3A_758 = arith.index_cast %parallel_loop3A_756 : i32 to index
            %parallel_loop3A_759 = arith.constant 16 : index
            %parallel_loop3A_760 = tpu.vector_load %arg23[%parallel_loop3A_757, %parallel_loop3A_758, %parallel_loop3A_759] {strides = array<i32>} : memref<125x2x128xf32, #tpu.memory_space<vmem>>, vector<16xf32>,
            tpu.vector_store %arg23[%parallel_loop3A_757, %parallel_loop3A_758, %parallel_loop3A_759], %parallel_loop3A_754 {strides = array<i32>} : memref<125x2x128xf32, #tpu.memory_space<vmem>>, vector<16xf32>,
            %parallel_loop3A_761 = arith.constant 1 : i32
            %parallel_loop3A_762 = arith.index_cast %parallel_loop3A_729 : i32 to index
            %parallel_loop3A_763 = arith.index_cast %parallel_loop3A_761 : i32 to index
            %parallel_loop3A_764 = arith.constant 16 : index
            %parallel_loop3A_765 = tpu.vector_load %arg23[%parallel_loop3A_762, %parallel_loop3A_763, %parallel_loop3A_764] {strides = array<i32>} : memref<125x2x128xf32, #tpu.memory_space<vmem>>, vector<16xf32>,
            tpu.vector_store %arg23[%parallel_loop3A_762, %parallel_loop3A_763, %parallel_loop3A_764], %parallel_loop3A_755 {strides = array<i32>} : memref<125x2x128xf32, #tpu.memory_space<vmem>>, vector<16xf32>,
            %parallel_loop3A_766 = arith.constant 128 : i32
            %parallel_loop3A_767 = arith.muli %parallel_loop3A_729, %parallel_loop3A_766 : i32
            %parallel_loop3A_768 = arith.constant 32 : i32
            %parallel_loop3A_769 = arith.addi %parallel_loop3A_767, %parallel_loop3A_768 : i32
            %parallel_loop3A_770 = arith.index_cast %parallel_loop3A_769 : i32 to index
            %parallel_loop3A_771 = tpu.vector_load %arg21[%parallel_loop3A_770] {strides = array<i32>} : memref<16000xi32, #tpu.memory_space<vmem>>, vector<16xi32>,
            %parallel_loop3A_772 = tpu.vector_load_idx %arg12[%parallel_loop3A_771, %broadcast_in_dim3A_1] : memref<1000x2xf32, #tpu.memory_space<vmem>>[vector<16xi32>, vector<16xi32>], vector<16xf32>,
            %parallel_loop3A_773 = tpu.vector_load_idx %arg12[%parallel_loop3A_771, %add3A_4] : memref<1000x2xf32, #tpu.memory_space<vmem>>[vector<16xi32>, vector<16xi32>], vector<16xf32>,
            %parallel_loop3A_774 = arith.constant 0 : i32
            %parallel_loop3A_775 = arith.index_cast %parallel_loop3A_729 : i32 to index
            %parallel_loop3A_776 = arith.index_cast %parallel_loop3A_774 : i32 to index
            %parallel_loop3A_777 = arith.constant 32 : index
            %parallel_loop3A_778 = tpu.vector_load %arg23[%parallel_loop3A_775, %parallel_loop3A_776, %parallel_loop3A_777] {strides = array<i32>} : memref<125x2x128xf32, #tpu.memory_space<vmem>>, vector<16xf32>,
            tpu.vector_store %arg23[%parallel_loop3A_775, %parallel_loop3A_776, %parallel_loop3A_777], %parallel_loop3A_772 {strides = array<i32>} : memref<125x2x128xf32, #tpu.memory_space<vmem>>, vector<16xf32>,
            %parallel_loop3A_779 = arith.constant 1 : i32
            %parallel_loop3A_780 = arith.index_cast %parallel_loop3A_729 : i32 to index
            %parallel_loop3A_781 = arith.index_cast %parallel_loop3A_779 : i32 to index
            %parallel_loop3A_782 = arith.constant 32 : index
            %parallel_loop3A_783 = tpu.vector_load %arg23[%parallel_loop3A_780, %parallel_loop3A_781, %parallel_loop3A_782] {strides = array<i32>} : memref<125x2x128xf32, #tpu.memory_space<vmem>>, vector<16xf32>,
            tpu.vector_store %arg23[%parallel_loop3A_780, %parallel_loop3A_781, %parallel_loop3A_782], %parallel_loop3A_773 {strides = array<i32>} : memref<125x2x128xf32, #tpu.memory_space<vmem>>, vector<16xf32>,
            %parallel_loop3A_784 = arith.constant 128 : i32
            %parallel_loop3A_785 = arith.muli %parallel_loop3A_729, %parallel_loop3A_784 : i32
            %parallel_loop3A_786 = arith.constant 48 : i32
            %parallel_loop3A_787 = arith.addi %parallel_loop3A_785, %parallel_loop3A_786 : i32
            %parallel_loop3A_788 = arith.index_cast %parallel_loop3A_787 : i32 to index
            %parallel_loop3A_789 = tpu.vector_load %arg21[%parallel_loop3A_788] {strides = array<i32>} : memref<16000xi32, #tpu.memory_space<vmem>>, vector<16xi32>,
            %parallel_loop3A_790 = tpu.vector_load_idx %arg12[%parallel_loop3A_789, %broadcast_in_dim3A_1] : memref<1000x2xf32, #tpu.memory_space<vmem>>[vector<16xi32>, vector<16xi32>], vector<16xf32>,
            %parallel_loop3A_791 = tpu.vector_load_idx %arg12[%parallel_loop3A_789, %add3A_4] : memref<1000x2xf32, #tpu.memory_space<vmem>>[vector<16xi32>, vector<16xi32>], vector<16xf32>,
            %parallel_loop3A_792 = arith.constant 0 : i32
            %parallel_loop3A_793 = arith.index_cast %parallel_loop3A_729 : i32 to index
            %parallel_loop3A_794 = arith.index_cast %parallel_loop3A_792 : i32 to index
            %parallel_loop3A_795 = arith.constant 48 : index
            %parallel_loop3A_796 = tpu.vector_load %arg23[%parallel_loop3A_793, %parallel_loop3A_794, %parallel_loop3A_795] {strides = array<i32>} : memref<125x2x128xf32, #tpu.memory_space<vmem>>, vector<16xf32>,
            tpu.vector_store %arg23[%parallel_loop3A_793, %parallel_loop3A_794, %parallel_loop3A_795], %parallel_loop3A_790 {strides = array<i32>} : memref<125x2x128xf32, #tpu.memory_space<vmem>>, vector<16xf32>,
            %parallel_loop3A_797 = arith.constant 1 : i32
            %parallel_loop3A_798 = arith.index_cast %parallel_loop3A_729 : i32 to index
            %parallel_loop3A_799 = arith.index_cast %parallel_loop3A_797 : i32 to index
            %parallel_loop3A_800 = arith.constant 48 : index
            %parallel_loop3A_801 = tpu.vector_load %arg23[%parallel_loop3A_798, %parallel_loop3A_799, %parallel_loop3A_800] {strides = array<i32>} : memref<125x2x128xf32, #tpu.memory_space<vmem>>, vector<16xf32>,
            tpu.vector_store %arg23[%parallel_loop3A_798, %parallel_loop3A_799, %parallel_loop3A_800], %parallel_loop3A_791 {strides = array<i32>} : memref<125x2x128xf32, #tpu.memory_space<vmem>>, vector<16xf32>,
            %parallel_loop3A_802 = arith.constant 128 : i32
            %parallel_loop3A_803 = arith.muli %parallel_loop3A_729, %parallel_loop3A_802 : i32
            %parallel_loop3A_804 = arith.constant 64 : i32
            %parallel_loop3A_805 = arith.addi %parallel_loop3A_803, %parallel_loop3A_804 : i32
            %parallel_loop3A_806 = arith.index_cast %parallel_loop3A_805 : i32 to index
            %parallel_loop3A_807 = tpu.vector_load %arg21[%parallel_loop3A_806] {strides = array<i32>} : memref<16000xi32, #tpu.memory_space<vmem>>, vector<16xi32>,
            %parallel_loop3A_808 = tpu.vector_load_idx %arg12[%parallel_loop3A_807, %broadcast_in_dim3A_1] : memref<1000x2xf32, #tpu.memory_space<vmem>>[vector<16xi32>, vector<16xi32>], vector<16xf32>,
            %parallel_loop3A_809 = tpu.vector_load_idx %arg12[%parallel_loop3A_807, %add3A_4] : memref<1000x2xf32, #tpu.memory_space<vmem>>[vector<16xi32>, vector<16xi32>], vector<16xf32>,
            %parallel_loop3A_810 = arith.constant 0 : i32
            %parallel_loop3A_811 = arith.index_cast %parallel_loop3A_729 : i32 to index
            %parallel_loop3A_812 = arith.index_cast %parallel_loop3A_810 : i32 to index
            %parallel_loop3A_813 = arith.constant 64 : index
            %parallel_loop3A_814 = tpu.vector_load %arg23[%parallel_loop3A_811, %parallel_loop3A_812, %parallel_loop3A_813] {strides = array<i32>} : memref<125x2x128xf32, #tpu.memory_space<vmem>>, vector<16xf32>,
            tpu.vector_store %arg23[%parallel_loop3A_811, %parallel_loop3A_812, %parallel_loop3A_813], %parallel_loop3A_808 {strides = array<i32>} : memref<125x2x128xf32, #tpu.memory_space<vmem>>, vector<16xf32>,
            %parallel_loop3A_815 = arith.constant 1 : i32
            %parallel_loop3A_816 = arith.index_cast %parallel_loop3A_729 : i32 to index
            %parallel_loop3A_817 = arith.index_cast %parallel_loop3A_815 : i32 to index
            %parallel_loop3A_818 = arith.constant 64 : index
            %parallel_loop3A_819 = tpu.vector_load %arg23[%parallel_loop3A_816, %parallel_loop3A_817, %parallel_loop3A_818] {strides = array<i32>} : memref<125x2x128xf32, #tpu.memory_space<vmem>>, vector<16xf32>,
            tpu.vector_store %arg23[%parallel_loop3A_816, %parallel_loop3A_817, %parallel_loop3A_818], %parallel_loop3A_809 {strides = array<i32>} : memref<125x2x128xf32, #tpu.memory_space<vmem>>, vector<16xf32>,
            %parallel_loop3A_820 = arith.constant 128 : i32
            %parallel_loop3A_821 = arith.muli %parallel_loop3A_729, %parallel_loop3A_820 : i32
            %parallel_loop3A_822 = arith.constant 80 : i32
            %parallel_loop3A_823 = arith.addi %parallel_loop3A_821, %parallel_loop3A_822 : i32
            %parallel_loop3A_824 = arith.index_cast %parallel_loop3A_823 : i32 to index
            %parallel_loop3A_825 = tpu.vector_load %arg21[%parallel_loop3A_824] {strides = array<i32>} : memref<16000xi32, #tpu.memory_space<vmem>>, vector<16xi32>,
            %parallel_loop3A_826 = tpu.vector_load_idx %arg12[%parallel_loop3A_825, %broadcast_in_dim3A_1] : memref<1000x2xf32, #tpu.memory_space<vmem>>[vector<16xi32>, vector<16xi32>], vector<16xf32>,
            %parallel_loop3A_827 = tpu.vector_load_idx %arg12[%parallel_loop3A_825, %add3A_4] : memref<1000x2xf32, #tpu.memory_space<vmem>>[vector<16xi32>, vector<16xi32>], vector<16xf32>,
            %parallel_loop3A_828 = arith.constant 0 : i32
            %parallel_loop3A_829 = arith.index_cast %parallel_loop3A_729 : i32 to index
            %parallel_loop3A_830 = arith.index_cast %parallel_loop3A_828 : i32 to index
            %parallel_loop3A_831 = arith.constant 80 : index
            %parallel_loop3A_832 = tpu.vector_load %arg23[%parallel_loop3A_829, %parallel_loop3A_830, %parallel_loop3A_831] {strides = array<i32>} : memref<125x2x128xf32, #tpu.memory_space<vmem>>, vector<16xf32>,
            tpu.vector_store %arg23[%parallel_loop3A_829, %parallel_loop3A_830, %parallel_loop3A_831], %parallel_loop3A_826 {strides = array<i32>} : memref<125x2x128xf32, #tpu.memory_space<vmem>>, vector<16xf32>,
            %parallel_loop3A_833 = arith.constant 1 : i32
            %parallel_loop3A_834 = arith.index_cast %parallel_loop3A_729 : i32 to index
            %parallel_loop3A_835 = arith.index_cast %parallel_loop3A_833 : i32 to index
            %parallel_loop3A_836 = arith.constant 80 : index
            %parallel_loop3A_837 = tpu.vector_load %arg23[%parallel_loop3A_834, %parallel_loop3A_835, %parallel_loop3A_836] {strides = array<i32>} : memref<125x2x128xf32, #tpu.memory_space<vmem>>, vector<16xf32>,
            tpu.vector_store %arg23[%parallel_loop3A_834, %parallel_loop3A_835, %parallel_loop3A_836], %parallel_loop3A_827 {strides = array<i32>} : memref<125x2x128xf32, #tpu.memory_space<vmem>>, vector<16xf32>,
            %parallel_loop3A_838 = arith.constant 128 : i32
            %parallel_loop3A_839 = arith.muli %parallel_loop3A_729, %parallel_loop3A_838 : i32
            %parallel_loop3A_840 = arith.constant 96 : i32
            %parallel_loop3A_841 = arith.addi %parallel_loop3A_839, %parallel_loop3A_840 : i32
            %parallel_loop3A_842 = arith.index_cast %parallel_loop3A_841 : i32 to index
            %parallel_loop3A_843 = tpu.vector_load %arg21[%parallel_loop3A_842] {strides = array<i32>} : memref<16000xi32, #tpu.memory_space<vmem>>, vector<16xi32>,
            %parallel_loop3A_844 = tpu.vector_load_idx %arg12[%parallel_loop3A_843, %broadcast_in_dim3A_1] : memref<1000x2xf32, #tpu.memory_space<vmem>>[vector<16xi32>, vector<16xi32>], vector<16xf32>,
            %parallel_loop3A_845 = tpu.vector_load_idx %arg12[%parallel_loop3A_843, %add3A_4] : memref<1000x2xf32, #tpu.memory_space<vmem>>[vector<16xi32>, vector<16xi32>], vector<16xf32>,
            %parallel_loop3A_846 = arith.constant 0 : i32
            %parallel_loop3A_847 = arith.index_cast %parallel_loop3A_729 : i32 to index
            %parallel_loop3A_848 = arith.index_cast %parallel_loop3A_846 : i32 to index
            %parallel_loop3A_849 = arith.constant 96 : index
            %parallel_loop3A_850 = tpu.vector_load %arg23[%parallel_loop3A_847, %parallel_loop3A_848, %parallel_loop3A_849] {strides = array<i32>} : memref<125x2x128xf32, #tpu.memory_space<vmem>>, vector<16xf32>,
            tpu.vector_store %arg23[%parallel_loop3A_847, %parallel_loop3A_848, %parallel_loop3A_849], %parallel_loop3A_844 {strides = array<i32>} : memref<125x2x128xf32, #tpu.memory_space<vmem>>, vector<16xf32>,
            %parallel_loop3A_851 = arith.constant 1 : i32
            %parallel_loop3A_852 = arith.index_cast %parallel_loop3A_729 : i32 to index
            %parallel_loop3A_853 = arith.index_cast %parallel_loop3A_851 : i32 to index
            %parallel_loop3A_854 = arith.constant 96 : index
            %parallel_loop3A_855 = tpu.vector_load %arg23[%parallel_loop3A_852, %parallel_loop3A_853, %parallel_loop3A_854] {strides = array<i32>} : memref<125x2x128xf32, #tpu.memory_space<vmem>>, vector<16xf32>,
            tpu.vector_store %arg23[%parallel_loop3A_852, %parallel_loop3A_853, %parallel_loop3A_854], %parallel_loop3A_845 {strides = array<i32>} : memref<125x2x128xf32, #tpu.memory_space<vmem>>, vector<16xf32>,
            %parallel_loop3A_856 = arith.constant 128 : i32
            %parallel_loop3A_857 = arith.muli %parallel_loop3A_729, %parallel_loop3A_856 : i32
            %parallel_loop3A_858 = arith.constant 112 : i32
            %parallel_loop3A_859 = arith.addi %parallel_loop3A_857, %parallel_loop3A_858 : i32
            %parallel_loop3A_860 = arith.index_cast %parallel_loop3A_859 : i32 to index
            %parallel_loop3A_861 = tpu.vector_load %arg21[%parallel_loop3A_860] {strides = array<i32>} : memref<16000xi32, #tpu.memory_space<vmem>>, vector<16xi32>,
            %parallel_loop3A_862 = tpu.vector_load_idx %arg12[%parallel_loop3A_861, %broadcast_in_dim3A_1] : memref<1000x2xf32, #tpu.memory_space<vmem>>[vector<16xi32>, vector<16xi32>], vector<16xf32>,
            %parallel_loop3A_863 = tpu.vector_load_idx %arg12[%parallel_loop3A_861, %add3A_4] : memref<1000x2xf32, #tpu.memory_space<vmem>>[vector<16xi32>, vector<16xi32>], vector<16xf32>,
            %parallel_loop3A_864 = arith.constant 0 : i32
            %parallel_loop3A_865 = arith.index_cast %parallel_loop3A_729 : i32 to index
            %parallel_loop3A_866 = arith.index_cast %parallel_loop3A_864 : i32 to index
            %parallel_loop3A_867 = arith.constant 112 : index
            %parallel_loop3A_868 = tpu.vector_load %arg23[%parallel_loop3A_865, %parallel_loop3A_866, %parallel_loop3A_867] {strides = array<i32>} : memref<125x2x128xf32, #tpu.memory_space<vmem>>, vector<16xf32>,
            tpu.vector_store %arg23[%parallel_loop3A_865, %parallel_loop3A_866, %parallel_loop3A_867], %parallel_loop3A_862 {strides = array<i32>} : memref<125x2x128xf32, #tpu.memory_space<vmem>>, vector<16xf32>,
            %parallel_loop3A_869 = arith.constant 1 : i32
            %parallel_loop3A_870 = arith.index_cast %parallel_loop3A_729 : i32 to index
            %parallel_loop3A_871 = arith.index_cast %parallel_loop3A_869 : i32 to index
            %parallel_loop3A_872 = arith.constant 112 : index
            %parallel_loop3A_873 = tpu.vector_load %arg23[%parallel_loop3A_870, %parallel_loop3A_871, %parallel_loop3A_872] {strides = array<i32>} : memref<125x2x128xf32, #tpu.memory_space<vmem>>, vector<16xf32>,
            tpu.vector_store %arg23[%parallel_loop3A_870, %parallel_loop3A_871, %parallel_loop3A_872], %parallel_loop3A_863 {strides = array<i32>} : memref<125x2x128xf32, #tpu.memory_space<vmem>>, vector<16xf32>,
          } {sc.loop_unroll_factor = 1 : i64, sc.parallel_access}
        } else {
        }
        %ge3A = arith.constant 125 : i32
        %ge3A_704 = arith.cmpi sge, %add3A_698, %ge3A : i32
        %convert_element_type3A_705 = arith.extui %ge3A_704 : i1 to i32
        %cond3A_706 = arith.constant 0 : i32
        %cond3A_707 = arith.cmpi ne, %convert_element_type3A_705, %cond3A_706 : i32
        scf.if %cond3A_707 {
          %parallel_loop3A = arith.constant 0 : i32
          %parallel_loop3A_727 = arith.constant 125 : i32
          %parallel_loop3A_728 = arith.constant 1 : i32
          scf.for %parallel_loop3A_729 = %parallel_loop3A to %parallel_loop3A_727 step %parallel_loop3A_728  : i32 {
            %parallel_loop3A_730 = arith.constant 128 : i32
            %parallel_loop3A_731 = arith.muli %parallel_loop3A_729, %parallel_loop3A_730 : i32
            %parallel_loop3A_732 = arith.constant 0 : i32
            %parallel_loop3A_733 = arith.addi %parallel_loop3A_731, %parallel_loop3A_732 : i32
            %parallel_loop3A_734 = arith.index_cast %parallel_loop3A_733 : i32 to index
            %parallel_loop3A_735 = tpu.vector_load %arg21[%parallel_loop3A_734] {strides = array<i32>} : memref<16000xi32, #tpu.memory_space<vmem>>, vector<16xi32>,
            %parallel_loop3A_736 = tpu.vector_load_idx %arg13[%parallel_loop3A_735, %broadcast_in_dim3A_1] : memref<2000x2xf32, #tpu.memory_space<vmem>>[vector<16xi32>, vector<16xi32>], vector<16xf32>,
            %parallel_loop3A_737 = tpu.vector_load_idx %arg13[%parallel_loop3A_735, %add3A_4] : memref<2000x2xf32, #tpu.memory_space<vmem>>[vector<16xi32>, vector<16xi32>], vector<16xf32>,
            %parallel_loop3A_738 = arith.constant 0 : i32
            %parallel_loop3A_739 = arith.index_cast %parallel_loop3A_729 : i32 to index
            %parallel_loop3A_740 = arith.index_cast %parallel_loop3A_738 : i32 to index
            %parallel_loop3A_741 = arith.constant 0 : index
            %parallel_loop3A_742 = tpu.vector_load %arg23[%parallel_loop3A_739, %parallel_loop3A_740, %parallel_loop3A_741] {strides = array<i32>} : memref<125x2x128xf32, #tpu.memory_space<vmem>>, vector<16xf32>,
            tpu.vector_store %arg23[%parallel_loop3A_739, %parallel_loop3A_740, %parallel_loop3A_741], %parallel_loop3A_736 {strides = array<i32>} : memref<125x2x128xf32, #tpu.memory_space<vmem>>, vector<16xf32>,
            %parallel_loop3A_743 = arith.constant 1 : i32
            %parallel_loop3A_744 = arith.index_cast %parallel_loop3A_729 : i32 to index
            %parallel_loop3A_745 = arith.index_cast %parallel_loop3A_743 : i32 to index
            %parallel_loop3A_746 = arith.constant 0 : index
            %parallel_loop3A_747 = tpu.vector_load %arg23[%parallel_loop3A_744, %parallel_loop3A_745, %parallel_loop3A_746] {strides = array<i32>} : memref<125x2x128xf32, #tpu.memory_space<vmem>>, vector<16xf32>,
            tpu.vector_store %arg23[%parallel_loop3A_744, %parallel_loop3A_745, %parallel_loop3A_746], %parallel_loop3A_737 {strides = array<i32>} : memref<125x2x128xf32, #tpu.memory_space<vmem>>, vector<16xf32>,
            %parallel_loop3A_748 = arith.constant 128 : i32
            %parallel_loop3A_749 = arith.muli %parallel_loop3A_729, %parallel_loop3A_748 : i32
            %parallel_loop3A_750 = arith.constant 16 : i32
            %parallel_loop3A_751 = arith.addi %parallel_loop3A_749, %parallel_loop3A_750 : i32
            %parallel_loop3A_752 = arith.index_cast %parallel_loop3A_751 : i32 to index
            %parallel_loop3A_753 = tpu.vector_load %arg21[%parallel_loop3A_752] {strides = array<i32>} : memref<16000xi32, #tpu.memory_space<vmem>>, vector<16xi32>,
            %parallel_loop3A_754 = tpu.vector_load_idx %arg13[%parallel_loop3A_753, %broadcast_in_dim3A_1] : memref<2000x2xf32, #tpu.memory_space<vmem>>[vector<16xi32>, vector<16xi32>], vector<16xf32>,
            %parallel_loop3A_755 = tpu.vector_load_idx %arg13[%parallel_loop3A_753, %add3A_4] : memref<2000x2xf32, #tpu.memory_space<vmem>>[vector<16xi32>, vector<16xi32>], vector<16xf32>,
            %parallel_loop3A_756 = arith.constant 0 : i32
            %parallel_loop3A_757 = arith.index_cast %parallel_loop3A_729 : i32 to index
            %parallel_loop3A_758 = arith.index_cast %parallel_loop3A_756 : i32 to index
            %parallel_loop3A_759 = arith.constant 16 : index
            %parallel_loop3A_760 = tpu.vector_load %arg23[%parallel_loop3A_757, %parallel_loop3A_758, %parallel_loop3A_759] {strides = array<i32>} : memref<125x2x128xf32, #tpu.memory_space<vmem>>, vector<16xf32>,
            tpu.vector_store %arg23[%parallel_loop3A_757, %parallel_loop3A_758, %parallel_loop3A_759], %parallel_loop3A_754 {strides = array<i32>} : memref<125x2x128xf32, #tpu.memory_space<vmem>>, vector<16xf32>,
            %parallel_loop3A_761 = arith.constant 1 : i32
            %parallel_loop3A_762 = arith.index_cast %parallel_loop3A_729 : i32 to index
            %parallel_loop3A_763 = arith.index_cast %parallel_loop3A_761 : i32 to index
            %parallel_loop3A_764 = arith.constant 16 : index
            %parallel_loop3A_765 = tpu.vector_load %arg23[%parallel_loop3A_762, %parallel_loop3A_763, %parallel_loop3A_764] {strides = array<i32>} : memref<125x2x128xf32, #tpu.memory_space<vmem>>, vector<16xf32>,
            tpu.vector_store %arg23[%parallel_loop3A_762, %parallel_loop3A_763, %parallel_loop3A_764], %parallel_loop3A_755 {strides = array<i32>} : memref<125x2x128xf32, #tpu.memory_space<vmem>>, vector<16xf32>,
            %parallel_loop3A_766 = arith.constant 128 : i32
            %parallel_loop3A_767 = arith.muli %parallel_loop3A_729, %parallel_loop3A_766 : i32
            %parallel_loop3A_768 = arith.constant 32 : i32
            %parallel_loop3A_769 = arith.addi %parallel_loop3A_767, %parallel_loop3A_768 : i32
            %parallel_loop3A_770 = arith.index_cast %parallel_loop3A_769 : i32 to index
            %parallel_loop3A_771 = tpu.vector_load %arg21[%parallel_loop3A_770] {strides = array<i32>} : memref<16000xi32, #tpu.memory_space<vmem>>, vector<16xi32>,
            %parallel_loop3A_772 = tpu.vector_load_idx %arg13[%parallel_loop3A_771, %broadcast_in_dim3A_1] : memref<2000x2xf32, #tpu.memory_space<vmem>>[vector<16xi32>, vector<16xi32>], vector<16xf32>,
            %parallel_loop3A_773 = tpu.vector_load_idx %arg13[%parallel_loop3A_771, %add3A_4] : memref<2000x2xf32, #tpu.memory_space<vmem>>[vector<16xi32>, vector<16xi32>], vector<16xf32>,
            %parallel_loop3A_774 = arith.constant 0 : i32
            %parallel_loop3A_775 = arith.index_cast %parallel_loop3A_729 : i32 to index
            %parallel_loop3A_776 = arith.index_cast %parallel_loop3A_774 : i32 to index
            %parallel_loop3A_777 = arith.constant 32 : index
            %parallel_loop3A_778 = tpu.vector_load %arg23[%parallel_loop3A_775, %parallel_loop3A_776, %parallel_loop3A_777] {strides = array<i32>} : memref<125x2x128xf32, #tpu.memory_space<vmem>>, vector<16xf32>,
            tpu.vector_store %arg23[%parallel_loop3A_775, %parallel_loop3A_776, %parallel_loop3A_777], %parallel_loop3A_772 {strides = array<i32>} : memref<125x2x128xf32, #tpu.memory_space<vmem>>, vector<16xf32>,
            %parallel_loop3A_779 = arith.constant 1 : i32
            %parallel_loop3A_780 = arith.index_cast %parallel_loop3A_729 : i32 to index
            %parallel_loop3A_781 = arith.index_cast %parallel_loop3A_779 : i32 to index
            %parallel_loop3A_782 = arith.constant 32 : index
            %parallel_loop3A_783 = tpu.vector_load %arg23[%parallel_loop3A_780, %parallel_loop3A_781, %parallel_loop3A_782] {strides = array<i32>} : memref<125x2x128xf32, #tpu.memory_space<vmem>>, vector<16xf32>,
            tpu.vector_store %arg23[%parallel_loop3A_780, %parallel_loop3A_781, %parallel_loop3A_782], %parallel_loop3A_773 {strides = array<i32>} : memref<125x2x128xf32, #tpu.memory_space<vmem>>, vector<16xf32>,
            %parallel_loop3A_784 = arith.constant 128 : i32
            %parallel_loop3A_785 = arith.muli %parallel_loop3A_729, %parallel_loop3A_784 : i32
            %parallel_loop3A_786 = arith.constant 48 : i32
            %parallel_loop3A_787 = arith.addi %parallel_loop3A_785, %parallel_loop3A_786 : i32
            %parallel_loop3A_788 = arith.index_cast %parallel_loop3A_787 : i32 to index
            %parallel_loop3A_789 = tpu.vector_load %arg21[%parallel_loop3A_788] {strides = array<i32>} : memref<16000xi32, #tpu.memory_space<vmem>>, vector<16xi32>,
            %parallel_loop3A_790 = tpu.vector_load_idx %arg13[%parallel_loop3A_789, %broadcast_in_dim3A_1] : memref<2000x2xf32, #tpu.memory_space<vmem>>[vector<16xi32>, vector<16xi32>], vector<16xf32>,
            %parallel_loop3A_791 = tpu.vector_load_idx %arg13[%parallel_loop3A_789, %add3A_4] : memref<2000x2xf32, #tpu.memory_space<vmem>>[vector<16xi32>, vector<16xi32>], vector<16xf32>,
            %parallel_loop3A_792 = arith.constant 0 : i32
            %parallel_loop3A_793 = arith.index_cast %parallel_loop3A_729 : i32 to index
            %parallel_loop3A_794 = arith.index_cast %parallel_loop3A_792 : i32 to index
            %parallel_loop3A_795 = arith.constant 48 : index
            %parallel_loop3A_796 = tpu.vector_load %arg23[%parallel_loop3A_793, %parallel_loop3A_794, %parallel_loop3A_795] {strides = array<i32>} : memref<125x2x128xf32, #tpu.memory_space<vmem>>, vector<16xf32>,
            tpu.vector_store %arg23[%parallel_loop3A_793, %parallel_loop3A_794, %parallel_loop3A_795], %parallel_loop3A_790 {strides = array<i32>} : memref<125x2x128xf32, #tpu.memory_space<vmem>>, vector<16xf32>,
            %parallel_loop3A_797 = arith.constant 1 : i32
            %parallel_loop3A_798 = arith.index_cast %parallel_loop3A_729 : i32 to index
            %parallel_loop3A_799 = arith.index_cast %parallel_loop3A_797 : i32 to index
            %parallel_loop3A_800 = arith.constant 48 : index
            %parallel_loop3A_801 = tpu.vector_load %arg23[%parallel_loop3A_798, %parallel_loop3A_799, %parallel_loop3A_800] {strides = array<i32>} : memref<125x2x128xf32, #tpu.memory_space<vmem>>, vector<16xf32>,
            tpu.vector_store %arg23[%parallel_loop3A_798, %parallel_loop3A_799, %parallel_loop3A_800], %parallel_loop3A_791 {strides = array<i32>} : memref<125x2x128xf32, #tpu.memory_space<vmem>>, vector<16xf32>,
            %parallel_loop3A_802 = arith.constant 128 : i32
            %parallel_loop3A_803 = arith.muli %parallel_loop3A_729, %parallel_loop3A_802 : i32
            %parallel_loop3A_804 = arith.constant 64 : i32
            %parallel_loop3A_805 = arith.addi %parallel_loop3A_803, %parallel_loop3A_804 : i32
            %parallel_loop3A_806 = arith.index_cast %parallel_loop3A_805 : i32 to index
            %parallel_loop3A_807 = tpu.vector_load %arg21[%parallel_loop3A_806] {strides = array<i32>} : memref<16000xi32, #tpu.memory_space<vmem>>, vector<16xi32>,
            %parallel_loop3A_808 = tpu.vector_load_idx %arg13[%parallel_loop3A_807, %broadcast_in_dim3A_1] : memref<2000x2xf32, #tpu.memory_space<vmem>>[vector<16xi32>, vector<16xi32>], vector<16xf32>,
            %parallel_loop3A_809 = tpu.vector_load_idx %arg13[%parallel_loop3A_807, %add3A_4] : memref<2000x2xf32, #tpu.memory_space<vmem>>[vector<16xi32>, vector<16xi32>], vector<16xf32>,
            %parallel_loop3A_810 = arith.constant 0 : i32
            %parallel_loop3A_811 = arith.index_cast %parallel_loop3A_729 : i32 to index
            %parallel_loop3A_812 = arith.index_cast %parallel_loop3A_810 : i32 to index
            %parallel_loop3A_813 = arith.constant 64 : index
            %parallel_loop3A_814 = tpu.vector_load %arg23[%parallel_loop3A_811, %parallel_loop3A_812, %parallel_loop3A_813] {strides = array<i32>} : memref<125x2x128xf32, #tpu.memory_space<vmem>>, vector<16xf32>,
            tpu.vector_store %arg23[%parallel_loop3A_811, %parallel_loop3A_812, %parallel_loop3A_813], %parallel_loop3A_808 {strides = array<i32>} : memref<125x2x128xf32, #tpu.memory_space<vmem>>, vector<16xf32>,
            %parallel_loop3A_815 = arith.constant 1 : i32
            %parallel_loop3A_816 = arith.index_cast %parallel_loop3A_729 : i32 to index
            %parallel_loop3A_817 = arith.index_cast %parallel_loop3A_815 : i32 to index
            %parallel_loop3A_818 = arith.constant 64 : index
            %parallel_loop3A_819 = tpu.vector_load %arg23[%parallel_loop3A_816, %parallel_loop3A_817, %parallel_loop3A_818] {strides = array<i32>} : memref<125x2x128xf32, #tpu.memory_space<vmem>>, vector<16xf32>,
            tpu.vector_store %arg23[%parallel_loop3A_816, %parallel_loop3A_817, %parallel_loop3A_818], %parallel_loop3A_809 {strides = array<i32>} : memref<125x2x128xf32, #tpu.memory_space<vmem>>, vector<16xf32>,
            %parallel_loop3A_820 = arith.constant 128 : i32
            %parallel_loop3A_821 = arith.muli %parallel_loop3A_729, %parallel_loop3A_820 : i32
            %parallel_loop3A_822 = arith.constant 80 : i32
            %parallel_loop3A_823 = arith.addi %parallel_loop3A_821, %parallel_loop3A_822 : i32
            %parallel_loop3A_824 = arith.index_cast %parallel_loop3A_823 : i32 to index
            %parallel_loop3A_825 = tpu.vector_load %arg21[%parallel_loop3A_824] {strides = array<i32>} : memref<16000xi32, #tpu.memory_space<vmem>>, vector<16xi32>,
            %parallel_loop3A_826 = tpu.vector_load_idx %arg13[%parallel_loop3A_825, %broadcast_in_dim3A_1] : memref<2000x2xf32, #tpu.memory_space<vmem>>[vector<16xi32>, vector<16xi32>], vector<16xf32>,
            %parallel_loop3A_827 = tpu.vector_load_idx %arg13[%parallel_loop3A_825, %add3A_4] : memref<2000x2xf32, #tpu.memory_space<vmem>>[vector<16xi32>, vector<16xi32>], vector<16xf32>,
            %parallel_loop3A_828 = arith.constant 0 : i32
            %parallel_loop3A_829 = arith.index_cast %parallel_loop3A_729 : i32 to index
            %parallel_loop3A_830 = arith.index_cast %parallel_loop3A_828 : i32 to index
            %parallel_loop3A_831 = arith.constant 80 : index
            %parallel_loop3A_832 = tpu.vector_load %arg23[%parallel_loop3A_829, %parallel_loop3A_830, %parallel_loop3A_831] {strides = array<i32>} : memref<125x2x128xf32, #tpu.memory_space<vmem>>, vector<16xf32>,
            tpu.vector_store %arg23[%parallel_loop3A_829, %parallel_loop3A_830, %parallel_loop3A_831], %parallel_loop3A_826 {strides = array<i32>} : memref<125x2x128xf32, #tpu.memory_space<vmem>>, vector<16xf32>,
            %parallel_loop3A_833 = arith.constant 1 : i32
            %parallel_loop3A_834 = arith.index_cast %parallel_loop3A_729 : i32 to index
            %parallel_loop3A_835 = arith.index_cast %parallel_loop3A_833 : i32 to index
            %parallel_loop3A_836 = arith.constant 80 : index
            %parallel_loop3A_837 = tpu.vector_load %arg23[%parallel_loop3A_834, %parallel_loop3A_835, %parallel_loop3A_836] {strides = array<i32>} : memref<125x2x128xf32, #tpu.memory_space<vmem>>, vector<16xf32>,
            tpu.vector_store %arg23[%parallel_loop3A_834, %parallel_loop3A_835, %parallel_loop3A_836], %parallel_loop3A_827 {strides = array<i32>} : memref<125x2x128xf32, #tpu.memory_space<vmem>>, vector<16xf32>,
            %parallel_loop3A_838 = arith.constant 128 : i32
            %parallel_loop3A_839 = arith.muli %parallel_loop3A_729, %parallel_loop3A_838 : i32
            %parallel_loop3A_840 = arith.constant 96 : i32
            %parallel_loop3A_841 = arith.addi %parallel_loop3A_839, %parallel_loop3A_840 : i32
            %parallel_loop3A_842 = arith.index_cast %parallel_loop3A_841 : i32 to index
            %parallel_loop3A_843 = tpu.vector_load %arg21[%parallel_loop3A_842] {strides = array<i32>} : memref<16000xi32, #tpu.memory_space<vmem>>, vector<16xi32>,
            %parallel_loop3A_844 = tpu.vector_load_idx %arg13[%parallel_loop3A_843, %broadcast_in_dim3A_1] : memref<2000x2xf32, #tpu.memory_space<vmem>>[vector<16xi32>, vector<16xi32>], vector<16xf32>,
            %parallel_loop3A_845 = tpu.vector_load_idx %arg13[%parallel_loop3A_843, %add3A_4] : memref<2000x2xf32, #tpu.memory_space<vmem>>[vector<16xi32>, vector<16xi32>], vector<16xf32>,
            %parallel_loop3A_846 = arith.constant 0 : i32
            %parallel_loop3A_847 = arith.index_cast %parallel_loop3A_729 : i32 to index
            %parallel_loop3A_848 = arith.index_cast %parallel_loop3A_846 : i32 to index
            %parallel_loop3A_849 = arith.constant 96 : index
            %parallel_loop3A_850 = tpu.vector_load %arg23[%parallel_loop3A_847, %parallel_loop3A_848, %parallel_loop3A_849] {strides = array<i32>} : memref<125x2x128xf32, #tpu.memory_space<vmem>>, vector<16xf32>,
            tpu.vector_store %arg23[%parallel_loop3A_847, %parallel_loop3A_848, %parallel_loop3A_849], %parallel_loop3A_844 {strides = array<i32>} : memref<125x2x128xf32, #tpu.memory_space<vmem>>, vector<16xf32>,
            %parallel_loop3A_851 = arith.constant 1 : i32
            %parallel_loop3A_852 = arith.index_cast %parallel_loop3A_729 : i32 to index
            %parallel_loop3A_853 = arith.index_cast %parallel_loop3A_851 : i32 to index
            %parallel_loop3A_854 = arith.constant 96 : index
            %parallel_loop3A_855 = tpu.vector_load %arg23[%parallel_loop3A_852, %parallel_loop3A_853, %parallel_loop3A_854] {strides = array<i32>} : memref<125x2x128xf32, #tpu.memory_space<vmem>>, vector<16xf32>,
            tpu.vector_store %arg23[%parallel_loop3A_852, %parallel_loop3A_853, %parallel_loop3A_854], %parallel_loop3A_845 {strides = array<i32>} : memref<125x2x128xf32, #tpu.memory_space<vmem>>, vector<16xf32>,
            %parallel_loop3A_856 = arith.constant 128 : i32
            %parallel_loop3A_857 = arith.muli %parallel_loop3A_729, %parallel_loop3A_856 : i32
            %parallel_loop3A_858 = arith.constant 112 : i32
            %parallel_loop3A_859 = arith.addi %parallel_loop3A_857, %parallel_loop3A_858 : i32
            %parallel_loop3A_860 = arith.index_cast %parallel_loop3A_859 : i32 to index
            %parallel_loop3A_861 = tpu.vector_load %arg21[%parallel_loop3A_860] {strides = array<i32>} : memref<16000xi32, #tpu.memory_space<vmem>>, vector<16xi32>,
            %parallel_loop3A_862 = tpu.vector_load_idx %arg13[%parallel_loop3A_861, %broadcast_in_dim3A_1] : memref<2000x2xf32, #tpu.memory_space<vmem>>[vector<16xi32>, vector<16xi32>], vector<16xf32>,
            %parallel_loop3A_863 = tpu.vector_load_idx %arg13[%parallel_loop3A_861, %add3A_4] : memref<2000x2xf32, #tpu.memory_space<vmem>>[vector<16xi32>, vector<16xi32>], vector<16xf32>,
            %parallel_loop3A_864 = arith.constant 0 : i32
            %parallel_loop3A_865 = arith.index_cast %parallel_loop3A_729 : i32 to index
            %parallel_loop3A_866 = arith.index_cast %parallel_loop3A_864 : i32 to index
            %parallel_loop3A_867 = arith.constant 112 : index
            %parallel_loop3A_868 = tpu.vector_load %arg23[%parallel_loop3A_865, %parallel_loop3A_866, %parallel_loop3A_867] {strides = array<i32>} : memref<125x2x128xf32, #tpu.memory_space<vmem>>, vector<16xf32>,
            tpu.vector_store %arg23[%parallel_loop3A_865, %parallel_loop3A_866, %parallel_loop3A_867], %parallel_loop3A_862 {strides = array<i32>} : memref<125x2x128xf32, #tpu.memory_space<vmem>>, vector<16xf32>,
            %parallel_loop3A_869 = arith.constant 1 : i32
            %parallel_loop3A_870 = arith.index_cast %parallel_loop3A_729 : i32 to index
            %parallel_loop3A_871 = arith.index_cast %parallel_loop3A_869 : i32 to index
            %parallel_loop3A_872 = arith.constant 112 : index
            %parallel_loop3A_873 = tpu.vector_load %arg23[%parallel_loop3A_870, %parallel_loop3A_871, %parallel_loop3A_872] {strides = array<i32>} : memref<125x2x128xf32, #tpu.memory_space<vmem>>, vector<16xf32>,
            tpu.vector_store %arg23[%parallel_loop3A_870, %parallel_loop3A_871, %parallel_loop3A_872], %parallel_loop3A_863 {strides = array<i32>} : memref<125x2x128xf32, #tpu.memory_space<vmem>>, vector<16xf32>,
          } {sc.loop_unroll_factor = 1 : i64, sc.parallel_access}
        } else {
        }
        %mul3A_708 = arith.constant 32 : i32
        %mul3A_709 = arith.muli %add3A_682, %mul3A_708 : i32
        %add3A_710 = arith.addi %add3A, %mul3A_709 : i32
        %lt3A_711 = arith.constant 125 : i32
        %lt3A_712 = arith.cmpi slt, %add3A_710, %lt3A_711 : i32
        %convert_element_type3A_713 = arith.extui %lt3A_712 : i1 to i32
        %cond3A_714 = arith.constant 0 : i32
        %cond3A_715 = arith.cmpi ne, %convert_element_type3A_713, %cond3A_714 : i32
        scf.if %cond3A_715 {
          %mul3A_727 = arith.constant 125 : i32
          %mul3A_728 = arith.muli %add3A_710, %mul3A_727 : i32
          %dma_start3A_729 = arith.constant 0 : i32
          %dma_start3A_730 = arith.constant 0 : i32
          %dma_start3A_731 = tpu.memref_slice %arg9[%mul3A_728, %dma_start3A_729, %dma_start3A_730] : memref<15625x2x128xf32, #tpu.memory_space<hbm>> -> memref<125x2x128xf32, #tpu.memory_space<hbm>>
          %dma_start3A_732 = arith.constant 0 : i32
          %dma_start3A_733 = arith.constant 0 : i32
          %dma_start3A_734 = tpu.memref_slice %arg9[%mul3A_728, %dma_start3A_732, %dma_start3A_733] : memref<15625x2x128xf32, #tpu.memory_space<hbm>> -> memref<125x2x128xf32, #tpu.memory_space<hbm>>
          tpu.enqueue_dma source(%arg23 : memref<125x2x128xf32, #tpu.memory_space<vmem>>) target(%dma_start3A_734 : memref<125x2x128xf32, #tpu.memory_space<hbm>>) target_semaphore(%arg27 : memref<!tpu.dma_semaphore, #tpu.memory_space<semaphore_mem>>)
        } else {
        }
        %ge3A_716 = arith.constant 125 : i32
        %ge3A_717 = arith.cmpi sge, %add3A_710, %ge3A_716 : i32
        %convert_element_type3A_718 = arith.extui %ge3A_717 : i1 to i32
        %cond3A_719 = arith.constant 0 : i32
        %cond3A_720 = arith.cmpi ne, %convert_element_type3A_718, %cond3A_719 : i32
        scf.if %cond3A_720 {
          %sub3A_727 = arith.constant 125 : i32
          %sub3A_728 = arith.subi %add3A_710, %sub3A_727 : i32
          %mul3A_729 = arith.constant 125 : i32
          %mul3A_730 = arith.muli %sub3A_728, %mul3A_729 : i32
          %dma_start3A_731 = arith.constant 0 : i32
          %dma_start3A_732 = arith.constant 0 : i32
          %dma_start3A_733 = tpu.memref_slice %arg10[%mul3A_730, %dma_start3A_731, %dma_start3A_732] : memref<31250x2x128xf32, #tpu.memory_space<hbm>> -> memref<125x2x128xf32, #tpu.memory_space<hbm>>
          %dma_start3A_734 = arith.constant 0 : i32
          %dma_start3A_735 = arith.constant 0 : i32
          %dma_start3A_736 = tpu.memref_slice %arg10[%mul3A_730, %dma_start3A_734, %dma_start3A_735] : memref<31250x2x128xf32, #tpu.memory_space<hbm>> -> memref<125x2x128xf32, #tpu.memory_space<hbm>>
          tpu.enqueue_dma source(%arg23 : memref<125x2x128xf32, #tpu.memory_space<vmem>>) target(%dma_start3A_736 : memref<125x2x128xf32, #tpu.memory_space<hbm>>) target_semaphore(%arg27 : memref<!tpu.dma_semaphore, #tpu.memory_space<semaphore_mem>>)
        } else {
        }
        %add3A_721 = arith.constant 2 : i32
        %add3A_722 = arith.addi %add3A_682, %add3A_721 : i32
        %lt3A_723 = arith.cmpi slt, %add3A_722, %select_n3A : i32
        %convert_element_type3A_724 = arith.extui %lt3A_723 : i1 to i32
        %cond3A_725 = arith.constant 0 : i32
        %cond3A_726 = arith.cmpi ne, %convert_element_type3A_724, %cond3A_725 : i32
        scf.if %cond3A_726 {
          %add3A_727 = arith.constant 2 : i32
          %add3A_728 = arith.addi %add3A_682, %add3A_727 : i32
          %mul3A_729 = arith.constant 32 : i32
          %mul3A_730 = arith.muli %add3A_728, %mul3A_729 : i32
          %add3A_731 = arith.addi %add3A, %mul3A_730 : i32
          %lt3A_732 = arith.constant 125 : i32
          %lt3A_733 = arith.cmpi slt, %add3A_731, %lt3A_732 : i32
          %convert_element_type3A_734 = arith.extui %lt3A_733 : i1 to i32
          %cond3A_735 = arith.constant 0 : i32
          %cond3A_736 = arith.cmpi ne, %convert_element_type3A_734, %cond3A_735 : i32
          scf.if %cond3A_736 {
            %mul3A_742 = arith.constant 16000 : i32
            %mul3A_743 = arith.muli %add3A_731, %mul3A_742 : i32
            %dma_start3A_744 = tpu.memref_slice %arg6[%mul3A_743] : memref<2000000xi32, #tpu.memory_space<hbm>> -> memref<16000xi32, #tpu.memory_space<hbm>>
            %dma_start3A_745 = tpu.memref_slice %arg6[%mul3A_743] : memref<2000000xi32, #tpu.memory_space<hbm>> -> memref<16000xi32, #tpu.memory_space<hbm>>
            tpu.enqueue_dma source(%dma_start3A_745 : memref<16000xi32, #tpu.memory_space<hbm>>) target(%arg21 : memref<16000xi32, #tpu.memory_space<vmem>>) target_semaphore(%arg25 : memref<!tpu.dma_semaphore, #tpu.memory_space<semaphore_mem>>)
          } else {
          }
          %ge3A_737 = arith.constant 125 : i32
          %ge3A_738 = arith.cmpi sge, %add3A_731, %ge3A_737 : i32
          %convert_element_type3A_739 = arith.extui %ge3A_738 : i1 to i32
          %cond3A_740 = arith.constant 0 : i32
          %cond3A_741 = arith.cmpi ne, %convert_element_type3A_739, %cond3A_740 : i32
          scf.if %cond3A_741 {
            %sub3A_742 = arith.constant 125 : i32
            %sub3A_743 = arith.subi %add3A_731, %sub3A_742 : i32
            %mul3A_744 = arith.constant 16000 : i32
            %mul3A_745 = arith.muli %sub3A_743, %mul3A_744 : i32
            %dma_start3A_746 = tpu.memref_slice %arg7[%mul3A_745] : memref<4000000xi32, #tpu.memory_space<hbm>> -> memref<16000xi32, #tpu.memory_space<hbm>>
            %dma_start3A_747 = tpu.memref_slice %arg7[%mul3A_745] : memref<4000000xi32, #tpu.memory_space<hbm>> -> memref<16000xi32, #tpu.memory_space<hbm>>
            tpu.enqueue_dma source(%dma_start3A_747 : memref<16000xi32, #tpu.memory_space<hbm>>) target(%arg21 : memref<16000xi32, #tpu.memory_space<vmem>>) target_semaphore(%arg25 : memref<!tpu.dma_semaphore, #tpu.memory_space<semaphore_mem>>)
          } else {
          }
        } else {
        }
      } else {
      }
    }
    %gt3A_69 = arith.constant 0 : i32
    %gt3A_70 = arith.cmpi sgt, %select_n3A, %gt3A_69 : i32
    %convert_element_type3A_71 = arith.extui %gt3A_70 : i1 to i32
    %cond3A_72 = arith.constant 0 : i32
    %cond3A_73 = arith.cmpi ne, %convert_element_type3A_71, %cond3A_72 : i32
    scf.if %cond3A_73 {
      %dma_wait3A_670 = arith.constant 0 : i32
      %dma_wait3A_671 = arith.constant 0 : i32
      %dma_wait3A_672 = arith.constant 0 : i32
      %dma_wait3A_673 = tpu.memref_slice %arg9[%dma_wait3A_670, %dma_wait3A_671, %dma_wait3A_672] : memref<15625x2x128xf32, #tpu.memory_space<hbm>> -> memref<125x2x128xf32, #tpu.memory_space<hbm>>
      %dma_wait3A_674 = arith.constant 0 : i32
      %dma_wait3A_675 = arith.constant 0 : i32
      %dma_wait3A_676 = arith.constant 0 : i32
      %dma_wait3A_677 = tpu.memref_slice %arg9[%dma_wait3A_674, %dma_wait3A_675, %dma_wait3A_676] : memref<15625x2x128xf32, #tpu.memory_space<hbm>> -> memref<125x2x128xf32, #tpu.memory_space<hbm>>
      tpu.wait_dma2 semaphore(%arg26 : memref<!tpu.dma_semaphore, #tpu.memory_space<semaphore_mem>>) src(%arg22 : memref<125x2x128xf32, #tpu.memory_space<vmem>>) dst(%dma_wait3A_677 : memref<125x2x128xf32, #tpu.memory_space<hbm>>)
    } else {
    }
    %gt3A_74 = arith.constant 1 : i32
    %gt3A_75 = arith.cmpi sgt, %select_n3A, %gt3A_74 : i32
    %convert_element_type3A_76 = arith.extui %gt3A_75 : i1 to i32
    %cond3A_77 = arith.constant 0 : i32
    %cond3A_78 = arith.cmpi ne, %convert_element_type3A_76, %cond3A_77 : i32
    scf.if %cond3A_78 {
      %dma_wait3A_670 = arith.constant 0 : i32
      %dma_wait3A_671 = arith.constant 0 : i32
      %dma_wait3A_672 = arith.constant 0 : i32
      %dma_wait3A_673 = tpu.memref_slice %arg9[%dma_wait3A_670, %dma_wait3A_671, %dma_wait3A_672] : memref<15625x2x128xf32, #tpu.memory_space<hbm>> -> memref<125x2x128xf32, #tpu.memory_space<hbm>>
      %dma_wait3A_674 = arith.constant 0 : i32
      %dma_wait3A_675 = arith.constant 0 : i32
      %dma_wait3A_676 = arith.constant 0 : i32
      %dma_wait3A_677 = tpu.memref_slice %arg9[%dma_wait3A_674, %dma_wait3A_675, %dma_wait3A_676] : memref<15625x2x128xf32, #tpu.memory_space<hbm>> -> memref<125x2x128xf32, #tpu.memory_space<hbm>>
      tpu.wait_dma2 semaphore(%arg27 : memref<!tpu.dma_semaphore, #tpu.memory_space<semaphore_mem>>) src(%arg23 : memref<125x2x128xf32, #tpu.memory_space<vmem>>) dst(%dma_wait3A_677 : memref<125x2x128xf32, #tpu.memory_space<hbm>>)
    } else {
    }
    tpu.enqueue_dma source(%arg4 : memref<500xf32, #tpu.memory_space<hbm>>) target(%arg14 : memref<500xf32, #tpu.memory_space<vmem>>) target_semaphore(%arg24 : memref<!tpu.dma_semaphore, #tpu.memory_space<semaphore_mem>>)
    tpu.enqueue_dma source(%arg5 : memref<500xf32, #tpu.memory_space<hbm>>) target(%arg15 : memref<500xf32, #tpu.memory_space<vmem>>) target_semaphore(%arg25 : memref<!tpu.dma_semaphore, #tpu.memory_space<semaphore_mem>>)
    %broadcast_in_dim3A_79 = arith.constant 0 : i32
    %broadcast_in_dim3A_80 = vector.broadcast %broadcast_in_dim3A_79 : i32 to vector<16xi32>
    %swap3A = arith.constant 192 : index
    %swap3A_81 = tpu.vector_load %arg16[%swap3A] {strides = array<i32>} : memref<208xi32, #tpu.memory_space<vmem>>, vector<16xi32>,
    tpu.vector_store %arg16[%swap3A], %broadcast_in_dim3A_80 {strides = array<i32>} : memref<208xi32, #tpu.memory_space<vmem>>, vector<16xi32>,
    %dma_start3A = arith.constant 0 : i32
    %dma_start3A_82 = tpu.memref_slice %arg16[%dma_start3A] : memref<208xi32, #tpu.memory_space<vmem>> -> memref<200xi32, #tpu.memory_space<vmem>>
    %dma_start3A_83 = arith.constant 0 : i32
    %dma_start3A_84 = tpu.memref_slice %arg16[%dma_start3A_83] : memref<208xi32, #tpu.memory_space<vmem>> -> memref<200xi32, #tpu.memory_space<vmem>>
    tpu.enqueue_dma source(%arg8 : memref<200xi32, #tpu.memory_space<hbm>>) target(%dma_start3A_84 : memref<200xi32, #tpu.memory_space<vmem>>) target_semaphore(%arg26 : memref<!tpu.dma_semaphore, #tpu.memory_space<semaphore_mem>>)
    tpu.wait_dma2 semaphore(%arg24 : memref<!tpu.dma_semaphore, #tpu.memory_space<semaphore_mem>>) src(%arg4 : memref<500xf32, #tpu.memory_space<hbm>>) dst(%arg14 : memref<500xf32, #tpu.memory_space<vmem>>)
    tpu.wait_dma2 semaphore(%arg25 : memref<!tpu.dma_semaphore, #tpu.memory_space<semaphore_mem>>) src(%arg5 : memref<500xf32, #tpu.memory_space<hbm>>) dst(%arg15 : memref<500xf32, #tpu.memory_space<vmem>>)
    %dma_wait3A = arith.constant 0 : i32
    %dma_wait3A_85 = tpu.memref_slice %arg16[%dma_wait3A] : memref<208xi32, #tpu.memory_space<vmem>> -> memref<200xi32, #tpu.memory_space<vmem>>
    %dma_wait3A_86 = arith.constant 0 : i32
    %dma_wait3A_87 = tpu.memref_slice %arg16[%dma_wait3A_86] : memref<208xi32, #tpu.memory_space<vmem>> -> memref<200xi32, #tpu.memory_space<vmem>>
    tpu.wait_dma2 semaphore(%arg26 : memref<!tpu.dma_semaphore, #tpu.memory_space<semaphore_mem>>) src(%arg8 : memref<200xi32, #tpu.memory_space<hbm>>) dst(%dma_wait3A_87 : memref<200xi32, #tpu.memory_space<vmem>>)
    %get3A = arith.constant 0 : index
    %get3A_88 = tpu.vector_load %arg16[%get3A] {strides = array<i32>} : memref<208xi32, #tpu.memory_space<vmem>>, vector<16xi32>,
    %gather3A = tpu.vector_load_idx %arg14[%get3A_88] : memref<500xf32, #tpu.memory_space<vmem>>[vector<16xi32>], vector<16xf32>,
    %gather3A_89 = tpu.vector_load_idx %arg15[%get3A_88] : memref<500xf32, #tpu.memory_space<vmem>>[vector<16xi32>], vector<16xf32>,
    %bitcast3A = vector.bitcast %gather3A_89 : vector<16xf32> to vector<16xi32>
    %shift_right_logical3A = arith.constant 1 : i32
    %shift_right_logical3A_90 = vector.broadcast %shift_right_logical3A : i32 to vector<16xi32>
    %shift_right_logical3A_91 = arith.shrui %bitcast3A, %shift_right_logical3A_90 : vector<16xi32>
    %sub3A_92 = arith.constant 1597463007 : i32
    %sub3A_93 = vector.broadcast %sub3A_92 : i32 to vector<16xi32>
    %sub3A_94 = arith.subi %sub3A_93, %shift_right_logical3A_91 : vector<16xi32>
    %bitcast3A_95 = vector.bitcast %sub3A_94 : vector<16xi32> to vector<16xf32>
    %mul3A_96 = arith.constant 5.000000e-01 : f32
    %mul3A_97 = vector.broadcast %mul3A_96 : f32 to vector<16xf32>
    %mul3A_98 = arith.mulf %mul3A_97, %gather3A_89 : vector<16xf32>
    %mul3A_99 = arith.mulf %mul3A_98, %bitcast3A_95 : vector<16xf32>
    %mul3A_100 = arith.mulf %mul3A_99, %bitcast3A_95 : vector<16xf32>
    %sub3A_101 = arith.constant 1.500000e+00 : f32
    %sub3A_102 = vector.broadcast %sub3A_101 : f32 to vector<16xf32>
    %sub3A_103 = arith.subf %sub3A_102, %mul3A_100 : vector<16xf32>
    %mul3A_104 = arith.mulf %bitcast3A_95, %sub3A_103 : vector<16xf32>
    %mul3A_105 = arith.constant 5.000000e-01 : f32
    %mul3A_106 = vector.broadcast %mul3A_105 : f32 to vector<16xf32>
    %mul3A_107 = arith.mulf %mul3A_106, %gather3A_89 : vector<16xf32>
    %mul3A_108 = arith.mulf %mul3A_107, %mul3A_104 : vector<16xf32>
    %mul3A_109 = arith.mulf %mul3A_108, %mul3A_104 : vector<16xf32>
    %sub3A_110 = arith.constant 1.500000e+00 : f32
    %sub3A_111 = vector.broadcast %sub3A_110 : f32 to vector<16xf32>
    %sub3A_112 = arith.subf %sub3A_111, %mul3A_109 : vector<16xf32>
    %mul3A_113 = arith.mulf %mul3A_104, %sub3A_112 : vector<16xf32>
    %mul3A_114 = arith.constant 5.000000e-01 : f32
    %mul3A_115 = vector.broadcast %mul3A_114 : f32 to vector<16xf32>
    %mul3A_116 = arith.mulf %mul3A_115, %gather3A_89 : vector<16xf32>
    %mul3A_117 = arith.mulf %mul3A_116, %mul3A_113 : vector<16xf32>
    %mul3A_118 = arith.mulf %mul3A_117, %mul3A_113 : vector<16xf32>
    %sub3A_119 = arith.constant 1.500000e+00 : f32
    %sub3A_120 = vector.broadcast %sub3A_119 : f32 to vector<16xf32>
    %sub3A_121 = arith.subf %sub3A_120, %mul3A_118 : vector<16xf32>
    %mul3A_122 = arith.mulf %mul3A_113, %sub3A_121 : vector<16xf32>
    %swap3A_123 = arith.constant 0 : index
    %swap3A_124 = tpu.vector_load %arg17[%swap3A_123] {strides = array<i32>} : memref<208xf32, #tpu.memory_space<vmem>>, vector<16xf32>,
    tpu.vector_store %arg17[%swap3A_123], %gather3A {strides = array<i32>} : memref<208xf32, #tpu.memory_space<vmem>>, vector<16xf32>,
    %mul3A_125 = arith.mulf %gather3A_89, %mul3A_122 : vector<16xf32>
    %swap3A_126 = arith.constant 0 : index
    %swap3A_127 = tpu.vector_load %arg18[%swap3A_126] {strides = array<i32>} : memref<208xf32, #tpu.memory_space<vmem>>, vector<16xf32>,
    tpu.vector_store %arg18[%swap3A_126], %mul3A_125 {strides = array<i32>} : memref<208xf32, #tpu.memory_space<vmem>>, vector<16xf32>,
    %get3A_128 = arith.constant 16 : index
    %get3A_129 = tpu.vector_load %arg16[%get3A_128] {strides = array<i32>} : memref<208xi32, #tpu.memory_space<vmem>>, vector<16xi32>,
    %gather3A_130 = tpu.vector_load_idx %arg14[%get3A_129] : memref<500xf32, #tpu.memory_space<vmem>>[vector<16xi32>], vector<16xf32>,
    %gather3A_131 = tpu.vector_load_idx %arg15[%get3A_129] : memref<500xf32, #tpu.memory_space<vmem>>[vector<16xi32>], vector<16xf32>,
    %bitcast3A_132 = vector.bitcast %gather3A_131 : vector<16xf32> to vector<16xi32>
    %shift_right_logical3A_133 = arith.constant 1 : i32
    %shift_right_logical3A_134 = vector.broadcast %shift_right_logical3A_133 : i32 to vector<16xi32>
    %shift_right_logical3A_135 = arith.shrui %bitcast3A_132, %shift_right_logical3A_134 : vector<16xi32>
    %sub3A_136 = arith.constant 1597463007 : i32
    %sub3A_137 = vector.broadcast %sub3A_136 : i32 to vector<16xi32>
    %sub3A_138 = arith.subi %sub3A_137, %shift_right_logical3A_135 : vector<16xi32>
    %bitcast3A_139 = vector.bitcast %sub3A_138 : vector<16xi32> to vector<16xf32>
    %mul3A_140 = arith.constant 5.000000e-01 : f32
    %mul3A_141 = vector.broadcast %mul3A_140 : f32 to vector<16xf32>
    %mul3A_142 = arith.mulf %mul3A_141, %gather3A_131 : vector<16xf32>
    %mul3A_143 = arith.mulf %mul3A_142, %bitcast3A_139 : vector<16xf32>
    %mul3A_144 = arith.mulf %mul3A_143, %bitcast3A_139 : vector<16xf32>
    %sub3A_145 = arith.constant 1.500000e+00 : f32
    %sub3A_146 = vector.broadcast %sub3A_145 : f32 to vector<16xf32>
    %sub3A_147 = arith.subf %sub3A_146, %mul3A_144 : vector<16xf32>
    %mul3A_148 = arith.mulf %bitcast3A_139, %sub3A_147 : vector<16xf32>
    %mul3A_149 = arith.constant 5.000000e-01 : f32
    %mul3A_150 = vector.broadcast %mul3A_149 : f32 to vector<16xf32>
    %mul3A_151 = arith.mulf %mul3A_150, %gather3A_131 : vector<16xf32>
    %mul3A_152 = arith.mulf %mul3A_151, %mul3A_148 : vector<16xf32>
    %mul3A_153 = arith.mulf %mul3A_152, %mul3A_148 : vector<16xf32>
    %sub3A_154 = arith.constant 1.500000e+00 : f32
    %sub3A_155 = vector.broadcast %sub3A_154 : f32 to vector<16xf32>
    %sub3A_156 = arith.subf %sub3A_155, %mul3A_153 : vector<16xf32>
    %mul3A_157 = arith.mulf %mul3A_148, %sub3A_156 : vector<16xf32>
    %mul3A_158 = arith.constant 5.000000e-01 : f32
    %mul3A_159 = vector.broadcast %mul3A_158 : f32 to vector<16xf32>
    %mul3A_160 = arith.mulf %mul3A_159, %gather3A_131 : vector<16xf32>
    %mul3A_161 = arith.mulf %mul3A_160, %mul3A_157 : vector<16xf32>
    %mul3A_162 = arith.mulf %mul3A_161, %mul3A_157 : vector<16xf32>
    %sub3A_163 = arith.constant 1.500000e+00 : f32
    %sub3A_164 = vector.broadcast %sub3A_163 : f32 to vector<16xf32>
    %sub3A_165 = arith.subf %sub3A_164, %mul3A_162 : vector<16xf32>
    %mul3A_166 = arith.mulf %mul3A_157, %sub3A_165 : vector<16xf32>
    %swap3A_167 = arith.constant 16 : index
    %swap3A_168 = tpu.vector_load %arg17[%swap3A_167] {strides = array<i32>} : memref<208xf32, #tpu.memory_space<vmem>>, vector<16xf32>,
    tpu.vector_store %arg17[%swap3A_167], %gather3A_130 {strides = array<i32>} : memref<208xf32, #tpu.memory_space<vmem>>, vector<16xf32>,
    %mul3A_169 = arith.mulf %gather3A_131, %mul3A_166 : vector<16xf32>
    %swap3A_170 = arith.constant 16 : index
    %swap3A_171 = tpu.vector_load %arg18[%swap3A_170] {strides = array<i32>} : memref<208xf32, #tpu.memory_space<vmem>>, vector<16xf32>,
    tpu.vector_store %arg18[%swap3A_170], %mul3A_169 {strides = array<i32>} : memref<208xf32, #tpu.memory_space<vmem>>, vector<16xf32>,
    %get3A_172 = arith.constant 32 : index
    %get3A_173 = tpu.vector_load %arg16[%get3A_172] {strides = array<i32>} : memref<208xi32, #tpu.memory_space<vmem>>, vector<16xi32>,
    %gather3A_174 = tpu.vector_load_idx %arg14[%get3A_173] : memref<500xf32, #tpu.memory_space<vmem>>[vector<16xi32>], vector<16xf32>,
    %gather3A_175 = tpu.vector_load_idx %arg15[%get3A_173] : memref<500xf32, #tpu.memory_space<vmem>>[vector<16xi32>], vector<16xf32>,
    %bitcast3A_176 = vector.bitcast %gather3A_175 : vector<16xf32> to vector<16xi32>
    %shift_right_logical3A_177 = arith.constant 1 : i32
    %shift_right_logical3A_178 = vector.broadcast %shift_right_logical3A_177 : i32 to vector<16xi32>
    %shift_right_logical3A_179 = arith.shrui %bitcast3A_176, %shift_right_logical3A_178 : vector<16xi32>
    %sub3A_180 = arith.constant 1597463007 : i32
    %sub3A_181 = vector.broadcast %sub3A_180 : i32 to vector<16xi32>
    %sub3A_182 = arith.subi %sub3A_181, %shift_right_logical3A_179 : vector<16xi32>
    %bitcast3A_183 = vector.bitcast %sub3A_182 : vector<16xi32> to vector<16xf32>
    %mul3A_184 = arith.constant 5.000000e-01 : f32
    %mul3A_185 = vector.broadcast %mul3A_184 : f32 to vector<16xf32>
    %mul3A_186 = arith.mulf %mul3A_185, %gather3A_175 : vector<16xf32>
    %mul3A_187 = arith.mulf %mul3A_186, %bitcast3A_183 : vector<16xf32>
    %mul3A_188 = arith.mulf %mul3A_187, %bitcast3A_183 : vector<16xf32>
    %sub3A_189 = arith.constant 1.500000e+00 : f32
    %sub3A_190 = vector.broadcast %sub3A_189 : f32 to vector<16xf32>
    %sub3A_191 = arith.subf %sub3A_190, %mul3A_188 : vector<16xf32>
    %mul3A_192 = arith.mulf %bitcast3A_183, %sub3A_191 : vector<16xf32>
    %mul3A_193 = arith.constant 5.000000e-01 : f32
    %mul3A_194 = vector.broadcast %mul3A_193 : f32 to vector<16xf32>
    %mul3A_195 = arith.mulf %mul3A_194, %gather3A_175 : vector<16xf32>
    %mul3A_196 = arith.mulf %mul3A_195, %mul3A_192 : vector<16xf32>
    %mul3A_197 = arith.mulf %mul3A_196, %mul3A_192 : vector<16xf32>
    %sub3A_198 = arith.constant 1.500000e+00 : f32
    %sub3A_199 = vector.broadcast %sub3A_198 : f32 to vector<16xf32>
    %sub3A_200 = arith.subf %sub3A_199, %mul3A_197 : vector<16xf32>
    %mul3A_201 = arith.mulf %mul3A_192, %sub3A_200 : vector<16xf32>
    %mul3A_202 = arith.constant 5.000000e-01 : f32
    %mul3A_203 = vector.broadcast %mul3A_202 : f32 to vector<16xf32>
    %mul3A_204 = arith.mulf %mul3A_203, %gather3A_175 : vector<16xf32>
    %mul3A_205 = arith.mulf %mul3A_204, %mul3A_201 : vector<16xf32>
    %mul3A_206 = arith.mulf %mul3A_205, %mul3A_201 : vector<16xf32>
    %sub3A_207 = arith.constant 1.500000e+00 : f32
    %sub3A_208 = vector.broadcast %sub3A_207 : f32 to vector<16xf32>
    %sub3A_209 = arith.subf %sub3A_208, %mul3A_206 : vector<16xf32>
    %mul3A_210 = arith.mulf %mul3A_201, %sub3A_209 : vector<16xf32>
    %swap3A_211 = arith.constant 32 : index
    %swap3A_212 = tpu.vector_load %arg17[%swap3A_211] {strides = array<i32>} : memref<208xf32, #tpu.memory_space<vmem>>, vector<16xf32>,
    tpu.vector_store %arg17[%swap3A_211], %gather3A_174 {strides = array<i32>} : memref<208xf32, #tpu.memory_space<vmem>>, vector<16xf32>,
    %mul3A_213 = arith.mulf %gather3A_175, %mul3A_210 : vector<16xf32>
    %swap3A_214 = arith.constant 32 : index
    %swap3A_215 = tpu.vector_load %arg18[%swap3A_214] {strides = array<i32>} : memref<208xf32, #tpu.memory_space<vmem>>, vector<16xf32>,
    tpu.vector_store %arg18[%swap3A_214], %mul3A_213 {strides = array<i32>} : memref<208xf32, #tpu.memory_space<vmem>>, vector<16xf32>,
    %get3A_216 = arith.constant 48 : index
    %get3A_217 = tpu.vector_load %arg16[%get3A_216] {strides = array<i32>} : memref<208xi32, #tpu.memory_space<vmem>>, vector<16xi32>,
    %gather3A_218 = tpu.vector_load_idx %arg14[%get3A_217] : memref<500xf32, #tpu.memory_space<vmem>>[vector<16xi32>], vector<16xf32>,
    %gather3A_219 = tpu.vector_load_idx %arg15[%get3A_217] : memref<500xf32, #tpu.memory_space<vmem>>[vector<16xi32>], vector<16xf32>,
    %bitcast3A_220 = vector.bitcast %gather3A_219 : vector<16xf32> to vector<16xi32>
    %shift_right_logical3A_221 = arith.constant 1 : i32
    %shift_right_logical3A_222 = vector.broadcast %shift_right_logical3A_221 : i32 to vector<16xi32>
    %shift_right_logical3A_223 = arith.shrui %bitcast3A_220, %shift_right_logical3A_222 : vector<16xi32>
    %sub3A_224 = arith.constant 1597463007 : i32
    %sub3A_225 = vector.broadcast %sub3A_224 : i32 to vector<16xi32>
    %sub3A_226 = arith.subi %sub3A_225, %shift_right_logical3A_223 : vector<16xi32>
    %bitcast3A_227 = vector.bitcast %sub3A_226 : vector<16xi32> to vector<16xf32>
    %mul3A_228 = arith.constant 5.000000e-01 : f32
    %mul3A_229 = vector.broadcast %mul3A_228 : f32 to vector<16xf32>
    %mul3A_230 = arith.mulf %mul3A_229, %gather3A_219 : vector<16xf32>
    %mul3A_231 = arith.mulf %mul3A_230, %bitcast3A_227 : vector<16xf32>
    %mul3A_232 = arith.mulf %mul3A_231, %bitcast3A_227 : vector<16xf32>
    %sub3A_233 = arith.constant 1.500000e+00 : f32
    %sub3A_234 = vector.broadcast %sub3A_233 : f32 to vector<16xf32>
    %sub3A_235 = arith.subf %sub3A_234, %mul3A_232 : vector<16xf32>
    %mul3A_236 = arith.mulf %bitcast3A_227, %sub3A_235 : vector<16xf32>
    %mul3A_237 = arith.constant 5.000000e-01 : f32
    %mul3A_238 = vector.broadcast %mul3A_237 : f32 to vector<16xf32>
    %mul3A_239 = arith.mulf %mul3A_238, %gather3A_219 : vector<16xf32>
    %mul3A_240 = arith.mulf %mul3A_239, %mul3A_236 : vector<16xf32>
    %mul3A_241 = arith.mulf %mul3A_240, %mul3A_236 : vector<16xf32>
    %sub3A_242 = arith.constant 1.500000e+00 : f32
    %sub3A_243 = vector.broadcast %sub3A_242 : f32 to vector<16xf32>
    %sub3A_244 = arith.subf %sub3A_243, %mul3A_241 : vector<16xf32>
    %mul3A_245 = arith.mulf %mul3A_236, %sub3A_244 : vector<16xf32>
    %mul3A_246 = arith.constant 5.000000e-01 : f32
    %mul3A_247 = vector.broadcast %mul3A_246 : f32 to vector<16xf32>
    %mul3A_248 = arith.mulf %mul3A_247, %gather3A_219 : vector<16xf32>
    %mul3A_249 = arith.mulf %mul3A_248, %mul3A_245 : vector<16xf32>
    %mul3A_250 = arith.mulf %mul3A_249, %mul3A_245 : vector<16xf32>
    %sub3A_251 = arith.constant 1.500000e+00 : f32
    %sub3A_252 = vector.broadcast %sub3A_251 : f32 to vector<16xf32>
    %sub3A_253 = arith.subf %sub3A_252, %mul3A_250 : vector<16xf32>
    %mul3A_254 = arith.mulf %mul3A_245, %sub3A_253 : vector<16xf32>
    %swap3A_255 = arith.constant 48 : index
    %swap3A_256 = tpu.vector_load %arg17[%swap3A_255] {strides = array<i32>} : memref<208xf32, #tpu.memory_space<vmem>>, vector<16xf32>,
    tpu.vector_store %arg17[%swap3A_255], %gather3A_218 {strides = array<i32>} : memref<208xf32, #tpu.memory_space<vmem>>, vector<16xf32>,
    %mul3A_257 = arith.mulf %gather3A_219, %mul3A_254 : vector<16xf32>
    %swap3A_258 = arith.constant 48 : index
    %swap3A_259 = tpu.vector_load %arg18[%swap3A_258] {strides = array<i32>} : memref<208xf32, #tpu.memory_space<vmem>>, vector<16xf32>,
    tpu.vector_store %arg18[%swap3A_258], %mul3A_257 {strides = array<i32>} : memref<208xf32, #tpu.memory_space<vmem>>, vector<16xf32>,
    %get3A_260 = arith.constant 64 : index
    %get3A_261 = tpu.vector_load %arg16[%get3A_260] {strides = array<i32>} : memref<208xi32, #tpu.memory_space<vmem>>, vector<16xi32>,
    %gather3A_262 = tpu.vector_load_idx %arg14[%get3A_261] : memref<500xf32, #tpu.memory_space<vmem>>[vector<16xi32>], vector<16xf32>,
    %gather3A_263 = tpu.vector_load_idx %arg15[%get3A_261] : memref<500xf32, #tpu.memory_space<vmem>>[vector<16xi32>], vector<16xf32>,
    %bitcast3A_264 = vector.bitcast %gather3A_263 : vector<16xf32> to vector<16xi32>
    %shift_right_logical3A_265 = arith.constant 1 : i32
    %shift_right_logical3A_266 = vector.broadcast %shift_right_logical3A_265 : i32 to vector<16xi32>
    %shift_right_logical3A_267 = arith.shrui %bitcast3A_264, %shift_right_logical3A_266 : vector<16xi32>
    %sub3A_268 = arith.constant 1597463007 : i32
    %sub3A_269 = vector.broadcast %sub3A_268 : i32 to vector<16xi32>
    %sub3A_270 = arith.subi %sub3A_269, %shift_right_logical3A_267 : vector<16xi32>
    %bitcast3A_271 = vector.bitcast %sub3A_270 : vector<16xi32> to vector<16xf32>
    %mul3A_272 = arith.constant 5.000000e-01 : f32
    %mul3A_273 = vector.broadcast %mul3A_272 : f32 to vector<16xf32>
    %mul3A_274 = arith.mulf %mul3A_273, %gather3A_263 : vector<16xf32>
    %mul3A_275 = arith.mulf %mul3A_274, %bitcast3A_271 : vector<16xf32>
    %mul3A_276 = arith.mulf %mul3A_275, %bitcast3A_271 : vector<16xf32>
    %sub3A_277 = arith.constant 1.500000e+00 : f32
    %sub3A_278 = vector.broadcast %sub3A_277 : f32 to vector<16xf32>
    %sub3A_279 = arith.subf %sub3A_278, %mul3A_276 : vector<16xf32>
    %mul3A_280 = arith.mulf %bitcast3A_271, %sub3A_279 : vector<16xf32>
    %mul3A_281 = arith.constant 5.000000e-01 : f32
    %mul3A_282 = vector.broadcast %mul3A_281 : f32 to vector<16xf32>
    %mul3A_283 = arith.mulf %mul3A_282, %gather3A_263 : vector<16xf32>
    %mul3A_284 = arith.mulf %mul3A_283, %mul3A_280 : vector<16xf32>
    %mul3A_285 = arith.mulf %mul3A_284, %mul3A_280 : vector<16xf32>
    %sub3A_286 = arith.constant 1.500000e+00 : f32
    %sub3A_287 = vector.broadcast %sub3A_286 : f32 to vector<16xf32>
    %sub3A_288 = arith.subf %sub3A_287, %mul3A_285 : vector<16xf32>
    %mul3A_289 = arith.mulf %mul3A_280, %sub3A_288 : vector<16xf32>
    %mul3A_290 = arith.constant 5.000000e-01 : f32
    %mul3A_291 = vector.broadcast %mul3A_290 : f32 to vector<16xf32>
    %mul3A_292 = arith.mulf %mul3A_291, %gather3A_263 : vector<16xf32>
    %mul3A_293 = arith.mulf %mul3A_292, %mul3A_289 : vector<16xf32>
    %mul3A_294 = arith.mulf %mul3A_293, %mul3A_289 : vector<16xf32>
    %sub3A_295 = arith.constant 1.500000e+00 : f32
    %sub3A_296 = vector.broadcast %sub3A_295 : f32 to vector<16xf32>
    %sub3A_297 = arith.subf %sub3A_296, %mul3A_294 : vector<16xf32>
    %mul3A_298 = arith.mulf %mul3A_289, %sub3A_297 : vector<16xf32>
    %swap3A_299 = arith.constant 64 : index
    %swap3A_300 = tpu.vector_load %arg17[%swap3A_299] {strides = array<i32>} : memref<208xf32, #tpu.memory_space<vmem>>, vector<16xf32>,
    tpu.vector_store %arg17[%swap3A_299], %gather3A_262 {strides = array<i32>} : memref<208xf32, #tpu.memory_space<vmem>>, vector<16xf32>,
    %mul3A_301 = arith.mulf %gather3A_263, %mul3A_298 : vector<16xf32>
    %swap3A_302 = arith.constant 64 : index
    %swap3A_303 = tpu.vector_load %arg18[%swap3A_302] {strides = array<i32>} : memref<208xf32, #tpu.memory_space<vmem>>, vector<16xf32>,
    tpu.vector_store %arg18[%swap3A_302], %mul3A_301 {strides = array<i32>} : memref<208xf32, #tpu.memory_space<vmem>>, vector<16xf32>,
    %get3A_304 = arith.constant 80 : index
    %get3A_305 = tpu.vector_load %arg16[%get3A_304] {strides = array<i32>} : memref<208xi32, #tpu.memory_space<vmem>>, vector<16xi32>,
    %gather3A_306 = tpu.vector_load_idx %arg14[%get3A_305] : memref<500xf32, #tpu.memory_space<vmem>>[vector<16xi32>], vector<16xf32>,
    %gather3A_307 = tpu.vector_load_idx %arg15[%get3A_305] : memref<500xf32, #tpu.memory_space<vmem>>[vector<16xi32>], vector<16xf32>,
    %bitcast3A_308 = vector.bitcast %gather3A_307 : vector<16xf32> to vector<16xi32>
    %shift_right_logical3A_309 = arith.constant 1 : i32
    %shift_right_logical3A_310 = vector.broadcast %shift_right_logical3A_309 : i32 to vector<16xi32>
    %shift_right_logical3A_311 = arith.shrui %bitcast3A_308, %shift_right_logical3A_310 : vector<16xi32>
    %sub3A_312 = arith.constant 1597463007 : i32
    %sub3A_313 = vector.broadcast %sub3A_312 : i32 to vector<16xi32>
    %sub3A_314 = arith.subi %sub3A_313, %shift_right_logical3A_311 : vector<16xi32>
    %bitcast3A_315 = vector.bitcast %sub3A_314 : vector<16xi32> to vector<16xf32>
    %mul3A_316 = arith.constant 5.000000e-01 : f32
    %mul3A_317 = vector.broadcast %mul3A_316 : f32 to vector<16xf32>
    %mul3A_318 = arith.mulf %mul3A_317, %gather3A_307 : vector<16xf32>
    %mul3A_319 = arith.mulf %mul3A_318, %bitcast3A_315 : vector<16xf32>
    %mul3A_320 = arith.mulf %mul3A_319, %bitcast3A_315 : vector<16xf32>
    %sub3A_321 = arith.constant 1.500000e+00 : f32
    %sub3A_322 = vector.broadcast %sub3A_321 : f32 to vector<16xf32>
    %sub3A_323 = arith.subf %sub3A_322, %mul3A_320 : vector<16xf32>
    %mul3A_324 = arith.mulf %bitcast3A_315, %sub3A_323 : vector<16xf32>
    %mul3A_325 = arith.constant 5.000000e-01 : f32
    %mul3A_326 = vector.broadcast %mul3A_325 : f32 to vector<16xf32>
    %mul3A_327 = arith.mulf %mul3A_326, %gather3A_307 : vector<16xf32>
    %mul3A_328 = arith.mulf %mul3A_327, %mul3A_324 : vector<16xf32>
    %mul3A_329 = arith.mulf %mul3A_328, %mul3A_324 : vector<16xf32>
    %sub3A_330 = arith.constant 1.500000e+00 : f32
    %sub3A_331 = vector.broadcast %sub3A_330 : f32 to vector<16xf32>
    %sub3A_332 = arith.subf %sub3A_331, %mul3A_329 : vector<16xf32>
    %mul3A_333 = arith.mulf %mul3A_324, %sub3A_332 : vector<16xf32>
    %mul3A_334 = arith.constant 5.000000e-01 : f32
    %mul3A_335 = vector.broadcast %mul3A_334 : f32 to vector<16xf32>
    %mul3A_336 = arith.mulf %mul3A_335, %gather3A_307 : vector<16xf32>
    %mul3A_337 = arith.mulf %mul3A_336, %mul3A_333 : vector<16xf32>
    %mul3A_338 = arith.mulf %mul3A_337, %mul3A_333 : vector<16xf32>
    %sub3A_339 = arith.constant 1.500000e+00 : f32
    %sub3A_340 = vector.broadcast %sub3A_339 : f32 to vector<16xf32>
    %sub3A_341 = arith.subf %sub3A_340, %mul3A_338 : vector<16xf32>
    %mul3A_342 = arith.mulf %mul3A_333, %sub3A_341 : vector<16xf32>
    %swap3A_343 = arith.constant 80 : index
    %swap3A_344 = tpu.vector_load %arg17[%swap3A_343] {strides = array<i32>} : memref<208xf32, #tpu.memory_space<vmem>>, vector<16xf32>,
    tpu.vector_store %arg17[%swap3A_343], %gather3A_306 {strides = array<i32>} : memref<208xf32, #tpu.memory_space<vmem>>, vector<16xf32>,
    %mul3A_345 = arith.mulf %gather3A_307, %mul3A_342 : vector<16xf32>
    %swap3A_346 = arith.constant 80 : index
    %swap3A_347 = tpu.vector_load %arg18[%swap3A_346] {strides = array<i32>} : memref<208xf32, #tpu.memory_space<vmem>>, vector<16xf32>,
    tpu.vector_store %arg18[%swap3A_346], %mul3A_345 {strides = array<i32>} : memref<208xf32, #tpu.memory_space<vmem>>, vector<16xf32>,
    %get3A_348 = arith.constant 96 : index
    %get3A_349 = tpu.vector_load %arg16[%get3A_348] {strides = array<i32>} : memref<208xi32, #tpu.memory_space<vmem>>, vector<16xi32>,
    %gather3A_350 = tpu.vector_load_idx %arg14[%get3A_349] : memref<500xf32, #tpu.memory_space<vmem>>[vector<16xi32>], vector<16xf32>,
    %gather3A_351 = tpu.vector_load_idx %arg15[%get3A_349] : memref<500xf32, #tpu.memory_space<vmem>>[vector<16xi32>], vector<16xf32>,
    %bitcast3A_352 = vector.bitcast %gather3A_351 : vector<16xf32> to vector<16xi32>
    %shift_right_logical3A_353 = arith.constant 1 : i32
    %shift_right_logical3A_354 = vector.broadcast %shift_right_logical3A_353 : i32 to vector<16xi32>
    %shift_right_logical3A_355 = arith.shrui %bitcast3A_352, %shift_right_logical3A_354 : vector<16xi32>
    %sub3A_356 = arith.constant 1597463007 : i32
    %sub3A_357 = vector.broadcast %sub3A_356 : i32 to vector<16xi32>
    %sub3A_358 = arith.subi %sub3A_357, %shift_right_logical3A_355 : vector<16xi32>
    %bitcast3A_359 = vector.bitcast %sub3A_358 : vector<16xi32> to vector<16xf32>
    %mul3A_360 = arith.constant 5.000000e-01 : f32
    %mul3A_361 = vector.broadcast %mul3A_360 : f32 to vector<16xf32>
    %mul3A_362 = arith.mulf %mul3A_361, %gather3A_351 : vector<16xf32>
    %mul3A_363 = arith.mulf %mul3A_362, %bitcast3A_359 : vector<16xf32>
    %mul3A_364 = arith.mulf %mul3A_363, %bitcast3A_359 : vector<16xf32>
    %sub3A_365 = arith.constant 1.500000e+00 : f32
    %sub3A_366 = vector.broadcast %sub3A_365 : f32 to vector<16xf32>
    %sub3A_367 = arith.subf %sub3A_366, %mul3A_364 : vector<16xf32>
    %mul3A_368 = arith.mulf %bitcast3A_359, %sub3A_367 : vector<16xf32>
    %mul3A_369 = arith.constant 5.000000e-01 : f32
    %mul3A_370 = vector.broadcast %mul3A_369 : f32 to vector<16xf32>
    %mul3A_371 = arith.mulf %mul3A_370, %gather3A_351 : vector<16xf32>
    %mul3A_372 = arith.mulf %mul3A_371, %mul3A_368 : vector<16xf32>
    %mul3A_373 = arith.mulf %mul3A_372, %mul3A_368 : vector<16xf32>
    %sub3A_374 = arith.constant 1.500000e+00 : f32
    %sub3A_375 = vector.broadcast %sub3A_374 : f32 to vector<16xf32>
    %sub3A_376 = arith.subf %sub3A_375, %mul3A_373 : vector<16xf32>
    %mul3A_377 = arith.mulf %mul3A_368, %sub3A_376 : vector<16xf32>
    %mul3A_378 = arith.constant 5.000000e-01 : f32
    %mul3A_379 = vector.broadcast %mul3A_378 : f32 to vector<16xf32>
    %mul3A_380 = arith.mulf %mul3A_379, %gather3A_351 : vector<16xf32>
    %mul3A_381 = arith.mulf %mul3A_380, %mul3A_377 : vector<16xf32>
    %mul3A_382 = arith.mulf %mul3A_381, %mul3A_377 : vector<16xf32>
    %sub3A_383 = arith.constant 1.500000e+00 : f32
    %sub3A_384 = vector.broadcast %sub3A_383 : f32 to vector<16xf32>
    %sub3A_385 = arith.subf %sub3A_384, %mul3A_382 : vector<16xf32>
    %mul3A_386 = arith.mulf %mul3A_377, %sub3A_385 : vector<16xf32>
    %swap3A_387 = arith.constant 96 : index
    %swap3A_388 = tpu.vector_load %arg17[%swap3A_387] {strides = array<i32>} : memref<208xf32, #tpu.memory_space<vmem>>, vector<16xf32>,
    tpu.vector_store %arg17[%swap3A_387], %gather3A_350 {strides = array<i32>} : memref<208xf32, #tpu.memory_space<vmem>>, vector<16xf32>,
    %mul3A_389 = arith.mulf %gather3A_351, %mul3A_386 : vector<16xf32>
    %swap3A_390 = arith.constant 96 : index
    %swap3A_391 = tpu.vector_load %arg18[%swap3A_390] {strides = array<i32>} : memref<208xf32, #tpu.memory_space<vmem>>, vector<16xf32>,
    tpu.vector_store %arg18[%swap3A_390], %mul3A_389 {strides = array<i32>} : memref<208xf32, #tpu.memory_space<vmem>>, vector<16xf32>,
    %get3A_392 = arith.constant 112 : index
    %get3A_393 = tpu.vector_load %arg16[%get3A_392] {strides = array<i32>} : memref<208xi32, #tpu.memory_space<vmem>>, vector<16xi32>,
    %gather3A_394 = tpu.vector_load_idx %arg14[%get3A_393] : memref<500xf32, #tpu.memory_space<vmem>>[vector<16xi32>], vector<16xf32>,
    %gather3A_395 = tpu.vector_load_idx %arg15[%get3A_393] : memref<500xf32, #tpu.memory_space<vmem>>[vector<16xi32>], vector<16xf32>,
    %bitcast3A_396 = vector.bitcast %gather3A_395 : vector<16xf32> to vector<16xi32>
    %shift_right_logical3A_397 = arith.constant 1 : i32
    %shift_right_logical3A_398 = vector.broadcast %shift_right_logical3A_397 : i32 to vector<16xi32>
    %shift_right_logical3A_399 = arith.shrui %bitcast3A_396, %shift_right_logical3A_398 : vector<16xi32>
    %sub3A_400 = arith.constant 1597463007 : i32
    %sub3A_401 = vector.broadcast %sub3A_400 : i32 to vector<16xi32>
    %sub3A_402 = arith.subi %sub3A_401, %shift_right_logical3A_399 : vector<16xi32>
    %bitcast3A_403 = vector.bitcast %sub3A_402 : vector<16xi32> to vector<16xf32>
    %mul3A_404 = arith.constant 5.000000e-01 : f32
    %mul3A_405 = vector.broadcast %mul3A_404 : f32 to vector<16xf32>
    %mul3A_406 = arith.mulf %mul3A_405, %gather3A_395 : vector<16xf32>
    %mul3A_407 = arith.mulf %mul3A_406, %bitcast3A_403 : vector<16xf32>
    %mul3A_408 = arith.mulf %mul3A_407, %bitcast3A_403 : vector<16xf32>
    %sub3A_409 = arith.constant 1.500000e+00 : f32
    %sub3A_410 = vector.broadcast %sub3A_409 : f32 to vector<16xf32>
    %sub3A_411 = arith.subf %sub3A_410, %mul3A_408 : vector<16xf32>
    %mul3A_412 = arith.mulf %bitcast3A_403, %sub3A_411 : vector<16xf32>
    %mul3A_413 = arith.constant 5.000000e-01 : f32
    %mul3A_414 = vector.broadcast %mul3A_413 : f32 to vector<16xf32>
    %mul3A_415 = arith.mulf %mul3A_414, %gather3A_395 : vector<16xf32>
    %mul3A_416 = arith.mulf %mul3A_415, %mul3A_412 : vector<16xf32>
    %mul3A_417 = arith.mulf %mul3A_416, %mul3A_412 : vector<16xf32>
    %sub3A_418 = arith.constant 1.500000e+00 : f32
    %sub3A_419 = vector.broadcast %sub3A_418 : f32 to vector<16xf32>
    %sub3A_420 = arith.subf %sub3A_419, %mul3A_417 : vector<16xf32>
    %mul3A_421 = arith.mulf %mul3A_412, %sub3A_420 : vector<16xf32>
    %mul3A_422 = arith.constant 5.000000e-01 : f32
    %mul3A_423 = vector.broadcast %mul3A_422 : f32 to vector<16xf32>
    %mul3A_424 = arith.mulf %mul3A_423, %gather3A_395 : vector<16xf32>
    %mul3A_425 = arith.mulf %mul3A_424, %mul3A_421 : vector<16xf32>
    %mul3A_426 = arith.mulf %mul3A_425, %mul3A_421 : vector<16xf32>
    %sub3A_427 = arith.constant 1.500000e+00 : f32
    %sub3A_428 = vector.broadcast %sub3A_427 : f32 to vector<16xf32>
    %sub3A_429 = arith.subf %sub3A_428, %mul3A_426 : vector<16xf32>
    %mul3A_430 = arith.mulf %mul3A_421, %sub3A_429 : vector<16xf32>
    %swap3A_431 = arith.constant 112 : index
    %swap3A_432 = tpu.vector_load %arg17[%swap3A_431] {strides = array<i32>} : memref<208xf32, #tpu.memory_space<vmem>>, vector<16xf32>,
    tpu.vector_store %arg17[%swap3A_431], %gather3A_394 {strides = array<i32>} : memref<208xf32, #tpu.memory_space<vmem>>, vector<16xf32>,
    %mul3A_433 = arith.mulf %gather3A_395, %mul3A_430 : vector<16xf32>
    %swap3A_434 = arith.constant 112 : index
    %swap3A_435 = tpu.vector_load %arg18[%swap3A_434] {strides = array<i32>} : memref<208xf32, #tpu.memory_space<vmem>>, vector<16xf32>,
    tpu.vector_store %arg18[%swap3A_434], %mul3A_433 {strides = array<i32>} : memref<208xf32, #tpu.memory_space<vmem>>, vector<16xf32>,
    %get3A_436 = arith.constant 128 : index
    %get3A_437 = tpu.vector_load %arg16[%get3A_436] {strides = array<i32>} : memref<208xi32, #tpu.memory_space<vmem>>, vector<16xi32>,
    %gather3A_438 = tpu.vector_load_idx %arg14[%get3A_437] : memref<500xf32, #tpu.memory_space<vmem>>[vector<16xi32>], vector<16xf32>,
    %gather3A_439 = tpu.vector_load_idx %arg15[%get3A_437] : memref<500xf32, #tpu.memory_space<vmem>>[vector<16xi32>], vector<16xf32>,
    %bitcast3A_440 = vector.bitcast %gather3A_439 : vector<16xf32> to vector<16xi32>
    %shift_right_logical3A_441 = arith.constant 1 : i32
    %shift_right_logical3A_442 = vector.broadcast %shift_right_logical3A_441 : i32 to vector<16xi32>
    %shift_right_logical3A_443 = arith.shrui %bitcast3A_440, %shift_right_logical3A_442 : vector<16xi32>
    %sub3A_444 = arith.constant 1597463007 : i32
    %sub3A_445 = vector.broadcast %sub3A_444 : i32 to vector<16xi32>
    %sub3A_446 = arith.subi %sub3A_445, %shift_right_logical3A_443 : vector<16xi32>
    %bitcast3A_447 = vector.bitcast %sub3A_446 : vector<16xi32> to vector<16xf32>
    %mul3A_448 = arith.constant 5.000000e-01 : f32
    %mul3A_449 = vector.broadcast %mul3A_448 : f32 to vector<16xf32>
    %mul3A_450 = arith.mulf %mul3A_449, %gather3A_439 : vector<16xf32>
    %mul3A_451 = arith.mulf %mul3A_450, %bitcast3A_447 : vector<16xf32>
    %mul3A_452 = arith.mulf %mul3A_451, %bitcast3A_447 : vector<16xf32>
    %sub3A_453 = arith.constant 1.500000e+00 : f32
    %sub3A_454 = vector.broadcast %sub3A_453 : f32 to vector<16xf32>
    %sub3A_455 = arith.subf %sub3A_454, %mul3A_452 : vector<16xf32>
    %mul3A_456 = arith.mulf %bitcast3A_447, %sub3A_455 : vector<16xf32>
    %mul3A_457 = arith.constant 5.000000e-01 : f32
    %mul3A_458 = vector.broadcast %mul3A_457 : f32 to vector<16xf32>
    %mul3A_459 = arith.mulf %mul3A_458, %gather3A_439 : vector<16xf32>
    %mul3A_460 = arith.mulf %mul3A_459, %mul3A_456 : vector<16xf32>
    %mul3A_461 = arith.mulf %mul3A_460, %mul3A_456 : vector<16xf32>
    %sub3A_462 = arith.constant 1.500000e+00 : f32
    %sub3A_463 = vector.broadcast %sub3A_462 : f32 to vector<16xf32>
    %sub3A_464 = arith.subf %sub3A_463, %mul3A_461 : vector<16xf32>
    %mul3A_465 = arith.mulf %mul3A_456, %sub3A_464 : vector<16xf32>
    %mul3A_466 = arith.constant 5.000000e-01 : f32
    %mul3A_467 = vector.broadcast %mul3A_466 : f32 to vector<16xf32>
    %mul3A_468 = arith.mulf %mul3A_467, %gather3A_439 : vector<16xf32>
    %mul3A_469 = arith.mulf %mul3A_468, %mul3A_465 : vector<16xf32>
    %mul3A_470 = arith.mulf %mul3A_469, %mul3A_465 : vector<16xf32>
    %sub3A_471 = arith.constant 1.500000e+00 : f32
    %sub3A_472 = vector.broadcast %sub3A_471 : f32 to vector<16xf32>
    %sub3A_473 = arith.subf %sub3A_472, %mul3A_470 : vector<16xf32>
    %mul3A_474 = arith.mulf %mul3A_465, %sub3A_473 : vector<16xf32>
    %swap3A_475 = arith.constant 128 : index
    %swap3A_476 = tpu.vector_load %arg17[%swap3A_475] {strides = array<i32>} : memref<208xf32, #tpu.memory_space<vmem>>, vector<16xf32>,
    tpu.vector_store %arg17[%swap3A_475], %gather3A_438 {strides = array<i32>} : memref<208xf32, #tpu.memory_space<vmem>>, vector<16xf32>,
    %mul3A_477 = arith.mulf %gather3A_439, %mul3A_474 : vector<16xf32>
    %swap3A_478 = arith.constant 128 : index
    %swap3A_479 = tpu.vector_load %arg18[%swap3A_478] {strides = array<i32>} : memref<208xf32, #tpu.memory_space<vmem>>, vector<16xf32>,
    tpu.vector_store %arg18[%swap3A_478], %mul3A_477 {strides = array<i32>} : memref<208xf32, #tpu.memory_space<vmem>>, vector<16xf32>,
    %get3A_480 = arith.constant 144 : index
    %get3A_481 = tpu.vector_load %arg16[%get3A_480] {strides = array<i32>} : memref<208xi32, #tpu.memory_space<vmem>>, vector<16xi32>,
    %gather3A_482 = tpu.vector_load_idx %arg14[%get3A_481] : memref<500xf32, #tpu.memory_space<vmem>>[vector<16xi32>], vector<16xf32>,
    %gather3A_483 = tpu.vector_load_idx %arg15[%get3A_481] : memref<500xf32, #tpu.memory_space<vmem>>[vector<16xi32>], vector<16xf32>,
    %bitcast3A_484 = vector.bitcast %gather3A_483 : vector<16xf32> to vector<16xi32>
    %shift_right_logical3A_485 = arith.constant 1 : i32
    %shift_right_logical3A_486 = vector.broadcast %shift_right_logical3A_485 : i32 to vector<16xi32>
    %shift_right_logical3A_487 = arith.shrui %bitcast3A_484, %shift_right_logical3A_486 : vector<16xi32>
    %sub3A_488 = arith.constant 1597463007 : i32
    %sub3A_489 = vector.broadcast %sub3A_488 : i32 to vector<16xi32>
    %sub3A_490 = arith.subi %sub3A_489, %shift_right_logical3A_487 : vector<16xi32>
    %bitcast3A_491 = vector.bitcast %sub3A_490 : vector<16xi32> to vector<16xf32>
    %mul3A_492 = arith.constant 5.000000e-01 : f32
    %mul3A_493 = vector.broadcast %mul3A_492 : f32 to vector<16xf32>
    %mul3A_494 = arith.mulf %mul3A_493, %gather3A_483 : vector<16xf32>
    %mul3A_495 = arith.mulf %mul3A_494, %bitcast3A_491 : vector<16xf32>
    %mul3A_496 = arith.mulf %mul3A_495, %bitcast3A_491 : vector<16xf32>
    %sub3A_497 = arith.constant 1.500000e+00 : f32
    %sub3A_498 = vector.broadcast %sub3A_497 : f32 to vector<16xf32>
    %sub3A_499 = arith.subf %sub3A_498, %mul3A_496 : vector<16xf32>
    %mul3A_500 = arith.mulf %bitcast3A_491, %sub3A_499 : vector<16xf32>
    %mul3A_501 = arith.constant 5.000000e-01 : f32
    %mul3A_502 = vector.broadcast %mul3A_501 : f32 to vector<16xf32>
    %mul3A_503 = arith.mulf %mul3A_502, %gather3A_483 : vector<16xf32>
    %mul3A_504 = arith.mulf %mul3A_503, %mul3A_500 : vector<16xf32>
    %mul3A_505 = arith.mulf %mul3A_504, %mul3A_500 : vector<16xf32>
    %sub3A_506 = arith.constant 1.500000e+00 : f32
    %sub3A_507 = vector.broadcast %sub3A_506 : f32 to vector<16xf32>
    %sub3A_508 = arith.subf %sub3A_507, %mul3A_505 : vector<16xf32>
    %mul3A_509 = arith.mulf %mul3A_500, %sub3A_508 : vector<16xf32>
    %mul3A_510 = arith.constant 5.000000e-01 : f32
    %mul3A_511 = vector.broadcast %mul3A_510 : f32 to vector<16xf32>
    %mul3A_512 = arith.mulf %mul3A_511, %gather3A_483 : vector<16xf32>
    %mul3A_513 = arith.mulf %mul3A_512, %mul3A_509 : vector<16xf32>
    %mul3A_514 = arith.mulf %mul3A_513, %mul3A_509 : vector<16xf32>
    %sub3A_515 = arith.constant 1.500000e+00 : f32
    %sub3A_516 = vector.broadcast %sub3A_515 : f32 to vector<16xf32>
    %sub3A_517 = arith.subf %sub3A_516, %mul3A_514 : vector<16xf32>
    %mul3A_518 = arith.mulf %mul3A_509, %sub3A_517 : vector<16xf32>
    %swap3A_519 = arith.constant 144 : index
    %swap3A_520 = tpu.vector_load %arg17[%swap3A_519] {strides = array<i32>} : memref<208xf32, #tpu.memory_space<vmem>>, vector<16xf32>,
    tpu.vector_store %arg17[%swap3A_519], %gather3A_482 {strides = array<i32>} : memref<208xf32, #tpu.memory_space<vmem>>, vector<16xf32>,
    %mul3A_521 = arith.mulf %gather3A_483, %mul3A_518 : vector<16xf32>
    %swap3A_522 = arith.constant 144 : index
    %swap3A_523 = tpu.vector_load %arg18[%swap3A_522] {strides = array<i32>} : memref<208xf32, #tpu.memory_space<vmem>>, vector<16xf32>,
    tpu.vector_store %arg18[%swap3A_522], %mul3A_521 {strides = array<i32>} : memref<208xf32, #tpu.memory_space<vmem>>, vector<16xf32>,
    %get3A_524 = arith.constant 160 : index
    %get3A_525 = tpu.vector_load %arg16[%get3A_524] {strides = array<i32>} : memref<208xi32, #tpu.memory_space<vmem>>, vector<16xi32>,
    %gather3A_526 = tpu.vector_load_idx %arg14[%get3A_525] : memref<500xf32, #tpu.memory_space<vmem>>[vector<16xi32>], vector<16xf32>,
    %gather3A_527 = tpu.vector_load_idx %arg15[%get3A_525] : memref<500xf32, #tpu.memory_space<vmem>>[vector<16xi32>], vector<16xf32>,
    %bitcast3A_528 = vector.bitcast %gather3A_527 : vector<16xf32> to vector<16xi32>
    %shift_right_logical3A_529 = arith.constant 1 : i32
    %shift_right_logical3A_530 = vector.broadcast %shift_right_logical3A_529 : i32 to vector<16xi32>
    %shift_right_logical3A_531 = arith.shrui %bitcast3A_528, %shift_right_logical3A_530 : vector<16xi32>
    %sub3A_532 = arith.constant 1597463007 : i32
    %sub3A_533 = vector.broadcast %sub3A_532 : i32 to vector<16xi32>
    %sub3A_534 = arith.subi %sub3A_533, %shift_right_logical3A_531 : vector<16xi32>
    %bitcast3A_535 = vector.bitcast %sub3A_534 : vector<16xi32> to vector<16xf32>
    %mul3A_536 = arith.constant 5.000000e-01 : f32
    %mul3A_537 = vector.broadcast %mul3A_536 : f32 to vector<16xf32>
    %mul3A_538 = arith.mulf %mul3A_537, %gather3A_527 : vector<16xf32>
    %mul3A_539 = arith.mulf %mul3A_538, %bitcast3A_535 : vector<16xf32>
    %mul3A_540 = arith.mulf %mul3A_539, %bitcast3A_535 : vector<16xf32>
    %sub3A_541 = arith.constant 1.500000e+00 : f32
    %sub3A_542 = vector.broadcast %sub3A_541 : f32 to vector<16xf32>
    %sub3A_543 = arith.subf %sub3A_542, %mul3A_540 : vector<16xf32>
    %mul3A_544 = arith.mulf %bitcast3A_535, %sub3A_543 : vector<16xf32>
    %mul3A_545 = arith.constant 5.000000e-01 : f32
    %mul3A_546 = vector.broadcast %mul3A_545 : f32 to vector<16xf32>
    %mul3A_547 = arith.mulf %mul3A_546, %gather3A_527 : vector<16xf32>
    %mul3A_548 = arith.mulf %mul3A_547, %mul3A_544 : vector<16xf32>
    %mul3A_549 = arith.mulf %mul3A_548, %mul3A_544 : vector<16xf32>
    %sub3A_550 = arith.constant 1.500000e+00 : f32
    %sub3A_551 = vector.broadcast %sub3A_550 : f32 to vector<16xf32>
    %sub3A_552 = arith.subf %sub3A_551, %mul3A_549 : vector<16xf32>
    %mul3A_553 = arith.mulf %mul3A_544, %sub3A_552 : vector<16xf32>
    %mul3A_554 = arith.constant 5.000000e-01 : f32
    %mul3A_555 = vector.broadcast %mul3A_554 : f32 to vector<16xf32>
    %mul3A_556 = arith.mulf %mul3A_555, %gather3A_527 : vector<16xf32>
    %mul3A_557 = arith.mulf %mul3A_556, %mul3A_553 : vector<16xf32>
    %mul3A_558 = arith.mulf %mul3A_557, %mul3A_553 : vector<16xf32>
    %sub3A_559 = arith.constant 1.500000e+00 : f32
    %sub3A_560 = vector.broadcast %sub3A_559 : f32 to vector<16xf32>
    %sub3A_561 = arith.subf %sub3A_560, %mul3A_558 : vector<16xf32>
    %mul3A_562 = arith.mulf %mul3A_553, %sub3A_561 : vector<16xf32>
    %swap3A_563 = arith.constant 160 : index
    %swap3A_564 = tpu.vector_load %arg17[%swap3A_563] {strides = array<i32>} : memref<208xf32, #tpu.memory_space<vmem>>, vector<16xf32>,
    tpu.vector_store %arg17[%swap3A_563], %gather3A_526 {strides = array<i32>} : memref<208xf32, #tpu.memory_space<vmem>>, vector<16xf32>,
    %mul3A_565 = arith.mulf %gather3A_527, %mul3A_562 : vector<16xf32>
    %swap3A_566 = arith.constant 160 : index
    %swap3A_567 = tpu.vector_load %arg18[%swap3A_566] {strides = array<i32>} : memref<208xf32, #tpu.memory_space<vmem>>, vector<16xf32>,
    tpu.vector_store %arg18[%swap3A_566], %mul3A_565 {strides = array<i32>} : memref<208xf32, #tpu.memory_space<vmem>>, vector<16xf32>,
    %get3A_568 = arith.constant 176 : index
    %get3A_569 = tpu.vector_load %arg16[%get3A_568] {strides = array<i32>} : memref<208xi32, #tpu.memory_space<vmem>>, vector<16xi32>,
    %gather3A_570 = tpu.vector_load_idx %arg14[%get3A_569] : memref<500xf32, #tpu.memory_space<vmem>>[vector<16xi32>], vector<16xf32>,
    %gather3A_571 = tpu.vector_load_idx %arg15[%get3A_569] : memref<500xf32, #tpu.memory_space<vmem>>[vector<16xi32>], vector<16xf32>,
    %bitcast3A_572 = vector.bitcast %gather3A_571 : vector<16xf32> to vector<16xi32>
    %shift_right_logical3A_573 = arith.constant 1 : i32
    %shift_right_logical3A_574 = vector.broadcast %shift_right_logical3A_573 : i32 to vector<16xi32>
    %shift_right_logical3A_575 = arith.shrui %bitcast3A_572, %shift_right_logical3A_574 : vector<16xi32>
    %sub3A_576 = arith.constant 1597463007 : i32
    %sub3A_577 = vector.broadcast %sub3A_576 : i32 to vector<16xi32>
    %sub3A_578 = arith.subi %sub3A_577, %shift_right_logical3A_575 : vector<16xi32>
    %bitcast3A_579 = vector.bitcast %sub3A_578 : vector<16xi32> to vector<16xf32>
    %mul3A_580 = arith.constant 5.000000e-01 : f32
    %mul3A_581 = vector.broadcast %mul3A_580 : f32 to vector<16xf32>
    %mul3A_582 = arith.mulf %mul3A_581, %gather3A_571 : vector<16xf32>
    %mul3A_583 = arith.mulf %mul3A_582, %bitcast3A_579 : vector<16xf32>
    %mul3A_584 = arith.mulf %mul3A_583, %bitcast3A_579 : vector<16xf32>
    %sub3A_585 = arith.constant 1.500000e+00 : f32
    %sub3A_586 = vector.broadcast %sub3A_585 : f32 to vector<16xf32>
    %sub3A_587 = arith.subf %sub3A_586, %mul3A_584 : vector<16xf32>
    %mul3A_588 = arith.mulf %bitcast3A_579, %sub3A_587 : vector<16xf32>
    %mul3A_589 = arith.constant 5.000000e-01 : f32
    %mul3A_590 = vector.broadcast %mul3A_589 : f32 to vector<16xf32>
    %mul3A_591 = arith.mulf %mul3A_590, %gather3A_571 : vector<16xf32>
    %mul3A_592 = arith.mulf %mul3A_591, %mul3A_588 : vector<16xf32>
    %mul3A_593 = arith.mulf %mul3A_592, %mul3A_588 : vector<16xf32>
    %sub3A_594 = arith.constant 1.500000e+00 : f32
    %sub3A_595 = vector.broadcast %sub3A_594 : f32 to vector<16xf32>
    %sub3A_596 = arith.subf %sub3A_595, %mul3A_593 : vector<16xf32>
    %mul3A_597 = arith.mulf %mul3A_588, %sub3A_596 : vector<16xf32>
    %mul3A_598 = arith.constant 5.000000e-01 : f32
    %mul3A_599 = vector.broadcast %mul3A_598 : f32 to vector<16xf32>
    %mul3A_600 = arith.mulf %mul3A_599, %gather3A_571 : vector<16xf32>
    %mul3A_601 = arith.mulf %mul3A_600, %mul3A_597 : vector<16xf32>
    %mul3A_602 = arith.mulf %mul3A_601, %mul3A_597 : vector<16xf32>
    %sub3A_603 = arith.constant 1.500000e+00 : f32
    %sub3A_604 = vector.broadcast %sub3A_603 : f32 to vector<16xf32>
    %sub3A_605 = arith.subf %sub3A_604, %mul3A_602 : vector<16xf32>
    %mul3A_606 = arith.mulf %mul3A_597, %sub3A_605 : vector<16xf32>
    %swap3A_607 = arith.constant 176 : index
    %swap3A_608 = tpu.vector_load %arg17[%swap3A_607] {strides = array<i32>} : memref<208xf32, #tpu.memory_space<vmem>>, vector<16xf32>,
    tpu.vector_store %arg17[%swap3A_607], %gather3A_570 {strides = array<i32>} : memref<208xf32, #tpu.memory_space<vmem>>, vector<16xf32>,
    %mul3A_609 = arith.mulf %gather3A_571, %mul3A_606 : vector<16xf32>
    %swap3A_610 = arith.constant 176 : index
    %swap3A_611 = tpu.vector_load %arg18[%swap3A_610] {strides = array<i32>} : memref<208xf32, #tpu.memory_space<vmem>>, vector<16xf32>,
    tpu.vector_store %arg18[%swap3A_610], %mul3A_609 {strides = array<i32>} : memref<208xf32, #tpu.memory_space<vmem>>, vector<16xf32>,
    %get3A_612 = arith.constant 192 : index
    %get3A_613 = tpu.vector_load %arg16[%get3A_612] {strides = array<i32>} : memref<208xi32, #tpu.memory_space<vmem>>, vector<16xi32>,
    %gather3A_614 = tpu.vector_load_idx %arg14[%get3A_613] : memref<500xf32, #tpu.memory_space<vmem>>[vector<16xi32>], vector<16xf32>,
    %gather3A_615 = tpu.vector_load_idx %arg15[%get3A_613] : memref<500xf32, #tpu.memory_space<vmem>>[vector<16xi32>], vector<16xf32>,
    %bitcast3A_616 = vector.bitcast %gather3A_615 : vector<16xf32> to vector<16xi32>
    %shift_right_logical3A_617 = arith.constant 1 : i32
    %shift_right_logical3A_618 = vector.broadcast %shift_right_logical3A_617 : i32 to vector<16xi32>
    %shift_right_logical3A_619 = arith.shrui %bitcast3A_616, %shift_right_logical3A_618 : vector<16xi32>
    %sub3A_620 = arith.constant 1597463007 : i32
    %sub3A_621 = vector.broadcast %sub3A_620 : i32 to vector<16xi32>
    %sub3A_622 = arith.subi %sub3A_621, %shift_right_logical3A_619 : vector<16xi32>
    %bitcast3A_623 = vector.bitcast %sub3A_622 : vector<16xi32> to vector<16xf32>
    %mul3A_624 = arith.constant 5.000000e-01 : f32
    %mul3A_625 = vector.broadcast %mul3A_624 : f32 to vector<16xf32>
    %mul3A_626 = arith.mulf %mul3A_625, %gather3A_615 : vector<16xf32>
    %mul3A_627 = arith.mulf %mul3A_626, %bitcast3A_623 : vector<16xf32>
    %mul3A_628 = arith.mulf %mul3A_627, %bitcast3A_623 : vector<16xf32>
    %sub3A_629 = arith.constant 1.500000e+00 : f32
    %sub3A_630 = vector.broadcast %sub3A_629 : f32 to vector<16xf32>
    %sub3A_631 = arith.subf %sub3A_630, %mul3A_628 : vector<16xf32>
    %mul3A_632 = arith.mulf %bitcast3A_623, %sub3A_631 : vector<16xf32>
    %mul3A_633 = arith.constant 5.000000e-01 : f32
    %mul3A_634 = vector.broadcast %mul3A_633 : f32 to vector<16xf32>
    %mul3A_635 = arith.mulf %mul3A_634, %gather3A_615 : vector<16xf32>
    %mul3A_636 = arith.mulf %mul3A_635, %mul3A_632 : vector<16xf32>
    %mul3A_637 = arith.mulf %mul3A_636, %mul3A_632 : vector<16xf32>
    %sub3A_638 = arith.constant 1.500000e+00 : f32
    %sub3A_639 = vector.broadcast %sub3A_638 : f32 to vector<16xf32>
    %sub3A_640 = arith.subf %sub3A_639, %mul3A_637 : vector<16xf32>
    %mul3A_641 = arith.mulf %mul3A_632, %sub3A_640 : vector<16xf32>
    %mul3A_642 = arith.constant 5.000000e-01 : f32
    %mul3A_643 = vector.broadcast %mul3A_642 : f32 to vector<16xf32>
    %mul3A_644 = arith.mulf %mul3A_643, %gather3A_615 : vector<16xf32>
    %mul3A_645 = arith.mulf %mul3A_644, %mul3A_641 : vector<16xf32>
    %mul3A_646 = arith.mulf %mul3A_645, %mul3A_641 : vector<16xf32>
    %sub3A_647 = arith.constant 1.500000e+00 : f32
    %sub3A_648 = vector.broadcast %sub3A_647 : f32 to vector<16xf32>
    %sub3A_649 = arith.subf %sub3A_648, %mul3A_646 : vector<16xf32>
    %mul3A_650 = arith.mulf %mul3A_641, %sub3A_649 : vector<16xf32>
    %swap3A_651 = arith.constant 192 : index
    %swap3A_652 = tpu.vector_load %arg17[%swap3A_651] {strides = array<i32>} : memref<208xf32, #tpu.memory_space<vmem>>, vector<16xf32>,
    tpu.vector_store %arg17[%swap3A_651], %gather3A_614 {strides = array<i32>} : memref<208xf32, #tpu.memory_space<vmem>>, vector<16xf32>,
    %mul3A_653 = arith.mulf %gather3A_615, %mul3A_650 : vector<16xf32>
    %swap3A_654 = arith.constant 192 : index
    %swap3A_655 = tpu.vector_load %arg18[%swap3A_654] {strides = array<i32>} : memref<208xf32, #tpu.memory_space<vmem>>, vector<16xf32>,
    tpu.vector_store %arg18[%swap3A_654], %mul3A_653 {strides = array<i32>} : memref<208xf32, #tpu.memory_space<vmem>>, vector<16xf32>,
    %lt3A = arith.constant 8 : i32
    %lt3A_656 = arith.cmpi slt, %add3A, %lt3A : i32
    %jit3A_657 = arith.constant 7 : i32
    %jit3A_658 = arith.constant 6 : i32
    %select_n3A_659 = arith.select %lt3A_656, %jit3A_657, %jit3A_658 : i32
    %while3A_660 = arith.constant 0 : i32
    %while3A_661 = arith.constant 0 : i32
    %while3A_662 = arith.subi %select_n3A_659, %while3A_661 : i32
    %while3A_663 = arith.addi %while3A_661, %while3A_662 : i32
    %while3A_664 = arith.constant 1 : i32
    %while3A_665 = arith.divsi %while3A_662, %while3A_664 : i32
    %while3A_666 = arith.muli %while3A_665, %while3A_664 : i32
    %while3A_667 = arith.addi %while3A_661, %while3A_666 : i32
    %while3A_668 = arith.constant 1 : i32
    scf.for %while3A_670 = %while3A_661 to %while3A_667 step %while3A_668  : i32 {
      %mul3A_671 = arith.constant 32 : i32
      %mul3A_672 = arith.muli %while3A_670, %mul3A_671 : i32
      %add3A_673 = arith.addi %add3A, %mul3A_672 : i32
      %add3A_674 = vector.broadcast %add3A_673 : i32 to vector<16xi32>
      %add3A_675 = arith.addi %broadcast_in_dim3A_1, %add3A_674 : vector<16xi32>
      %gather3A_676 = tpu.vector_load_idx %arg17[%add3A_675] : memref<208xf32, #tpu.memory_space<vmem>>[vector<16xi32>], vector<16xf32>,
      %gather3A_677 = tpu.vector_load_idx %arg18[%add3A_675] : memref<208xf32, #tpu.memory_space<vmem>>[vector<16xi32>], vector<16xf32>,
      %get3A_678 = arith.constant 0 : index
      %get3A_679 = tpu.vector_load %arg17[%get3A_678] {strides = array<i32>} : memref<208xf32, #tpu.memory_space<vmem>>, vector<16xf32>,
      %get3A_680 = arith.constant 0 : index
      %get3A_681 = tpu.vector_load %arg18[%get3A_680] {strides = array<i32>} : memref<208xf32, #tpu.memory_space<vmem>>, vector<16xf32>,
      %add3A_682 = arith.addf %gather3A_676, %get3A_679 : vector<16xf32>
      %mul3A_683 = arith.constant 5.000000e-01 : f32
      %mul3A_684 = vector.broadcast %mul3A_683 : f32 to vector<16xf32>
      %mul3A_685 = arith.mulf %mul3A_684, %add3A_682 : vector<16xf32>
      %mul3A_686 = arith.mulf %mul3A_685, %mul3A_685 : vector<16xf32>
      %mul3A_687 = arith.mulf %mul3A_686, %mul3A_686 : vector<16xf32>
      %mul3A_688 = arith.mulf %mul3A_687, %mul3A_686 : vector<16xf32>
      %mul3A_689 = arith.constant 4.000000e+00 : f32
      %mul3A_690 = vector.broadcast %mul3A_689 : f32 to vector<16xf32>
      %mul3A_691 = arith.mulf %mul3A_690, %mul3A_688 : vector<16xf32>
      %mul3A_692 = arith.mulf %gather3A_677, %get3A_681 : vector<16xf32>
      %mul3A_693 = arith.mulf %mul3A_691, %mul3A_692 : vector<16xf32>
      %swap3A_694 = arith.constant 0 : index
      %swap3A_695 = tpu.vector_load %arg19[%swap3A_694] {strides = array<i32>} : memref<208xf32, #tpu.memory_space<vmem>>, vector<16xf32>,
      tpu.vector_store %arg19[%swap3A_694], %mul3A_693 {strides = array<i32>} : memref<208xf32, #tpu.memory_space<vmem>>, vector<16xf32>,
      %get3A_696 = arith.constant 16 : index
      %get3A_697 = tpu.vector_load %arg17[%get3A_696] {strides = array<i32>} : memref<208xf32, #tpu.memory_space<vmem>>, vector<16xf32>,
      %get3A_698 = arith.constant 16 : index
      %get3A_699 = tpu.vector_load %arg18[%get3A_698] {strides = array<i32>} : memref<208xf32, #tpu.memory_space<vmem>>, vector<16xf32>,
      %add3A_700 = arith.addf %gather3A_676, %get3A_697 : vector<16xf32>
      %mul3A_701 = arith.constant 5.000000e-01 : f32
      %mul3A_702 = vector.broadcast %mul3A_701 : f32 to vector<16xf32>
      %mul3A_703 = arith.mulf %mul3A_702, %add3A_700 : vector<16xf32>
      %mul3A_704 = arith.mulf %mul3A_703, %mul3A_703 : vector<16xf32>
      %mul3A_705 = arith.mulf %mul3A_704, %mul3A_704 : vector<16xf32>
      %mul3A_706 = arith.mulf %mul3A_705, %mul3A_704 : vector<16xf32>
      %mul3A_707 = arith.constant 4.000000e+00 : f32
      %mul3A_708 = vector.broadcast %mul3A_707 : f32 to vector<16xf32>
      %mul3A_709 = arith.mulf %mul3A_708, %mul3A_706 : vector<16xf32>
      %mul3A_710 = arith.mulf %gather3A_677, %get3A_699 : vector<16xf32>
      %mul3A_711 = arith.mulf %mul3A_709, %mul3A_710 : vector<16xf32>
      %swap3A_712 = arith.constant 16 : index
      %swap3A_713 = tpu.vector_load %arg19[%swap3A_712] {strides = array<i32>} : memref<208xf32, #tpu.memory_space<vmem>>, vector<16xf32>,
      tpu.vector_store %arg19[%swap3A_712], %mul3A_711 {strides = array<i32>} : memref<208xf32, #tpu.memory_space<vmem>>, vector<16xf32>,
      %get3A_714 = arith.constant 32 : index
      %get3A_715 = tpu.vector_load %arg17[%get3A_714] {strides = array<i32>} : memref<208xf32, #tpu.memory_space<vmem>>, vector<16xf32>,
      %get3A_716 = arith.constant 32 : index
      %get3A_717 = tpu.vector_load %arg18[%get3A_716] {strides = array<i32>} : memref<208xf32, #tpu.memory_space<vmem>>, vector<16xf32>,
      %add3A_718 = arith.addf %gather3A_676, %get3A_715 : vector<16xf32>
      %mul3A_719 = arith.constant 5.000000e-01 : f32
      %mul3A_720 = vector.broadcast %mul3A_719 : f32 to vector<16xf32>
      %mul3A_721 = arith.mulf %mul3A_720, %add3A_718 : vector<16xf32>
      %mul3A_722 = arith.mulf %mul3A_721, %mul3A_721 : vector<16xf32>
      %mul3A_723 = arith.mulf %mul3A_722, %mul3A_722 : vector<16xf32>
      %mul3A_724 = arith.mulf %mul3A_723, %mul3A_722 : vector<16xf32>
      %mul3A_725 = arith.constant 4.000000e+00 : f32
      %mul3A_726 = vector.broadcast %mul3A_725 : f32 to vector<16xf32>
      %mul3A_727 = arith.mulf %mul3A_726, %mul3A_724 : vector<16xf32>
      %mul3A_728 = arith.mulf %gather3A_677, %get3A_717 : vector<16xf32>
      %mul3A_729 = arith.mulf %mul3A_727, %mul3A_728 : vector<16xf32>
      %swap3A_730 = arith.constant 32 : index
      %swap3A_731 = tpu.vector_load %arg19[%swap3A_730] {strides = array<i32>} : memref<208xf32, #tpu.memory_space<vmem>>, vector<16xf32>,
      tpu.vector_store %arg19[%swap3A_730], %mul3A_729 {strides = array<i32>} : memref<208xf32, #tpu.memory_space<vmem>>, vector<16xf32>,
      %get3A_732 = arith.constant 48 : index
      %get3A_733 = tpu.vector_load %arg17[%get3A_732] {strides = array<i32>} : memref<208xf32, #tpu.memory_space<vmem>>, vector<16xf32>,
      %get3A_734 = arith.constant 48 : index
      %get3A_735 = tpu.vector_load %arg18[%get3A_734] {strides = array<i32>} : memref<208xf32, #tpu.memory_space<vmem>>, vector<16xf32>,
      %add3A_736 = arith.addf %gather3A_676, %get3A_733 : vector<16xf32>
      %mul3A_737 = arith.constant 5.000000e-01 : f32
      %mul3A_738 = vector.broadcast %mul3A_737 : f32 to vector<16xf32>
      %mul3A_739 = arith.mulf %mul3A_738, %add3A_736 : vector<16xf32>
      %mul3A_740 = arith.mulf %mul3A_739, %mul3A_739 : vector<16xf32>
      %mul3A_741 = arith.mulf %mul3A_740, %mul3A_740 : vector<16xf32>
      %mul3A_742 = arith.mulf %mul3A_741, %mul3A_740 : vector<16xf32>
      %mul3A_743 = arith.constant 4.000000e+00 : f32
      %mul3A_744 = vector.broadcast %mul3A_743 : f32 to vector<16xf32>
      %mul3A_745 = arith.mulf %mul3A_744, %mul3A_742 : vector<16xf32>
      %mul3A_746 = arith.mulf %gather3A_677, %get3A_735 : vector<16xf32>
      %mul3A_747 = arith.mulf %mul3A_745, %mul3A_746 : vector<16xf32>
      %swap3A_748 = arith.constant 48 : index
      %swap3A_749 = tpu.vector_load %arg19[%swap3A_748] {strides = array<i32>} : memref<208xf32, #tpu.memory_space<vmem>>, vector<16xf32>,
      tpu.vector_store %arg19[%swap3A_748], %mul3A_747 {strides = array<i32>} : memref<208xf32, #tpu.memory_space<vmem>>, vector<16xf32>,
      %get3A_750 = arith.constant 64 : index
      %get3A_751 = tpu.vector_load %arg17[%get3A_750] {strides = array<i32>} : memref<208xf32, #tpu.memory_space<vmem>>, vector<16xf32>,
      %get3A_752 = arith.constant 64 : index
      %get3A_753 = tpu.vector_load %arg18[%get3A_752] {strides = array<i32>} : memref<208xf32, #tpu.memory_space<vmem>>, vector<16xf32>,
      %add3A_754 = arith.addf %gather3A_676, %get3A_751 : vector<16xf32>
      %mul3A_755 = arith.constant 5.000000e-01 : f32
      %mul3A_756 = vector.broadcast %mul3A_755 : f32 to vector<16xf32>
      %mul3A_757 = arith.mulf %mul3A_756, %add3A_754 : vector<16xf32>
      %mul3A_758 = arith.mulf %mul3A_757, %mul3A_757 : vector<16xf32>
      %mul3A_759 = arith.mulf %mul3A_758, %mul3A_758 : vector<16xf32>
      %mul3A_760 = arith.mulf %mul3A_759, %mul3A_758 : vector<16xf32>
      %mul3A_761 = arith.constant 4.000000e+00 : f32
      %mul3A_762 = vector.broadcast %mul3A_761 : f32 to vector<16xf32>
      %mul3A_763 = arith.mulf %mul3A_762, %mul3A_760 : vector<16xf32>
      %mul3A_764 = arith.mulf %gather3A_677, %get3A_753 : vector<16xf32>
      %mul3A_765 = arith.mulf %mul3A_763, %mul3A_764 : vector<16xf32>
      %swap3A_766 = arith.constant 64 : index
      %swap3A_767 = tpu.vector_load %arg19[%swap3A_766] {strides = array<i32>} : memref<208xf32, #tpu.memory_space<vmem>>, vector<16xf32>,
      tpu.vector_store %arg19[%swap3A_766], %mul3A_765 {strides = array<i32>} : memref<208xf32, #tpu.memory_space<vmem>>, vector<16xf32>,
      %get3A_768 = arith.constant 80 : index
      %get3A_769 = tpu.vector_load %arg17[%get3A_768] {strides = array<i32>} : memref<208xf32, #tpu.memory_space<vmem>>, vector<16xf32>,
      %get3A_770 = arith.constant 80 : index
      %get3A_771 = tpu.vector_load %arg18[%get3A_770] {strides = array<i32>} : memref<208xf32, #tpu.memory_space<vmem>>, vector<16xf32>,
      %add3A_772 = arith.addf %gather3A_676, %get3A_769 : vector<16xf32>
      %mul3A_773 = arith.constant 5.000000e-01 : f32
      %mul3A_774 = vector.broadcast %mul3A_773 : f32 to vector<16xf32>
      %mul3A_775 = arith.mulf %mul3A_774, %add3A_772 : vector<16xf32>
      %mul3A_776 = arith.mulf %mul3A_775, %mul3A_775 : vector<16xf32>
      %mul3A_777 = arith.mulf %mul3A_776, %mul3A_776 : vector<16xf32>
      %mul3A_778 = arith.mulf %mul3A_777, %mul3A_776 : vector<16xf32>
      %mul3A_779 = arith.constant 4.000000e+00 : f32
      %mul3A_780 = vector.broadcast %mul3A_779 : f32 to vector<16xf32>
      %mul3A_781 = arith.mulf %mul3A_780, %mul3A_778 : vector<16xf32>
      %mul3A_782 = arith.mulf %gather3A_677, %get3A_771 : vector<16xf32>
      %mul3A_783 = arith.mulf %mul3A_781, %mul3A_782 : vector<16xf32>
      %swap3A_784 = arith.constant 80 : index
      %swap3A_785 = tpu.vector_load %arg19[%swap3A_784] {strides = array<i32>} : memref<208xf32, #tpu.memory_space<vmem>>, vector<16xf32>,
      tpu.vector_store %arg19[%swap3A_784], %mul3A_783 {strides = array<i32>} : memref<208xf32, #tpu.memory_space<vmem>>, vector<16xf32>,
      %get3A_786 = arith.constant 96 : index
      %get3A_787 = tpu.vector_load %arg17[%get3A_786] {strides = array<i32>} : memref<208xf32, #tpu.memory_space<vmem>>, vector<16xf32>,
      %get3A_788 = arith.constant 96 : index
      %get3A_789 = tpu.vector_load %arg18[%get3A_788] {strides = array<i32>} : memref<208xf32, #tpu.memory_space<vmem>>, vector<16xf32>,
      %add3A_790 = arith.addf %gather3A_676, %get3A_787 : vector<16xf32>
      %mul3A_791 = arith.constant 5.000000e-01 : f32
      %mul3A_792 = vector.broadcast %mul3A_791 : f32 to vector<16xf32>
      %mul3A_793 = arith.mulf %mul3A_792, %add3A_790 : vector<16xf32>
      %mul3A_794 = arith.mulf %mul3A_793, %mul3A_793 : vector<16xf32>
      %mul3A_795 = arith.mulf %mul3A_794, %mul3A_794 : vector<16xf32>
      %mul3A_796 = arith.mulf %mul3A_795, %mul3A_794 : vector<16xf32>
      %mul3A_797 = arith.constant 4.000000e+00 : f32
      %mul3A_798 = vector.broadcast %mul3A_797 : f32 to vector<16xf32>
      %mul3A_799 = arith.mulf %mul3A_798, %mul3A_796 : vector<16xf32>
      %mul3A_800 = arith.mulf %gather3A_677, %get3A_789 : vector<16xf32>
      %mul3A_801 = arith.mulf %mul3A_799, %mul3A_800 : vector<16xf32>
      %swap3A_802 = arith.constant 96 : index
      %swap3A_803 = tpu.vector_load %arg19[%swap3A_802] {strides = array<i32>} : memref<208xf32, #tpu.memory_space<vmem>>, vector<16xf32>,
      tpu.vector_store %arg19[%swap3A_802], %mul3A_801 {strides = array<i32>} : memref<208xf32, #tpu.memory_space<vmem>>, vector<16xf32>,
      %get3A_804 = arith.constant 112 : index
      %get3A_805 = tpu.vector_load %arg17[%get3A_804] {strides = array<i32>} : memref<208xf32, #tpu.memory_space<vmem>>, vector<16xf32>,
      %get3A_806 = arith.constant 112 : index
      %get3A_807 = tpu.vector_load %arg18[%get3A_806] {strides = array<i32>} : memref<208xf32, #tpu.memory_space<vmem>>, vector<16xf32>,
      %add3A_808 = arith.addf %gather3A_676, %get3A_805 : vector<16xf32>
      %mul3A_809 = arith.constant 5.000000e-01 : f32
      %mul3A_810 = vector.broadcast %mul3A_809 : f32 to vector<16xf32>
      %mul3A_811 = arith.mulf %mul3A_810, %add3A_808 : vector<16xf32>
      %mul3A_812 = arith.mulf %mul3A_811, %mul3A_811 : vector<16xf32>
      %mul3A_813 = arith.mulf %mul3A_812, %mul3A_812 : vector<16xf32>
      %mul3A_814 = arith.mulf %mul3A_813, %mul3A_812 : vector<16xf32>
      %mul3A_815 = arith.constant 4.000000e+00 : f32
      %mul3A_816 = vector.broadcast %mul3A_815 : f32 to vector<16xf32>
      %mul3A_817 = arith.mulf %mul3A_816, %mul3A_814 : vector<16xf32>
      %mul3A_818 = arith.mulf %gather3A_677, %get3A_807 : vector<16xf32>
      %mul3A_819 = arith.mulf %mul3A_817, %mul3A_818 : vector<16xf32>
      %swap3A_820 = arith.constant 112 : index
      %swap3A_821 = tpu.vector_load %arg19[%swap3A_820] {strides = array<i32>} : memref<208xf32, #tpu.memory_space<vmem>>, vector<16xf32>,
      tpu.vector_store %arg19[%swap3A_820], %mul3A_819 {strides = array<i32>} : memref<208xf32, #tpu.memory_space<vmem>>, vector<16xf32>,
      %get3A_822 = arith.constant 128 : index
      %get3A_823 = tpu.vector_load %arg17[%get3A_822] {strides = array<i32>} : memref<208xf32, #tpu.memory_space<vmem>>, vector<16xf32>,
      %get3A_824 = arith.constant 128 : index
      %get3A_825 = tpu.vector_load %arg18[%get3A_824] {strides = array<i32>} : memref<208xf32, #tpu.memory_space<vmem>>, vector<16xf32>,
      %add3A_826 = arith.addf %gather3A_676, %get3A_823 : vector<16xf32>
      %mul3A_827 = arith.constant 5.000000e-01 : f32
      %mul3A_828 = vector.broadcast %mul3A_827 : f32 to vector<16xf32>
      %mul3A_829 = arith.mulf %mul3A_828, %add3A_826 : vector<16xf32>
      %mul3A_830 = arith.mulf %mul3A_829, %mul3A_829 : vector<16xf32>
      %mul3A_831 = arith.mulf %mul3A_830, %mul3A_830 : vector<16xf32>
      %mul3A_832 = arith.mulf %mul3A_831, %mul3A_830 : vector<16xf32>
      %mul3A_833 = arith.constant 4.000000e+00 : f32
      %mul3A_834 = vector.broadcast %mul3A_833 : f32 to vector<16xf32>
      %mul3A_835 = arith.mulf %mul3A_834, %mul3A_832 : vector<16xf32>
      %mul3A_836 = arith.mulf %gather3A_677, %get3A_825 : vector<16xf32>
      %mul3A_837 = arith.mulf %mul3A_835, %mul3A_836 : vector<16xf32>
      %swap3A_838 = arith.constant 128 : index
      %swap3A_839 = tpu.vector_load %arg19[%swap3A_838] {strides = array<i32>} : memref<208xf32, #tpu.memory_space<vmem>>, vector<16xf32>,
      tpu.vector_store %arg19[%swap3A_838], %mul3A_837 {strides = array<i32>} : memref<208xf32, #tpu.memory_space<vmem>>, vector<16xf32>,
      %get3A_840 = arith.constant 144 : index
      %get3A_841 = tpu.vector_load %arg17[%get3A_840] {strides = array<i32>} : memref<208xf32, #tpu.memory_space<vmem>>, vector<16xf32>,
      %get3A_842 = arith.constant 144 : index
      %get3A_843 = tpu.vector_load %arg18[%get3A_842] {strides = array<i32>} : memref<208xf32, #tpu.memory_space<vmem>>, vector<16xf32>,
      %add3A_844 = arith.addf %gather3A_676, %get3A_841 : vector<16xf32>
      %mul3A_845 = arith.constant 5.000000e-01 : f32
      %mul3A_846 = vector.broadcast %mul3A_845 : f32 to vector<16xf32>
      %mul3A_847 = arith.mulf %mul3A_846, %add3A_844 : vector<16xf32>
      %mul3A_848 = arith.mulf %mul3A_847, %mul3A_847 : vector<16xf32>
      %mul3A_849 = arith.mulf %mul3A_848, %mul3A_848 : vector<16xf32>
      %mul3A_850 = arith.mulf %mul3A_849, %mul3A_848 : vector<16xf32>
      %mul3A_851 = arith.constant 4.000000e+00 : f32
      %mul3A_852 = vector.broadcast %mul3A_851 : f32 to vector<16xf32>
      %mul3A_853 = arith.mulf %mul3A_852, %mul3A_850 : vector<16xf32>
      %mul3A_854 = arith.mulf %gather3A_677, %get3A_843 : vector<16xf32>
      %mul3A_855 = arith.mulf %mul3A_853, %mul3A_854 : vector<16xf32>
      %swap3A_856 = arith.constant 144 : index
      %swap3A_857 = tpu.vector_load %arg19[%swap3A_856] {strides = array<i32>} : memref<208xf32, #tpu.memory_space<vmem>>, vector<16xf32>,
      tpu.vector_store %arg19[%swap3A_856], %mul3A_855 {strides = array<i32>} : memref<208xf32, #tpu.memory_space<vmem>>, vector<16xf32>,
      %get3A_858 = arith.constant 160 : index
      %get3A_859 = tpu.vector_load %arg17[%get3A_858] {strides = array<i32>} : memref<208xf32, #tpu.memory_space<vmem>>, vector<16xf32>,
      %get3A_860 = arith.constant 160 : index
      %get3A_861 = tpu.vector_load %arg18[%get3A_860] {strides = array<i32>} : memref<208xf32, #tpu.memory_space<vmem>>, vector<16xf32>,
      %add3A_862 = arith.addf %gather3A_676, %get3A_859 : vector<16xf32>
      %mul3A_863 = arith.constant 5.000000e-01 : f32
      %mul3A_864 = vector.broadcast %mul3A_863 : f32 to vector<16xf32>
      %mul3A_865 = arith.mulf %mul3A_864, %add3A_862 : vector<16xf32>
      %mul3A_866 = arith.mulf %mul3A_865, %mul3A_865 : vector<16xf32>
      %mul3A_867 = arith.mulf %mul3A_866, %mul3A_866 : vector<16xf32>
      %mul3A_868 = arith.mulf %mul3A_867, %mul3A_866 : vector<16xf32>
      %mul3A_869 = arith.constant 4.000000e+00 : f32
      %mul3A_870 = vector.broadcast %mul3A_869 : f32 to vector<16xf32>
      %mul3A_871 = arith.mulf %mul3A_870, %mul3A_868 : vector<16xf32>
      %mul3A_872 = arith.mulf %gather3A_677, %get3A_861 : vector<16xf32>
      %mul3A_873 = arith.mulf %mul3A_871, %mul3A_872 : vector<16xf32>
      %swap3A_874 = arith.constant 160 : index
      %swap3A_875 = tpu.vector_load %arg19[%swap3A_874] {strides = array<i32>} : memref<208xf32, #tpu.memory_space<vmem>>, vector<16xf32>,
      tpu.vector_store %arg19[%swap3A_874], %mul3A_873 {strides = array<i32>} : memref<208xf32, #tpu.memory_space<vmem>>, vector<16xf32>,
      %get3A_876 = arith.constant 176 : index
      %get3A_877 = tpu.vector_load %arg17[%get3A_876] {strides = array<i32>} : memref<208xf32, #tpu.memory_space<vmem>>, vector<16xf32>,
      %get3A_878 = arith.constant 176 : index
      %get3A_879 = tpu.vector_load %arg18[%get3A_878] {strides = array<i32>} : memref<208xf32, #tpu.memory_space<vmem>>, vector<16xf32>,
      %add3A_880 = arith.addf %gather3A_676, %get3A_877 : vector<16xf32>
      %mul3A_881 = arith.constant 5.000000e-01 : f32
      %mul3A_882 = vector.broadcast %mul3A_881 : f32 to vector<16xf32>
      %mul3A_883 = arith.mulf %mul3A_882, %add3A_880 : vector<16xf32>
      %mul3A_884 = arith.mulf %mul3A_883, %mul3A_883 : vector<16xf32>
      %mul3A_885 = arith.mulf %mul3A_884, %mul3A_884 : vector<16xf32>
      %mul3A_886 = arith.mulf %mul3A_885, %mul3A_884 : vector<16xf32>
      %mul3A_887 = arith.constant 4.000000e+00 : f32
      %mul3A_888 = vector.broadcast %mul3A_887 : f32 to vector<16xf32>
      %mul3A_889 = arith.mulf %mul3A_888, %mul3A_886 : vector<16xf32>
      %mul3A_890 = arith.mulf %gather3A_677, %get3A_879 : vector<16xf32>
      %mul3A_891 = arith.mulf %mul3A_889, %mul3A_890 : vector<16xf32>
      %swap3A_892 = arith.constant 176 : index
      %swap3A_893 = tpu.vector_load %arg19[%swap3A_892] {strides = array<i32>} : memref<208xf32, #tpu.memory_space<vmem>>, vector<16xf32>,
      tpu.vector_store %arg19[%swap3A_892], %mul3A_891 {strides = array<i32>} : memref<208xf32, #tpu.memory_space<vmem>>, vector<16xf32>,
      %get3A_894 = arith.constant 192 : index
      %get3A_895 = tpu.vector_load %arg17[%get3A_894] {strides = array<i32>} : memref<208xf32, #tpu.memory_space<vmem>>, vector<16xf32>,
      %get3A_896 = arith.constant 192 : index
      %get3A_897 = tpu.vector_load %arg18[%get3A_896] {strides = array<i32>} : memref<208xf32, #tpu.memory_space<vmem>>, vector<16xf32>,
      %add3A_898 = arith.addf %gather3A_676, %get3A_895 : vector<16xf32>
      %mul3A_899 = arith.constant 5.000000e-01 : f32
      %mul3A_900 = vector.broadcast %mul3A_899 : f32 to vector<16xf32>
      %mul3A_901 = arith.mulf %mul3A_900, %add3A_898 : vector<16xf32>
      %mul3A_902 = arith.mulf %mul3A_901, %mul3A_901 : vector<16xf32>
      %mul3A_903 = arith.mulf %mul3A_902, %mul3A_902 : vector<16xf32>
      %mul3A_904 = arith.mulf %mul3A_903, %mul3A_902 : vector<16xf32>
      %mul3A_905 = arith.constant 4.000000e+00 : f32
      %mul3A_906 = vector.broadcast %mul3A_905 : f32 to vector<16xf32>
      %mul3A_907 = arith.mulf %mul3A_906, %mul3A_904 : vector<16xf32>
      %mul3A_908 = arith.mulf %gather3A_677, %get3A_897 : vector<16xf32>
      %mul3A_909 = arith.mulf %mul3A_907, %mul3A_908 : vector<16xf32>
      %swap3A_910 = arith.constant 192 : index
      %swap3A_911 = tpu.vector_load %arg19[%swap3A_910] {strides = array<i32>} : memref<208xf32, #tpu.memory_space<vmem>>, vector<16xf32>,
      tpu.vector_store %arg19[%swap3A_910], %mul3A_909 {strides = array<i32>} : memref<208xf32, #tpu.memory_space<vmem>>, vector<16xf32>,
      %mul3A_912 = arith.constant 200 : i32
      %mul3A_913 = arith.muli %add3A_673, %mul3A_912 : i32
      "tpu.region"() ({
        %run_scoped3A = tpu.sem_alloc : memref<!tpu.dma_semaphore, #tpu.memory_space<semaphore_mem>>
        %dma_start3A_914 = arith.constant 0 : i32
        %dma_start3A_915 = tpu.memref_slice %arg19[%dma_start3A_914] : memref<208xf32, #tpu.memory_space<vmem>> -> memref<200xf32, #tpu.memory_space<vmem>>
        %dma_start3A_916 = tpu.memref_slice %arg11[%mul3A_913] : memref<40000xf32, #tpu.memory_space<hbm>> -> memref<200xf32, #tpu.memory_space<hbm>>
        %dma_start3A_917 = tpu.memref_slice %arg11[%mul3A_913] : memref<40000xf32, #tpu.memory_space<hbm>> -> memref<200xf32, #tpu.memory_space<hbm>>
        %dma_start3A_918 = arith.constant 0 : i32
        %dma_start3A_919 = tpu.memref_slice %arg19[%dma_start3A_918] : memref<208xf32, #tpu.memory_space<vmem>> -> memref<200xf32, #tpu.memory_space<vmem>>
        tpu.enqueue_dma source(%dma_start3A_919 : memref<200xf32, #tpu.memory_space<vmem>>) target(%dma_start3A_917 : memref<200xf32, #tpu.memory_space<hbm>>) target_semaphore(%run_scoped3A : memref<!tpu.dma_semaphore, #tpu.memory_space<semaphore_mem>>)
        %dma_wait3A_920 = arith.constant 0 : i32
        %dma_wait3A_921 = tpu.memref_slice %arg19[%dma_wait3A_920] : memref<208xf32, #tpu.memory_space<vmem>> -> memref<200xf32, #tpu.memory_space<vmem>>
        %dma_wait3A_922 = tpu.memref_slice %arg11[%mul3A_913] : memref<40000xf32, #tpu.memory_space<hbm>> -> memref<200xf32, #tpu.memory_space<hbm>>
        %dma_wait3A_923 = tpu.memref_slice %arg11[%mul3A_913] : memref<40000xf32, #tpu.memory_space<hbm>> -> memref<200xf32, #tpu.memory_space<hbm>>
        %dma_wait3A_924 = arith.constant 0 : i32
        %dma_wait3A_925 = tpu.memref_slice %arg19[%dma_wait3A_924] : memref<208xf32, #tpu.memory_space<vmem>> -> memref<200xf32, #tpu.memory_space<vmem>>
        tpu.wait_dma2 semaphore(%run_scoped3A : memref<!tpu.dma_semaphore, #tpu.memory_space<semaphore_mem>>) src(%dma_wait3A_925 : memref<200xf32, #tpu.memory_space<vmem>>) dst(%dma_wait3A_923 : memref<200xf32, #tpu.memory_space<hbm>>)
        tpu.yield
      }) : () -> ()
    }
    %while3A_669 = arith.constant 1 : i32
    scf.for %while3A_670 = %while3A_667 to %while3A_663 step %while3A_669  : i32 {
      %mul3A_671 = arith.constant 32 : i32
      %mul3A_672 = arith.muli %while3A_670, %mul3A_671 : i32
      %add3A_673 = arith.addi %add3A, %mul3A_672 : i32
      %add3A_674 = vector.broadcast %add3A_673 : i32 to vector<16xi32>
      %add3A_675 = arith.addi %broadcast_in_dim3A_1, %add3A_674 : vector<16xi32>
      %gather3A_676 = tpu.vector_load_idx %arg17[%add3A_675] : memref<208xf32, #tpu.memory_space<vmem>>[vector<16xi32>], vector<16xf32>,
      %gather3A_677 = tpu.vector_load_idx %arg18[%add3A_675] : memref<208xf32, #tpu.memory_space<vmem>>[vector<16xi32>], vector<16xf32>,
      %get3A_678 = arith.constant 0 : index
      %get3A_679 = tpu.vector_load %arg17[%get3A_678] {strides = array<i32>} : memref<208xf32, #tpu.memory_space<vmem>>, vector<16xf32>,
      %get3A_680 = arith.constant 0 : index
      %get3A_681 = tpu.vector_load %arg18[%get3A_680] {strides = array<i32>} : memref<208xf32, #tpu.memory_space<vmem>>, vector<16xf32>,
      %add3A_682 = arith.addf %gather3A_676, %get3A_679 : vector<16xf32>
      %mul3A_683 = arith.constant 5.000000e-01 : f32
      %mul3A_684 = vector.broadcast %mul3A_683 : f32 to vector<16xf32>
      %mul3A_685 = arith.mulf %mul3A_684, %add3A_682 : vector<16xf32>
      %mul3A_686 = arith.mulf %mul3A_685, %mul3A_685 : vector<16xf32>
      %mul3A_687 = arith.mulf %mul3A_686, %mul3A_686 : vector<16xf32>
      %mul3A_688 = arith.mulf %mul3A_687, %mul3A_686 : vector<16xf32>
      %mul3A_689 = arith.constant 4.000000e+00 : f32
      %mul3A_690 = vector.broadcast %mul3A_689 : f32 to vector<16xf32>
      %mul3A_691 = arith.mulf %mul3A_690, %mul3A_688 : vector<16xf32>
      %mul3A_692 = arith.mulf %gather3A_677, %get3A_681 : vector<16xf32>
      %mul3A_693 = arith.mulf %mul3A_691, %mul3A_692 : vector<16xf32>
      %swap3A_694 = arith.constant 0 : index
      %swap3A_695 = tpu.vector_load %arg19[%swap3A_694] {strides = array<i32>} : memref<208xf32, #tpu.memory_space<vmem>>, vector<16xf32>,
      tpu.vector_store %arg19[%swap3A_694], %mul3A_693 {strides = array<i32>} : memref<208xf32, #tpu.memory_space<vmem>>, vector<16xf32>,
      %get3A_696 = arith.constant 16 : index
      %get3A_697 = tpu.vector_load %arg17[%get3A_696] {strides = array<i32>} : memref<208xf32, #tpu.memory_space<vmem>>, vector<16xf32>,
      %get3A_698 = arith.constant 16 : index
      %get3A_699 = tpu.vector_load %arg18[%get3A_698] {strides = array<i32>} : memref<208xf32, #tpu.memory_space<vmem>>, vector<16xf32>,
      %add3A_700 = arith.addf %gather3A_676, %get3A_697 : vector<16xf32>
      %mul3A_701 = arith.constant 5.000000e-01 : f32
      %mul3A_702 = vector.broadcast %mul3A_701 : f32 to vector<16xf32>
      %mul3A_703 = arith.mulf %mul3A_702, %add3A_700 : vector<16xf32>
      %mul3A_704 = arith.mulf %mul3A_703, %mul3A_703 : vector<16xf32>
      %mul3A_705 = arith.mulf %mul3A_704, %mul3A_704 : vector<16xf32>
      %mul3A_706 = arith.mulf %mul3A_705, %mul3A_704 : vector<16xf32>
      %mul3A_707 = arith.constant 4.000000e+00 : f32
      %mul3A_708 = vector.broadcast %mul3A_707 : f32 to vector<16xf32>
      %mul3A_709 = arith.mulf %mul3A_708, %mul3A_706 : vector<16xf32>
      %mul3A_710 = arith.mulf %gather3A_677, %get3A_699 : vector<16xf32>
      %mul3A_711 = arith.mulf %mul3A_709, %mul3A_710 : vector<16xf32>
      %swap3A_712 = arith.constant 16 : index
      %swap3A_713 = tpu.vector_load %arg19[%swap3A_712] {strides = array<i32>} : memref<208xf32, #tpu.memory_space<vmem>>, vector<16xf32>,
      tpu.vector_store %arg19[%swap3A_712], %mul3A_711 {strides = array<i32>} : memref<208xf32, #tpu.memory_space<vmem>>, vector<16xf32>,
      %get3A_714 = arith.constant 32 : index
      %get3A_715 = tpu.vector_load %arg17[%get3A_714] {strides = array<i32>} : memref<208xf32, #tpu.memory_space<vmem>>, vector<16xf32>,
      %get3A_716 = arith.constant 32 : index
      %get3A_717 = tpu.vector_load %arg18[%get3A_716] {strides = array<i32>} : memref<208xf32, #tpu.memory_space<vmem>>, vector<16xf32>,
      %add3A_718 = arith.addf %gather3A_676, %get3A_715 : vector<16xf32>
      %mul3A_719 = arith.constant 5.000000e-01 : f32
      %mul3A_720 = vector.broadcast %mul3A_719 : f32 to vector<16xf32>
      %mul3A_721 = arith.mulf %mul3A_720, %add3A_718 : vector<16xf32>
      %mul3A_722 = arith.mulf %mul3A_721, %mul3A_721 : vector<16xf32>
      %mul3A_723 = arith.mulf %mul3A_722, %mul3A_722 : vector<16xf32>
      %mul3A_724 = arith.mulf %mul3A_723, %mul3A_722 : vector<16xf32>
      %mul3A_725 = arith.constant 4.000000e+00 : f32
      %mul3A_726 = vector.broadcast %mul3A_725 : f32 to vector<16xf32>
      %mul3A_727 = arith.mulf %mul3A_726, %mul3A_724 : vector<16xf32>
      %mul3A_728 = arith.mulf %gather3A_677, %get3A_717 : vector<16xf32>
      %mul3A_729 = arith.mulf %mul3A_727, %mul3A_728 : vector<16xf32>
      %swap3A_730 = arith.constant 32 : index
      %swap3A_731 = tpu.vector_load %arg19[%swap3A_730] {strides = array<i32>} : memref<208xf32, #tpu.memory_space<vmem>>, vector<16xf32>,
      tpu.vector_store %arg19[%swap3A_730], %mul3A_729 {strides = array<i32>} : memref<208xf32, #tpu.memory_space<vmem>>, vector<16xf32>,
      %get3A_732 = arith.constant 48 : index
      %get3A_733 = tpu.vector_load %arg17[%get3A_732] {strides = array<i32>} : memref<208xf32, #tpu.memory_space<vmem>>, vector<16xf32>,
      %get3A_734 = arith.constant 48 : index
      %get3A_735 = tpu.vector_load %arg18[%get3A_734] {strides = array<i32>} : memref<208xf32, #tpu.memory_space<vmem>>, vector<16xf32>,
      %add3A_736 = arith.addf %gather3A_676, %get3A_733 : vector<16xf32>
      %mul3A_737 = arith.constant 5.000000e-01 : f32
      %mul3A_738 = vector.broadcast %mul3A_737 : f32 to vector<16xf32>
      %mul3A_739 = arith.mulf %mul3A_738, %add3A_736 : vector<16xf32>
      %mul3A_740 = arith.mulf %mul3A_739, %mul3A_739 : vector<16xf32>
      %mul3A_741 = arith.mulf %mul3A_740, %mul3A_740 : vector<16xf32>
      %mul3A_742 = arith.mulf %mul3A_741, %mul3A_740 : vector<16xf32>
      %mul3A_743 = arith.constant 4.000000e+00 : f32
      %mul3A_744 = vector.broadcast %mul3A_743 : f32 to vector<16xf32>
      %mul3A_745 = arith.mulf %mul3A_744, %mul3A_742 : vector<16xf32>
      %mul3A_746 = arith.mulf %gather3A_677, %get3A_735 : vector<16xf32>
      %mul3A_747 = arith.mulf %mul3A_745, %mul3A_746 : vector<16xf32>
      %swap3A_748 = arith.constant 48 : index
      %swap3A_749 = tpu.vector_load %arg19[%swap3A_748] {strides = array<i32>} : memref<208xf32, #tpu.memory_space<vmem>>, vector<16xf32>,
      tpu.vector_store %arg19[%swap3A_748], %mul3A_747 {strides = array<i32>} : memref<208xf32, #tpu.memory_space<vmem>>, vector<16xf32>,
      %get3A_750 = arith.constant 64 : index
      %get3A_751 = tpu.vector_load %arg17[%get3A_750] {strides = array<i32>} : memref<208xf32, #tpu.memory_space<vmem>>, vector<16xf32>,
      %get3A_752 = arith.constant 64 : index
      %get3A_753 = tpu.vector_load %arg18[%get3A_752] {strides = array<i32>} : memref<208xf32, #tpu.memory_space<vmem>>, vector<16xf32>,
      %add3A_754 = arith.addf %gather3A_676, %get3A_751 : vector<16xf32>
      %mul3A_755 = arith.constant 5.000000e-01 : f32
      %mul3A_756 = vector.broadcast %mul3A_755 : f32 to vector<16xf32>
      %mul3A_757 = arith.mulf %mul3A_756, %add3A_754 : vector<16xf32>
      %mul3A_758 = arith.mulf %mul3A_757, %mul3A_757 : vector<16xf32>
      %mul3A_759 = arith.mulf %mul3A_758, %mul3A_758 : vector<16xf32>
      %mul3A_760 = arith.mulf %mul3A_759, %mul3A_758 : vector<16xf32>
      %mul3A_761 = arith.constant 4.000000e+00 : f32
      %mul3A_762 = vector.broadcast %mul3A_761 : f32 to vector<16xf32>
      %mul3A_763 = arith.mulf %mul3A_762, %mul3A_760 : vector<16xf32>
      %mul3A_764 = arith.mulf %gather3A_677, %get3A_753 : vector<16xf32>
      %mul3A_765 = arith.mulf %mul3A_763, %mul3A_764 : vector<16xf32>
      %swap3A_766 = arith.constant 64 : index
      %swap3A_767 = tpu.vector_load %arg19[%swap3A_766] {strides = array<i32>} : memref<208xf32, #tpu.memory_space<vmem>>, vector<16xf32>,
      tpu.vector_store %arg19[%swap3A_766], %mul3A_765 {strides = array<i32>} : memref<208xf32, #tpu.memory_space<vmem>>, vector<16xf32>,
      %get3A_768 = arith.constant 80 : index
      %get3A_769 = tpu.vector_load %arg17[%get3A_768] {strides = array<i32>} : memref<208xf32, #tpu.memory_space<vmem>>, vector<16xf32>,
      %get3A_770 = arith.constant 80 : index
      %get3A_771 = tpu.vector_load %arg18[%get3A_770] {strides = array<i32>} : memref<208xf32, #tpu.memory_space<vmem>>, vector<16xf32>,
      %add3A_772 = arith.addf %gather3A_676, %get3A_769 : vector<16xf32>
      %mul3A_773 = arith.constant 5.000000e-01 : f32
      %mul3A_774 = vector.broadcast %mul3A_773 : f32 to vector<16xf32>
      %mul3A_775 = arith.mulf %mul3A_774, %add3A_772 : vector<16xf32>
      %mul3A_776 = arith.mulf %mul3A_775, %mul3A_775 : vector<16xf32>
      %mul3A_777 = arith.mulf %mul3A_776, %mul3A_776 : vector<16xf32>
      %mul3A_778 = arith.mulf %mul3A_777, %mul3A_776 : vector<16xf32>
      %mul3A_779 = arith.constant 4.000000e+00 : f32
      %mul3A_780 = vector.broadcast %mul3A_779 : f32 to vector<16xf32>
      %mul3A_781 = arith.mulf %mul3A_780, %mul3A_778 : vector<16xf32>
      %mul3A_782 = arith.mulf %gather3A_677, %get3A_771 : vector<16xf32>
      %mul3A_783 = arith.mulf %mul3A_781, %mul3A_782 : vector<16xf32>
      %swap3A_784 = arith.constant 80 : index
      %swap3A_785 = tpu.vector_load %arg19[%swap3A_784] {strides = array<i32>} : memref<208xf32, #tpu.memory_space<vmem>>, vector<16xf32>,
      tpu.vector_store %arg19[%swap3A_784], %mul3A_783 {strides = array<i32>} : memref<208xf32, #tpu.memory_space<vmem>>, vector<16xf32>,
      %get3A_786 = arith.constant 96 : index
      %get3A_787 = tpu.vector_load %arg17[%get3A_786] {strides = array<i32>} : memref<208xf32, #tpu.memory_space<vmem>>, vector<16xf32>,
      %get3A_788 = arith.constant 96 : index
      %get3A_789 = tpu.vector_load %arg18[%get3A_788] {strides = array<i32>} : memref<208xf32, #tpu.memory_space<vmem>>, vector<16xf32>,
      %add3A_790 = arith.addf %gather3A_676, %get3A_787 : vector<16xf32>
      %mul3A_791 = arith.constant 5.000000e-01 : f32
      %mul3A_792 = vector.broadcast %mul3A_791 : f32 to vector<16xf32>
      %mul3A_793 = arith.mulf %mul3A_792, %add3A_790 : vector<16xf32>
      %mul3A_794 = arith.mulf %mul3A_793, %mul3A_793 : vector<16xf32>
      %mul3A_795 = arith.mulf %mul3A_794, %mul3A_794 : vector<16xf32>
      %mul3A_796 = arith.mulf %mul3A_795, %mul3A_794 : vector<16xf32>
      %mul3A_797 = arith.constant 4.000000e+00 : f32
      %mul3A_798 = vector.broadcast %mul3A_797 : f32 to vector<16xf32>
      %mul3A_799 = arith.mulf %mul3A_798, %mul3A_796 : vector<16xf32>
      %mul3A_800 = arith.mulf %gather3A_677, %get3A_789 : vector<16xf32>
      %mul3A_801 = arith.mulf %mul3A_799, %mul3A_800 : vector<16xf32>
      %swap3A_802 = arith.constant 96 : index
      %swap3A_803 = tpu.vector_load %arg19[%swap3A_802] {strides = array<i32>} : memref<208xf32, #tpu.memory_space<vmem>>, vector<16xf32>,
      tpu.vector_store %arg19[%swap3A_802], %mul3A_801 {strides = array<i32>} : memref<208xf32, #tpu.memory_space<vmem>>, vector<16xf32>,
      %get3A_804 = arith.constant 112 : index
      %get3A_805 = tpu.vector_load %arg17[%get3A_804] {strides = array<i32>} : memref<208xf32, #tpu.memory_space<vmem>>, vector<16xf32>,
      %get3A_806 = arith.constant 112 : index
      %get3A_807 = tpu.vector_load %arg18[%get3A_806] {strides = array<i32>} : memref<208xf32, #tpu.memory_space<vmem>>, vector<16xf32>,
      %add3A_808 = arith.addf %gather3A_676, %get3A_805 : vector<16xf32>
      %mul3A_809 = arith.constant 5.000000e-01 : f32
      %mul3A_810 = vector.broadcast %mul3A_809 : f32 to vector<16xf32>
      %mul3A_811 = arith.mulf %mul3A_810, %add3A_808 : vector<16xf32>
      %mul3A_812 = arith.mulf %mul3A_811, %mul3A_811 : vector<16xf32>
      %mul3A_813 = arith.mulf %mul3A_812, %mul3A_812 : vector<16xf32>
      %mul3A_814 = arith.mulf %mul3A_813, %mul3A_812 : vector<16xf32>
      %mul3A_815 = arith.constant 4.000000e+00 : f32
      %mul3A_816 = vector.broadcast %mul3A_815 : f32 to vector<16xf32>
      %mul3A_817 = arith.mulf %mul3A_816, %mul3A_814 : vector<16xf32>
      %mul3A_818 = arith.mulf %gather3A_677, %get3A_807 : vector<16xf32>
      %mul3A_819 = arith.mulf %mul3A_817, %mul3A_818 : vector<16xf32>
      %swap3A_820 = arith.constant 112 : index
      %swap3A_821 = tpu.vector_load %arg19[%swap3A_820] {strides = array<i32>} : memref<208xf32, #tpu.memory_space<vmem>>, vector<16xf32>,
      tpu.vector_store %arg19[%swap3A_820], %mul3A_819 {strides = array<i32>} : memref<208xf32, #tpu.memory_space<vmem>>, vector<16xf32>,
      %get3A_822 = arith.constant 128 : index
      %get3A_823 = tpu.vector_load %arg17[%get3A_822] {strides = array<i32>} : memref<208xf32, #tpu.memory_space<vmem>>, vector<16xf32>,
      %get3A_824 = arith.constant 128 : index
      %get3A_825 = tpu.vector_load %arg18[%get3A_824] {strides = array<i32>} : memref<208xf32, #tpu.memory_space<vmem>>, vector<16xf32>,
      %add3A_826 = arith.addf %gather3A_676, %get3A_823 : vector<16xf32>
      %mul3A_827 = arith.constant 5.000000e-01 : f32
      %mul3A_828 = vector.broadcast %mul3A_827 : f32 to vector<16xf32>
      %mul3A_829 = arith.mulf %mul3A_828, %add3A_826 : vector<16xf32>
      %mul3A_830 = arith.mulf %mul3A_829, %mul3A_829 : vector<16xf32>
      %mul3A_831 = arith.mulf %mul3A_830, %mul3A_830 : vector<16xf32>
      %mul3A_832 = arith.mulf %mul3A_831, %mul3A_830 : vector<16xf32>
      %mul3A_833 = arith.constant 4.000000e+00 : f32
      %mul3A_834 = vector.broadcast %mul3A_833 : f32 to vector<16xf32>
      %mul3A_835 = arith.mulf %mul3A_834, %mul3A_832 : vector<16xf32>
      %mul3A_836 = arith.mulf %gather3A_677, %get3A_825 : vector<16xf32>
      %mul3A_837 = arith.mulf %mul3A_835, %mul3A_836 : vector<16xf32>
      %swap3A_838 = arith.constant 128 : index
      %swap3A_839 = tpu.vector_load %arg19[%swap3A_838] {strides = array<i32>} : memref<208xf32, #tpu.memory_space<vmem>>, vector<16xf32>,
      tpu.vector_store %arg19[%swap3A_838], %mul3A_837 {strides = array<i32>} : memref<208xf32, #tpu.memory_space<vmem>>, vector<16xf32>,
      %get3A_840 = arith.constant 144 : index
      %get3A_841 = tpu.vector_load %arg17[%get3A_840] {strides = array<i32>} : memref<208xf32, #tpu.memory_space<vmem>>, vector<16xf32>,
      %get3A_842 = arith.constant 144 : index
      %get3A_843 = tpu.vector_load %arg18[%get3A_842] {strides = array<i32>} : memref<208xf32, #tpu.memory_space<vmem>>, vector<16xf32>,
      %add3A_844 = arith.addf %gather3A_676, %get3A_841 : vector<16xf32>
      %mul3A_845 = arith.constant 5.000000e-01 : f32
      %mul3A_846 = vector.broadcast %mul3A_845 : f32 to vector<16xf32>
      %mul3A_847 = arith.mulf %mul3A_846, %add3A_844 : vector<16xf32>
      %mul3A_848 = arith.mulf %mul3A_847, %mul3A_847 : vector<16xf32>
      %mul3A_849 = arith.mulf %mul3A_848, %mul3A_848 : vector<16xf32>
      %mul3A_850 = arith.mulf %mul3A_849, %mul3A_848 : vector<16xf32>
      %mul3A_851 = arith.constant 4.000000e+00 : f32
      %mul3A_852 = vector.broadcast %mul3A_851 : f32 to vector<16xf32>
      %mul3A_853 = arith.mulf %mul3A_852, %mul3A_850 : vector<16xf32>
      %mul3A_854 = arith.mulf %gather3A_677, %get3A_843 : vector<16xf32>
      %mul3A_855 = arith.mulf %mul3A_853, %mul3A_854 : vector<16xf32>
      %swap3A_856 = arith.constant 144 : index
      %swap3A_857 = tpu.vector_load %arg19[%swap3A_856] {strides = array<i32>} : memref<208xf32, #tpu.memory_space<vmem>>, vector<16xf32>,
      tpu.vector_store %arg19[%swap3A_856], %mul3A_855 {strides = array<i32>} : memref<208xf32, #tpu.memory_space<vmem>>, vector<16xf32>,
      %get3A_858 = arith.constant 160 : index
      %get3A_859 = tpu.vector_load %arg17[%get3A_858] {strides = array<i32>} : memref<208xf32, #tpu.memory_space<vmem>>, vector<16xf32>,
      %get3A_860 = arith.constant 160 : index
      %get3A_861 = tpu.vector_load %arg18[%get3A_860] {strides = array<i32>} : memref<208xf32, #tpu.memory_space<vmem>>, vector<16xf32>,
      %add3A_862 = arith.addf %gather3A_676, %get3A_859 : vector<16xf32>
      %mul3A_863 = arith.constant 5.000000e-01 : f32
      %mul3A_864 = vector.broadcast %mul3A_863 : f32 to vector<16xf32>
      %mul3A_865 = arith.mulf %mul3A_864, %add3A_862 : vector<16xf32>
      %mul3A_866 = arith.mulf %mul3A_865, %mul3A_865 : vector<16xf32>
      %mul3A_867 = arith.mulf %mul3A_866, %mul3A_866 : vector<16xf32>
      %mul3A_868 = arith.mulf %mul3A_867, %mul3A_866 : vector<16xf32>
      %mul3A_869 = arith.constant 4.000000e+00 : f32
      %mul3A_870 = vector.broadcast %mul3A_869 : f32 to vector<16xf32>
      %mul3A_871 = arith.mulf %mul3A_870, %mul3A_868 : vector<16xf32>
      %mul3A_872 = arith.mulf %gather3A_677, %get3A_861 : vector<16xf32>
      %mul3A_873 = arith.mulf %mul3A_871, %mul3A_872 : vector<16xf32>
      %swap3A_874 = arith.constant 160 : index
      %swap3A_875 = tpu.vector_load %arg19[%swap3A_874] {strides = array<i32>} : memref<208xf32, #tpu.memory_space<vmem>>, vector<16xf32>,
      tpu.vector_store %arg19[%swap3A_874], %mul3A_873 {strides = array<i32>} : memref<208xf32, #tpu.memory_space<vmem>>, vector<16xf32>,
      %get3A_876 = arith.constant 176 : index
      %get3A_877 = tpu.vector_load %arg17[%get3A_876] {strides = array<i32>} : memref<208xf32, #tpu.memory_space<vmem>>, vector<16xf32>,
      %get3A_878 = arith.constant 176 : index
      %get3A_879 = tpu.vector_load %arg18[%get3A_878] {strides = array<i32>} : memref<208xf32, #tpu.memory_space<vmem>>, vector<16xf32>,
      %add3A_880 = arith.addf %gather3A_676, %get3A_877 : vector<16xf32>
      %mul3A_881 = arith.constant 5.000000e-01 : f32
      %mul3A_882 = vector.broadcast %mul3A_881 : f32 to vector<16xf32>
      %mul3A_883 = arith.mulf %mul3A_882, %add3A_880 : vector<16xf32>
      %mul3A_884 = arith.mulf %mul3A_883, %mul3A_883 : vector<16xf32>
      %mul3A_885 = arith.mulf %mul3A_884, %mul3A_884 : vector<16xf32>
      %mul3A_886 = arith.mulf %mul3A_885, %mul3A_884 : vector<16xf32>
      %mul3A_887 = arith.constant 4.000000e+00 : f32
      %mul3A_888 = vector.broadcast %mul3A_887 : f32 to vector<16xf32>
      %mul3A_889 = arith.mulf %mul3A_888, %mul3A_886 : vector<16xf32>
      %mul3A_890 = arith.mulf %gather3A_677, %get3A_879 : vector<16xf32>
      %mul3A_891 = arith.mulf %mul3A_889, %mul3A_890 : vector<16xf32>
      %swap3A_892 = arith.constant 176 : index
      %swap3A_893 = tpu.vector_load %arg19[%swap3A_892] {strides = array<i32>} : memref<208xf32, #tpu.memory_space<vmem>>, vector<16xf32>,
      tpu.vector_store %arg19[%swap3A_892], %mul3A_891 {strides = array<i32>} : memref<208xf32, #tpu.memory_space<vmem>>, vector<16xf32>,
      %get3A_894 = arith.constant 192 : index
      %get3A_895 = tpu.vector_load %arg17[%get3A_894] {strides = array<i32>} : memref<208xf32, #tpu.memory_space<vmem>>, vector<16xf32>,
      %get3A_896 = arith.constant 192 : index
      %get3A_897 = tpu.vector_load %arg18[%get3A_896] {strides = array<i32>} : memref<208xf32, #tpu.memory_space<vmem>>, vector<16xf32>,
      %add3A_898 = arith.addf %gather3A_676, %get3A_895 : vector<16xf32>
      %mul3A_899 = arith.constant 5.000000e-01 : f32
      %mul3A_900 = vector.broadcast %mul3A_899 : f32 to vector<16xf32>
      %mul3A_901 = arith.mulf %mul3A_900, %add3A_898 : vector<16xf32>
      %mul3A_902 = arith.mulf %mul3A_901, %mul3A_901 : vector<16xf32>
      %mul3A_903 = arith.mulf %mul3A_902, %mul3A_902 : vector<16xf32>
      %mul3A_904 = arith.mulf %mul3A_903, %mul3A_902 : vector<16xf32>
      %mul3A_905 = arith.constant 4.000000e+00 : f32
      %mul3A_906 = vector.broadcast %mul3A_905 : f32 to vector<16xf32>
      %mul3A_907 = arith.mulf %mul3A_906, %mul3A_904 : vector<16xf32>
      %mul3A_908 = arith.mulf %gather3A_677, %get3A_897 : vector<16xf32>
      %mul3A_909 = arith.mulf %mul3A_907, %mul3A_908 : vector<16xf32>
      %swap3A_910 = arith.constant 192 : index
      %swap3A_911 = tpu.vector_load %arg19[%swap3A_910] {strides = array<i32>} : memref<208xf32, #tpu.memory_space<vmem>>, vector<16xf32>,
      tpu.vector_store %arg19[%swap3A_910], %mul3A_909 {strides = array<i32>} : memref<208xf32, #tpu.memory_space<vmem>>, vector<16xf32>,
      %mul3A_912 = arith.constant 200 : i32
      %mul3A_913 = arith.muli %add3A_673, %mul3A_912 : i32
      "tpu.region"() ({
        %run_scoped3A = tpu.sem_alloc : memref<!tpu.dma_semaphore, #tpu.memory_space<semaphore_mem>>
        %dma_start3A_914 = arith.constant 0 : i32
        %dma_start3A_915 = tpu.memref_slice %arg19[%dma_start3A_914] : memref<208xf32, #tpu.memory_space<vmem>> -> memref<200xf32, #tpu.memory_space<vmem>>
        %dma_start3A_916 = tpu.memref_slice %arg11[%mul3A_913] : memref<40000xf32, #tpu.memory_space<hbm>> -> memref<200xf32, #tpu.memory_space<hbm>>
        %dma_start3A_917 = tpu.memref_slice %arg11[%mul3A_913] : memref<40000xf32, #tpu.memory_space<hbm>> -> memref<200xf32, #tpu.memory_space<hbm>>
        %dma_start3A_918 = arith.constant 0 : i32
        %dma_start3A_919 = tpu.memref_slice %arg19[%dma_start3A_918] : memref<208xf32, #tpu.memory_space<vmem>> -> memref<200xf32, #tpu.memory_space<vmem>>
        tpu.enqueue_dma source(%dma_start3A_919 : memref<200xf32, #tpu.memory_space<vmem>>) target(%dma_start3A_917 : memref<200xf32, #tpu.memory_space<hbm>>) target_semaphore(%run_scoped3A : memref<!tpu.dma_semaphore, #tpu.memory_space<semaphore_mem>>)
        %dma_wait3A_920 = arith.constant 0 : i32
        %dma_wait3A_921 = tpu.memref_slice %arg19[%dma_wait3A_920] : memref<208xf32, #tpu.memory_space<vmem>> -> memref<200xf32, #tpu.memory_space<vmem>>
        %dma_wait3A_922 = tpu.memref_slice %arg11[%mul3A_913] : memref<40000xf32, #tpu.memory_space<hbm>> -> memref<200xf32, #tpu.memory_space<hbm>>
        %dma_wait3A_923 = tpu.memref_slice %arg11[%mul3A_913] : memref<40000xf32, #tpu.memory_space<hbm>> -> memref<200xf32, #tpu.memory_space<hbm>>
        %dma_wait3A_924 = arith.constant 0 : i32
        %dma_wait3A_925 = tpu.memref_slice %arg19[%dma_wait3A_924] : memref<208xf32, #tpu.memory_space<vmem>> -> memref<200xf32, #tpu.memory_space<vmem>>
        tpu.wait_dma2 semaphore(%run_scoped3A : memref<!tpu.dma_semaphore, #tpu.memory_space<semaphore_mem>>) src(%dma_wait3A_925 : memref<200xf32, #tpu.memory_space<vmem>>) dst(%dma_wait3A_923 : memref<200xf32, #tpu.memory_space<hbm>>)
        tpu.yield
      }) : () -> ()
    }
    return
  }
}

</mosaic_0001>

<sc_bundles>
// kernel: kernel.3.cloned.1.call-start
scs
__scs_entry_jumppad:
0x0: {  	(pc) =	sbr.rel $0x88, $3  }
0x1: {  	(tag) =	ssettag $0x0;
	lr =	simm.s32 $0x1  }
0x2: {  	[smem:$0x3F9A] =	sst lr;
	_ =	strace $0xD0000000  }
0x3: {  	_ = 	snop  }
0x4: {  	_ = 	snop  }
0x5: {  	_ = 	snop  }
0x6: {  	_ = 	snop  }
0x7: {  	_ = 	snop  }
__scs_overlays_trampoline_lowered:
0x8: {  	[smem:$0x3FA9] =	sst s0  }
0x9: {  	[smem:$0x3FAA] =	sst s1  }
0xa: {  	[smem:$0x3FAB] =	sst s2  }
0xb: {  	[smem:$0x3FAC] =	sst s3  }
0xc: {  	[smem:$0x3FAD] =	sst s4  }
0xd: {  	[smem:$0x3FAE] =	sst s5  }
0xe: {  	[smem:$0x3FAF] =	sst s6  }
0xf: {  	[smem:$0x3FB0] =	sst s7  }
0x10: {  	[smem:$0x3FB1] =	sst s8  }
0x11: {  	[smem:$0x3FB2] =	sst s9;
	s0 =	simm.s32 @!p0 $0x0  }
0x12: {  	s1 =	sld [smem:$0x3F98];
	s0 =	simm.s32 @p0 $0x1  }
0x13: {  	[smem:$0x3FB3] =	sst s0;
	s0 =	simm.s32 @!p1 $0x0  }
0x14: {  	s2 =	sld [smem:$0x3F97];
	s0 =	simm.s32 @p1 $0x1  }
0x15: {  	[smem:$0x3FB4] =	sst s0;
	s0 =	simm.s32 @!p2 $0x0  }
0x16: {  	s3 =	sld [smem:$0x3FDB];
	s0 =	simm.s32 @p2 $0x1  }
0x17: {  	s4 =	simm.s32 $0x1BF5;
	[smem:$0x3FB6] =	sst s0  }
0x18: {  	s0 =	sld [smem:$0x3F99];
	_ =	swait.ge [sflag:s4], $0x0  }
0x19: {  	s7 =	sld [smem:$0x3F9A]  }
0x1a: {  	s8 =	sadd.s32 $0xFFFFE003, lr  }
0x1b: {  	s9 =	sadd.s32 $0xFFFFFEF7, lr;
	s5 =	simm.s32 $0xFFFFFFFF;
	p2 =	slt.u32 s8, $0xFFFFF086  }
0x1c: {  	p1 =	slt.u32 s9, $0xF7A;
	s5 =	simm.s32 @!p2 $0x0  }
0x1d: {  	s5 =	simm.s32 @p1 $0x1;
	p0 =	seq.s32 s7, s2  }
0x1e: {  	s7 =	smul.u32 @!p0 $0xF7A, s2;
	p2 =	seq.s32 @!p0 s5, $0x0  }
0x1f: {  	s9 =	smul.u32 $0xF7A, s1;
	s8 =	simm.s32 @!p0 $0x1BF5;
	p2 =	por !p2, p0  }
0x20: {  	[sflag:s8] =	ssyncset.s32 @!p0 $0xFFFFF086;
	s6 =	sadd.s32 @!p0 s3, s7;
	s7 =	simm.s32 @!p0 $0x108  }
0x21: {  	s3 =	sadd.s32 s3, s9;
	s6 =	sadd.s32 @!p0 $0x88, s6;
	s7 =	simm.s32 @p2 $0x1082  }
0x22: {  	[simem:s7], [sflag:s8] =	dma.local @!p0 [hbm:s6], $0xF7A  }
0x23: {  	s9 =	sor.u32 $0xD0000000, s2;
	s6 =	simm.s32 $0x108;
	_ =	swait.ge @!p0 [sflag:s8], $0x0  }
0x24: {  	s3 =	sadd.s32 $0x88, s3;
	s6 =	simm.s32 @!p1 $0x1082;
	[sflag:s4] =	ssyncset.s32 $0xFFFFF086  }
0x25: {  	[simem:s6], [sflag:s4] =	dma.local [hbm:s3], $0xF7A  }
0x26: {  	[smem:$0x3F9A] =	sst s1;
	(tag) =	ssettag s2;
	_ =	strace s9  }
0x27: {  	s1 =	sld [smem:$0x3FAA]  }
0x28: {  	s2 =	sld [smem:$0x3FAB]  }
0x29: {  	s4 =	sld [smem:$0x3FAD]  }
0x2a: {  	p0 =	seq.s32 s5, $0x0;
	s5 =	sld [smem:$0x3FAE]  }
0x2b: {  	s6 =	sld [smem:$0x3FAF]  }
0x2c: {  	s7 =	sld [smem:$0x3FB0]  }
0x2d: {  	s3 =	simm.s32 $0x108;
	s8 =	sld [smem:$0x3FB1]  }
0x2e: {  	s3 =	simm.s32 @!p0 $0x1082;
	s9 =	sld [smem:$0x3FB2]  }
0x2f: {  	lr =	sadd.s32 s0, s3;
	s0 =	sld [smem:$0x3FA9]  }
0x30: {  	s3 =	sld [smem:$0x3FAC]  }
0x31: {  	[smem:$0x3FB5] =	sst s10  }
0x32: {  	s10 =	sld [smem:$0x3FB3];
	_ =	sdelay $0x3  }
0x33: {  	p0 =	seq.s32 s10, $0x1;
	s10 =	sld [smem:$0x3FB5];
	_ =	sdelay $0x3  }
0x34: {  	[smem:$0x3FB5] =	sst s10  }
0x35: {  	s10 =	sld [smem:$0x3FB4];
	_ =	sdelay $0x3  }
0x36: {  	p1 =	seq.s32 s10, $0x1;
	s10 =	sld [smem:$0x3FB5];
	_ =	sdelay $0x3  }
0x37: {  	[smem:$0x3FB5] =	sst s10  }
0x38: {  	s10 =	sld [smem:$0x3FB6]  }
0x39: {  	_ = 	snop;
	(pc) =	sbr.ind lr, $3  }
0x3a: {  	_ = 	snop  }
0x3b: {  	_ = 	snop  }
0x3c: {  	p2 =	seq.s32 s10, $0x1;
	s10 =	sld [smem:$0x3FB5]  }
0x3d: {  	_ =	shalt  }
0x3e: {  	_ =	shalt  }
0x3f: {  	_ =	shalt  }
0x40: {  	_ =	shalt  }
0x41: {  	_ =	shalt  }
0x42: {  	_ =	shalt  }
0x43: {  	_ =	shalt  }
0x44: {  	_ =	shalt  }
0x45: {  	_ =	shalt  }
0x46: {  	_ =	shalt  }
0x47: {  	_ =	shalt  }
0x48: {  	_ =	shalt  }
0x49: {  	_ =	shalt  }
0x4a: {  	_ =	shalt  }
0x4b: {  	_ =	shalt  }
0x4c: {  	_ =	shalt  }
0x4d: {  	_ =	shalt  }
0x4e: {  	_ =	shalt  }
0x4f: {  	_ =	shalt  }
0x50: {  	_ =	shalt  }
0x51: {  	_ =	shalt  }
0x52: {  	_ =	shalt  }
0x53: {  	_ =	shalt  }
0x54: {  	_ =	shalt  }
0x55: {  	_ =	shalt  }
0x56: {  	_ =	shalt  }
0x57: {  	_ =	shalt  }
0x58: {  	_ =	shalt  }
0x59: {  	_ =	shalt  }
0x5a: {  	_ =	shalt  }
0x5b: {  	_ =	shalt  }
0x5c: {  	_ =	shalt  }
0x5d: {  	_ =	shalt  }
0x5e: {  	_ =	shalt  }
0x5f: {  	_ =	shalt  }
0x60: {  	_ =	shalt  }
0x61: {  	_ =	shalt  }
0x62: {  	_ =	shalt  }
0x63: {  	_ =	shalt  }
0x64: {  	_ =	shalt  }
0x65: {  	_ =	shalt  }
0x66: {  	_ =	shalt  }
0x67: {  	_ =	shalt  }
0x68: {  	_ =	shalt  }
0x69: {  	_ =	shalt  }
0x6a: {  	_ =	shalt  }
0x6b: {  	_ =	shalt  }
0x6c: {  	_ =	shalt  }
0x6d: {  	_ =	shalt  }
0x6e: {  	_ =	shalt  }
0x6f: {  	_ =	shalt  }
0x70: {  	_ =	shalt  }
0x71: {  	_ =	shalt  }
0x72: {  	_ =	shalt  }
0x73: {  	_ =	shalt  }
0x74: {  	_ =	shalt  }
0x75: {  	_ =	shalt  }
0x76: {  	_ =	shalt  }
0x77: {  	_ =	shalt  }
0x78: {  	_ =	shalt  }
0x79: {  	_ =	shalt  }
0x7a: {  	_ =	shalt  }
0x7b: {  	_ =	shalt  }
0x7c: {  	_ =	shalt  }
0x7d: {  	_ =	shalt  }
0x7e: {  	_ =	shalt  }
0x7f: {  	_ =	shalt  }
0x80: {  	_ =	shalt  }
0x81: {  	_ =	shalt  }
0x82: {  	_ =	shalt  }
0x83: {  	_ =	shalt  }
0x84: {  	_ =	shalt  }
0x85: {  	_ =	shalt  }
0x86: {  	_ =	shalt  }
0x87: {  	_ =	shalt  }
.Lfunc_end0:
.L_simem_size_0:
called_computation_lowered:
.L_overlay_start_0:
0x88: {  	s2 =	sld [smem:$0x3FD9]  }
0x89: {  	s3 =	sld [smem:$0x3FFE];
	_ =	sdelay $0x1  }
0x8a: {  	s1 =	srdreg.scid  }
0x8b: {  	s0 =	sand.u32 $0x1, s1  }
0x8c: {  	s14 =	sshll.u32 s0, $0xA;
	s2 =	sadd.s32 s3, s2  }
0x8d: {  	s2 =	sadd.s32 s2, s14  }
0x8e: {  	[smem:$0x3FC1] =	sst s2  }
0x8f: {  	_ = 	snop  }
0x90: {  	s2 =	sld [smem:$0x3FC7]  }
0x91: {  	s15 =	sld [smem:$0x3FC6]  }
0x92: {  	s4 =	sld [smem:$0x3FD0]  }
0x93: {  	s5 =	sld [smem:$0x3FC5]  }
0x94: {  	s6 =	sld [smem:$0x3FC4]  }
0x95: {  	s8 =	simm.s32 $0xA;
	s9 =	simm.s32 $0x10;
	s7 =	sld [smem:$0x3FC3]  }
0x96: {  	[smem:s9], [sflag:s8] =	dma.local [hbm:s4], $0x1  }
0x97: {  	_ =	swait.eq [sflag:s8], $0x1  }
0x98: {  	s16 =	sld [smem:$0x10];
	[sflag:s8] =	ssyncset.done $0x0  }
0x99: {  	s17 =	sld [smem:$0x11];
	[sflag:s8] =	ssyncadd.s32 $0xFFFFFFFF  }
0x9a: {  	s18 =	sld [smem:$0x12];
	(tm) =	ssettm $0x1  }
0x9b: {  	s10 =	sld [smem:$0x3FFB];
	_ =	sdelay $0x3  }
0x9c: {  	_ =	strace s10  }
0x9d: {  	s10 =	sld [smem:$0x3FFC];
	_ =	sdelay $0x3  }
0x9e: {  	_ =	strace s10  }
0x9f: {  	s10 =	sld [smem:$0x3FFD];
	_ =	sdelay $0x3  }
0xa0: {  	_ =	strace s10  }
0xa1: {  	_ =	strace $0x8FFFFFFF  }
0xa2: {  	s19 =	sld [smem:$0x3FDB];
	_ =	sdelay $0x1  }
0xa3: {  	s11 =	simm.s32 $_scs_section_size  }
0xa4: {  	s12 =	simm.s32 $_size__tile_overlayer_lowered;
	s13 =	simm.s32 $_tile_overlayer_lowered  }
0xa5: {  	s22 =	simm.s32 $0x1BFF;
	s21 =	sshll.u32 s13, $0x1;
	s10 =	sadd.s32 s11, s19  }
0xa6: {  	s20 =	sshll.u32 s12, $0x1;
	s14 =	simm.s32 $0x0;
	s12 =	sadd.s32 s21, s10  }
0xa7: {  	[timem:s14], [sflag:s22] =	dma.local [hbm:s12], s20  }
0xa8: {  	_ =	swait.ge [sflag:s22], s20  }
0xa9: {  	s11 =	ssub.s32 $0x0, s20;
	[sflag:s22] =	ssyncset.done $0x0  }
0xaa: {  	[sflag:s22] =	ssyncadd.s32 s11;
	_ =	sdelay $0x1  }
0xab: {  	s23 =	simm.s32 $0x1B8B  }
0xac: {  	_ =	swait.ge [sflag:s23], $0x1  }
0xad: {  	[sflag:s23] =	ssyncset.done $0x0  }
0xae: {  	s25 =	simm.s32 $0x1B8E;
	s24 =	sld [smem:$0x3FFE];
	[sflag:s23] =	ssyncadd.s32 $0xFFFFFFFF  }
0xaf: {  	s26 =	simm.s32 $execute0_lowered;
	[smem:$0x3FD2] =	sst s25  }
0xb0: {  	s12 =	sshll.u32 s26, $0x1;
	_ =	strace $0x80000046;
	[dreg:$0x1] =	wrdreg $0xFFFFFFFF  }
0xb1: {  	s28 =	simm.s32 $_size_execute0_lowered;
	s10 =	sadd.s32 s10, s12;
	[dreg:$0x0] =	wrdreg $0x0  }
0xb2: {  	s12 =	sshll.u32 s28, $0x1;
	[dreg:$0x2] =	wrdreg s10  }
0xb3: {  	[dreg:$0x3] =	wrdreg s12  }
0xb4: {  	[dreg:$0x4] =	wrdreg $0xC0  }
0xb5: {  	_ =	task [dreg:s14], $0x5FFFF  }
0xb6: {  	[dreg:$0x1] =	wrdreg $0xFFFFFFFF  }
0xb7: {  	[dreg:$0x0] =	wrdreg $0x60  }
0xb8: {  	[dreg:$0x2] =	wrdreg s24  }
0xb9: {  	[dreg:$0x3] =	wrdreg s16  }
0xba: {  	[dreg:$0x4] =	wrdreg s2  }
0xbb: {  	[dreg:$0x5] =	wrdreg s15  }
0xbc: {  	[dreg:$0x6] =	wrdreg s5  }
0xbd: {  	[dreg:$0x7] =	wrdreg s6  }
0xbe: {  	[dreg:$0x8] =	wrdreg s7  }
0xbf: {  	[dreg:$0x9] =	wrdreg s17  }
0xc0: {  	[dreg:$0xa] =	wrdreg s18  }
0xc1: {  	[dreg:$0xb] =	wrdreg $0x9  }
0xc2: {  	_ =	task.clear_ibuf [dreg:s14], $0xCFFFF;
	_ =	strace $0x90000046  }
0xc3: {  	s29 =	simm.s32 $0x9;
	_ =	strace $0x80000048  }
0xc4: {  	_ =	swait.ge [sflag:s29], $0x1  }
0xc5: {  	[sflag:s29] =	ssyncadd.s32 $0xFFFFFFFF  }
0xc6: {  	_ =	strace $0x90000048  }
0xc7: {  	_ =	sfence  }
0xc8: {  	s30 =	sld [smem:$0x0];
	_ =	sdelay $0x2  }
0xc9: {  	s31 =	sshll.u32 s1, $0xD;
	s1 =	sshrl.u32 s1, $0x2  }
0xca: {  	s3 =	sand.u32 $0x4000, s31;
	s1 =	sadd.s32 s1, s30  }
0xcb: {  	s0 =	sor.u32 s3, s0;
	s1 =	sshll.u32 s1, $0x11  }
0xcc: {  	s0 =	sor.u32 s1, s0  }
0xcd: {  	s0 =	sadd.s32 $0x8F2B, s0  }
0xce: {  	[sflag:s0] =	ssyncadd.remote.s32 $0x1  }
0xcf: {  	_ =	sfence.sel $0xFFFF  }
0xd0: {  	[dreg:$0x0] =	wrdreg $0xFFFFFFFF;
	(pc) =	sbr.abs _section_cstart, $3  }
0xd1: {  	[dreg:$0x1] =	wrdreg $0xFFFFFFFF  }
0xd2: {  	_ =	task.clear_ibuf [dreg:s14], $0x2FFFF;
	_ =	strace $0x9FFFFFFF  }
0xd3: {  	(tm) =	ssettm $0x7FFFFFFF  }
tec
execute0_lowered:
.L_overlay_start_1:
0x0: {  	(tag) =	ssettag $0x1  }
0x1: {  	s0 =	rddreg [dreg:$0x0]  }
0x2: {  	s4 =	rddreg [dreg:$0x4]  }
0x3: {  	s1 =	rddreg [dreg:$0x8];
	s9 =	simm.s32 $0x0;
	s2 =	srdreg.scid  }
0x4: {  	s5 =	stileid.u32;
	s19 =	simm.s32 $0x1F40;
	s20 =	simm.s32 $0x1  }
0x5: {  	s21 =	simm.s32 $0x2;
	[smem:$0x7FF] =	sst s9;
	s2 =	sand.u32 $0x1, s2  }
0x6: {  	s3 =	sshll.u32 s5, $0x1;
	s25 =	sadd.s32 $0xC00, s0;
	s12 =	sadd.s32 $0x1000, s0  }
0x7: {  	s30 =	smul.u32 $0x190, s5;
	p0 =	sgt.u32 s5, $0x3;
	s5 =	simm.s32 $0x0  }
0x8: {  	s10 =	sor.u32 s2, s3;
	s26 =	ssub.s32 $0x2, s2;
	s2 =	smul.u32 $0xC8, s2  }
0x9: {  	_ =	strace $0x80000047;
	[dreg:$0xa] =	wrdreg s25;
	s6 =	smul.u32 $0x3E80, s10  }
0xa: {  	s28 =	sshrl.u32 s26, $0x1;
	s7 =	smul.u32 $0x7D0, s10;
	s8 =	ssub.s32 $0x196, s10  }
0xb: {  	s0 =	ssub.s32 s26, s28;
	s13 =	sshrl.u32 s8, $0x5;
	s2 =	sadd.s32 s2, s30  }
0xc: {  	s8 =	simm.s32 $0x6350;
	s29 =	sshrl.u32 s6, $0x3;
	s7 =	sadd.s32 s4, s7  }
0xd: {  	s0 =	smax.u32 s0, $0x1;
	s3 =	sadd.s32 s4, s29;
	[dreg:$0xb] =	wrdreg s7  }
0xe: {  	s31 =	sshrl.u32 s2, $0x3;
	[dreg:$0xe] =	wrdreg s0;
	s3 =	sadd.s32 $0xFA00, s3  }
0xf: {  	s0 =	sadd.s32 s31, s1;
	[dreg:$0xc] =	wrdreg s3;
	s3 =	simm.s32 $0x6  }
0x10: {  	s2 =	simm.s32 $0x6280;
	[dreg:$0xf] =	wrdreg s0;
	s3 =	simm.s32 @!p0 $0x7  }
0x11: {  	v0 =	vimm.s32 $0x0;
	s1 =	simm.s32 $0x5;
	s0 =	simm.s32 $0x6420;
	[dreg:$0xd] =	wrdreg s3  }
.LBB2_1:
0x12: {  	[dreg:$0x10] =	wrdreg s5  }
0x13: {  	s3 =	rddreg [dreg:$0xa]  }
0x14: {  	[tilespmem:s9], [sflag:$0x1] =	stream.linear.gather [hbm4b:s3+s9], $0x1F40, $0x38;
	[tilespmem:$0x1DBF0] =	vst v63  }
0x15: {  	s26 =	rddreg [dreg:$0x1]  }
0x16: {  	[tilespmem:s19], [sflag:$0x2] =	stream.linear.gather [hbm4b:s26+s9], $0x3E80, $0x38;
	[tilespmem:$0x1DBF0] =	vst v63  }
0x17: {  	_ =	swait.ge [sflag:s20], $0x1F40  }
0x18: {  	[sflag:s20] =	ssyncset.done $0x0  }
0x19: {  	[sflag:s20] =	ssyncadd.s32 $0xFFFFE0C0  }
0x1a: {  	_ =	swait.ge [sflag:s21], $0x3E80  }
.Ltmp0:
0x1b: {  	[sflag:s21] =	ssyncset.done $0x0;
	(pc) =	sbr.rel .LBB2_2-.Ltmp0, $4  }
0x1c: {  	s29 =	simm.s32 $0x64F0;
	s28 =	rddreg [dreg:$0xb];
	[sflag:s21] =	ssyncadd.s32 $0xFFFFC180  }
0x1d: {  	[tilespmem:s29], [sflag:$0x1] =	stream.linear.gather [hbm4b:s28+s9], $0x3E80, $0x38;
	[tilespmem:$0x1DBF0] =	vst v63  }
0x1e: {  	s31 =	simm.s32 $0xA370;
	s6 =	simm.s32 $0x0;
	s30 =	rddreg [dreg:$0xc]  }
0x1f: {  	[tilespmem:s31], [sflag:$0x2] =	stream.linear.gather [hbm4b:s30+s9], $0x3E80, $0x38;
	[tilespmem:$0x1DBF0] =	vst v63  }
.LBB2_16:
0x20: {  	v10 =	vshll.u32 v10, $0x3  }
0x21: {  	v11 =	vor.u32 $0x1, v10;
	_ =	sdelay $0x3  }
0x22: {  	v10 =	vld.idx.msk [tilespmem:v10+s19+$0x0], $0xffff  }
0x23: {  	v11 =	vld.idx.msk [tilespmem:v11+s19+$0x0], $0xffff;
	_ =	sdelay $0x3  }
0x24: {  	[tilespmem:s25+$0xFFFFFF90] =	vst v10  }
0x25: {  	[tilespmem:s25+$0x10] =	vst v11  }
0x26: {  	v10 =	vld [tilespmem:s3+$0xA390];
	_ =	sdelay $0x2  }
0x27: {  	v19 =	vor.u32 $0x1, v9;
	_ =	sdelay $0x1  }
0x28: {  	v10 =	vshll.u32 v10, $0x3  }
0x29: {  	v12 =	vor.u32 $0x1, v10  }
0x2a: {  	v20 =	vld.idx.msk [tilespmem:v9+s19+$0x0], $0xffff  }
0x2b: {  	v11 =	vld.idx.msk [tilespmem:v19+s19+$0x0], $0xffff;
	_ =	sdelay $0x1  }
0x2c: {  	v10 =	vld.idx.msk [tilespmem:v10+s19+$0x0], $0xffff  }
0x2d: {  	v12 =	vld.idx.msk [tilespmem:v12+s19+$0x0], $0xffff  }
0x2e: {  	[tilespmem:s30+$0xFFFFFFA0] =	vst v20  }
0x2f: {  	[tilespmem:s30+$0x20] =	vst v11  }
0x30: {  	v9 =	vld [tilespmem:s29+$0xA3A0]  }
0x31: {  	[tilespmem:s25+$0xFFFFFFA0] =	vst v10  }
0x32: {  	[tilespmem:s25+$0x20] =	vst v12  }
0x33: {  	v10 =	vld [tilespmem:s3+$0xA3A0]  }
0x34: {  	v21 =	vor.u32 $0x1, v6  }
0x35: {  	v9 =	vshll.u32 v9, $0x3  }
0x36: {  	v22 =	vor.u32 $0x1, v9;
	_ =	sdelay $0x1  }
0x37: {  	v23 =	vld.idx.msk [tilespmem:v6+s19+$0x0], $0xffff;
	v10 =	vshll.u32 v10, $0x3  }
0x38: {  	v11 =	vld.idx.msk [tilespmem:v21+s19+$0x0], $0xffff;
	v13 =	vor.u32 $0x1, v10  }
0x39: {  	v9 =	vld.idx.msk [tilespmem:v9+s19+$0x0], $0xffff  }
0x3a: {  	v12 =	vld.idx.msk [tilespmem:v22+s19+$0x0], $0xffff;
	_ =	sdelay $0x1  }
0x3b: {  	[tilespmem:s16+$0xFFFFFFB0] =	vst v23;
	v10 =	vld.idx.msk [tilespmem:v10+s19+$0x0], $0xffff  }
0x3c: {  	[tilespmem:s16+$0x30] =	vst v11;
	v24 =	vld.idx.msk [tilespmem:v13+s19+$0x0], $0xffff  }
0x3d: {  	v11 =	vld [tilespmem:s26+$0xA3B0];
	[tilespmem:s30+$0xFFFFFFB0] =	vst v9  }
0x3e: {  	v8 =	vld.idx.msk [tilespmem:v8+s19+$0x0], $0xffff;
	[tilespmem:s30+$0x30] =	vst v12  }
0x3f: {  	v9 =	vld [tilespmem:s29+$0xA3B0]  }
0x40: {  	v7 =	vld.idx.msk [tilespmem:v7+s19+$0x0], $0xffff;
	[tilespmem:s25+$0xFFFFFFB0] =	vst v10  }
0x41: {  	[tilespmem:s25+$0x30] =	vst v24  }
0x42: {  	v25 =	vshll.u32 v11, $0x3;
	v6 =	vld [tilespmem:s3+$0xA3B0]  }
0x43: {  	v26 =	vor.u32 $0x1, v25  }
0x44: {  	[tilespmem:s28+$0xFFFFFFC0] =	vst v8;
	v27 =	vshll.u32 v9, $0x3  }
0x45: {  	[tilespmem:s28+$0x40] =	vst v7;
	v28 =	vor.u32 $0x1, v27  }
0x46: {  	v8 =	vld [tilespmem:s18+$0xA3C0]  }
0x47: {  	v7 =	vld.idx.msk [tilespmem:v25+s19+$0x0], $0xffff;
	v6 =	vshll.u32 v6, $0x3  }
0x48: {  	v10 =	vld.idx.msk [tilespmem:v26+s19+$0x0], $0xffff;
	v30 =	vor.u32 $0x1, v6  }
0x49: {  	[tilespmem:s14+$0xFFFFFFD0] =	vst v5;
	v5 =	vld.idx.msk [tilespmem:v27+s19+$0x0], $0xffff  }
0x4a: {  	[tilespmem:s14+$0x50] =	vst v4;
	v4 =	vld.idx.msk [tilespmem:v28+s19+$0x0], $0xffff;
	_ =	sdelay $0x1  }
0x4b: {  	[tilespmem:s16+$0xFFFFFFC0] =	vst v7;
	v6 =	vld.idx.msk [tilespmem:v6+s19+$0x0], $0xffff  }
0x4c: {  	[tilespmem:s16+$0x40] =	vst v10;
	v32 =	vld.idx.msk [tilespmem:v30+s19+$0x0], $0xffff  }
0x4d: {  	[tilespmem:s30+$0xFFFFFFC0] =	vst v5;
	v10 =	vld [tilespmem:s26+$0xA3C0]  }
0x4e: {  	v8 =	vshll.u32 v8, $0x3;
	[tilespmem:s30+$0x40] =	vst v4  }
0x4f: {  	v4 =	vld [tilespmem:s29+$0xA3C0]  }
0x50: {  	v31 =	vor.u32 $0x1, v8;
	[tilespmem:s25+$0xFFFFFFC0] =	vst v6  }
0x51: {  	[tilespmem:s25+$0x40] =	vst v32  }
0x52: {  	v35 =	vshll.u32 v10, $0x3;
	v7 =	vld [tilespmem:s3+$0xA3C0]  }
0x53: {  	v8 =	vld.idx.msk [tilespmem:v8+s19+$0x0], $0xffff;
	v36 =	vor.u32 $0x1, v35  }
0x54: {  	v29 =	vld [tilespmem:s17+$0xA3D0];
	v4 =	vshll.u32 v4, $0x3  }
0x55: {  	v33 =	vld.idx.msk [tilespmem:v31+s19+$0x0], $0xffff;
	v37 =	vor.u32 $0x1, v4;
	_ =	sdelay $0x1  }
0x56: {  	v9 =	vld.idx.msk [tilespmem:v35+s19+$0x0], $0xffff;
	v7 =	vshll.u32 v7, $0x3  }
0x57: {  	[tilespmem:s28+$0xFFFFFFD0] =	vst v8;
	v8 =	vld.idx.msk [tilespmem:v36+s19+$0x0], $0xffff;
	v39 =	vor.u32 $0x1, v7  }
0x58: {  	v4 =	vld.idx.msk [tilespmem:v4+s19+$0x0], $0xffff  }
0x59: {  	v34 =	vshll.u32 v29, $0x3;
	[tilespmem:s28+$0x50] =	vst v33;
	v10 =	vld.idx.msk [tilespmem:v37+s19+$0x0], $0xffff  }
0x5a: {  	v5 =	vld [tilespmem:s18+$0xA3D0]  }
0x5b: {  	v6 =	vor.u32 $0x1, v34;
	[tilespmem:s16+$0xFFFFFFD0] =	vst v9;
	v7 =	vld.idx.msk [tilespmem:v7+s19+$0x0], $0xffff  }
0x5c: {  	[tilespmem:s16+$0x50] =	vst v8;
	v12 =	vld.idx.msk [tilespmem:v39+s19+$0x0], $0xffff  }
0x5d: {  	[tilespmem:s30+$0xFFFFFFD0] =	vst v4;
	v8 =	vld [tilespmem:s26+$0xA3D0]  }
0x5e: {  	v38 =	vld.idx.msk [tilespmem:v34+s19+$0x0], $0xffff;
	[tilespmem:s30+$0x50] =	vst v10  }
0x5f: {  	v5 =	vshll.u32 v5, $0x3;
	v42 =	vld [tilespmem:s29+$0xA3D0]  }
0x60: {  	v40 =	vor.u32 $0x1, v5;
	v6 =	vld.idx.msk [tilespmem:v6+s19+$0x0], $0xffff;
	[tilespmem:s25+$0xFFFFFFD0] =	vst v7  }
0x61: {  	[tilespmem:s25+$0x50] =	vst v12  }
0x62: {  	[tilespmem:s11+$0x60] =	vst v3;
	v8 =	vshll.u32 v8, $0x3;
	v3 =	vld [tilespmem:s3+$0xA3D0]  }
0x63: {  	v45 =	vld [tilespmem:s15+$0xA3E0];
	v44 =	vor.u32 $0x1, v8  }
0x64: {  	v41 =	vld.idx.msk [tilespmem:v5+s19+$0x0], $0xffff;
	[tilespmem:s14+$0xFFFFFFE0] =	vst v38;
	v46 =	vshll.u32 v42, $0x3  }
0x65: {  	v43 =	vld.idx.msk [tilespmem:v40+s19+$0x0], $0xffff;
	[tilespmem:s14+$0x60] =	vst v6;
	v48 =	vor.u32 $0x1, v46  }
0x66: {  	v47 =	vld [tilespmem:s17+$0xA3E0]  }
0x67: {  	v8 =	vld.idx.msk [tilespmem:v8+s19+$0x0], $0xffff;
	v3 =	vshll.u32 v3, $0x3  }
0x68: {  	v6 =	vld.idx.msk [tilespmem:v44+s19+$0x0], $0xffff;
	v50 =	vor.u32 $0x1, v3  }
0x69: {  	[tilespmem:s28+$0xFFFFFFE0] =	vst v41;
	v4 =	vld.idx.msk [tilespmem:v46+s19+$0x0], $0xffff  }
0x6a: {  	[tilespmem:s28+$0x60] =	vst v43;
	v7 =	vld.idx.msk [tilespmem:v48+s19+$0x0], $0xffff  }
0x6b: {  	v49 =	vld [tilespmem:s18+$0xA3E0]  }
0x6c: {  	[tilespmem:s16+$0xFFFFFFE0] =	vst v8;
	v3 =	vld.idx.msk [tilespmem:v3+s19+$0x0], $0xffff  }
0x6d: {  	v9 =	vshll.u32 v45, $0x3;
	[tilespmem:s16+$0x60] =	vst v6;
	v51 =	vld.idx.msk [tilespmem:v50+s19+$0x0], $0xffff  }
0x6e: {  	[tilespmem:s30+$0xFFFFFFE0] =	vst v4;
	v53 =	vld [tilespmem:s26+$0xA3E0]  }
0x6f: {  	v54 =	vshll.u32 v47, $0x3;
	[tilespmem:s30+$0x60] =	vst v7  }
0x70: {  	v52 =	vor.u32 $0x1, v9;
	v7 =	vld [tilespmem:s29+$0xA3E0]  }
0x71: {  	v1 =	vld.idx.msk [tilespmem:v1+s19+$0x0], $0xffff;
	v5 =	vor.u32 $0x1, v54;
	[tilespmem:s25+$0xFFFFFFE0] =	vst v3;
	v3 =	vshll.u32 v49, $0x3  }
0x72: {  	v9 =	vld.idx.msk [tilespmem:v9+s19+$0x0], $0xffff;
	[tilespmem:s25+$0x60] =	vst v51;
	v55 =	vor.u32 $0x1, v3  }
0x73: {  	v11 =	vshll.u32 v53, $0x3;
	v56 =	vld [tilespmem:s3+$0xA3E0]  }
0x74: {  	[tilespmem:s31+$0x70] =	vst v2;
	v2 =	vld.idx.msk [tilespmem:v54+s19+$0x0], $0xffff  }
0x75: {  	v6 =	vld.idx.msk [tilespmem:v52+s19+$0x0], $0xffff;
	v57 =	vor.u32 $0x1, v11;
	v7 =	vshll.u32 v7, $0x3  }
0x76: {  	v5 =	vld.idx.msk [tilespmem:v5+s19+$0x0], $0xffff;
	v58 =	vor.u32 $0x1, v7  }
0x77: {  	[tilespmem:s31+$0xFFFFFFF0] =	vst v1;
	v1 =	vld.idx.msk [tilespmem:v55+s19+$0x0], $0xffff  }
0x78: {  	[tilespmem:s11+$0xFFFFFFF0] =	vst v9;
	v62 =	vld.idx.msk [tilespmem:v11+s19+$0x0], $0xffff;
	v59 =	vshll.u32 v56, $0x3  }
0x79: {  	[tilespmem:s14+$0xFFFFFFF0] =	vst v2;
	v3 =	vld.idx.msk [tilespmem:v3+s19+$0x0], $0xffff;
	v60 =	vor.u32 $0x1, v59  }
0x7a: {  	[tilespmem:s11+$0x70] =	vst v6;
	v61 =	vld.idx.msk [tilespmem:v57+s19+$0x0], $0xffff  }
0x7b: {  	[tilespmem:s14+$0x70] =	vst v5;
	v2 =	vld.idx.msk [tilespmem:v58+s19+$0x0], $0xffff  }
0x7c: {  	[tilespmem:s28+$0x70] =	vst v1;
	v1 =	vld.idx.msk [tilespmem:v7+s19+$0x0], $0xffff  }
0x7d: {  	[tilespmem:s16+$0xFFFFFFF0] =	vst v62;
	v63 =	vld.idx.msk [tilespmem:v59+s19+$0x0], $0xffff  }
0x7e: {  	[tilespmem:s28+$0xFFFFFFF0] =	vst v3;
	v3 =	vld.idx.msk [tilespmem:v60+s19+$0x0], $0xffff  }
0x7f: {  	s31 =	smul.u32 $0x7D00, s23;
	[tilespmem:s16+$0x70] =	vst v61  }
0x80: {  	[tilespmem:s30+$0x70] =	vst v2  }
0x81: {  	s3 =	sadd.s32 $0xFFC2F700, s31;
	[tilespmem:s30+$0xFFFFFFF0] =	vst v1  }
0x82: {  	s3 =	sshrl.u32 s3, $0x3;
	[tilespmem:s25+$0xFFFFFFF0] =	vst v63  }
0x83: {  	s3 =	sadd.s32 s12, s3;
	[tilespmem:s25+$0x70] =	vst v3  }
.LBB2_17:
0x84: {  	s5 =	simm.s32 $0x15EF0  }
0x85: {  	[hbm4b:s3+s9] =	stream.linear.scatter [tilespmem:s5], [sflag:$0x4], $0x7D00, $0x38;
	[tilespmem:$0x1DBF0] =	vst v63  }
0x86: {  	s3 =	sadd.s32 $0x3, s22  }
0x87: {  	p0 =	sge.u32 s3, s13  }
0x88: {  	s3 =	sshll.u32 @!p0 s3, $0x5  }
0x89: {  	s3 =	sor.u32 @!p0 s10, s3  }
0x8a: {  	p1 =	sgt.u32 @!p0 s3, $0x7C  }
0x8b: {  	p2 =	por !p1, p0  }
0x8c: {  	s5 =	smul.u32 @!p2 $0x3E80, s3  }
0x8d: {  	p1 =	por p1, p0  }
0x8e: {  	s3 =	smul.u32 @!p1 $0x7D0, s3;
	s5 =	sadd.s32 @!p2 $0xFFE17B80, s5  }
0x8f: {  	s7 =	rddreg [dreg:$0x5];
	s5 =	sshrl.u32 @!p2 s5, $0x3  }
0x90: {  	s3 =	sadd.s32 @!p1 s4, s3;
	s5 =	sadd.s32 @!p2 s7, s5  }
0x91: {  	s7 =	simm.s32 @!p0 $0xA370;
	s5 =	smov.u32 @p2 s3;
	s3 =	simm.s32 @!p0 $0x0  }
0x92: {  	[tilespmem:s7], [sflag:$0x2] =	stream.linear.gather @!p0 [hbm4b:s5+s3], $0x3E80, $0x38;
	[tilespmem:$0x1DBF0] =	vst v63  }
.LBB2_18:
0x93: {  	s6 =	sadd.s32 $0x1, s6  }
0x94: {  	p0 =	sne.s32 s6, $0x6  }
.Ltmp1:
0x95: {  	_ = 	snop;
	(pc) =	sbr.rel @!p0 .LBB2_19-.Ltmp1, $1  }
0x96: {  	_ =	sdelay $0x3  }
.LBB2_2:
0x97: {  	s7 =	sshll.u32 s6, $0x6  }
0x98: {  	s22 =	sor.u32 s10, s7  }
0x99: {  	_ =	swait.ge [sflag:s20], $0x3E80;
	p1 =	sgt.u32 s22, $0x7C  }
.Ltmp2:
0x9a: {  	p0 =	seq.s32 s6, $0x0;
	[sflag:s20] =	ssyncset.done $0x0;
	(pc) =	sbr.rel @p1 .LBB2_6-.Ltmp2, $4  }
0x9b: {  	s3 =	simm.s32 @!p0 $0x3;
	[sflag:s20] =	ssyncadd.s32 $0xFFFFC180  }
0x9c: {  	_ =	swait.ge @!p0 [sflag:s3], $0x7D00  }
0x9d: {  	[sflag:s3] =	ssyncset.done @!p0 $0x0  }
0x9e: {  	s23 =	simm.s32 $0xE270;
	[sflag:s3] =	ssyncadd.s32 @!p0 $0xFFFF8300;
	s3 =	simm.s32 $0x0  }
0x9f: {  	v1 =	vld [tilespmem:s3+$0x64F0];
	_ =	sdelay $0x4  }
0xa0: {  	v1 =	vshll.u32 v1, $0x3  }
0xa1: {  	v2 =	vor.u32 $0x1, v1;
	_ =	sdelay $0x3  }
0xa2: {  	v1 =	vld.idx.msk [tilespmem:v1+s9+$0x0], $0xffff  }
0xa3: {  	v2 =	vld.idx.msk [tilespmem:v2+s9+$0x0], $0xffff;
	_ =	sdelay $0x3  }
0xa4: {  	s14 =	simm.s32 $0x80;
	[tilespmem:s23+$0xFFFFFF80] =	vst v1  }
0xa5: {  	[tilespmem:s23+$0x0] =	vst v2;
	v2 =	vld [tilespmem:s14+$0x64F0]  }
0xa6: {  	v1 =	vld [tilespmem:s3+$0x6500];
	_ =	sdelay $0x3  }
0xa7: {  	v2 =	vshll.u32 v2, $0x3  }
0xa8: {  	v1 =	vshll.u32 v1, $0x3  }
0xa9: {  	v4 =	vor.u32 $0x1, v2  }
0xaa: {  	v3 =	vor.u32 $0x1, v1;
	_ =	sdelay $0x1  }
0xab: {  	v2 =	vld.idx.msk [tilespmem:v2+s9+$0x0], $0xffff  }
0xac: {  	v1 =	vld.idx.msk [tilespmem:v1+s9+$0x0], $0xffff  }
0xad: {  	v4 =	vld.idx.msk [tilespmem:v4+s9+$0x0], $0xffff  }
0xae: {  	v3 =	vld.idx.msk [tilespmem:v3+s9+$0x0], $0xffff  }
0xaf: {  	s31 =	simm.s32 $0xE370  }
0xb0: {  	[tilespmem:s31+$0xFFFFFF80] =	vst v2  }
0xb1: {  	[tilespmem:s23+$0xFFFFFF90] =	vst v1  }
0xb2: {  	[tilespmem:s31+$0x0] =	vst v4  }
0xb3: {  	[tilespmem:s23+$0x10] =	vst v3;
	v2 =	vld [tilespmem:s14+$0x6500]  }
0xb4: {  	v1 =	vld [tilespmem:s3+$0x6510]  }
0xb5: {  	s15 =	simm.s32 $0x100  }
0xb6: {  	v3 =	vld [tilespmem:s15+$0x64F0];
	_ =	sdelay $0x1  }
0xb7: {  	v2 =	vshll.u32 v2, $0x3  }
0xb8: {  	v1 =	vshll.u32 v1, $0x3  }
0xb9: {  	v5 =	vor.u32 $0x1, v2  }
0xba: {  	v3 =	vshll.u32 v3, $0x3  }
0xbb: {  	v4 =	vor.u32 $0x1, v1  }
0xbc: {  	v2 =	vld.idx.msk [tilespmem:v2+s9+$0x0], $0xffff  }
0xbd: {  	v1 =	vld.idx.msk [tilespmem:v1+s9+$0x0], $0xffff  }
0xbe: {  	v6 =	vor.u32 $0x1, v3;
	v5 =	vld.idx.msk [tilespmem:v5+s9+$0x0], $0xffff  }
0xbf: {  	v3 =	vld.idx.msk [tilespmem:v3+s9+$0x0], $0xffff  }
0xc0: {  	v4 =	vld.idx.msk [tilespmem:v4+s9+$0x0], $0xffff  }
0xc1: {  	[tilespmem:s31+$0xFFFFFF90] =	vst v2  }
0xc2: {  	[tilespmem:s23+$0xFFFFFFA0] =	vst v1  }
0xc3: {  	s11 =	simm.s32 $0xE470;
	v1 =	vld.idx.msk [tilespmem:v6+s9+$0x0], $0xffff;
	[tilespmem:s31+$0x10] =	vst v5  }
0xc4: {  	[tilespmem:s11+$0xFFFFFF80] =	vst v3  }
0xc5: {  	[tilespmem:s23+$0x20] =	vst v4;
	v3 =	vld [tilespmem:s14+$0x6510]  }
0xc6: {  	v2 =	vld [tilespmem:s3+$0x6520];
	_ =	sdelay $0x1  }
0xc7: {  	[tilespmem:s11+$0x0] =	vst v1  }
0xc8: {  	v1 =	vld [tilespmem:s15+$0x6500]  }
0xc9: {  	s28 =	simm.s32 $0x180;
	v3 =	vshll.u32 v3, $0x3  }
0xca: {  	v5 =	vld [tilespmem:s28+$0x64F0];
	v2 =	vshll.u32 v2, $0x3  }
0xcb: {  	v4 =	vor.u32 $0x1, v2  }
0xcc: {  	v7 =	vor.u32 $0x1, v3  }
0xcd: {  	v1 =	vshll.u32 v1, $0x3  }
0xce: {  	v3 =	vld.idx.msk [tilespmem:v3+s9+$0x0], $0xffff;
	v6 =	vor.u32 $0x1, v1  }
0xcf: {  	v5 =	vshll.u32 v5, $0x3;
	v2 =	vld.idx.msk [tilespmem:v2+s9+$0x0], $0xffff  }
0xd0: {  	v8 =	vor.u32 $0x1, v5;
	v4 =	vld.idx.msk [tilespmem:v4+s9+$0x0], $0xffff  }
0xd1: {  	v7 =	vld.idx.msk [tilespmem:v7+s9+$0x0], $0xffff  }
0xd2: {  	v1 =	vld.idx.msk [tilespmem:v1+s9+$0x0], $0xffff  }
0xd3: {  	[tilespmem:s31+$0xFFFFFFA0] =	vst v3;
	v6 =	vld.idx.msk [tilespmem:v6+s9+$0x0], $0xffff  }
0xd4: {  	[tilespmem:s23+$0xFFFFFFB0] =	vst v2;
	v2 =	vld.idx.msk [tilespmem:v5+s9+$0x0], $0xffff  }
0xd5: {  	v5 =	vld.idx.msk [tilespmem:v8+s9+$0x0], $0xffff;
	[tilespmem:s23+$0x30] =	vst v4  }
0xd6: {  	[tilespmem:s31+$0x20] =	vst v7;
	v4 =	vld [tilespmem:s3+$0x6530]  }
0xd7: {  	v3 =	vld [tilespmem:s14+$0x6520];
	[tilespmem:s11+$0xFFFFFF90] =	vst v1  }
0xd8: {  	[tilespmem:s11+$0x10] =	vst v6  }
0xd9: {  	s17 =	simm.s32 $0xE570;
	v1 =	vld [tilespmem:s15+$0x6510]  }
0xda: {  	[tilespmem:s17+$0xFFFFFF80] =	vst v2  }
0xdb: {  	[tilespmem:s17+$0x0] =	vst v5;
	v2 =	vshll.u32 v4, $0x3  }
0xdc: {  	v5 =	vld [tilespmem:s28+$0x6500];
	v3 =	vshll.u32 v3, $0x3  }
0xdd: {  	v4 =	vor.u32 $0x1, v2  }
0xde: {  	s16 =	simm.s32 $0x200;
	v1 =	vshll.u32 v1, $0x3  }
0xdf: {  	v8 =	vld [tilespmem:s16+$0x64F0];
	v6 =	vor.u32 $0x1, v1  }
0xe0: {  	v7 =	vor.u32 $0x1, v3;
	v2 =	vld.idx.msk [tilespmem:v2+s9+$0x0], $0xffff  }
0xe1: {  	v5 =	vshll.u32 v5, $0x3;
	v3 =	vld.idx.msk [tilespmem:v3+s9+$0x0], $0xffff  }
0xe2: {  	v9 =	vor.u32 $0x1, v5;
	v4 =	vld.idx.msk [tilespmem:v4+s9+$0x0], $0xffff  }
0xe3: {  	v1 =	vld.idx.msk [tilespmem:v1+s9+$0x0], $0xffff  }
0xe4: {  	v6 =	vld.idx.msk [tilespmem:v6+s9+$0x0], $0xffff  }
0xe5: {  	[tilespmem:s23+$0xFFFFFFC0] =	vst v2;
	v2 =	vld.idx.msk [tilespmem:v7+s9+$0x0], $0xffff;
	v7 =	vshll.u32 v8, $0x3;
	_ =	sdelay $0x1  }
0xe6: {  	v8 =	vld.idx.msk [tilespmem:v9+s9+$0x0], $0xffff;
	[tilespmem:s31+$0xFFFFFFB0] =	vst v3  }
0xe7: {  	[tilespmem:s23+$0x40] =	vst v4;
	v4 =	vld.idx.msk [tilespmem:v5+s9+$0x0], $0xffff;
	v5 =	vor.u32 $0x1, v7  }
0xe8: {  	[tilespmem:s11+$0xFFFFFFA0] =	vst v1;
	v1 =	vld [tilespmem:s3+$0x6540]  }
0xe9: {  	[tilespmem:s11+$0x20] =	vst v6;
	v6 =	vld.idx.msk [tilespmem:v7+s9+$0x0], $0xffff  }
0xea: {  	[tilespmem:s31+$0x30] =	vst v2;
	v3 =	vld [tilespmem:s15+$0x6520]  }
0xeb: {  	v2 =	vld [tilespmem:s14+$0x6530]  }
0xec: {  	v5 =	vld.idx.msk [tilespmem:v5+s9+$0x0], $0xffff  }
0xed: {  	[tilespmem:s17+$0x10] =	vst v8  }
0xee: {  	[tilespmem:s17+$0xFFFFFF90] =	vst v4;
	v1 =	vshll.u32 v1, $0x3  }
0xef: {  	s18 =	simm.s32 $0xE670;
	v7 =	vld [tilespmem:s28+$0x6510];
	v4 =	vor.u32 $0x1, v1  }
0xf0: {  	[tilespmem:s18+$0xFFFFFF80] =	vst v6;
	v3 =	vshll.u32 v3, $0x3  }
0xf1: {  	v2 =	vshll.u32 v2, $0x3;
	[tilespmem:s18+$0x0] =	vst v5  }
0xf2: {  	v5 =	vld [tilespmem:s16+$0x6500]  }
0xf3: {  	v6 =	vor.u32 $0x1, v2;
	v1 =	vld.idx.msk [tilespmem:v1+s9+$0x0], $0xffff  }
0xf4: {  	v7 =	vshll.u32 v7, $0x3;
	v4 =	vld.idx.msk [tilespmem:v4+s9+$0x0], $0xffff  }
0xf5: {  	v9 =	vor.u32 $0x1, v7;
	v8 =	vld.idx.msk [tilespmem:v3+s9+$0x0], $0xffff  }
0xf6: {  	s26 =	simm.s32 $0x280;
	v2 =	vld.idx.msk [tilespmem:v2+s9+$0x0], $0xffff;
	v3 =	vor.u32 $0x1, v3  }
0xf7: {  	v10 =	vld [tilespmem:s26+$0x64F0]  }
0xf8: {  	v6 =	vld.idx.msk [tilespmem:v6+s9+$0x0], $0xffff;
	v5 =	vshll.u32 v5, $0x3  }
0xf9: {  	[tilespmem:s23+$0xFFFFFFD0] =	vst v1;
	v1 =	vld.idx.msk [tilespmem:v7+s9+$0x0], $0xffff  }
0xfa: {  	v7 =	vld.idx.msk [tilespmem:v9+s9+$0x0], $0xffff;
	[tilespmem:s23+$0x50] =	vst v4;
	v4 =	vor.u32 $0x1, v5  }
0xfb: {  	[tilespmem:s31+$0xFFFFFFC0] =	vst v2;
	v2 =	vld.idx.msk [tilespmem:v3+s9+$0x0], $0xffff  }
0xfc: {  	v9 =	vld [tilespmem:s3+$0x6550];
	[tilespmem:s11+$0xFFFFFFB0] =	vst v8  }
0xfd: {  	[tilespmem:s31+$0x40] =	vst v6;
	v3 =	vld.idx.msk [tilespmem:v5+s9+$0x0], $0xffff;
	v5 =	vshll.u32 v10, $0x3  }
0xfe: {  	v6 =	vld [tilespmem:s14+$0x6540];
	v8 =	vor.u32 $0x1, v5;
	[tilespmem:s17+$0xFFFFFFA0] =	vst v1  }
0xff: {  	[tilespmem:s17+$0x20] =	vst v7;
	v4 =	vld.idx.msk [tilespmem:v4+s9+$0x0], $0xffff  }
0x100: {  	v7 =	vld [tilespmem:s28+$0x6520];
	[tilespmem:s11+$0x30] =	vst v2  }
0x101: {  	v1 =	vshll.u32 v9, $0x3;
	v9 =	vld [tilespmem:s15+$0x6530]  }
0x102: {  	v2 =	vor.u32 $0x1, v1;
	v5 =	vld.idx.msk [tilespmem:v5+s9+$0x0], $0xffff  }
0x103: {  	[tilespmem:s18+$0xFFFFFF90] =	vst v3;
	v3 =	vshll.u32 v6, $0x3;
	v6 =	vld.idx.msk [tilespmem:v8+s9+$0x0], $0xffff  }
0x104: {  	[tilespmem:s18+$0x10] =	vst v4  }
0x105: {  	v4 =	vor.u32 $0x1, v3;
	v8 =	vld [tilespmem:s16+$0x6510]  }
0x106: {  	s29 =	simm.s32 $0xE770;
	v7 =	vshll.u32 v7, $0x3;
	v1 =	vld.idx.msk [tilespmem:v1+s9+$0x0], $0xffff  }
0x107: {  	v2 =	vld.idx.msk [tilespmem:v2+s9+$0x0], $0xffff;
	[tilespmem:s29+$0xFFFFFF80] =	vst v5  }
0x108: {  	v9 =	vshll.u32 v9, $0x3;
	v3 =	vld.idx.msk [tilespmem:v3+s9+$0x0], $0xffff;
	[tilespmem:s29+$0x0] =	vst v6  }
0x109: {  	v5 =	vor.u32 $0x1, v9;
	v6 =	vld [tilespmem:s26+$0x6500]  }
0x10a: {  	v4 =	vld.idx.msk [tilespmem:v4+s9+$0x0], $0xffff;
	v8 =	vshll.u32 v8, $0x3  }
0x10b: {  	s30 =	simm.s32 $0x300;
	v10 =	vld.idx.msk [tilespmem:v7+s9+$0x0], $0xffff  }
0x10c: {  	[tilespmem:s23+$0xFFFFFFE0] =	vst v1;
	v1 =	vor.u32 $0x1, v7;
	v7 =	vld [tilespmem:s30+$0x64F0]  }
0x10d: {  	v11 =	vor.u32 $0x1, v8;
	v9 =	vld.idx.msk [tilespmem:v9+s9+$0x0], $0xffff  }
0x10e: {  	v5 =	vld.idx.msk [tilespmem:v5+s9+$0x0], $0xffff  }
0x10f: {  	[tilespmem:s31+$0xFFFFFFD0] =	vst v3;
	v3 =	vshll.u32 v6, $0x3;
	v6 =	vld.idx.msk [tilespmem:v8+s9+$0x0], $0xffff  }
0x110: {  	[tilespmem:s31+$0x50] =	vst v4  }
0x111: {  	[tilespmem:s23+$0x60] =	vst v2;
	v8 =	vld [tilespmem:s14+$0x6550]  }
0x112: {  	v2 =	vor.u32 $0x1, v3;
	v4 =	vld.idx.msk [tilespmem:v11+s9+$0x0], $0xffff;
	[tilespmem:s11+$0xFFFFFFC0] =	vst v9  }
0x113: {  	v7 =	vshll.u32 v7, $0x3;
	v11 =	vld [tilespmem:s3+$0x6560];
	[tilespmem:s11+$0x40] =	vst v5  }
0x114: {  	v5 =	vor.u32 $0x1, v7;
	[tilespmem:s18+$0xFFFFFFA0] =	vst v6;
	v6 =	vld [tilespmem:s15+$0x6540]  }
0x115: {  	v9 =	vld.idx.msk [tilespmem:v1+s9+$0x0], $0xffff  }
0x116: {  	v3 =	vld.idx.msk [tilespmem:v3+s9+$0x0], $0xffff  }
0x117: {  	v2 =	vld.idx.msk [tilespmem:v2+s9+$0x0], $0xffff  }
0x118: {  	[tilespmem:s17+$0xFFFFFFB0] =	vst v10  }
0x119: {  	[tilespmem:s18+$0x20] =	vst v4;
	v4 =	vshll.u32 v8, $0x3;
	v12 =	vld.idx.msk [tilespmem:v5+s9+$0x0], $0xffff;
	v5 =	vshll.u32 v6, $0x3  }
0x11a: {  	[tilespmem:s17+$0x30] =	vst v9;
	v10 =	vld [tilespmem:s16+$0x6520];
	v6 =	vor.u32 $0x1, v5  }
0x11b: {  	v1 =	vshll.u32 v11, $0x3;
	v8 =	vor.u32 $0x1, v4;
	v9 =	vld [tilespmem:s28+$0x6530];
	[tilespmem:s29+$0xFFFFFF90] =	vst v3  }
0x11c: {  	v7 =	vld.idx.msk [tilespmem:v7+s9+$0x0], $0xffff;
	v11 =	vor.u32 $0x1, v1;
	[tilespmem:s29+$0x10] =	vst v2  }
0x11d: {  	v14 =	vld [tilespmem:s26+$0x6510]  }
0x11e: {  	v13 =	vld.idx.msk [tilespmem:v4+s9+$0x0], $0xffff  }
0x11f: {  	v4 =	vld.idx.msk [tilespmem:v6+s9+$0x0], $0xffff;
	v6 =	vshll.u32 v10, $0x3  }
0x120: {  	s3 =	simm.s32 $0xE870;
	v3 =	vld.idx.msk [tilespmem:v8+s9+$0x0], $0xffff;
	v8 =	vshll.u32 v9, $0x3  }
0x121: {  	[tilespmem:s3+$0xFFFFFF80] =	vst v7;
	v2 =	vld.idx.msk [tilespmem:v11+s9+$0x0], $0xffff;
	v7 =	vor.u32 $0x1, v8  }
0x122: {  	[tilespmem:s3+$0x0] =	vst v12;
	v5 =	vld.idx.msk [tilespmem:v5+s9+$0x0], $0xffff  }
0x123: {  	s25 =	simm.s32 $0xE00;
	s7 =	simm.s32 $0xE870;
	v9 =	vshll.u32 v14, $0x3;
	v10 =	vld [tilespmem:s30+$0x6500];
	[tilespmem:s31+$0xFFFFFFE0] =	vst v13  }
.LBB2_4:
0x124: {  	s24 =	sshra.s32 s25, $0x2;
	p1 =	seq.s32 s25, $0xF800;
	s25 =	sadd.s32 $0x200, s25;
	v11 =	vld.idx.msk [tilespmem:v6+s9+$0x0], $0xffff  }
0x125: {  	v12 =	vor.u32 $0x1, v9;
	v8 =	vld.idx.msk [tilespmem:v8+s9+$0x0], $0xffff;
	[tilespmem:s31+$0x60] =	vst v3  }
0x126: {  	v3 =	vld.idx.msk [tilespmem:v7+s9+$0x0], $0xffff  }
0x127: {  	v6 =	vor.u32 $0x1, v6;
	[tilespmem:s11+$0xFFFFFFD0] =	vst v5;
	v5 =	vld [tilespmem:s14+$0x6560];
	s14 =	smov.u32 s15;
	s15 =	smov.u32 s28;
	s28 =	smov.u32 s16  }
0x128: {  	s16 =	smov.u32 s26;
	s26 =	smov.u32 s30;
	s30 =	smov.u32 s24;
	v7 =	vld [tilespmem:s24+$0x64F0];
	v10 =	vshll.u32 v10, $0x3;
	[tilespmem:s11+$0x50] =	vst v4  }
0x129: {  	v4 =	vor.u32 $0x1, v10;
	v9 =	vld.idx.msk [tilespmem:v9+s9+$0x0], $0xffff  }
0x12a: {  	v12 =	vld.idx.msk [tilespmem:v12+s9+$0x0], $0xffff  }
0x12b: {  	[tilespmem:s17+$0xFFFFFFC0] =	vst v8;
	v8 =	vld [tilespmem:s14+$0x6550]  }
0x12c: {  	v6 =	vld.idx.msk [tilespmem:v6+s9+$0x0], $0xffff;
	[tilespmem:s17+$0x40] =	vst v3;
	v3 =	vshll.u32 v5, $0x3  }
0x12d: {  	v5 =	vshll.u32 v7, $0x3;
	v7 =	vld.idx.msk [tilespmem:v10+s9+$0x0], $0xffff;
	[tilespmem:s18+$0xFFFFFFB0] =	vst v11  }
0x12e: {  	v10 =	vor.u32 $0x1, v5;
	v4 =	vld.idx.msk [tilespmem:v4+s9+$0x0], $0xffff  }
0x12f: {  	[tilespmem:s29+$0xFFFFFFA0] =	vst v9;
	v9 =	vld [tilespmem:s15+$0x6540]  }
0x130: {  	[tilespmem:s29+$0x20] =	vst v12;
	v8 =	vshll.u32 v8, $0x3;
	v11 =	vld.idx.msk [tilespmem:v1+s9+$0x0], $0xffff;
	v1 =	vmov v3  }
0x131: {  	v3 =	vld [tilespmem:s16+$0x6520];
	[tilespmem:s23+$0x70] =	vst v2  }
0x132: {  	v2 =	vld.idx.msk [tilespmem:v5+s9+$0x0], $0xffff;
	[tilespmem:s18+$0x30] =	vst v6;
	v5 =	vor.u32 $0x1, v8  }
0x133: {  	v13 =	vor.u32 $0x1, v1;
	v12 =	vld [tilespmem:s28+$0x6530]  }
0x134: {  	s7 =	sadd.s32 $0x100, s7;
	v10 =	vld.idx.msk [tilespmem:v10+s9+$0x0], $0xffff;
	[tilespmem:s3+$0xFFFFFF90] =	vst v7;
	v9 =	vshll.u32 v9, $0x3  }
0x135: {  	[tilespmem:s3+$0x10] =	vst v4;
	v4 =	vor.u32 $0x1, v9;
	v14 =	vld.idx.msk [tilespmem:v8+s9+$0x0], $0xffff  }
0x136: {  	v15 =	vld [tilespmem:s26+$0x6510];
	[tilespmem:s23+$0xFFFFFFF0] =	vst v11;
	s23 =	smov.u32 s31;
	s31 =	smov.u32 s11;
	s11 =	smov.u32 s17  }
.Ltmp3:
0x137: {  	v6 =	vshll.u32 v3, $0x3;
	s17 =	smov.u32 s18;
	s18 =	smov.u32 s29;
	v3 =	vld.idx.msk [tilespmem:v5+s9+$0x0], $0xffff;
	(pc) =	sbr.rel @!p1 .LBB2_4-.Ltmp3, $4  }
0x138: {  	s29 =	smov.u32 s3;
	s3 =	smov.u32 s7;
	[tilespmem:s7+$0xFFFFFF80] =	vst v2;
	v8 =	vshll.u32 v12, $0x3;
	v2 =	vld.idx.msk [tilespmem:v13+s9+$0x0], $0xffff  }
0x139: {  	v7 =	vor.u32 $0x1, v8;
	v5 =	vld.idx.msk [tilespmem:v9+s9+$0x0], $0xffff  }
0x13a: {  	[tilespmem:s7+$0x0] =	vst v10;
	v4 =	vld.idx.msk [tilespmem:v4+s9+$0x0], $0xffff  }
0x13b: {  	v10 =	vld [tilespmem:s30+$0x6500];
	v9 =	vshll.u32 v15, $0x3;
	[tilespmem:s31+$0xFFFFFFE0] =	vst v14  }
0x13c: {  	_ =	sdelay $0x3  }
0x13d: {  	v10 =	vshll.u32 v10, $0x3  }
0x13e: {  	v11 =	vor.u32 $0x1, v10;
	_ =	sdelay $0x3  }
0x13f: {  	v10 =	vld.idx.msk [tilespmem:v10+s9+$0x0], $0xffff  }
0x140: {  	v11 =	vld.idx.msk [tilespmem:v11+s9+$0x0], $0xffff;
	_ =	sdelay $0x3  }
0x141: {  	[tilespmem:s3+$0xFFFFFF90] =	vst v10  }
0x142: {  	[tilespmem:s3+$0x10] =	vst v11  }
0x143: {  	v10 =	vld [tilespmem:s30+$0x6510];
	_ =	sdelay $0x2  }
0x144: {  	v19 =	vor.u32 $0x1, v9;
	_ =	sdelay $0x1  }
0x145: {  	v10 =	vshll.u32 v10, $0x3  }
0x146: {  	v12 =	vor.u32 $0x1, v10  }
0x147: {  	v20 =	vld.idx.msk [tilespmem:v9+s9+$0x0], $0xffff  }
0x148: {  	v11 =	vld.idx.msk [tilespmem:v19+s9+$0x0], $0xffff;
	_ =	sdelay $0x1  }
0x149: {  	v10 =	vld.idx.msk [tilespmem:v10+s9+$0x0], $0xffff  }
0x14a: {  	v12 =	vld.idx.msk [tilespmem:v12+s9+$0x0], $0xffff  }
0x14b: {  	[tilespmem:s29+$0xFFFFFFA0] =	vst v20  }
0x14c: {  	[tilespmem:s29+$0x20] =	vst v11  }
0x14d: {  	v9 =	vld [tilespmem:s26+$0x6520]  }
0x14e: {  	[tilespmem:s3+$0xFFFFFFA0] =	vst v10  }
0x14f: {  	[tilespmem:s3+$0x20] =	vst v12  }
0x150: {  	v10 =	vld [tilespmem:s30+$0x6520]  }
0x151: {  	v21 =	vor.u32 $0x1, v6  }
0x152: {  	v9 =	vshll.u32 v9, $0x3  }
0x153: {  	v22 =	vor.u32 $0x1, v9;
	_ =	sdelay $0x1  }
0x154: {  	v23 =	vld.idx.msk [tilespmem:v6+s9+$0x0], $0xffff;
	v10 =	vshll.u32 v10, $0x3  }
0x155: {  	v11 =	vld.idx.msk [tilespmem:v21+s9+$0x0], $0xffff;
	v13 =	vor.u32 $0x1, v10  }
0x156: {  	v9 =	vld.idx.msk [tilespmem:v9+s9+$0x0], $0xffff  }
0x157: {  	v12 =	vld.idx.msk [tilespmem:v22+s9+$0x0], $0xffff;
	_ =	sdelay $0x1  }
0x158: {  	[tilespmem:s18+$0xFFFFFFB0] =	vst v23;
	v10 =	vld.idx.msk [tilespmem:v10+s9+$0x0], $0xffff  }
0x159: {  	[tilespmem:s18+$0x30] =	vst v11;
	v24 =	vld.idx.msk [tilespmem:v13+s9+$0x0], $0xffff  }
0x15a: {  	v11 =	vld [tilespmem:s16+$0x6530];
	[tilespmem:s29+$0xFFFFFFB0] =	vst v9  }
0x15b: {  	v8 =	vld.idx.msk [tilespmem:v8+s9+$0x0], $0xffff;
	[tilespmem:s29+$0x30] =	vst v12  }
0x15c: {  	v9 =	vld [tilespmem:s26+$0x6530]  }
0x15d: {  	v7 =	vld.idx.msk [tilespmem:v7+s9+$0x0], $0xffff;
	[tilespmem:s3+$0xFFFFFFB0] =	vst v10  }
0x15e: {  	[tilespmem:s3+$0x30] =	vst v24  }
0x15f: {  	v25 =	vshll.u32 v11, $0x3;
	v6 =	vld [tilespmem:s30+$0x6530]  }
0x160: {  	v26 =	vor.u32 $0x1, v25  }
0x161: {  	[tilespmem:s17+$0xFFFFFFC0] =	vst v8;
	v27 =	vshll.u32 v9, $0x3  }
0x162: {  	[tilespmem:s17+$0x40] =	vst v7;
	v28 =	vor.u32 $0x1, v27  }
0x163: {  	v8 =	vld [tilespmem:s28+$0x6540]  }
0x164: {  	v7 =	vld.idx.msk [tilespmem:v25+s9+$0x0], $0xffff;
	v6 =	vshll.u32 v6, $0x3  }
0x165: {  	v10 =	vld.idx.msk [tilespmem:v26+s9+$0x0], $0xffff;
	v30 =	vor.u32 $0x1, v6  }
0x166: {  	[tilespmem:s11+$0xFFFFFFD0] =	vst v5;
	v5 =	vld.idx.msk [tilespmem:v27+s9+$0x0], $0xffff  }
0x167: {  	[tilespmem:s11+$0x50] =	vst v4;
	v4 =	vld.idx.msk [tilespmem:v28+s9+$0x0], $0xffff;
	_ =	sdelay $0x1  }
0x168: {  	[tilespmem:s18+$0xFFFFFFC0] =	vst v7;
	v6 =	vld.idx.msk [tilespmem:v6+s9+$0x0], $0xffff  }
0x169: {  	[tilespmem:s18+$0x40] =	vst v10;
	v32 =	vld.idx.msk [tilespmem:v30+s9+$0x0], $0xffff  }
0x16a: {  	[tilespmem:s29+$0xFFFFFFC0] =	vst v5;
	v10 =	vld [tilespmem:s16+$0x6540]  }
0x16b: {  	v8 =	vshll.u32 v8, $0x3;
	[tilespmem:s29+$0x40] =	vst v4  }
0x16c: {  	v4 =	vld [tilespmem:s26+$0x6540]  }
0x16d: {  	v31 =	vor.u32 $0x1, v8;
	[tilespmem:s3+$0xFFFFFFC0] =	vst v6  }
0x16e: {  	[tilespmem:s3+$0x40] =	vst v32  }
0x16f: {  	v35 =	vshll.u32 v10, $0x3;
	v7 =	vld [tilespmem:s30+$0x6540]  }
0x170: {  	v8 =	vld.idx.msk [tilespmem:v8+s9+$0x0], $0xffff;
	v36 =	vor.u32 $0x1, v35  }
0x171: {  	v29 =	vld [tilespmem:s15+$0x6550];
	v4 =	vshll.u32 v4, $0x3  }
0x172: {  	v33 =	vld.idx.msk [tilespmem:v31+s9+$0x0], $0xffff;
	v37 =	vor.u32 $0x1, v4;
	_ =	sdelay $0x1  }
0x173: {  	v9 =	vld.idx.msk [tilespmem:v35+s9+$0x0], $0xffff;
	v7 =	vshll.u32 v7, $0x3  }
0x174: {  	[tilespmem:s17+$0xFFFFFFD0] =	vst v8;
	v8 =	vld.idx.msk [tilespmem:v36+s9+$0x0], $0xffff;
	v39 =	vor.u32 $0x1, v7  }
0x175: {  	v4 =	vld.idx.msk [tilespmem:v4+s9+$0x0], $0xffff  }
0x176: {  	v34 =	vshll.u32 v29, $0x3;
	[tilespmem:s17+$0x50] =	vst v33;
	v10 =	vld.idx.msk [tilespmem:v37+s9+$0x0], $0xffff  }
0x177: {  	v5 =	vld [tilespmem:s28+$0x6550]  }
0x178: {  	v6 =	vor.u32 $0x1, v34;
	[tilespmem:s18+$0xFFFFFFD0] =	vst v9;
	v7 =	vld.idx.msk [tilespmem:v7+s9+$0x0], $0xffff  }
0x179: {  	[tilespmem:s18+$0x50] =	vst v8;
	v12 =	vld.idx.msk [tilespmem:v39+s9+$0x0], $0xffff  }
0x17a: {  	[tilespmem:s29+$0xFFFFFFD0] =	vst v4;
	v8 =	vld [tilespmem:s16+$0x6550]  }
0x17b: {  	v38 =	vld.idx.msk [tilespmem:v34+s9+$0x0], $0xffff;
	[tilespmem:s29+$0x50] =	vst v10  }
0x17c: {  	v5 =	vshll.u32 v5, $0x3;
	v42 =	vld [tilespmem:s26+$0x6550]  }
0x17d: {  	v40 =	vor.u32 $0x1, v5;
	v6 =	vld.idx.msk [tilespmem:v6+s9+$0x0], $0xffff;
	[tilespmem:s3+$0xFFFFFFD0] =	vst v7  }
0x17e: {  	[tilespmem:s3+$0x50] =	vst v12  }
0x17f: {  	[tilespmem:s31+$0x60] =	vst v3;
	v8 =	vshll.u32 v8, $0x3;
	v3 =	vld [tilespmem:s30+$0x6550]  }
0x180: {  	v45 =	vld [tilespmem:s14+$0x6560];
	v44 =	vor.u32 $0x1, v8  }
0x181: {  	v41 =	vld.idx.msk [tilespmem:v5+s9+$0x0], $0xffff;
	[tilespmem:s11+$0xFFFFFFE0] =	vst v38;
	v46 =	vshll.u32 v42, $0x3  }
0x182: {  	v43 =	vld.idx.msk [tilespmem:v40+s9+$0x0], $0xffff;
	[tilespmem:s11+$0x60] =	vst v6;
	v48 =	vor.u32 $0x1, v46  }
0x183: {  	v47 =	vld [tilespmem:s15+$0x6560]  }
0x184: {  	v8 =	vld.idx.msk [tilespmem:v8+s9+$0x0], $0xffff;
	v3 =	vshll.u32 v3, $0x3  }
0x185: {  	v6 =	vld.idx.msk [tilespmem:v44+s9+$0x0], $0xffff;
	v50 =	vor.u32 $0x1, v3  }
0x186: {  	[tilespmem:s17+$0xFFFFFFE0] =	vst v41;
	v4 =	vld.idx.msk [tilespmem:v46+s9+$0x0], $0xffff  }
0x187: {  	[tilespmem:s17+$0x60] =	vst v43;
	v7 =	vld.idx.msk [tilespmem:v48+s9+$0x0], $0xffff  }
0x188: {  	v49 =	vld [tilespmem:s28+$0x6560]  }
0x189: {  	[tilespmem:s18+$0xFFFFFFE0] =	vst v8;
	v3 =	vld.idx.msk [tilespmem:v3+s9+$0x0], $0xffff  }
0x18a: {  	v9 =	vshll.u32 v45, $0x3;
	[tilespmem:s18+$0x60] =	vst v6;
	v51 =	vld.idx.msk [tilespmem:v50+s9+$0x0], $0xffff  }
0x18b: {  	[tilespmem:s29+$0xFFFFFFE0] =	vst v4;
	v53 =	vld [tilespmem:s16+$0x6560]  }
0x18c: {  	v54 =	vshll.u32 v47, $0x3;
	[tilespmem:s29+$0x60] =	vst v7  }
0x18d: {  	v52 =	vor.u32 $0x1, v9;
	v7 =	vld [tilespmem:s26+$0x6560]  }
0x18e: {  	v1 =	vld.idx.msk [tilespmem:v1+s9+$0x0], $0xffff;
	v5 =	vor.u32 $0x1, v54;
	[tilespmem:s3+$0xFFFFFFE0] =	vst v3;
	v3 =	vshll.u32 v49, $0x3  }
0x18f: {  	v9 =	vld.idx.msk [tilespmem:v9+s9+$0x0], $0xffff;
	[tilespmem:s3+$0x60] =	vst v51;
	v55 =	vor.u32 $0x1, v3  }
0x190: {  	v11 =	vshll.u32 v53, $0x3;
	v56 =	vld [tilespmem:s30+$0x6560]  }
0x191: {  	[tilespmem:s23+$0x70] =	vst v2;
	v2 =	vld.idx.msk [tilespmem:v54+s9+$0x0], $0xffff  }
0x192: {  	v6 =	vld.idx.msk [tilespmem:v52+s9+$0x0], $0xffff;
	v57 =	vor.u32 $0x1, v11;
	v7 =	vshll.u32 v7, $0x3  }
0x193: {  	v5 =	vld.idx.msk [tilespmem:v5+s9+$0x0], $0xffff;
	v58 =	vor.u32 $0x1, v7  }
0x194: {  	[tilespmem:s23+$0xFFFFFFF0] =	vst v1;
	v1 =	vld.idx.msk [tilespmem:v55+s9+$0x0], $0xffff  }
0x195: {  	[tilespmem:s31+$0xFFFFFFF0] =	vst v9;
	v62 =	vld.idx.msk [tilespmem:v11+s9+$0x0], $0xffff;
	v59 =	vshll.u32 v56, $0x3  }
0x196: {  	[tilespmem:s11+$0xFFFFFFF0] =	vst v2;
	v3 =	vld.idx.msk [tilespmem:v3+s9+$0x0], $0xffff;
	v60 =	vor.u32 $0x1, v59  }
0x197: {  	[tilespmem:s31+$0x70] =	vst v6;
	v61 =	vld.idx.msk [tilespmem:v57+s9+$0x0], $0xffff  }
0x198: {  	[tilespmem:s11+$0x70] =	vst v5;
	v2 =	vld.idx.msk [tilespmem:v58+s9+$0x0], $0xffff  }
0x199: {  	[tilespmem:s17+$0x70] =	vst v1;
	v1 =	vld.idx.msk [tilespmem:v7+s9+$0x0], $0xffff  }
0x19a: {  	[tilespmem:s18+$0xFFFFFFF0] =	vst v62;
	v63 =	vld.idx.msk [tilespmem:v59+s9+$0x0], $0xffff  }
0x19b: {  	[tilespmem:s17+$0xFFFFFFF0] =	vst v3;
	v3 =	vld.idx.msk [tilespmem:v60+s9+$0x0], $0xffff  }
.Ltmp4:
0x19c: {  	[tilespmem:s18+$0x70] =	vst v61;
	(pc) =	sbr.rel .LBB2_9-.Ltmp4, $4  }
0x19d: {  	[tilespmem:s29+$0x70] =	vst v2  }
0x19e: {  	s31 =	smul.u32 $0xFA0, s22;
	[tilespmem:s29+$0xFFFFFFF0] =	vst v1  }
0x19f: {  	s5 =	rddreg [dreg:$0x7];
	[tilespmem:s3+$0xFFFFFFF0] =	vst v63  }
0x1a0: {  	[tilespmem:s3+$0x70] =	vst v3;
	s3 =	sadd.s32 s5, s31  }
.LBB2_6:
0x1a1: {  	v1 =	vld [tilespmem:s3+$0x64F0];
	_ =	sdelay $0x4  }
0x1a2: {  	v1 =	vshll.u32 v1, $0x3  }
0x1a3: {  	v2 =	vor.u32 $0x1, v1;
	_ =	sdelay $0x3  }
0x1a4: {  	v1 =	vld.idx.msk [tilespmem:v1+s19+$0x0], $0xffff  }
0x1a5: {  	v2 =	vld.idx.msk [tilespmem:v2+s19+$0x0], $0xffff;
	_ =	sdelay $0x3  }
0x1a6: {  	s14 =	simm.s32 $0x80;
	[tilespmem:s23+$0xFFFFFF80] =	vst v1  }
0x1a7: {  	[tilespmem:s23+$0x0] =	vst v2;
	v2 =	vld [tilespmem:s14+$0x64F0]  }
0x1a8: {  	v1 =	vld [tilespmem:s3+$0x6500];
	_ =	sdelay $0x3  }
0x1a9: {  	v2 =	vshll.u32 v2, $0x3  }
0x1aa: {  	v1 =	vshll.u32 v1, $0x3  }
0x1ab: {  	v4 =	vor.u32 $0x1, v2  }
0x1ac: {  	v3 =	vor.u32 $0x1, v1;
	_ =	sdelay $0x1  }
0x1ad: {  	v2 =	vld.idx.msk [tilespmem:v2+s19+$0x0], $0xffff  }
0x1ae: {  	v1 =	vld.idx.msk [tilespmem:v1+s19+$0x0], $0xffff  }
0x1af: {  	v4 =	vld.idx.msk [tilespmem:v4+s19+$0x0], $0xffff  }
0x1b0: {  	v3 =	vld.idx.msk [tilespmem:v3+s19+$0x0], $0xffff  }
0x1b1: {  	s31 =	simm.s32 $0xE370  }
0x1b2: {  	[tilespmem:s31+$0xFFFFFF80] =	vst v2  }
0x1b3: {  	[tilespmem:s23+$0xFFFFFF90] =	vst v1  }
0x1b4: {  	[tilespmem:s31+$0x0] =	vst v4  }
0x1b5: {  	[tilespmem:s23+$0x10] =	vst v3;
	v2 =	vld [tilespmem:s14+$0x6500]  }
0x1b6: {  	v1 =	vld [tilespmem:s3+$0x6510]  }
0x1b7: {  	s15 =	simm.s32 $0x100  }
0x1b8: {  	v3 =	vld [tilespmem:s15+$0x64F0];
	_ =	sdelay $0x1  }
0x1b9: {  	v2 =	vshll.u32 v2, $0x3  }
0x1ba: {  	v1 =	vshll.u32 v1, $0x3  }
0x1bb: {  	v5 =	vor.u32 $0x1, v2  }
0x1bc: {  	v3 =	vshll.u32 v3, $0x3  }
0x1bd: {  	v4 =	vor.u32 $0x1, v1  }
0x1be: {  	v2 =	vld.idx.msk [tilespmem:v2+s19+$0x0], $0xffff  }
0x1bf: {  	v1 =	vld.idx.msk [tilespmem:v1+s19+$0x0], $0xffff  }
0x1c0: {  	v6 =	vor.u32 $0x1, v3;
	v5 =	vld.idx.msk [tilespmem:v5+s19+$0x0], $0xffff  }
0x1c1: {  	v3 =	vld.idx.msk [tilespmem:v3+s19+$0x0], $0xffff  }
0x1c2: {  	v4 =	vld.idx.msk [tilespmem:v4+s19+$0x0], $0xffff  }
0x1c3: {  	[tilespmem:s31+$0xFFFFFF90] =	vst v2  }
0x1c4: {  	[tilespmem:s23+$0xFFFFFFA0] =	vst v1  }
0x1c5: {  	s11 =	simm.s32 $0xE470;
	v1 =	vld.idx.msk [tilespmem:v6+s19+$0x0], $0xffff;
	[tilespmem:s31+$0x10] =	vst v5  }
0x1c6: {  	[tilespmem:s11+$0xFFFFFF80] =	vst v3  }
0x1c7: {  	[tilespmem:s23+$0x20] =	vst v4;
	v3 =	vld [tilespmem:s14+$0x6510]  }
0x1c8: {  	v2 =	vld [tilespmem:s3+$0x6520];
	_ =	sdelay $0x1  }
0x1c9: {  	[tilespmem:s11+$0x0] =	vst v1  }
0x1ca: {  	v1 =	vld [tilespmem:s15+$0x6500]  }
0x1cb: {  	s28 =	simm.s32 $0x180;
	v3 =	vshll.u32 v3, $0x3  }
0x1cc: {  	v5 =	vld [tilespmem:s28+$0x64F0];
	v2 =	vshll.u32 v2, $0x3  }
0x1cd: {  	v4 =	vor.u32 $0x1, v2  }
0x1ce: {  	v7 =	vor.u32 $0x1, v3  }
0x1cf: {  	v1 =	vshll.u32 v1, $0x3  }
0x1d0: {  	v3 =	vld.idx.msk [tilespmem:v3+s19+$0x0], $0xffff;
	v6 =	vor.u32 $0x1, v1  }
0x1d1: {  	v5 =	vshll.u32 v5, $0x3;
	v2 =	vld.idx.msk [tilespmem:v2+s19+$0x0], $0xffff  }
0x1d2: {  	v8 =	vor.u32 $0x1, v5;
	v4 =	vld.idx.msk [tilespmem:v4+s19+$0x0], $0xffff  }
0x1d3: {  	v7 =	vld.idx.msk [tilespmem:v7+s19+$0x0], $0xffff  }
0x1d4: {  	v1 =	vld.idx.msk [tilespmem:v1+s19+$0x0], $0xffff  }
0x1d5: {  	[tilespmem:s31+$0xFFFFFFA0] =	vst v3;
	v6 =	vld.idx.msk [tilespmem:v6+s19+$0x0], $0xffff  }
0x1d6: {  	[tilespmem:s23+$0xFFFFFFB0] =	vst v2;
	v2 =	vld.idx.msk [tilespmem:v5+s19+$0x0], $0xffff  }
0x1d7: {  	v5 =	vld.idx.msk [tilespmem:v8+s19+$0x0], $0xffff;
	[tilespmem:s23+$0x30] =	vst v4  }
0x1d8: {  	[tilespmem:s31+$0x20] =	vst v7;
	v4 =	vld [tilespmem:s3+$0x6530]  }
0x1d9: {  	v3 =	vld [tilespmem:s14+$0x6520];
	[tilespmem:s11+$0xFFFFFF90] =	vst v1  }
0x1da: {  	[tilespmem:s11+$0x10] =	vst v6  }
0x1db: {  	s17 =	simm.s32 $0xE570;
	v1 =	vld [tilespmem:s15+$0x6510]  }
0x1dc: {  	[tilespmem:s17+$0xFFFFFF80] =	vst v2  }
0x1dd: {  	[tilespmem:s17+$0x0] =	vst v5;
	v2 =	vshll.u32 v4, $0x3  }
0x1de: {  	v5 =	vld [tilespmem:s28+$0x6500];
	v3 =	vshll.u32 v3, $0x3  }
0x1df: {  	v4 =	vor.u32 $0x1, v2  }
0x1e0: {  	s16 =	simm.s32 $0x200;
	v1 =	vshll.u32 v1, $0x3  }
0x1e1: {  	v8 =	vld [tilespmem:s16+$0x64F0];
	v6 =	vor.u32 $0x1, v1  }
0x1e2: {  	v7 =	vor.u32 $0x1, v3;
	v2 =	vld.idx.msk [tilespmem:v2+s19+$0x0], $0xffff  }
0x1e3: {  	v5 =	vshll.u32 v5, $0x3;
	v3 =	vld.idx.msk [tilespmem:v3+s19+$0x0], $0xffff  }
0x1e4: {  	v9 =	vor.u32 $0x1, v5;
	v4 =	vld.idx.msk [tilespmem:v4+s19+$0x0], $0xffff  }
0x1e5: {  	v1 =	vld.idx.msk [tilespmem:v1+s19+$0x0], $0xffff  }
0x1e6: {  	v6 =	vld.idx.msk [tilespmem:v6+s19+$0x0], $0xffff  }
0x1e7: {  	[tilespmem:s23+$0xFFFFFFC0] =	vst v2;
	v2 =	vld.idx.msk [tilespmem:v7+s19+$0x0], $0xffff;
	v7 =	vshll.u32 v8, $0x3;
	_ =	sdelay $0x1  }
0x1e8: {  	v8 =	vld.idx.msk [tilespmem:v9+s19+$0x0], $0xffff;
	[tilespmem:s31+$0xFFFFFFB0] =	vst v3  }
0x1e9: {  	[tilespmem:s23+$0x40] =	vst v4;
	v4 =	vld.idx.msk [tilespmem:v5+s19+$0x0], $0xffff;
	v5 =	vor.u32 $0x1, v7  }
0x1ea: {  	[tilespmem:s11+$0xFFFFFFA0] =	vst v1;
	v1 =	vld [tilespmem:s3+$0x6540]  }
0x1eb: {  	[tilespmem:s11+$0x20] =	vst v6;
	v6 =	vld.idx.msk [tilespmem:v7+s19+$0x0], $0xffff  }
0x1ec: {  	[tilespmem:s31+$0x30] =	vst v2;
	v3 =	vld [tilespmem:s15+$0x6520]  }
0x1ed: {  	v2 =	vld [tilespmem:s14+$0x6530]  }
0x1ee: {  	v5 =	vld.idx.msk [tilespmem:v5+s19+$0x0], $0xffff  }
0x1ef: {  	[tilespmem:s17+$0x10] =	vst v8  }
0x1f0: {  	[tilespmem:s17+$0xFFFFFF90] =	vst v4;
	v1 =	vshll.u32 v1, $0x3  }
0x1f1: {  	s18 =	simm.s32 $0xE670;
	v7 =	vld [tilespmem:s28+$0x6510];
	v4 =	vor.u32 $0x1, v1  }
0x1f2: {  	[tilespmem:s18+$0xFFFFFF80] =	vst v6;
	v3 =	vshll.u32 v3, $0x3  }
0x1f3: {  	v2 =	vshll.u32 v2, $0x3;
	[tilespmem:s18+$0x0] =	vst v5  }
0x1f4: {  	v5 =	vld [tilespmem:s16+$0x6500]  }
0x1f5: {  	v6 =	vor.u32 $0x1, v2;
	v1 =	vld.idx.msk [tilespmem:v1+s19+$0x0], $0xffff  }
0x1f6: {  	v7 =	vshll.u32 v7, $0x3;
	v4 =	vld.idx.msk [tilespmem:v4+s19+$0x0], $0xffff  }
0x1f7: {  	v9 =	vor.u32 $0x1, v7;
	v8 =	vld.idx.msk [tilespmem:v3+s19+$0x0], $0xffff  }
0x1f8: {  	s26 =	simm.s32 $0x280;
	v2 =	vld.idx.msk [tilespmem:v2+s19+$0x0], $0xffff;
	v3 =	vor.u32 $0x1, v3  }
0x1f9: {  	v10 =	vld [tilespmem:s26+$0x64F0]  }
0x1fa: {  	v6 =	vld.idx.msk [tilespmem:v6+s19+$0x0], $0xffff;
	v5 =	vshll.u32 v5, $0x3  }
0x1fb: {  	[tilespmem:s23+$0xFFFFFFD0] =	vst v1;
	v1 =	vld.idx.msk [tilespmem:v7+s19+$0x0], $0xffff  }
0x1fc: {  	v7 =	vld.idx.msk [tilespmem:v9+s19+$0x0], $0xffff;
	[tilespmem:s23+$0x50] =	vst v4;
	v4 =	vor.u32 $0x1, v5  }
0x1fd: {  	[tilespmem:s31+$0xFFFFFFC0] =	vst v2;
	v2 =	vld.idx.msk [tilespmem:v3+s19+$0x0], $0xffff  }
0x1fe: {  	v9 =	vld [tilespmem:s3+$0x6550];
	[tilespmem:s11+$0xFFFFFFB0] =	vst v8  }
0x1ff: {  	[tilespmem:s31+$0x40] =	vst v6;
	v3 =	vld.idx.msk [tilespmem:v5+s19+$0x0], $0xffff;
	v5 =	vshll.u32 v10, $0x3  }
0x200: {  	v6 =	vld [tilespmem:s14+$0x6540];
	v8 =	vor.u32 $0x1, v5;
	[tilespmem:s17+$0xFFFFFFA0] =	vst v1  }
0x201: {  	[tilespmem:s17+$0x20] =	vst v7;
	v4 =	vld.idx.msk [tilespmem:v4+s19+$0x0], $0xffff  }
0x202: {  	v7 =	vld [tilespmem:s28+$0x6520];
	[tilespmem:s11+$0x30] =	vst v2  }
0x203: {  	v1 =	vshll.u32 v9, $0x3;
	v9 =	vld [tilespmem:s15+$0x6530]  }
0x204: {  	v2 =	vor.u32 $0x1, v1;
	v5 =	vld.idx.msk [tilespmem:v5+s19+$0x0], $0xffff  }
0x205: {  	[tilespmem:s18+$0xFFFFFF90] =	vst v3;
	v3 =	vshll.u32 v6, $0x3;
	v6 =	vld.idx.msk [tilespmem:v8+s19+$0x0], $0xffff  }
0x206: {  	[tilespmem:s18+$0x10] =	vst v4  }
0x207: {  	v4 =	vor.u32 $0x1, v3;
	v8 =	vld [tilespmem:s16+$0x6510]  }
0x208: {  	s29 =	simm.s32 $0xE770;
	v7 =	vshll.u32 v7, $0x3;
	v1 =	vld.idx.msk [tilespmem:v1+s19+$0x0], $0xffff  }
0x209: {  	v2 =	vld.idx.msk [tilespmem:v2+s19+$0x0], $0xffff;
	[tilespmem:s29+$0xFFFFFF80] =	vst v5  }
0x20a: {  	v9 =	vshll.u32 v9, $0x3;
	v3 =	vld.idx.msk [tilespmem:v3+s19+$0x0], $0xffff;
	[tilespmem:s29+$0x0] =	vst v6  }
0x20b: {  	v5 =	vor.u32 $0x1, v9;
	v6 =	vld [tilespmem:s26+$0x6500]  }
0x20c: {  	v4 =	vld.idx.msk [tilespmem:v4+s19+$0x0], $0xffff;
	v8 =	vshll.u32 v8, $0x3  }
0x20d: {  	s30 =	simm.s32 $0x300;
	v10 =	vld.idx.msk [tilespmem:v7+s19+$0x0], $0xffff  }
0x20e: {  	[tilespmem:s23+$0xFFFFFFE0] =	vst v1;
	v1 =	vor.u32 $0x1, v7;
	v7 =	vld [tilespmem:s30+$0x64F0]  }
0x20f: {  	v11 =	vor.u32 $0x1, v8;
	v9 =	vld.idx.msk [tilespmem:v9+s19+$0x0], $0xffff  }
0x210: {  	v5 =	vld.idx.msk [tilespmem:v5+s19+$0x0], $0xffff  }
0x211: {  	[tilespmem:s31+$0xFFFFFFD0] =	vst v3;
	v3 =	vshll.u32 v6, $0x3;
	v6 =	vld.idx.msk [tilespmem:v8+s19+$0x0], $0xffff  }
0x212: {  	[tilespmem:s31+$0x50] =	vst v4  }
0x213: {  	[tilespmem:s23+$0x60] =	vst v2;
	v8 =	vld [tilespmem:s14+$0x6550]  }
0x214: {  	v2 =	vor.u32 $0x1, v3;
	v4 =	vld.idx.msk [tilespmem:v11+s19+$0x0], $0xffff;
	[tilespmem:s11+$0xFFFFFFC0] =	vst v9  }
0x215: {  	v7 =	vshll.u32 v7, $0x3;
	v11 =	vld [tilespmem:s3+$0x6560];
	[tilespmem:s11+$0x40] =	vst v5  }
0x216: {  	v5 =	vor.u32 $0x1, v7;
	[tilespmem:s18+$0xFFFFFFA0] =	vst v6;
	v6 =	vld [tilespmem:s15+$0x6540]  }
0x217: {  	v9 =	vld.idx.msk [tilespmem:v1+s19+$0x0], $0xffff  }
0x218: {  	v3 =	vld.idx.msk [tilespmem:v3+s19+$0x0], $0xffff  }
0x219: {  	v2 =	vld.idx.msk [tilespmem:v2+s19+$0x0], $0xffff  }
0x21a: {  	[tilespmem:s17+$0xFFFFFFB0] =	vst v10  }
0x21b: {  	[tilespmem:s18+$0x20] =	vst v4;
	v4 =	vshll.u32 v8, $0x3;
	v12 =	vld.idx.msk [tilespmem:v5+s19+$0x0], $0xffff;
	v5 =	vshll.u32 v6, $0x3  }
0x21c: {  	[tilespmem:s17+$0x30] =	vst v9;
	v10 =	vld [tilespmem:s16+$0x6520];
	v6 =	vor.u32 $0x1, v5  }
0x21d: {  	v1 =	vshll.u32 v11, $0x3;
	v8 =	vor.u32 $0x1, v4;
	v9 =	vld [tilespmem:s28+$0x6530];
	[tilespmem:s29+$0xFFFFFF90] =	vst v3  }
0x21e: {  	v7 =	vld.idx.msk [tilespmem:v7+s19+$0x0], $0xffff;
	v11 =	vor.u32 $0x1, v1;
	[tilespmem:s29+$0x10] =	vst v2  }
0x21f: {  	v14 =	vld [tilespmem:s26+$0x6510]  }
0x220: {  	v13 =	vld.idx.msk [tilespmem:v4+s19+$0x0], $0xffff  }
0x221: {  	v4 =	vld.idx.msk [tilespmem:v6+s19+$0x0], $0xffff;
	v6 =	vshll.u32 v10, $0x3  }
0x222: {  	s3 =	simm.s32 $0xE870;
	v3 =	vld.idx.msk [tilespmem:v8+s19+$0x0], $0xffff;
	v8 =	vshll.u32 v9, $0x3  }
0x223: {  	[tilespmem:s3+$0xFFFFFF80] =	vst v7;
	v2 =	vld.idx.msk [tilespmem:v11+s19+$0x0], $0xffff;
	v7 =	vor.u32 $0x1, v8  }
0x224: {  	[tilespmem:s3+$0x0] =	vst v12;
	v5 =	vld.idx.msk [tilespmem:v5+s19+$0x0], $0xffff  }
0x225: {  	s25 =	simm.s32 $0xE00;
	s7 =	simm.s32 $0xE870;
	v9 =	vshll.u32 v14, $0x3;
	v10 =	vld [tilespmem:s30+$0x6500];
	[tilespmem:s31+$0xFFFFFFE0] =	vst v13  }
.LBB2_7:
0x226: {  	s24 =	sshra.s32 s25, $0x2;
	p1 =	sne.s32 s25, $0xF800;
	s25 =	sadd.s32 $0x200, s25;
	v11 =	vld.idx.msk [tilespmem:v6+s19+$0x0], $0xffff  }
0x227: {  	v12 =	vor.u32 $0x1, v9;
	v8 =	vld.idx.msk [tilespmem:v8+s19+$0x0], $0xffff;
	[tilespmem:s31+$0x60] =	vst v3  }
0x228: {  	v3 =	vld.idx.msk [tilespmem:v7+s19+$0x0], $0xffff  }
0x229: {  	v6 =	vor.u32 $0x1, v6;
	[tilespmem:s11+$0xFFFFFFD0] =	vst v5;
	v5 =	vld [tilespmem:s14+$0x6560];
	s14 =	smov.u32 s15;
	s15 =	smov.u32 s28;
	s28 =	smov.u32 s16  }
0x22a: {  	s16 =	smov.u32 s26;
	s26 =	smov.u32 s30;
	s30 =	smov.u32 s24;
	v7 =	vld [tilespmem:s24+$0x64F0];
	v10 =	vshll.u32 v10, $0x3;
	[tilespmem:s11+$0x50] =	vst v4  }
0x22b: {  	v4 =	vor.u32 $0x1, v10;
	v9 =	vld.idx.msk [tilespmem:v9+s19+$0x0], $0xffff  }
0x22c: {  	v12 =	vld.idx.msk [tilespmem:v12+s19+$0x0], $0xffff  }
0x22d: {  	[tilespmem:s17+$0xFFFFFFC0] =	vst v8;
	v8 =	vld [tilespmem:s14+$0x6550]  }
0x22e: {  	v6 =	vld.idx.msk [tilespmem:v6+s19+$0x0], $0xffff;
	[tilespmem:s17+$0x40] =	vst v3;
	v3 =	vshll.u32 v5, $0x3  }
0x22f: {  	v5 =	vshll.u32 v7, $0x3;
	v7 =	vld.idx.msk [tilespmem:v10+s19+$0x0], $0xffff;
	[tilespmem:s18+$0xFFFFFFB0] =	vst v11  }
0x230: {  	v10 =	vor.u32 $0x1, v5;
	v4 =	vld.idx.msk [tilespmem:v4+s19+$0x0], $0xffff  }
0x231: {  	[tilespmem:s29+$0xFFFFFFA0] =	vst v9;
	v9 =	vld [tilespmem:s15+$0x6540]  }
0x232: {  	[tilespmem:s29+$0x20] =	vst v12;
	v8 =	vshll.u32 v8, $0x3;
	v11 =	vld.idx.msk [tilespmem:v1+s19+$0x0], $0xffff;
	v1 =	vmov v3  }
0x233: {  	v3 =	vld [tilespmem:s16+$0x6520];
	[tilespmem:s23+$0x70] =	vst v2  }
0x234: {  	v2 =	vld.idx.msk [tilespmem:v5+s19+$0x0], $0xffff;
	[tilespmem:s18+$0x30] =	vst v6;
	v5 =	vor.u32 $0x1, v8  }
0x235: {  	v13 =	vor.u32 $0x1, v1;
	v12 =	vld [tilespmem:s28+$0x6530]  }
0x236: {  	s7 =	sadd.s32 $0x100, s7;
	v10 =	vld.idx.msk [tilespmem:v10+s19+$0x0], $0xffff;
	[tilespmem:s3+$0xFFFFFF90] =	vst v7;
	v9 =	vshll.u32 v9, $0x3  }
0x237: {  	[tilespmem:s3+$0x10] =	vst v4;
	v4 =	vor.u32 $0x1, v9;
	v14 =	vld.idx.msk [tilespmem:v8+s19+$0x0], $0xffff  }
0x238: {  	v15 =	vld [tilespmem:s26+$0x6510];
	[tilespmem:s23+$0xFFFFFFF0] =	vst v11;
	s23 =	smov.u32 s31;
	s31 =	smov.u32 s11;
	s11 =	smov.u32 s17  }
.Ltmp5:
0x239: {  	v6 =	vshll.u32 v3, $0x3;
	s17 =	smov.u32 s18;
	s18 =	smov.u32 s29;
	v3 =	vld.idx.msk [tilespmem:v5+s19+$0x0], $0xffff;
	(pc) =	sbr.rel @p1 .LBB2_7-.Ltmp5, $4  }
0x23a: {  	s29 =	smov.u32 s3;
	s3 =	smov.u32 s7;
	[tilespmem:s7+$0xFFFFFF80] =	vst v2;
	v8 =	vshll.u32 v12, $0x3;
	v2 =	vld.idx.msk [tilespmem:v13+s19+$0x0], $0xffff  }
0x23b: {  	v7 =	vor.u32 $0x1, v8;
	v5 =	vld.idx.msk [tilespmem:v9+s19+$0x0], $0xffff  }
0x23c: {  	[tilespmem:s7+$0x0] =	vst v10;
	v4 =	vld.idx.msk [tilespmem:v4+s19+$0x0], $0xffff  }
0x23d: {  	v10 =	vld [tilespmem:s30+$0x6500];
	v9 =	vshll.u32 v15, $0x3;
	[tilespmem:s31+$0xFFFFFFE0] =	vst v14  }
0x23e: {  	_ =	sdelay $0x3  }
0x23f: {  	v10 =	vshll.u32 v10, $0x3  }
0x240: {  	v11 =	vor.u32 $0x1, v10;
	_ =	sdelay $0x3  }
0x241: {  	v10 =	vld.idx.msk [tilespmem:v10+s19+$0x0], $0xffff  }
0x242: {  	v11 =	vld.idx.msk [tilespmem:v11+s19+$0x0], $0xffff;
	_ =	sdelay $0x3  }
0x243: {  	[tilespmem:s3+$0xFFFFFF90] =	vst v10  }
0x244: {  	[tilespmem:s3+$0x10] =	vst v11  }
0x245: {  	v10 =	vld [tilespmem:s30+$0x6510];
	_ =	sdelay $0x2  }
0x246: {  	v19 =	vor.u32 $0x1, v9;
	_ =	sdelay $0x1  }
0x247: {  	v10 =	vshll.u32 v10, $0x3  }
0x248: {  	v12 =	vor.u32 $0x1, v10  }
0x249: {  	v20 =	vld.idx.msk [tilespmem:v9+s19+$0x0], $0xffff  }
0x24a: {  	v11 =	vld.idx.msk [tilespmem:v19+s19+$0x0], $0xffff;
	_ =	sdelay $0x1  }
0x24b: {  	v10 =	vld.idx.msk [tilespmem:v10+s19+$0x0], $0xffff  }
0x24c: {  	v12 =	vld.idx.msk [tilespmem:v12+s19+$0x0], $0xffff  }
0x24d: {  	[tilespmem:s29+$0xFFFFFFA0] =	vst v20  }
0x24e: {  	[tilespmem:s29+$0x20] =	vst v11  }
0x24f: {  	v9 =	vld [tilespmem:s26+$0x6520]  }
0x250: {  	[tilespmem:s3+$0xFFFFFFA0] =	vst v10  }
0x251: {  	[tilespmem:s3+$0x20] =	vst v12  }
0x252: {  	v10 =	vld [tilespmem:s30+$0x6520]  }
0x253: {  	v21 =	vor.u32 $0x1, v6  }
0x254: {  	v9 =	vshll.u32 v9, $0x3  }
0x255: {  	v22 =	vor.u32 $0x1, v9;
	_ =	sdelay $0x1  }
0x256: {  	v23 =	vld.idx.msk [tilespmem:v6+s19+$0x0], $0xffff;
	v10 =	vshll.u32 v10, $0x3  }
0x257: {  	v11 =	vld.idx.msk [tilespmem:v21+s19+$0x0], $0xffff;
	v13 =	vor.u32 $0x1, v10  }
0x258: {  	v9 =	vld.idx.msk [tilespmem:v9+s19+$0x0], $0xffff  }
0x259: {  	v12 =	vld.idx.msk [tilespmem:v22+s19+$0x0], $0xffff;
	_ =	sdelay $0x1  }
0x25a: {  	[tilespmem:s18+$0xFFFFFFB0] =	vst v23;
	v10 =	vld.idx.msk [tilespmem:v10+s19+$0x0], $0xffff  }
0x25b: {  	[tilespmem:s18+$0x30] =	vst v11;
	v24 =	vld.idx.msk [tilespmem:v13+s19+$0x0], $0xffff  }
0x25c: {  	v11 =	vld [tilespmem:s16+$0x6530];
	[tilespmem:s29+$0xFFFFFFB0] =	vst v9  }
0x25d: {  	v8 =	vld.idx.msk [tilespmem:v8+s19+$0x0], $0xffff;
	[tilespmem:s29+$0x30] =	vst v12  }
0x25e: {  	v9 =	vld [tilespmem:s26+$0x6530]  }
0x25f: {  	v7 =	vld.idx.msk [tilespmem:v7+s19+$0x0], $0xffff;
	[tilespmem:s3+$0xFFFFFFB0] =	vst v10  }
0x260: {  	[tilespmem:s3+$0x30] =	vst v24  }
0x261: {  	v25 =	vshll.u32 v11, $0x3;
	v6 =	vld [tilespmem:s30+$0x6530]  }
0x262: {  	v26 =	vor.u32 $0x1, v25  }
0x263: {  	[tilespmem:s17+$0xFFFFFFC0] =	vst v8;
	v27 =	vshll.u32 v9, $0x3  }
0x264: {  	[tilespmem:s17+$0x40] =	vst v7;
	v28 =	vor.u32 $0x1, v27  }
0x265: {  	v8 =	vld [tilespmem:s28+$0x6540]  }
0x266: {  	v7 =	vld.idx.msk [tilespmem:v25+s19+$0x0], $0xffff;
	v6 =	vshll.u32 v6, $0x3  }
0x267: {  	v10 =	vld.idx.msk [tilespmem:v26+s19+$0x0], $0xffff;
	v30 =	vor.u32 $0x1, v6  }
0x268: {  	[tilespmem:s11+$0xFFFFFFD0] =	vst v5;
	v5 =	vld.idx.msk [tilespmem:v27+s19+$0x0], $0xffff  }
0x269: {  	[tilespmem:s11+$0x50] =	vst v4;
	v4 =	vld.idx.msk [tilespmem:v28+s19+$0x0], $0xffff;
	_ =	sdelay $0x1  }
0x26a: {  	[tilespmem:s18+$0xFFFFFFC0] =	vst v7;
	v6 =	vld.idx.msk [tilespmem:v6+s19+$0x0], $0xffff  }
0x26b: {  	[tilespmem:s18+$0x40] =	vst v10;
	v32 =	vld.idx.msk [tilespmem:v30+s19+$0x0], $0xffff  }
0x26c: {  	[tilespmem:s29+$0xFFFFFFC0] =	vst v5;
	v10 =	vld [tilespmem:s16+$0x6540]  }
0x26d: {  	v8 =	vshll.u32 v8, $0x3;
	[tilespmem:s29+$0x40] =	vst v4  }
0x26e: {  	v4 =	vld [tilespmem:s26+$0x6540]  }
0x26f: {  	v31 =	vor.u32 $0x1, v8;
	[tilespmem:s3+$0xFFFFFFC0] =	vst v6  }
0x270: {  	[tilespmem:s3+$0x40] =	vst v32  }
0x271: {  	v35 =	vshll.u32 v10, $0x3;
	v7 =	vld [tilespmem:s30+$0x6540]  }
0x272: {  	v8 =	vld.idx.msk [tilespmem:v8+s19+$0x0], $0xffff;
	v36 =	vor.u32 $0x1, v35  }
0x273: {  	v29 =	vld [tilespmem:s15+$0x6550];
	v4 =	vshll.u32 v4, $0x3  }
0x274: {  	v33 =	vld.idx.msk [tilespmem:v31+s19+$0x0], $0xffff;
	v37 =	vor.u32 $0x1, v4;
	_ =	sdelay $0x1  }
0x275: {  	v9 =	vld.idx.msk [tilespmem:v35+s19+$0x0], $0xffff;
	v7 =	vshll.u32 v7, $0x3  }
0x276: {  	[tilespmem:s17+$0xFFFFFFD0] =	vst v8;
	v8 =	vld.idx.msk [tilespmem:v36+s19+$0x0], $0xffff;
	v39 =	vor.u32 $0x1, v7  }
0x277: {  	v4 =	vld.idx.msk [tilespmem:v4+s19+$0x0], $0xffff  }
0x278: {  	v34 =	vshll.u32 v29, $0x3;
	[tilespmem:s17+$0x50] =	vst v33;
	v10 =	vld.idx.msk [tilespmem:v37+s19+$0x0], $0xffff  }
0x279: {  	v5 =	vld [tilespmem:s28+$0x6550]  }
0x27a: {  	v6 =	vor.u32 $0x1, v34;
	[tilespmem:s18+$0xFFFFFFD0] =	vst v9;
	v7 =	vld.idx.msk [tilespmem:v7+s19+$0x0], $0xffff  }
0x27b: {  	[tilespmem:s18+$0x50] =	vst v8;
	v12 =	vld.idx.msk [tilespmem:v39+s19+$0x0], $0xffff  }
0x27c: {  	[tilespmem:s29+$0xFFFFFFD0] =	vst v4;
	v8 =	vld [tilespmem:s16+$0x6550]  }
0x27d: {  	v38 =	vld.idx.msk [tilespmem:v34+s19+$0x0], $0xffff;
	[tilespmem:s29+$0x50] =	vst v10  }
0x27e: {  	v5 =	vshll.u32 v5, $0x3;
	v42 =	vld [tilespmem:s26+$0x6550]  }
0x27f: {  	v40 =	vor.u32 $0x1, v5;
	v6 =	vld.idx.msk [tilespmem:v6+s19+$0x0], $0xffff;
	[tilespmem:s3+$0xFFFFFFD0] =	vst v7  }
0x280: {  	[tilespmem:s3+$0x50] =	vst v12  }
0x281: {  	[tilespmem:s31+$0x60] =	vst v3;
	v8 =	vshll.u32 v8, $0x3;
	v3 =	vld [tilespmem:s30+$0x6550]  }
0x282: {  	v45 =	vld [tilespmem:s14+$0x6560];
	v44 =	vor.u32 $0x1, v8  }
0x283: {  	v41 =	vld.idx.msk [tilespmem:v5+s19+$0x0], $0xffff;
	[tilespmem:s11+$0xFFFFFFE0] =	vst v38;
	v46 =	vshll.u32 v42, $0x3  }
0x284: {  	v43 =	vld.idx.msk [tilespmem:v40+s19+$0x0], $0xffff;
	[tilespmem:s11+$0x60] =	vst v6;
	v48 =	vor.u32 $0x1, v46  }
0x285: {  	v47 =	vld [tilespmem:s15+$0x6560]  }
0x286: {  	v8 =	vld.idx.msk [tilespmem:v8+s19+$0x0], $0xffff;
	v3 =	vshll.u32 v3, $0x3  }
0x287: {  	v6 =	vld.idx.msk [tilespmem:v44+s19+$0x0], $0xffff;
	v50 =	vor.u32 $0x1, v3  }
0x288: {  	[tilespmem:s17+$0xFFFFFFE0] =	vst v41;
	v4 =	vld.idx.msk [tilespmem:v46+s19+$0x0], $0xffff  }
0x289: {  	[tilespmem:s17+$0x60] =	vst v43;
	v7 =	vld.idx.msk [tilespmem:v48+s19+$0x0], $0xffff  }
0x28a: {  	v49 =	vld [tilespmem:s28+$0x6560]  }
0x28b: {  	[tilespmem:s18+$0xFFFFFFE0] =	vst v8;
	v3 =	vld.idx.msk [tilespmem:v3+s19+$0x0], $0xffff  }
0x28c: {  	v9 =	vshll.u32 v45, $0x3;
	[tilespmem:s18+$0x60] =	vst v6;
	v51 =	vld.idx.msk [tilespmem:v50+s19+$0x0], $0xffff  }
0x28d: {  	[tilespmem:s29+$0xFFFFFFE0] =	vst v4;
	v53 =	vld [tilespmem:s16+$0x6560]  }
0x28e: {  	v54 =	vshll.u32 v47, $0x3;
	[tilespmem:s29+$0x60] =	vst v7  }
0x28f: {  	v52 =	vor.u32 $0x1, v9;
	v7 =	vld [tilespmem:s26+$0x6560]  }
0x290: {  	v1 =	vld.idx.msk [tilespmem:v1+s19+$0x0], $0xffff;
	v5 =	vor.u32 $0x1, v54;
	[tilespmem:s3+$0xFFFFFFE0] =	vst v3;
	v3 =	vshll.u32 v49, $0x3  }
0x291: {  	v9 =	vld.idx.msk [tilespmem:v9+s19+$0x0], $0xffff;
	[tilespmem:s3+$0x60] =	vst v51;
	v55 =	vor.u32 $0x1, v3  }
0x292: {  	v11 =	vshll.u32 v53, $0x3;
	v56 =	vld [tilespmem:s30+$0x6560]  }
0x293: {  	[tilespmem:s23+$0x70] =	vst v2;
	v2 =	vld.idx.msk [tilespmem:v54+s19+$0x0], $0xffff  }
0x294: {  	v6 =	vld.idx.msk [tilespmem:v52+s19+$0x0], $0xffff;
	v57 =	vor.u32 $0x1, v11;
	v7 =	vshll.u32 v7, $0x3  }
0x295: {  	v5 =	vld.idx.msk [tilespmem:v5+s19+$0x0], $0xffff;
	v58 =	vor.u32 $0x1, v7  }
0x296: {  	[tilespmem:s23+$0xFFFFFFF0] =	vst v1;
	v1 =	vld.idx.msk [tilespmem:v55+s19+$0x0], $0xffff  }
0x297: {  	[tilespmem:s31+$0xFFFFFFF0] =	vst v9;
	v62 =	vld.idx.msk [tilespmem:v11+s19+$0x0], $0xffff;
	v59 =	vshll.u32 v56, $0x3  }
0x298: {  	[tilespmem:s11+$0xFFFFFFF0] =	vst v2;
	v3 =	vld.idx.msk [tilespmem:v3+s19+$0x0], $0xffff;
	v60 =	vor.u32 $0x1, v59  }
0x299: {  	[tilespmem:s31+$0x70] =	vst v6;
	v61 =	vld.idx.msk [tilespmem:v57+s19+$0x0], $0xffff  }
0x29a: {  	[tilespmem:s11+$0x70] =	vst v5;
	v2 =	vld.idx.msk [tilespmem:v58+s19+$0x0], $0xffff  }
0x29b: {  	[tilespmem:s17+$0x70] =	vst v1;
	v1 =	vld.idx.msk [tilespmem:v7+s19+$0x0], $0xffff  }
0x29c: {  	[tilespmem:s18+$0xFFFFFFF0] =	vst v62;
	v63 =	vld.idx.msk [tilespmem:v59+s19+$0x0], $0xffff  }
0x29d: {  	[tilespmem:s17+$0xFFFFFFF0] =	vst v3;
	v3 =	vld.idx.msk [tilespmem:v60+s19+$0x0], $0xffff  }
0x29e: {  	s7 =	smul.u32 $0x7D00, s22;
	[tilespmem:s18+$0x70] =	vst v61  }
0x29f: {  	[tilespmem:s29+$0x70] =	vst v2  }
0x2a0: {  	s7 =	sadd.s32 $0xFFC2F700, s7;
	[tilespmem:s29+$0xFFFFFFF0] =	vst v1  }
0x2a1: {  	s7 =	sshrl.u32 s7, $0x3;
	[tilespmem:s3+$0xFFFFFFF0] =	vst v63  }
0x2a2: {  	[tilespmem:s3+$0x70] =	vst v3;
	s3 =	sadd.s32 s12, s7  }
.LBB2_9:
0x2a3: {  	s22 =	sshll.u32 s6, $0x1;
	s5 =	simm.s32 $0xE1F0  }
0x2a4: {  	[hbm4b:s3+s9] =	stream.linear.scatter [tilespmem:s5], [sflag:$0x3], $0x7D00, $0x38;
	[tilespmem:$0x1DBF0] =	vst v63  }
0x2a5: {  	s3 =	sadd.s32 $0x2, s22  }
0x2a6: {  	p1 =	sge.u32 s3, s13  }
0x2a7: {  	s3 =	sshll.u32 @!p1 s3, $0x5  }
0x2a8: {  	s3 =	sor.u32 @!p1 s10, s3  }
0x2a9: {  	p2 =	sgt.u32 @!p1 s3, $0x7C  }
0x2aa: {  	p3 =	por !p2, p1  }
0x2ab: {  	s7 =	smul.u32 @!p3 $0x3E80, s3  }
0x2ac: {  	p2 =	por p2, p1  }
0x2ad: {  	s3 =	smul.u32 @!p2 $0x7D0, s3;
	s7 =	sadd.s32 @!p3 $0xFFE17B80, s7  }
0x2ae: {  	s5 =	rddreg [dreg:$0x5];
	s7 =	sshrl.u32 @!p3 s7, $0x3  }
0x2af: {  	s3 =	sadd.s32 @!p2 s4, s3;
	s7 =	sadd.s32 @!p3 s5, s7  }
0x2b0: {  	s11 =	simm.s32 @!p1 $0x64F0;
	s7 =	smov.u32 @p3 s3;
	s3 =	simm.s32 @!p1 $0x0  }
0x2b1: {  	[tilespmem:s11], [sflag:$0x1] =	stream.linear.gather @!p1 [hbm4b:s7+s3], $0x3E80, $0x38;
	[tilespmem:$0x1DBF0] =	vst v63  }
0x2b2: {  	s3 =	sor.u32 $0x1, s22  }
0x2b3: {  	p1 =	sge.u32 s3, s13  }
.Ltmp6:
0x2b4: {  	_ = 	snop;
	(pc) =	sbr.rel @p1 .LBB2_18-.Ltmp6, $1  }
0x2b5: {  	_ =	sdelay $0x3  }
0x2b6: {  	s3 =	sshll.u32 s3, $0x5  }
0x2b7: {  	s23 =	sor.u32 s10, s3  }
0x2b8: {  	_ =	swait.ge [sflag:s21], $0x3E80;
	p1 =	sgt.u32 s23, $0x7C  }
.Ltmp7:
0x2b9: {  	[sflag:s21] =	ssyncset.done $0x0;
	(pc) =	sbr.rel @p1 .LBB2_14-.Ltmp7, $4  }
0x2ba: {  	s7 =	simm.s32 @!p0 $0x4;
	[sflag:s21] =	ssyncadd.s32 $0xFFFFC180  }
0x2bb: {  	_ =	swait.ge @!p0 [sflag:s7], $0x7D00  }
0x2bc: {  	[sflag:s7] =	ssyncset.done @!p0 $0x0  }
0x2bd: {  	s31 =	simm.s32 $0x15F70;
	s25 =	simm.s32 $0x0;
	[sflag:s7] =	ssyncadd.s32 @!p0 $0xFFFF8300  }
0x2be: {  	v1 =	vld [tilespmem:s25+$0xA370];
	_ =	sdelay $0x4  }
0x2bf: {  	v1 =	vshll.u32 v1, $0x3  }
0x2c0: {  	v2 =	vor.u32 $0x1, v1;
	_ =	sdelay $0x3  }
0x2c1: {  	v1 =	vld.idx.msk [tilespmem:v1+s9+$0x0], $0xffff  }
0x2c2: {  	v2 =	vld.idx.msk [tilespmem:v2+s9+$0x0], $0xffff;
	_ =	sdelay $0x3  }
0x2c3: {  	s15 =	simm.s32 $0x80;
	[tilespmem:s31+$0xFFFFFF80] =	vst v1  }
0x2c4: {  	[tilespmem:s31+$0x0] =	vst v2;
	v2 =	vld [tilespmem:s15+$0xA370]  }
0x2c5: {  	v1 =	vld [tilespmem:s25+$0xA380];
	_ =	sdelay $0x3  }
0x2c6: {  	v2 =	vshll.u32 v2, $0x3  }
0x2c7: {  	v1 =	vshll.u32 v1, $0x3  }
0x2c8: {  	v4 =	vor.u32 $0x1, v2  }
0x2c9: {  	v3 =	vor.u32 $0x1, v1;
	_ =	sdelay $0x1  }
0x2ca: {  	v2 =	vld.idx.msk [tilespmem:v2+s9+$0x0], $0xffff  }
0x2cb: {  	v1 =	vld.idx.msk [tilespmem:v1+s9+$0x0], $0xffff  }
0x2cc: {  	v4 =	vld.idx.msk [tilespmem:v4+s9+$0x0], $0xffff  }
0x2cd: {  	v3 =	vld.idx.msk [tilespmem:v3+s9+$0x0], $0xffff  }
0x2ce: {  	s11 =	simm.s32 $0x16070  }
0x2cf: {  	[tilespmem:s11+$0xFFFFFF80] =	vst v2  }
0x2d0: {  	[tilespmem:s31+$0xFFFFFF90] =	vst v1  }
0x2d1: {  	[tilespmem:s11+$0x0] =	vst v4  }
0x2d2: {  	[tilespmem:s31+$0x10] =	vst v3;
	v2 =	vld [tilespmem:s15+$0xA380]  }
0x2d3: {  	v1 =	vld [tilespmem:s25+$0xA390]  }
0x2d4: {  	s17 =	simm.s32 $0x100  }
0x2d5: {  	v3 =	vld [tilespmem:s17+$0xA370];
	_ =	sdelay $0x1  }
0x2d6: {  	v2 =	vshll.u32 v2, $0x3  }
0x2d7: {  	v1 =	vshll.u32 v1, $0x3  }
0x2d8: {  	v5 =	vor.u32 $0x1, v2  }
0x2d9: {  	v3 =	vshll.u32 v3, $0x3  }
0x2da: {  	v4 =	vor.u32 $0x1, v1  }
0x2db: {  	v2 =	vld.idx.msk [tilespmem:v2+s9+$0x0], $0xffff  }
0x2dc: {  	v1 =	vld.idx.msk [tilespmem:v1+s9+$0x0], $0xffff  }
0x2dd: {  	v6 =	vor.u32 $0x1, v3;
	v5 =	vld.idx.msk [tilespmem:v5+s9+$0x0], $0xffff  }
0x2de: {  	v3 =	vld.idx.msk [tilespmem:v3+s9+$0x0], $0xffff  }
0x2df: {  	v4 =	vld.idx.msk [tilespmem:v4+s9+$0x0], $0xffff  }
0x2e0: {  	[tilespmem:s11+$0xFFFFFF90] =	vst v2  }
0x2e1: {  	[tilespmem:s31+$0xFFFFFFA0] =	vst v1  }
0x2e2: {  	s14 =	simm.s32 $0x16170;
	v1 =	vld.idx.msk [tilespmem:v6+s9+$0x0], $0xffff;
	[tilespmem:s11+$0x10] =	vst v5  }
0x2e3: {  	[tilespmem:s14+$0xFFFFFF80] =	vst v3  }
0x2e4: {  	[tilespmem:s31+$0x20] =	vst v4;
	v3 =	vld [tilespmem:s15+$0xA390]  }
0x2e5: {  	v2 =	vld [tilespmem:s25+$0xA3A0];
	_ =	sdelay $0x1  }
0x2e6: {  	[tilespmem:s14+$0x0] =	vst v1  }
0x2e7: {  	v1 =	vld [tilespmem:s17+$0xA380]  }
0x2e8: {  	s18 =	simm.s32 $0x180;
	v3 =	vshll.u32 v3, $0x3  }
0x2e9: {  	v5 =	vld [tilespmem:s18+$0xA370];
	v2 =	vshll.u32 v2, $0x3  }
0x2ea: {  	v4 =	vor.u32 $0x1, v2  }
0x2eb: {  	v7 =	vor.u32 $0x1, v3  }
0x2ec: {  	v1 =	vshll.u32 v1, $0x3  }
0x2ed: {  	v3 =	vld.idx.msk [tilespmem:v3+s9+$0x0], $0xffff;
	v6 =	vor.u32 $0x1, v1  }
0x2ee: {  	v5 =	vshll.u32 v5, $0x3;
	v2 =	vld.idx.msk [tilespmem:v2+s9+$0x0], $0xffff  }
0x2ef: {  	v8 =	vor.u32 $0x1, v5;
	v4 =	vld.idx.msk [tilespmem:v4+s9+$0x0], $0xffff  }
0x2f0: {  	v7 =	vld.idx.msk [tilespmem:v7+s9+$0x0], $0xffff  }
0x2f1: {  	v1 =	vld.idx.msk [tilespmem:v1+s9+$0x0], $0xffff  }
0x2f2: {  	[tilespmem:s11+$0xFFFFFFA0] =	vst v3;
	v6 =	vld.idx.msk [tilespmem:v6+s9+$0x0], $0xffff  }
0x2f3: {  	[tilespmem:s31+$0xFFFFFFB0] =	vst v2;
	v2 =	vld.idx.msk [tilespmem:v5+s9+$0x0], $0xffff  }
0x2f4: {  	v5 =	vld.idx.msk [tilespmem:v8+s9+$0x0], $0xffff;
	[tilespmem:s31+$0x30] =	vst v4  }
0x2f5: {  	[tilespmem:s11+$0x20] =	vst v7;
	v4 =	vld [tilespmem:s25+$0xA3B0]  }
0x2f6: {  	v3 =	vld [tilespmem:s15+$0xA3A0];
	[tilespmem:s14+$0xFFFFFF90] =	vst v1  }
0x2f7: {  	[tilespmem:s14+$0x10] =	vst v6  }
0x2f8: {  	s28 =	simm.s32 $0x16270;
	v1 =	vld [tilespmem:s17+$0xA390]  }
0x2f9: {  	[tilespmem:s28+$0xFFFFFF80] =	vst v2  }
0x2fa: {  	[tilespmem:s28+$0x0] =	vst v5;
	v2 =	vshll.u32 v4, $0x3  }
0x2fb: {  	v5 =	vld [tilespmem:s18+$0xA380];
	v3 =	vshll.u32 v3, $0x3  }
0x2fc: {  	v4 =	vor.u32 $0x1, v2  }
0x2fd: {  	s26 =	simm.s32 $0x200;
	v1 =	vshll.u32 v1, $0x3  }
0x2fe: {  	v8 =	vld [tilespmem:s26+$0xA370];
	v6 =	vor.u32 $0x1, v1  }
0x2ff: {  	v7 =	vor.u32 $0x1, v3;
	v2 =	vld.idx.msk [tilespmem:v2+s9+$0x0], $0xffff  }
0x300: {  	v5 =	vshll.u32 v5, $0x3;
	v3 =	vld.idx.msk [tilespmem:v3+s9+$0x0], $0xffff  }
0x301: {  	v9 =	vor.u32 $0x1, v5;
	v4 =	vld.idx.msk [tilespmem:v4+s9+$0x0], $0xffff  }
0x302: {  	v1 =	vld.idx.msk [tilespmem:v1+s9+$0x0], $0xffff  }
0x303: {  	v6 =	vld.idx.msk [tilespmem:v6+s9+$0x0], $0xffff  }
0x304: {  	[tilespmem:s31+$0xFFFFFFC0] =	vst v2;
	v2 =	vld.idx.msk [tilespmem:v7+s9+$0x0], $0xffff;
	v7 =	vshll.u32 v8, $0x3;
	_ =	sdelay $0x1  }
0x305: {  	v8 =	vld.idx.msk [tilespmem:v9+s9+$0x0], $0xffff;
	[tilespmem:s11+$0xFFFFFFB0] =	vst v3  }
0x306: {  	[tilespmem:s31+$0x40] =	vst v4;
	v4 =	vld.idx.msk [tilespmem:v5+s9+$0x0], $0xffff;
	v5 =	vor.u32 $0x1, v7  }
0x307: {  	[tilespmem:s14+$0xFFFFFFA0] =	vst v1;
	v1 =	vld [tilespmem:s25+$0xA3C0]  }
0x308: {  	[tilespmem:s14+$0x20] =	vst v6;
	v6 =	vld.idx.msk [tilespmem:v7+s9+$0x0], $0xffff  }
0x309: {  	[tilespmem:s11+$0x30] =	vst v2;
	v3 =	vld [tilespmem:s17+$0xA3A0]  }
0x30a: {  	v2 =	vld [tilespmem:s15+$0xA3B0]  }
0x30b: {  	v5 =	vld.idx.msk [tilespmem:v5+s9+$0x0], $0xffff  }
0x30c: {  	[tilespmem:s28+$0x10] =	vst v8  }
0x30d: {  	[tilespmem:s28+$0xFFFFFF90] =	vst v4;
	v1 =	vshll.u32 v1, $0x3  }
0x30e: {  	s16 =	simm.s32 $0x16370;
	v7 =	vld [tilespmem:s18+$0xA390];
	v4 =	vor.u32 $0x1, v1  }
0x30f: {  	[tilespmem:s16+$0xFFFFFF80] =	vst v6;
	v3 =	vshll.u32 v3, $0x3  }
0x310: {  	v2 =	vshll.u32 v2, $0x3;
	[tilespmem:s16+$0x0] =	vst v5  }
0x311: {  	v5 =	vld [tilespmem:s26+$0xA380]  }
0x312: {  	v6 =	vor.u32 $0x1, v2;
	v1 =	vld.idx.msk [tilespmem:v1+s9+$0x0], $0xffff  }
0x313: {  	v7 =	vshll.u32 v7, $0x3;
	v4 =	vld.idx.msk [tilespmem:v4+s9+$0x0], $0xffff  }
0x314: {  	v9 =	vor.u32 $0x1, v7;
	v8 =	vld.idx.msk [tilespmem:v3+s9+$0x0], $0xffff  }
0x315: {  	s29 =	simm.s32 $0x280;
	v2 =	vld.idx.msk [tilespmem:v2+s9+$0x0], $0xffff;
	v3 =	vor.u32 $0x1, v3  }
0x316: {  	v10 =	vld [tilespmem:s29+$0xA370]  }
0x317: {  	v6 =	vld.idx.msk [tilespmem:v6+s9+$0x0], $0xffff;
	v5 =	vshll.u32 v5, $0x3  }
0x318: {  	[tilespmem:s31+$0xFFFFFFD0] =	vst v1;
	v1 =	vld.idx.msk [tilespmem:v7+s9+$0x0], $0xffff  }
0x319: {  	v7 =	vld.idx.msk [tilespmem:v9+s9+$0x0], $0xffff;
	[tilespmem:s31+$0x50] =	vst v4;
	v4 =	vor.u32 $0x1, v5  }
0x31a: {  	[tilespmem:s11+$0xFFFFFFC0] =	vst v2;
	v2 =	vld.idx.msk [tilespmem:v3+s9+$0x0], $0xffff  }
0x31b: {  	v9 =	vld [tilespmem:s25+$0xA3D0];
	[tilespmem:s14+$0xFFFFFFB0] =	vst v8  }
0x31c: {  	[tilespmem:s11+$0x40] =	vst v6;
	v3 =	vld.idx.msk [tilespmem:v5+s9+$0x0], $0xffff;
	v5 =	vshll.u32 v10, $0x3  }
0x31d: {  	v6 =	vld [tilespmem:s15+$0xA3C0];
	v8 =	vor.u32 $0x1, v5;
	[tilespmem:s28+$0xFFFFFFA0] =	vst v1  }
0x31e: {  	[tilespmem:s28+$0x20] =	vst v7;
	v4 =	vld.idx.msk [tilespmem:v4+s9+$0x0], $0xffff  }
0x31f: {  	v7 =	vld [tilespmem:s18+$0xA3A0];
	[tilespmem:s14+$0x30] =	vst v2  }
0x320: {  	v1 =	vshll.u32 v9, $0x3;
	v9 =	vld [tilespmem:s17+$0xA3B0]  }
0x321: {  	v2 =	vor.u32 $0x1, v1;
	v5 =	vld.idx.msk [tilespmem:v5+s9+$0x0], $0xffff  }
0x322: {  	[tilespmem:s16+$0xFFFFFF90] =	vst v3;
	v3 =	vshll.u32 v6, $0x3;
	v6 =	vld.idx.msk [tilespmem:v8+s9+$0x0], $0xffff  }
0x323: {  	[tilespmem:s16+$0x10] =	vst v4  }
0x324: {  	v4 =	vor.u32 $0x1, v3;
	v8 =	vld [tilespmem:s26+$0xA390]  }
0x325: {  	s30 =	simm.s32 $0x16470;
	v7 =	vshll.u32 v7, $0x3;
	v1 =	vld.idx.msk [tilespmem:v1+s9+$0x0], $0xffff  }
0x326: {  	v2 =	vld.idx.msk [tilespmem:v2+s9+$0x0], $0xffff;
	[tilespmem:s30+$0xFFFFFF80] =	vst v5  }
0x327: {  	v9 =	vshll.u32 v9, $0x3;
	v3 =	vld.idx.msk [tilespmem:v3+s9+$0x0], $0xffff;
	[tilespmem:s30+$0x0] =	vst v6  }
0x328: {  	v5 =	vor.u32 $0x1, v9;
	v6 =	vld [tilespmem:s29+$0xA380]  }
0x329: {  	v4 =	vld.idx.msk [tilespmem:v4+s9+$0x0], $0xffff;
	v8 =	vshll.u32 v8, $0x3  }
0x32a: {  	s3 =	simm.s32 $0x300;
	v10 =	vld.idx.msk [tilespmem:v7+s9+$0x0], $0xffff  }
0x32b: {  	[tilespmem:s31+$0xFFFFFFE0] =	vst v1;
	v1 =	vor.u32 $0x1, v7;
	v7 =	vld [tilespmem:s3+$0xA370]  }
0x32c: {  	v11 =	vor.u32 $0x1, v8;
	v9 =	vld.idx.msk [tilespmem:v9+s9+$0x0], $0xffff  }
0x32d: {  	v5 =	vld.idx.msk [tilespmem:v5+s9+$0x0], $0xffff  }
0x32e: {  	[tilespmem:s11+$0xFFFFFFD0] =	vst v3;
	v3 =	vshll.u32 v6, $0x3;
	v6 =	vld.idx.msk [tilespmem:v8+s9+$0x0], $0xffff  }
0x32f: {  	[tilespmem:s11+$0x50] =	vst v4  }
0x330: {  	[tilespmem:s31+$0x60] =	vst v2;
	v8 =	vld [tilespmem:s15+$0xA3D0]  }
0x331: {  	v2 =	vor.u32 $0x1, v3;
	v4 =	vld.idx.msk [tilespmem:v11+s9+$0x0], $0xffff;
	[tilespmem:s14+$0xFFFFFFC0] =	vst v9  }
0x332: {  	v7 =	vshll.u32 v7, $0x3;
	v11 =	vld [tilespmem:s25+$0xA3E0];
	[tilespmem:s14+$0x40] =	vst v5  }
0x333: {  	v5 =	vor.u32 $0x1, v7;
	[tilespmem:s16+$0xFFFFFFA0] =	vst v6;
	v6 =	vld [tilespmem:s17+$0xA3C0]  }
0x334: {  	v9 =	vld.idx.msk [tilespmem:v1+s9+$0x0], $0xffff  }
0x335: {  	v3 =	vld.idx.msk [tilespmem:v3+s9+$0x0], $0xffff  }
0x336: {  	v2 =	vld.idx.msk [tilespmem:v2+s9+$0x0], $0xffff  }
0x337: {  	[tilespmem:s28+$0xFFFFFFB0] =	vst v10  }
0x338: {  	[tilespmem:s16+$0x20] =	vst v4;
	v4 =	vshll.u32 v8, $0x3;
	v12 =	vld.idx.msk [tilespmem:v5+s9+$0x0], $0xffff;
	v5 =	vshll.u32 v6, $0x3  }
0x339: {  	[tilespmem:s28+$0x30] =	vst v9;
	v10 =	vld [tilespmem:s26+$0xA3A0];
	v6 =	vor.u32 $0x1, v5  }
0x33a: {  	v1 =	vshll.u32 v11, $0x3;
	v8 =	vor.u32 $0x1, v4;
	v9 =	vld [tilespmem:s18+$0xA3B0];
	[tilespmem:s30+$0xFFFFFF90] =	vst v3  }
0x33b: {  	v7 =	vld.idx.msk [tilespmem:v7+s9+$0x0], $0xffff;
	v11 =	vor.u32 $0x1, v1;
	[tilespmem:s30+$0x10] =	vst v2  }
0x33c: {  	v14 =	vld [tilespmem:s29+$0xA390]  }
0x33d: {  	v13 =	vld.idx.msk [tilespmem:v4+s9+$0x0], $0xffff  }
0x33e: {  	v4 =	vld.idx.msk [tilespmem:v6+s9+$0x0], $0xffff;
	v6 =	vshll.u32 v10, $0x3  }
0x33f: {  	s25 =	simm.s32 $0x16570;
	v3 =	vld.idx.msk [tilespmem:v8+s9+$0x0], $0xffff;
	v8 =	vshll.u32 v9, $0x3  }
0x340: {  	[tilespmem:s25+$0xFFFFFF80] =	vst v7;
	v2 =	vld.idx.msk [tilespmem:v11+s9+$0x0], $0xffff;
	v7 =	vor.u32 $0x1, v8  }
0x341: {  	[tilespmem:s25+$0x0] =	vst v12;
	v5 =	vld.idx.msk [tilespmem:v5+s9+$0x0], $0xffff  }
0x342: {  	s7 =	simm.s32 $0xE00;
	s24 =	simm.s32 $0x16570;
	v9 =	vshll.u32 v14, $0x3;
	v10 =	vld [tilespmem:s3+$0xA380];
	[tilespmem:s11+$0xFFFFFFE0] =	vst v13  }
.LBB2_12:
0x343: {  	s5 =	sshra.s32 s7, $0x2;
	p0 =	seq.s32 s7, $0xF800;
	s7 =	sadd.s32 $0x200, s7;
	v11 =	vld.idx.msk [tilespmem:v6+s9+$0x0], $0xffff  }
0x344: {  	v12 =	vor.u32 $0x1, v9;
	v8 =	vld.idx.msk [tilespmem:v8+s9+$0x0], $0xffff;
	[tilespmem:s11+$0x60] =	vst v3  }
0x345: {  	v3 =	vld.idx.msk [tilespmem:v7+s9+$0x0], $0xffff  }
0x346: {  	v6 =	vor.u32 $0x1, v6;
	[tilespmem:s14+$0xFFFFFFD0] =	vst v5;
	v5 =	vld [tilespmem:s15+$0xA3E0];
	s15 =	smov.u32 s17;
	s17 =	smov.u32 s18;
	s18 =	smov.u32 s26  }
0x347: {  	s26 =	smov.u32 s29;
	s29 =	smov.u32 s3;
	s3 =	smov.u32 s5;
	v7 =	vld [tilespmem:s5+$0xA370];
	v10 =	vshll.u32 v10, $0x3;
	[tilespmem:s14+$0x50] =	vst v4  }
0x348: {  	v4 =	vor.u32 $0x1, v10;
	v9 =	vld.idx.msk [tilespmem:v9+s9+$0x0], $0xffff  }
0x349: {  	v12 =	vld.idx.msk [tilespmem:v12+s9+$0x0], $0xffff  }
0x34a: {  	[tilespmem:s28+$0xFFFFFFC0] =	vst v8;
	v8 =	vld [tilespmem:s15+$0xA3D0]  }
0x34b: {  	v6 =	vld.idx.msk [tilespmem:v6+s9+$0x0], $0xffff;
	[tilespmem:s28+$0x40] =	vst v3;
	v3 =	vshll.u32 v5, $0x3  }
0x34c: {  	v5 =	vshll.u32 v7, $0x3;
	v7 =	vld.idx.msk [tilespmem:v10+s9+$0x0], $0xffff;
	[tilespmem:s16+$0xFFFFFFB0] =	vst v11  }
0x34d: {  	v10 =	vor.u32 $0x1, v5;
	v4 =	vld.idx.msk [tilespmem:v4+s9+$0x0], $0xffff  }
0x34e: {  	[tilespmem:s30+$0xFFFFFFA0] =	vst v9;
	v9 =	vld [tilespmem:s17+$0xA3C0]  }
0x34f: {  	[tilespmem:s30+$0x20] =	vst v12;
	v8 =	vshll.u32 v8, $0x3;
	v11 =	vld.idx.msk [tilespmem:v1+s9+$0x0], $0xffff;
	v1 =	vmov v3  }
0x350: {  	v3 =	vld [tilespmem:s26+$0xA3A0];
	[tilespmem:s31+$0x70] =	vst v2  }
0x351: {  	v2 =	vld.idx.msk [tilespmem:v5+s9+$0x0], $0xffff;
	[tilespmem:s16+$0x30] =	vst v6;
	v5 =	vor.u32 $0x1, v8  }
0x352: {  	v13 =	vor.u32 $0x1, v1;
	v12 =	vld [tilespmem:s18+$0xA3B0]  }
0x353: {  	s24 =	sadd.s32 $0x100, s24;
	v10 =	vld.idx.msk [tilespmem:v10+s9+$0x0], $0xffff;
	[tilespmem:s25+$0xFFFFFF90] =	vst v7;
	v9 =	vshll.u32 v9, $0x3  }
0x354: {  	[tilespmem:s25+$0x10] =	vst v4;
	v4 =	vor.u32 $0x1, v9;
	v14 =	vld.idx.msk [tilespmem:v8+s9+$0x0], $0xffff  }
0x355: {  	v15 =	vld [tilespmem:s29+$0xA390];
	[tilespmem:s31+$0xFFFFFFF0] =	vst v11;
	s31 =	smov.u32 s11;
	s11 =	smov.u32 s14;
	s14 =	smov.u32 s28  }
.Ltmp8:
0x356: {  	v6 =	vshll.u32 v3, $0x3;
	s28 =	smov.u32 s16;
	s16 =	smov.u32 s30;
	v3 =	vld.idx.msk [tilespmem:v5+s9+$0x0], $0xffff;
	(pc) =	sbr.rel @!p0 .LBB2_12-.Ltmp8, $4  }
0x357: {  	s30 =	smov.u32 s25;
	s25 =	smov.u32 s24;
	[tilespmem:s24+$0xFFFFFF80] =	vst v2;
	v8 =	vshll.u32 v12, $0x3;
	v2 =	vld.idx.msk [tilespmem:v13+s9+$0x0], $0xffff  }
0x358: {  	v7 =	vor.u32 $0x1, v8;
	v5 =	vld.idx.msk [tilespmem:v9+s9+$0x0], $0xffff  }
0x359: {  	[tilespmem:s24+$0x0] =	vst v10;
	v4 =	vld.idx.msk [tilespmem:v4+s9+$0x0], $0xffff  }
0x35a: {  	v10 =	vld [tilespmem:s3+$0xA380];
	v9 =	vshll.u32 v15, $0x3;
	[tilespmem:s11+$0xFFFFFFE0] =	vst v14  }
0x35b: {  	_ =	sdelay $0x3  }
0x35c: {  	v10 =	vshll.u32 v10, $0x3  }
0x35d: {  	v11 =	vor.u32 $0x1, v10;
	_ =	sdelay $0x3  }
0x35e: {  	v10 =	vld.idx.msk [tilespmem:v10+s9+$0x0], $0xffff  }
0x35f: {  	v11 =	vld.idx.msk [tilespmem:v11+s9+$0x0], $0xffff;
	_ =	sdelay $0x3  }
0x360: {  	[tilespmem:s25+$0xFFFFFF90] =	vst v10  }
0x361: {  	[tilespmem:s25+$0x10] =	vst v11  }
0x362: {  	v10 =	vld [tilespmem:s3+$0xA390];
	_ =	sdelay $0x2  }
0x363: {  	v19 =	vor.u32 $0x1, v9;
	_ =	sdelay $0x1  }
0x364: {  	v10 =	vshll.u32 v10, $0x3  }
0x365: {  	v12 =	vor.u32 $0x1, v10  }
0x366: {  	v20 =	vld.idx.msk [tilespmem:v9+s9+$0x0], $0xffff  }
0x367: {  	v11 =	vld.idx.msk [tilespmem:v19+s9+$0x0], $0xffff;
	_ =	sdelay $0x1  }
0x368: {  	v10 =	vld.idx.msk [tilespmem:v10+s9+$0x0], $0xffff  }
0x369: {  	v12 =	vld.idx.msk [tilespmem:v12+s9+$0x0], $0xffff  }
0x36a: {  	[tilespmem:s30+$0xFFFFFFA0] =	vst v20  }
0x36b: {  	[tilespmem:s30+$0x20] =	vst v11  }
0x36c: {  	v9 =	vld [tilespmem:s29+$0xA3A0]  }
0x36d: {  	[tilespmem:s25+$0xFFFFFFA0] =	vst v10  }
0x36e: {  	[tilespmem:s25+$0x20] =	vst v12  }
0x36f: {  	v10 =	vld [tilespmem:s3+$0xA3A0]  }
0x370: {  	v21 =	vor.u32 $0x1, v6  }
0x371: {  	v9 =	vshll.u32 v9, $0x3  }
0x372: {  	v22 =	vor.u32 $0x1, v9;
	_ =	sdelay $0x1  }
0x373: {  	v23 =	vld.idx.msk [tilespmem:v6+s9+$0x0], $0xffff;
	v10 =	vshll.u32 v10, $0x3  }
0x374: {  	v11 =	vld.idx.msk [tilespmem:v21+s9+$0x0], $0xffff;
	v13 =	vor.u32 $0x1, v10  }
0x375: {  	v9 =	vld.idx.msk [tilespmem:v9+s9+$0x0], $0xffff  }
0x376: {  	v12 =	vld.idx.msk [tilespmem:v22+s9+$0x0], $0xffff;
	_ =	sdelay $0x1  }
0x377: {  	[tilespmem:s16+$0xFFFFFFB0] =	vst v23;
	v10 =	vld.idx.msk [tilespmem:v10+s9+$0x0], $0xffff  }
0x378: {  	[tilespmem:s16+$0x30] =	vst v11;
	v24 =	vld.idx.msk [tilespmem:v13+s9+$0x0], $0xffff  }
0x379: {  	v11 =	vld [tilespmem:s26+$0xA3B0];
	[tilespmem:s30+$0xFFFFFFB0] =	vst v9  }
0x37a: {  	v8 =	vld.idx.msk [tilespmem:v8+s9+$0x0], $0xffff;
	[tilespmem:s30+$0x30] =	vst v12  }
0x37b: {  	v9 =	vld [tilespmem:s29+$0xA3B0]  }
0x37c: {  	v7 =	vld.idx.msk [tilespmem:v7+s9+$0x0], $0xffff;
	[tilespmem:s25+$0xFFFFFFB0] =	vst v10  }
0x37d: {  	[tilespmem:s25+$0x30] =	vst v24  }
0x37e: {  	v25 =	vshll.u32 v11, $0x3;
	v6 =	vld [tilespmem:s3+$0xA3B0]  }
0x37f: {  	v26 =	vor.u32 $0x1, v25  }
0x380: {  	[tilespmem:s28+$0xFFFFFFC0] =	vst v8;
	v27 =	vshll.u32 v9, $0x3  }
0x381: {  	[tilespmem:s28+$0x40] =	vst v7;
	v28 =	vor.u32 $0x1, v27  }
0x382: {  	v8 =	vld [tilespmem:s18+$0xA3C0]  }
0x383: {  	v7 =	vld.idx.msk [tilespmem:v25+s9+$0x0], $0xffff;
	v6 =	vshll.u32 v6, $0x3  }
0x384: {  	v10 =	vld.idx.msk [tilespmem:v26+s9+$0x0], $0xffff;
	v30 =	vor.u32 $0x1, v6  }
0x385: {  	[tilespmem:s14+$0xFFFFFFD0] =	vst v5;
	v5 =	vld.idx.msk [tilespmem:v27+s9+$0x0], $0xffff  }
0x386: {  	[tilespmem:s14+$0x50] =	vst v4;
	v4 =	vld.idx.msk [tilespmem:v28+s9+$0x0], $0xffff;
	_ =	sdelay $0x1  }
0x387: {  	[tilespmem:s16+$0xFFFFFFC0] =	vst v7;
	v6 =	vld.idx.msk [tilespmem:v6+s9+$0x0], $0xffff  }
0x388: {  	[tilespmem:s16+$0x40] =	vst v10;
	v32 =	vld.idx.msk [tilespmem:v30+s9+$0x0], $0xffff  }
0x389: {  	[tilespmem:s30+$0xFFFFFFC0] =	vst v5;
	v10 =	vld [tilespmem:s26+$0xA3C0]  }
0x38a: {  	v8 =	vshll.u32 v8, $0x3;
	[tilespmem:s30+$0x40] =	vst v4  }
0x38b: {  	v4 =	vld [tilespmem:s29+$0xA3C0]  }
0x38c: {  	v31 =	vor.u32 $0x1, v8;
	[tilespmem:s25+$0xFFFFFFC0] =	vst v6  }
0x38d: {  	[tilespmem:s25+$0x40] =	vst v32  }
0x38e: {  	v35 =	vshll.u32 v10, $0x3;
	v7 =	vld [tilespmem:s3+$0xA3C0]  }
0x38f: {  	v8 =	vld.idx.msk [tilespmem:v8+s9+$0x0], $0xffff;
	v36 =	vor.u32 $0x1, v35  }
0x390: {  	v29 =	vld [tilespmem:s17+$0xA3D0];
	v4 =	vshll.u32 v4, $0x3  }
0x391: {  	v33 =	vld.idx.msk [tilespmem:v31+s9+$0x0], $0xffff;
	v37 =	vor.u32 $0x1, v4;
	_ =	sdelay $0x1  }
0x392: {  	v9 =	vld.idx.msk [tilespmem:v35+s9+$0x0], $0xffff;
	v7 =	vshll.u32 v7, $0x3  }
0x393: {  	[tilespmem:s28+$0xFFFFFFD0] =	vst v8;
	v8 =	vld.idx.msk [tilespmem:v36+s9+$0x0], $0xffff;
	v39 =	vor.u32 $0x1, v7  }
0x394: {  	v4 =	vld.idx.msk [tilespmem:v4+s9+$0x0], $0xffff  }
0x395: {  	v34 =	vshll.u32 v29, $0x3;
	[tilespmem:s28+$0x50] =	vst v33;
	v10 =	vld.idx.msk [tilespmem:v37+s9+$0x0], $0xffff  }
0x396: {  	v5 =	vld [tilespmem:s18+$0xA3D0]  }
0x397: {  	v6 =	vor.u32 $0x1, v34;
	[tilespmem:s16+$0xFFFFFFD0] =	vst v9;
	v7 =	vld.idx.msk [tilespmem:v7+s9+$0x0], $0xffff  }
0x398: {  	[tilespmem:s16+$0x50] =	vst v8;
	v12 =	vld.idx.msk [tilespmem:v39+s9+$0x0], $0xffff  }
0x399: {  	[tilespmem:s30+$0xFFFFFFD0] =	vst v4;
	v8 =	vld [tilespmem:s26+$0xA3D0]  }
0x39a: {  	v38 =	vld.idx.msk [tilespmem:v34+s9+$0x0], $0xffff;
	[tilespmem:s30+$0x50] =	vst v10  }
0x39b: {  	v5 =	vshll.u32 v5, $0x3;
	v42 =	vld [tilespmem:s29+$0xA3D0]  }
0x39c: {  	v40 =	vor.u32 $0x1, v5;
	v6 =	vld.idx.msk [tilespmem:v6+s9+$0x0], $0xffff;
	[tilespmem:s25+$0xFFFFFFD0] =	vst v7  }
0x39d: {  	[tilespmem:s25+$0x50] =	vst v12  }
0x39e: {  	[tilespmem:s11+$0x60] =	vst v3;
	v8 =	vshll.u32 v8, $0x3;
	v3 =	vld [tilespmem:s3+$0xA3D0]  }
0x39f: {  	v45 =	vld [tilespmem:s15+$0xA3E0];
	v44 =	vor.u32 $0x1, v8  }
0x3a0: {  	v41 =	vld.idx.msk [tilespmem:v5+s9+$0x0], $0xffff;
	[tilespmem:s14+$0xFFFFFFE0] =	vst v38;
	v46 =	vshll.u32 v42, $0x3  }
0x3a1: {  	v43 =	vld.idx.msk [tilespmem:v40+s9+$0x0], $0xffff;
	[tilespmem:s14+$0x60] =	vst v6;
	v48 =	vor.u32 $0x1, v46  }
0x3a2: {  	v47 =	vld [tilespmem:s17+$0xA3E0]  }
0x3a3: {  	v8 =	vld.idx.msk [tilespmem:v8+s9+$0x0], $0xffff;
	v3 =	vshll.u32 v3, $0x3  }
0x3a4: {  	v6 =	vld.idx.msk [tilespmem:v44+s9+$0x0], $0xffff;
	v50 =	vor.u32 $0x1, v3  }
0x3a5: {  	[tilespmem:s28+$0xFFFFFFE0] =	vst v41;
	v4 =	vld.idx.msk [tilespmem:v46+s9+$0x0], $0xffff  }
0x3a6: {  	[tilespmem:s28+$0x60] =	vst v43;
	v7 =	vld.idx.msk [tilespmem:v48+s9+$0x0], $0xffff  }
0x3a7: {  	v49 =	vld [tilespmem:s18+$0xA3E0]  }
0x3a8: {  	[tilespmem:s16+$0xFFFFFFE0] =	vst v8;
	v3 =	vld.idx.msk [tilespmem:v3+s9+$0x0], $0xffff  }
0x3a9: {  	v9 =	vshll.u32 v45, $0x3;
	[tilespmem:s16+$0x60] =	vst v6;
	v51 =	vld.idx.msk [tilespmem:v50+s9+$0x0], $0xffff  }
0x3aa: {  	[tilespmem:s30+$0xFFFFFFE0] =	vst v4;
	v53 =	vld [tilespmem:s26+$0xA3E0]  }
0x3ab: {  	v54 =	vshll.u32 v47, $0x3;
	[tilespmem:s30+$0x60] =	vst v7  }
0x3ac: {  	v52 =	vor.u32 $0x1, v9;
	v7 =	vld [tilespmem:s29+$0xA3E0]  }
0x3ad: {  	v1 =	vld.idx.msk [tilespmem:v1+s9+$0x0], $0xffff;
	v5 =	vor.u32 $0x1, v54;
	[tilespmem:s25+$0xFFFFFFE0] =	vst v3;
	v3 =	vshll.u32 v49, $0x3  }
0x3ae: {  	v9 =	vld.idx.msk [tilespmem:v9+s9+$0x0], $0xffff;
	[tilespmem:s25+$0x60] =	vst v51;
	v55 =	vor.u32 $0x1, v3  }
0x3af: {  	v11 =	vshll.u32 v53, $0x3;
	v56 =	vld [tilespmem:s3+$0xA3E0]  }
0x3b0: {  	[tilespmem:s31+$0x70] =	vst v2;
	v2 =	vld.idx.msk [tilespmem:v54+s9+$0x0], $0xffff  }
0x3b1: {  	v6 =	vld.idx.msk [tilespmem:v52+s9+$0x0], $0xffff;
	v57 =	vor.u32 $0x1, v11;
	v7 =	vshll.u32 v7, $0x3  }
0x3b2: {  	v5 =	vld.idx.msk [tilespmem:v5+s9+$0x0], $0xffff;
	v58 =	vor.u32 $0x1, v7  }
0x3b3: {  	[tilespmem:s31+$0xFFFFFFF0] =	vst v1;
	v1 =	vld.idx.msk [tilespmem:v55+s9+$0x0], $0xffff  }
0x3b4: {  	[tilespmem:s11+$0xFFFFFFF0] =	vst v9;
	v62 =	vld.idx.msk [tilespmem:v11+s9+$0x0], $0xffff;
	v59 =	vshll.u32 v56, $0x3  }
0x3b5: {  	[tilespmem:s14+$0xFFFFFFF0] =	vst v2;
	v3 =	vld.idx.msk [tilespmem:v3+s9+$0x0], $0xffff;
	v60 =	vor.u32 $0x1, v59  }
0x3b6: {  	[tilespmem:s11+$0x70] =	vst v6;
	v61 =	vld.idx.msk [tilespmem:v57+s9+$0x0], $0xffff  }
0x3b7: {  	[tilespmem:s14+$0x70] =	vst v5;
	v2 =	vld.idx.msk [tilespmem:v58+s9+$0x0], $0xffff  }
0x3b8: {  	[tilespmem:s28+$0x70] =	vst v1;
	v1 =	vld.idx.msk [tilespmem:v7+s9+$0x0], $0xffff  }
0x3b9: {  	[tilespmem:s16+$0xFFFFFFF0] =	vst v62;
	v63 =	vld.idx.msk [tilespmem:v59+s9+$0x0], $0xffff  }
0x3ba: {  	[tilespmem:s28+$0xFFFFFFF0] =	vst v3;
	v3 =	vld.idx.msk [tilespmem:v60+s9+$0x0], $0xffff  }
.Ltmp9:
0x3bb: {  	[tilespmem:s16+$0x70] =	vst v61;
	(pc) =	sbr.rel .LBB2_17-.Ltmp9, $4  }
0x3bc: {  	[tilespmem:s30+$0x70] =	vst v2  }
0x3bd: {  	s31 =	smul.u32 $0xFA0, s23;
	[tilespmem:s30+$0xFFFFFFF0] =	vst v1  }
0x3be: {  	s5 =	rddreg [dreg:$0x7];
	[tilespmem:s25+$0xFFFFFFF0] =	vst v63  }
0x3bf: {  	s3 =	sadd.s32 s5, s31;
	[tilespmem:s25+$0x70] =	vst v3  }
.LBB2_14:
0x3c0: {  	v1 =	vld [tilespmem:s25+$0xA370];
	_ =	sdelay $0x4  }
0x3c1: {  	v1 =	vshll.u32 v1, $0x3  }
0x3c2: {  	v2 =	vor.u32 $0x1, v1;
	_ =	sdelay $0x3  }
0x3c3: {  	v1 =	vld.idx.msk [tilespmem:v1+s19+$0x0], $0xffff  }
0x3c4: {  	v2 =	vld.idx.msk [tilespmem:v2+s19+$0x0], $0xffff;
	_ =	sdelay $0x3  }
0x3c5: {  	s15 =	simm.s32 $0x80;
	[tilespmem:s31+$0xFFFFFF80] =	vst v1  }
0x3c6: {  	[tilespmem:s31+$0x0] =	vst v2;
	v2 =	vld [tilespmem:s15+$0xA370]  }
0x3c7: {  	v1 =	vld [tilespmem:s25+$0xA380];
	_ =	sdelay $0x3  }
0x3c8: {  	v2 =	vshll.u32 v2, $0x3  }
0x3c9: {  	v1 =	vshll.u32 v1, $0x3  }
0x3ca: {  	v4 =	vor.u32 $0x1, v2  }
0x3cb: {  	v3 =	vor.u32 $0x1, v1;
	_ =	sdelay $0x1  }
0x3cc: {  	v2 =	vld.idx.msk [tilespmem:v2+s19+$0x0], $0xffff  }
0x3cd: {  	v1 =	vld.idx.msk [tilespmem:v1+s19+$0x0], $0xffff  }
0x3ce: {  	v4 =	vld.idx.msk [tilespmem:v4+s19+$0x0], $0xffff  }
0x3cf: {  	v3 =	vld.idx.msk [tilespmem:v3+s19+$0x0], $0xffff  }
0x3d0: {  	s11 =	simm.s32 $0x16070  }
0x3d1: {  	[tilespmem:s11+$0xFFFFFF80] =	vst v2  }
0x3d2: {  	[tilespmem:s31+$0xFFFFFF90] =	vst v1  }
0x3d3: {  	[tilespmem:s11+$0x0] =	vst v4  }
0x3d4: {  	[tilespmem:s31+$0x10] =	vst v3;
	v2 =	vld [tilespmem:s15+$0xA380]  }
0x3d5: {  	v1 =	vld [tilespmem:s25+$0xA390]  }
0x3d6: {  	s17 =	simm.s32 $0x100  }
0x3d7: {  	v3 =	vld [tilespmem:s17+$0xA370];
	_ =	sdelay $0x1  }
0x3d8: {  	v2 =	vshll.u32 v2, $0x3  }
0x3d9: {  	v1 =	vshll.u32 v1, $0x3  }
0x3da: {  	v5 =	vor.u32 $0x1, v2  }
0x3db: {  	v3 =	vshll.u32 v3, $0x3  }
0x3dc: {  	v4 =	vor.u32 $0x1, v1  }
0x3dd: {  	v2 =	vld.idx.msk [tilespmem:v2+s19+$0x0], $0xffff  }
0x3de: {  	v1 =	vld.idx.msk [tilespmem:v1+s19+$0x0], $0xffff  }
0x3df: {  	v6 =	vor.u32 $0x1, v3;
	v5 =	vld.idx.msk [tilespmem:v5+s19+$0x0], $0xffff  }
0x3e0: {  	v3 =	vld.idx.msk [tilespmem:v3+s19+$0x0], $0xffff  }
0x3e1: {  	v4 =	vld.idx.msk [tilespmem:v4+s19+$0x0], $0xffff  }
0x3e2: {  	[tilespmem:s11+$0xFFFFFF90] =	vst v2  }
0x3e3: {  	[tilespmem:s31+$0xFFFFFFA0] =	vst v1  }
0x3e4: {  	s14 =	simm.s32 $0x16170;
	v1 =	vld.idx.msk [tilespmem:v6+s19+$0x0], $0xffff;
	[tilespmem:s11+$0x10] =	vst v5  }
0x3e5: {  	[tilespmem:s14+$0xFFFFFF80] =	vst v3  }
0x3e6: {  	[tilespmem:s31+$0x20] =	vst v4;
	v3 =	vld [tilespmem:s15+$0xA390]  }
0x3e7: {  	v2 =	vld [tilespmem:s25+$0xA3A0];
	_ =	sdelay $0x1  }
0x3e8: {  	[tilespmem:s14+$0x0] =	vst v1  }
0x3e9: {  	v1 =	vld [tilespmem:s17+$0xA380]  }
0x3ea: {  	s18 =	simm.s32 $0x180;
	v3 =	vshll.u32 v3, $0x3  }
0x3eb: {  	v5 =	vld [tilespmem:s18+$0xA370];
	v2 =	vshll.u32 v2, $0x3  }
0x3ec: {  	v4 =	vor.u32 $0x1, v2  }
0x3ed: {  	v7 =	vor.u32 $0x1, v3  }
0x3ee: {  	v1 =	vshll.u32 v1, $0x3  }
0x3ef: {  	v3 =	vld.idx.msk [tilespmem:v3+s19+$0x0], $0xffff;
	v6 =	vor.u32 $0x1, v1  }
0x3f0: {  	v5 =	vshll.u32 v5, $0x3;
	v2 =	vld.idx.msk [tilespmem:v2+s19+$0x0], $0xffff  }
0x3f1: {  	v8 =	vor.u32 $0x1, v5;
	v4 =	vld.idx.msk [tilespmem:v4+s19+$0x0], $0xffff  }
0x3f2: {  	v7 =	vld.idx.msk [tilespmem:v7+s19+$0x0], $0xffff  }
0x3f3: {  	v1 =	vld.idx.msk [tilespmem:v1+s19+$0x0], $0xffff  }
0x3f4: {  	[tilespmem:s11+$0xFFFFFFA0] =	vst v3;
	v6 =	vld.idx.msk [tilespmem:v6+s19+$0x0], $0xffff  }
0x3f5: {  	[tilespmem:s31+$0xFFFFFFB0] =	vst v2;
	v2 =	vld.idx.msk [tilespmem:v5+s19+$0x0], $0xffff  }
0x3f6: {  	v5 =	vld.idx.msk [tilespmem:v8+s19+$0x0], $0xffff;
	[tilespmem:s31+$0x30] =	vst v4  }
0x3f7: {  	[tilespmem:s11+$0x20] =	vst v7;
	v4 =	vld [tilespmem:s25+$0xA3B0]  }
0x3f8: {  	v3 =	vld [tilespmem:s15+$0xA3A0];
	[tilespmem:s14+$0xFFFFFF90] =	vst v1  }
0x3f9: {  	[tilespmem:s14+$0x10] =	vst v6  }
0x3fa: {  	s28 =	simm.s32 $0x16270;
	v1 =	vld [tilespmem:s17+$0xA390]  }
0x3fb: {  	[tilespmem:s28+$0xFFFFFF80] =	vst v2  }
0x3fc: {  	[tilespmem:s28+$0x0] =	vst v5;
	v2 =	vshll.u32 v4, $0x3  }
0x3fd: {  	v5 =	vld [tilespmem:s18+$0xA380];
	v3 =	vshll.u32 v3, $0x3  }
0x3fe: {  	v4 =	vor.u32 $0x1, v2  }
0x3ff: {  	s26 =	simm.s32 $0x200;
	v1 =	vshll.u32 v1, $0x3  }
0x400: {  	v8 =	vld [tilespmem:s26+$0xA370];
	v6 =	vor.u32 $0x1, v1  }
0x401: {  	v7 =	vor.u32 $0x1, v3;
	v2 =	vld.idx.msk [tilespmem:v2+s19+$0x0], $0xffff  }
0x402: {  	v5 =	vshll.u32 v5, $0x3;
	v3 =	vld.idx.msk [tilespmem:v3+s19+$0x0], $0xffff  }
0x403: {  	v9 =	vor.u32 $0x1, v5;
	v4 =	vld.idx.msk [tilespmem:v4+s19+$0x0], $0xffff  }
0x404: {  	v1 =	vld.idx.msk [tilespmem:v1+s19+$0x0], $0xffff  }
0x405: {  	v6 =	vld.idx.msk [tilespmem:v6+s19+$0x0], $0xffff  }
0x406: {  	[tilespmem:s31+$0xFFFFFFC0] =	vst v2;
	v2 =	vld.idx.msk [tilespmem:v7+s19+$0x0], $0xffff;
	v7 =	vshll.u32 v8, $0x3;
	_ =	sdelay $0x1  }
0x407: {  	v8 =	vld.idx.msk [tilespmem:v9+s19+$0x0], $0xffff;
	[tilespmem:s11+$0xFFFFFFB0] =	vst v3  }
0x408: {  	[tilespmem:s31+$0x40] =	vst v4;
	v4 =	vld.idx.msk [tilespmem:v5+s19+$0x0], $0xffff;
	v5 =	vor.u32 $0x1, v7  }
0x409: {  	[tilespmem:s14+$0xFFFFFFA0] =	vst v1;
	v1 =	vld [tilespmem:s25+$0xA3C0]  }
0x40a: {  	[tilespmem:s14+$0x20] =	vst v6;
	v6 =	vld.idx.msk [tilespmem:v7+s19+$0x0], $0xffff  }
0x40b: {  	[tilespmem:s11+$0x30] =	vst v2;
	v3 =	vld [tilespmem:s17+$0xA3A0]  }
0x40c: {  	v2 =	vld [tilespmem:s15+$0xA3B0]  }
0x40d: {  	v5 =	vld.idx.msk [tilespmem:v5+s19+$0x0], $0xffff  }
0x40e: {  	[tilespmem:s28+$0x10] =	vst v8  }
0x40f: {  	[tilespmem:s28+$0xFFFFFF90] =	vst v4;
	v1 =	vshll.u32 v1, $0x3  }
0x410: {  	s16 =	simm.s32 $0x16370;
	v7 =	vld [tilespmem:s18+$0xA390];
	v4 =	vor.u32 $0x1, v1  }
0x411: {  	[tilespmem:s16+$0xFFFFFF80] =	vst v6;
	v3 =	vshll.u32 v3, $0x3  }
0x412: {  	v2 =	vshll.u32 v2, $0x3;
	[tilespmem:s16+$0x0] =	vst v5  }
0x413: {  	v5 =	vld [tilespmem:s26+$0xA380]  }
0x414: {  	v6 =	vor.u32 $0x1, v2;
	v1 =	vld.idx.msk [tilespmem:v1+s19+$0x0], $0xffff  }
0x415: {  	v7 =	vshll.u32 v7, $0x3;
	v4 =	vld.idx.msk [tilespmem:v4+s19+$0x0], $0xffff  }
0x416: {  	v9 =	vor.u32 $0x1, v7;
	v8 =	vld.idx.msk [tilespmem:v3+s19+$0x0], $0xffff  }
0x417: {  	s29 =	simm.s32 $0x280;
	v2 =	vld.idx.msk [tilespmem:v2+s19+$0x0], $0xffff;
	v3 =	vor.u32 $0x1, v3  }
0x418: {  	v10 =	vld [tilespmem:s29+$0xA370]  }
0x419: {  	v6 =	vld.idx.msk [tilespmem:v6+s19+$0x0], $0xffff;
	v5 =	vshll.u32 v5, $0x3  }
0x41a: {  	[tilespmem:s31+$0xFFFFFFD0] =	vst v1;
	v1 =	vld.idx.msk [tilespmem:v7+s19+$0x0], $0xffff  }
0x41b: {  	v7 =	vld.idx.msk [tilespmem:v9+s19+$0x0], $0xffff;
	[tilespmem:s31+$0x50] =	vst v4;
	v4 =	vor.u32 $0x1, v5  }
0x41c: {  	[tilespmem:s11+$0xFFFFFFC0] =	vst v2;
	v2 =	vld.idx.msk [tilespmem:v3+s19+$0x0], $0xffff  }
0x41d: {  	v9 =	vld [tilespmem:s25+$0xA3D0];
	[tilespmem:s14+$0xFFFFFFB0] =	vst v8  }
0x41e: {  	[tilespmem:s11+$0x40] =	vst v6;
	v3 =	vld.idx.msk [tilespmem:v5+s19+$0x0], $0xffff;
	v5 =	vshll.u32 v10, $0x3  }
0x41f: {  	v6 =	vld [tilespmem:s15+$0xA3C0];
	v8 =	vor.u32 $0x1, v5;
	[tilespmem:s28+$0xFFFFFFA0] =	vst v1  }
0x420: {  	[tilespmem:s28+$0x20] =	vst v7;
	v4 =	vld.idx.msk [tilespmem:v4+s19+$0x0], $0xffff  }
0x421: {  	v7 =	vld [tilespmem:s18+$0xA3A0];
	[tilespmem:s14+$0x30] =	vst v2  }
0x422: {  	v1 =	vshll.u32 v9, $0x3;
	v9 =	vld [tilespmem:s17+$0xA3B0]  }
0x423: {  	v2 =	vor.u32 $0x1, v1;
	v5 =	vld.idx.msk [tilespmem:v5+s19+$0x0], $0xffff  }
0x424: {  	[tilespmem:s16+$0xFFFFFF90] =	vst v3;
	v3 =	vshll.u32 v6, $0x3;
	v6 =	vld.idx.msk [tilespmem:v8+s19+$0x0], $0xffff  }
0x425: {  	[tilespmem:s16+$0x10] =	vst v4  }
0x426: {  	v4 =	vor.u32 $0x1, v3;
	v8 =	vld [tilespmem:s26+$0xA390]  }
0x427: {  	s30 =	simm.s32 $0x16470;
	v7 =	vshll.u32 v7, $0x3;
	v1 =	vld.idx.msk [tilespmem:v1+s19+$0x0], $0xffff  }
0x428: {  	v2 =	vld.idx.msk [tilespmem:v2+s19+$0x0], $0xffff;
	[tilespmem:s30+$0xFFFFFF80] =	vst v5  }
0x429: {  	v9 =	vshll.u32 v9, $0x3;
	v3 =	vld.idx.msk [tilespmem:v3+s19+$0x0], $0xffff;
	[tilespmem:s30+$0x0] =	vst v6  }
0x42a: {  	v5 =	vor.u32 $0x1, v9;
	v6 =	vld [tilespmem:s29+$0xA380]  }
0x42b: {  	v4 =	vld.idx.msk [tilespmem:v4+s19+$0x0], $0xffff;
	v8 =	vshll.u32 v8, $0x3  }
0x42c: {  	s3 =	simm.s32 $0x300;
	v10 =	vld.idx.msk [tilespmem:v7+s19+$0x0], $0xffff  }
0x42d: {  	[tilespmem:s31+$0xFFFFFFE0] =	vst v1;
	v1 =	vor.u32 $0x1, v7;
	v7 =	vld [tilespmem:s3+$0xA370]  }
0x42e: {  	v11 =	vor.u32 $0x1, v8;
	v9 =	vld.idx.msk [tilespmem:v9+s19+$0x0], $0xffff  }
0x42f: {  	v5 =	vld.idx.msk [tilespmem:v5+s19+$0x0], $0xffff  }
0x430: {  	[tilespmem:s11+$0xFFFFFFD0] =	vst v3;
	v3 =	vshll.u32 v6, $0x3;
	v6 =	vld.idx.msk [tilespmem:v8+s19+$0x0], $0xffff  }
0x431: {  	[tilespmem:s11+$0x50] =	vst v4  }
0x432: {  	[tilespmem:s31+$0x60] =	vst v2;
	v8 =	vld [tilespmem:s15+$0xA3D0]  }
0x433: {  	v2 =	vor.u32 $0x1, v3;
	v4 =	vld.idx.msk [tilespmem:v11+s19+$0x0], $0xffff;
	[tilespmem:s14+$0xFFFFFFC0] =	vst v9  }
0x434: {  	v7 =	vshll.u32 v7, $0x3;
	v11 =	vld [tilespmem:s25+$0xA3E0];
	[tilespmem:s14+$0x40] =	vst v5  }
0x435: {  	v5 =	vor.u32 $0x1, v7;
	[tilespmem:s16+$0xFFFFFFA0] =	vst v6;
	v6 =	vld [tilespmem:s17+$0xA3C0]  }
0x436: {  	v9 =	vld.idx.msk [tilespmem:v1+s19+$0x0], $0xffff  }
0x437: {  	v3 =	vld.idx.msk [tilespmem:v3+s19+$0x0], $0xffff  }
0x438: {  	v2 =	vld.idx.msk [tilespmem:v2+s19+$0x0], $0xffff  }
0x439: {  	[tilespmem:s28+$0xFFFFFFB0] =	vst v10  }
0x43a: {  	[tilespmem:s16+$0x20] =	vst v4;
	v4 =	vshll.u32 v8, $0x3;
	v12 =	vld.idx.msk [tilespmem:v5+s19+$0x0], $0xffff;
	v5 =	vshll.u32 v6, $0x3  }
0x43b: {  	[tilespmem:s28+$0x30] =	vst v9;
	v10 =	vld [tilespmem:s26+$0xA3A0];
	v6 =	vor.u32 $0x1, v5  }
0x43c: {  	v1 =	vshll.u32 v11, $0x3;
	v8 =	vor.u32 $0x1, v4;
	v9 =	vld [tilespmem:s18+$0xA3B0];
	[tilespmem:s30+$0xFFFFFF90] =	vst v3  }
0x43d: {  	v7 =	vld.idx.msk [tilespmem:v7+s19+$0x0], $0xffff;
	v11 =	vor.u32 $0x1, v1;
	[tilespmem:s30+$0x10] =	vst v2  }
0x43e: {  	v14 =	vld [tilespmem:s29+$0xA390]  }
0x43f: {  	v13 =	vld.idx.msk [tilespmem:v4+s19+$0x0], $0xffff  }
0x440: {  	v4 =	vld.idx.msk [tilespmem:v6+s19+$0x0], $0xffff;
	v6 =	vshll.u32 v10, $0x3  }
0x441: {  	s25 =	simm.s32 $0x16570;
	v3 =	vld.idx.msk [tilespmem:v8+s19+$0x0], $0xffff;
	v8 =	vshll.u32 v9, $0x3  }
0x442: {  	[tilespmem:s25+$0xFFFFFF80] =	vst v7;
	v2 =	vld.idx.msk [tilespmem:v11+s19+$0x0], $0xffff;
	v7 =	vor.u32 $0x1, v8  }
0x443: {  	[tilespmem:s25+$0x0] =	vst v12;
	v5 =	vld.idx.msk [tilespmem:v5+s19+$0x0], $0xffff  }
0x444: {  	s7 =	simm.s32 $0xE00;
	s24 =	simm.s32 $0x16570;
	v9 =	vshll.u32 v14, $0x3;
	v10 =	vld [tilespmem:s3+$0xA380];
	[tilespmem:s11+$0xFFFFFFE0] =	vst v13  }
.LBB2_15:
0x445: {  	s5 =	sshra.s32 s7, $0x2;
	p0 =	sne.s32 s7, $0xF800;
	s7 =	sadd.s32 $0x200, s7;
	v11 =	vld.idx.msk [tilespmem:v6+s19+$0x0], $0xffff  }
0x446: {  	v12 =	vor.u32 $0x1, v9;
	v8 =	vld.idx.msk [tilespmem:v8+s19+$0x0], $0xffff;
	[tilespmem:s11+$0x60] =	vst v3  }
0x447: {  	v3 =	vld.idx.msk [tilespmem:v7+s19+$0x0], $0xffff  }
0x448: {  	v6 =	vor.u32 $0x1, v6;
	[tilespmem:s14+$0xFFFFFFD0] =	vst v5;
	v5 =	vld [tilespmem:s15+$0xA3E0];
	s15 =	smov.u32 s17;
	s17 =	smov.u32 s18;
	s18 =	smov.u32 s26  }
0x449: {  	v10 =	vshll.u32 v10, $0x3;
	s26 =	smov.u32 s29;
	s29 =	smov.u32 s3;
	s3 =	smov.u32 s5;
	v7 =	vld [tilespmem:s5+$0xA370];
	[tilespmem:s14+$0x50] =	vst v4  }
0x44a: {  	v4 =	vor.u32 $0x1, v10;
	v9 =	vld.idx.msk [tilespmem:v9+s19+$0x0], $0xffff  }
0x44b: {  	v12 =	vld.idx.msk [tilespmem:v12+s19+$0x0], $0xffff  }
0x44c: {  	[tilespmem:s28+$0xFFFFFFC0] =	vst v8;
	v8 =	vld [tilespmem:s15+$0xA3D0]  }
0x44d: {  	v6 =	vld.idx.msk [tilespmem:v6+s19+$0x0], $0xffff;
	[tilespmem:s28+$0x40] =	vst v3;
	v3 =	vshll.u32 v5, $0x3  }
0x44e: {  	v5 =	vshll.u32 v7, $0x3;
	v7 =	vld.idx.msk [tilespmem:v10+s19+$0x0], $0xffff;
	[tilespmem:s16+$0xFFFFFFB0] =	vst v11  }
0x44f: {  	v10 =	vor.u32 $0x1, v5;
	v4 =	vld.idx.msk [tilespmem:v4+s19+$0x0], $0xffff  }
0x450: {  	[tilespmem:s30+$0xFFFFFFA0] =	vst v9;
	v9 =	vld [tilespmem:s17+$0xA3C0]  }
0x451: {  	[tilespmem:s30+$0x20] =	vst v12;
	v8 =	vshll.u32 v8, $0x3;
	v11 =	vld.idx.msk [tilespmem:v1+s19+$0x0], $0xffff;
	v1 =	vmov v3  }
0x452: {  	v3 =	vld [tilespmem:s26+$0xA3A0];
	[tilespmem:s31+$0x70] =	vst v2  }
0x453: {  	v2 =	vld.idx.msk [tilespmem:v5+s19+$0x0], $0xffff;
	[tilespmem:s16+$0x30] =	vst v6;
	v5 =	vor.u32 $0x1, v8  }
0x454: {  	v13 =	vor.u32 $0x1, v1;
	v12 =	vld [tilespmem:s18+$0xA3B0]  }
0x455: {  	s24 =	sadd.s32 $0x100, s24;
	v10 =	vld.idx.msk [tilespmem:v10+s19+$0x0], $0xffff;
	[tilespmem:s25+$0xFFFFFF90] =	vst v7;
	v9 =	vshll.u32 v9, $0x3  }
0x456: {  	[tilespmem:s25+$0x10] =	vst v4;
	v4 =	vor.u32 $0x1, v9;
	v14 =	vld.idx.msk [tilespmem:v8+s19+$0x0], $0xffff  }
0x457: {  	v15 =	vld [tilespmem:s29+$0xA390];
	[tilespmem:s31+$0xFFFFFFF0] =	vst v11;
	s31 =	smov.u32 s11;
	s11 =	smov.u32 s14;
	s14 =	smov.u32 s28  }
.Ltmp10:
0x458: {  	v6 =	vshll.u32 v3, $0x3;
	s28 =	smov.u32 s16;
	s16 =	smov.u32 s30;
	v3 =	vld.idx.msk [tilespmem:v5+s19+$0x0], $0xffff;
	(pc) =	sbr.rel @p0 .LBB2_15-.Ltmp10, $4  }
0x459: {  	s30 =	smov.u32 s25;
	s25 =	smov.u32 s24;
	[tilespmem:s24+$0xFFFFFF80] =	vst v2;
	v8 =	vshll.u32 v12, $0x3;
	v2 =	vld.idx.msk [tilespmem:v13+s19+$0x0], $0xffff  }
0x45a: {  	v7 =	vor.u32 $0x1, v8;
	v5 =	vld.idx.msk [tilespmem:v9+s19+$0x0], $0xffff  }
0x45b: {  	[tilespmem:s24+$0x0] =	vst v10;
	v4 =	vld.idx.msk [tilespmem:v4+s19+$0x0], $0xffff  }
0x45c: {  	v10 =	vld [tilespmem:s3+$0xA380];
	v9 =	vshll.u32 v15, $0x3;
	[tilespmem:s11+$0xFFFFFFE0] =	vst v14  }
.Ltmp11:
0x45d: {  	_ = 	snop;
	(pc) =	sbr.rel .LBB2_16-.Ltmp11, $1  }
0x45e: {  	_ =	sdelay $0x3  }
.LBB2_19:
0x45f: {  	s5 =	simm.s32 $0x3  }
0x460: {  	_ =	swait.ge [sflag:s5], $0x7D00  }
0x461: {  	[sflag:s5] =	ssyncset.done $0x0  }
0x462: {  	s3 =	simm.s32 $0x4;
	[sflag:s5] =	ssyncadd.s32 $0xFFFF8300  }
0x463: {  	_ =	swait.ge [sflag:s3], $0x7D00  }
0x464: {  	[sflag:s3] =	ssyncset.done $0x0  }
0x465: {  	[sflag:s3] =	ssyncadd.s32 $0xFFFF8300  }
0x466: {  	s6 =	simm.s32 $0x5DC0;
	s3 =	rddreg [dreg:$0x2]  }
0x467: {  	[tilespmem:s6], [sflag:$0x1] =	stream.linear.gather [hbm4b:s3+s9], $0x1F8, $0x38;
	[tilespmem:$0x1DBF0] =	vst v63  }
0x468: {  	s7 =	simm.s32 $0x5FB8;
	s29 =	rddreg [dreg:$0x3]  }
0x469: {  	[tilespmem:s7], [sflag:$0x2] =	stream.linear.gather [hbm4b:s29+s9], $0x1F8, $0x38;
	[tilespmem:$0x1DBF0] =	vst v63  }
0x46a: {  	s11 =	simm.s32 $0x61B0;
	s30 =	rddreg [dreg:$0x6];
	[tilespmem:$0x6270] =	vst v0  }
0x46b: {  	[tilespmem:s11], [sflag:$0x3] =	stream.linear.gather [hbm4b:s30+s9], $0xC8, $0x38;
	[tilespmem:$0x1DBF0] =	vst v63  }
0x46c: {  	_ =	swait.ge [sflag:s20], $0x1F8  }
0x46d: {  	[sflag:s20] =	ssyncset.done $0x0  }
0x46e: {  	[sflag:s20] =	ssyncadd.s32 $0xFFFFFE08  }
0x46f: {  	_ =	swait.ge [sflag:s21], $0x1F8  }
0x470: {  	[sflag:s21] =	ssyncset.done $0x0  }
0x471: {  	[sflag:s21] =	ssyncadd.s32 $0xFFFFFE08  }
0x472: {  	_ =	swait.ge [sflag:s5], $0xC8  }
0x473: {  	[sflag:s5] =	ssyncset.done $0x0  }
0x474: {  	[sflag:s5] =	ssyncadd.s32 $0xFFFFFF38  }
0x475: {  	v1 =	vld [tilespmem:$0x61B0];
	_ =	sdelay $0x7  }
0x476: {  	v2 =	vld.idx.msk [tilespmem:v1+s7+$0x0], $0xffff;
	_ =	sdelay $0x4  }
0x477: {  	v3 =	vshrl.u32 v2, $0x1;
	v4 =	vmul.f32 $5.000000000e-01, v2  }
0x478: {  	v3 =	vsub.s32 $0x5F3759DF, v3  }
0x479: {  	v5 =	vmul.f32 v3, v4;
	_ =	sdelay $0x1  }
0x47a: {  	v5 =	vmul.f32 v3, v5;
	_ =	sdelay $0x1  }
0x47b: {  	v5 =	vsub.f32 $1.500000000e+00, v5;
	_ =	sdelay $0x1  }
0x47c: {  	v3 =	vmul.f32 v3, v5;
	_ =	sdelay $0x1  }
0x47d: {  	v5 =	vmul.f32 v3, v4;
	_ =	sdelay $0x1  }
0x47e: {  	v5 =	vmul.f32 v5, v3;
	_ =	sdelay $0x1  }
0x47f: {  	v5 =	vsub.f32 $1.500000000e+00, v5;
	_ =	sdelay $0x1  }
0x480: {  	v3 =	vmul.f32 v5, v3;
	_ =	sdelay $0x1  }
0x481: {  	v4 =	vmul.f32 v3, v4;
	_ =	sdelay $0x1  }
0x482: {  	v4 =	vmul.f32 v4, v3  }
0x483: {  	v5 =	vld [tilespmem:$0x61C0]  }
0x484: {  	v1 =	vld.idx.msk [tilespmem:v1+s6+$0x0], $0xffff;
	v4 =	vsub.f32 $1.500000000e+00, v4;
	_ =	sdelay $0x1  }
0x485: {  	v3 =	vmul.f32 v4, v3;
	_ =	sdelay $0x1  }
0x486: {  	v2 =	vmul.f32 v3, v2  }
0x487: {  	[tilespmem:$0x6280] =	vst v1  }
0x488: {  	[tilespmem:$0x6350] =	vst v2  }
0x489: {  	v1 =	vld.idx.msk [tilespmem:v5+s7+$0x0], $0xffff;
	_ =	sdelay $0x4  }
0x48a: {  	v2 =	vshrl.u32 v1, $0x1;
	v3 =	vmul.f32 $5.000000000e-01, v1  }
0x48b: {  	v2 =	vsub.s32 $0x5F3759DF, v2  }
0x48c: {  	v4 =	vmul.f32 v2, v3;
	_ =	sdelay $0x1  }
0x48d: {  	v4 =	vmul.f32 v2, v4;
	_ =	sdelay $0x1  }
0x48e: {  	v4 =	vsub.f32 $1.500000000e+00, v4;
	_ =	sdelay $0x1  }
0x48f: {  	v2 =	vmul.f32 v2, v4;
	_ =	sdelay $0x1  }
0x490: {  	v4 =	vmul.f32 v2, v3;
	_ =	sdelay $0x1  }
0x491: {  	v4 =	vmul.f32 v4, v2;
	_ =	sdelay $0x1  }
0x492: {  	v4 =	vsub.f32 $1.500000000e+00, v4;
	_ =	sdelay $0x1  }
0x493: {  	v2 =	vmul.f32 v4, v2;
	_ =	sdelay $0x1  }
0x494: {  	v3 =	vmul.f32 v2, v3;
	_ =	sdelay $0x1  }
0x495: {  	v3 =	vmul.f32 v3, v2  }
0x496: {  	v4 =	vld [tilespmem:$0x61D0]  }
0x497: {  	v5 =	vld.idx.msk [tilespmem:v5+s6+$0x0], $0xffff;
	v3 =	vsub.f32 $1.500000000e+00, v3;
	_ =	sdelay $0x1  }
0x498: {  	v2 =	vmul.f32 v3, v2;
	_ =	sdelay $0x1  }
0x499: {  	v1 =	vmul.f32 v2, v1  }
0x49a: {  	[tilespmem:$0x6290] =	vst v5  }
0x49b: {  	[tilespmem:$0x6360] =	vst v1  }
0x49c: {  	v1 =	vld.idx.msk [tilespmem:v4+s7+$0x0], $0xffff;
	_ =	sdelay $0x4  }
0x49d: {  	v2 =	vshrl.u32 v1, $0x1;
	v3 =	vmul.f32 $5.000000000e-01, v1  }
0x49e: {  	v2 =	vsub.s32 $0x5F3759DF, v2  }
0x49f: {  	v5 =	vmul.f32 v2, v3;
	_ =	sdelay $0x1  }
0x4a0: {  	v5 =	vmul.f32 v2, v5;
	_ =	sdelay $0x1  }
0x4a1: {  	v5 =	vsub.f32 $1.500000000e+00, v5;
	_ =	sdelay $0x1  }
0x4a2: {  	v2 =	vmul.f32 v2, v5;
	_ =	sdelay $0x1  }
0x4a3: {  	v5 =	vmul.f32 v2, v3;
	_ =	sdelay $0x1  }
0x4a4: {  	v5 =	vmul.f32 v5, v2;
	_ =	sdelay $0x1  }
0x4a5: {  	v5 =	vsub.f32 $1.500000000e+00, v5;
	_ =	sdelay $0x1  }
0x4a6: {  	v2 =	vmul.f32 v5, v2;
	_ =	sdelay $0x1  }
0x4a7: {  	v3 =	vmul.f32 v2, v3;
	_ =	sdelay $0x1  }
0x4a8: {  	v3 =	vmul.f32 v3, v2  }
0x4a9: {  	v5 =	vld [tilespmem:$0x61E0]  }
0x4aa: {  	v4 =	vld.idx.msk [tilespmem:v4+s6+$0x0], $0xffff;
	v3 =	vsub.f32 $1.500000000e+00, v3;
	_ =	sdelay $0x1  }
0x4ab: {  	v2 =	vmul.f32 v3, v2;
	_ =	sdelay $0x1  }
0x4ac: {  	v1 =	vmul.f32 v2, v1  }
0x4ad: {  	[tilespmem:$0x62A0] =	vst v4  }
0x4ae: {  	[tilespmem:$0x6370] =	vst v1  }
0x4af: {  	v1 =	vld.idx.msk [tilespmem:v5+s7+$0x0], $0xffff;
	_ =	sdelay $0x4  }
0x4b0: {  	v2 =	vshrl.u32 v1, $0x1;
	v3 =	vmul.f32 $5.000000000e-01, v1  }
0x4b1: {  	v2 =	vsub.s32 $0x5F3759DF, v2  }
0x4b2: {  	v4 =	vmul.f32 v2, v3;
	_ =	sdelay $0x1  }
0x4b3: {  	v4 =	vmul.f32 v2, v4;
	_ =	sdelay $0x1  }
0x4b4: {  	v4 =	vsub.f32 $1.500000000e+00, v4;
	_ =	sdelay $0x1  }
0x4b5: {  	v2 =	vmul.f32 v2, v4;
	_ =	sdelay $0x1  }
0x4b6: {  	v4 =	vmul.f32 v2, v3;
	_ =	sdelay $0x1  }
0x4b7: {  	v4 =	vmul.f32 v4, v2;
	_ =	sdelay $0x1  }
0x4b8: {  	v4 =	vsub.f32 $1.500000000e+00, v4;
	_ =	sdelay $0x1  }
0x4b9: {  	v2 =	vmul.f32 v4, v2;
	_ =	sdelay $0x1  }
0x4ba: {  	v3 =	vmul.f32 v2, v3;
	_ =	sdelay $0x1  }
0x4bb: {  	v3 =	vmul.f32 v3, v2  }
0x4bc: {  	v4 =	vld [tilespmem:$0x61F0]  }
0x4bd: {  	v5 =	vld.idx.msk [tilespmem:v5+s6+$0x0], $0xffff;
	v3 =	vsub.f32 $1.500000000e+00, v3;
	_ =	sdelay $0x1  }
0x4be: {  	v2 =	vmul.f32 v3, v2;
	_ =	sdelay $0x1  }
0x4bf: {  	v1 =	vmul.f32 v2, v1  }
0x4c0: {  	[tilespmem:$0x62B0] =	vst v5  }
0x4c1: {  	[tilespmem:$0x6380] =	vst v1  }
0x4c2: {  	v1 =	vld.idx.msk [tilespmem:v4+s7+$0x0], $0xffff;
	_ =	sdelay $0x4  }
0x4c3: {  	v2 =	vshrl.u32 v1, $0x1;
	v3 =	vmul.f32 $5.000000000e-01, v1  }
0x4c4: {  	v2 =	vsub.s32 $0x5F3759DF, v2  }
0x4c5: {  	v5 =	vmul.f32 v2, v3;
	_ =	sdelay $0x1  }
0x4c6: {  	v5 =	vmul.f32 v2, v5;
	_ =	sdelay $0x1  }
0x4c7: {  	v5 =	vsub.f32 $1.500000000e+00, v5;
	_ =	sdelay $0x1  }
0x4c8: {  	v2 =	vmul.f32 v2, v5;
	_ =	sdelay $0x1  }
0x4c9: {  	v5 =	vmul.f32 v2, v3;
	_ =	sdelay $0x1  }
0x4ca: {  	v5 =	vmul.f32 v5, v2;
	_ =	sdelay $0x1  }
0x4cb: {  	v5 =	vsub.f32 $1.500000000e+00, v5;
	_ =	sdelay $0x1  }
0x4cc: {  	v2 =	vmul.f32 v5, v2;
	_ =	sdelay $0x1  }
0x4cd: {  	v3 =	vmul.f32 v2, v3;
	_ =	sdelay $0x1  }
0x4ce: {  	v3 =	vmul.f32 v3, v2  }
0x4cf: {  	v5 =	vld [tilespmem:$0x6200]  }
0x4d0: {  	v4 =	vld.idx.msk [tilespmem:v4+s6+$0x0], $0xffff;
	v3 =	vsub.f32 $1.500000000e+00, v3;
	_ =	sdelay $0x1  }
0x4d1: {  	v2 =	vmul.f32 v3, v2;
	_ =	sdelay $0x1  }
0x4d2: {  	v1 =	vmul.f32 v2, v1  }
0x4d3: {  	[tilespmem:$0x62C0] =	vst v4  }
0x4d4: {  	[tilespmem:$0x6390] =	vst v1  }
0x4d5: {  	v1 =	vld.idx.msk [tilespmem:v5+s7+$0x0], $0xffff;
	_ =	sdelay $0x4  }
0x4d6: {  	v2 =	vshrl.u32 v1, $0x1;
	v3 =	vmul.f32 $5.000000000e-01, v1  }
0x4d7: {  	v2 =	vsub.s32 $0x5F3759DF, v2  }
0x4d8: {  	v4 =	vmul.f32 v2, v3;
	_ =	sdelay $0x1  }
0x4d9: {  	v4 =	vmul.f32 v2, v4;
	_ =	sdelay $0x1  }
0x4da: {  	v4 =	vsub.f32 $1.500000000e+00, v4;
	_ =	sdelay $0x1  }
0x4db: {  	v2 =	vmul.f32 v2, v4;
	_ =	sdelay $0x1  }
0x4dc: {  	v4 =	vmul.f32 v2, v3;
	_ =	sdelay $0x1  }
0x4dd: {  	v4 =	vmul.f32 v4, v2;
	_ =	sdelay $0x1  }
0x4de: {  	v4 =	vsub.f32 $1.500000000e+00, v4;
	_ =	sdelay $0x1  }
0x4df: {  	v2 =	vmul.f32 v4, v2;
	_ =	sdelay $0x1  }
0x4e0: {  	v3 =	vmul.f32 v2, v3;
	_ =	sdelay $0x1  }
0x4e1: {  	v3 =	vmul.f32 v3, v2  }
0x4e2: {  	v4 =	vld [tilespmem:$0x6210]  }
0x4e3: {  	v5 =	vld.idx.msk [tilespmem:v5+s6+$0x0], $0xffff;
	v3 =	vsub.f32 $1.500000000e+00, v3;
	_ =	sdelay $0x1  }
0x4e4: {  	v2 =	vmul.f32 v3, v2;
	_ =	sdelay $0x1  }
0x4e5: {  	v1 =	vmul.f32 v2, v1  }
0x4e6: {  	[tilespmem:$0x62D0] =	vst v5  }
0x4e7: {  	[tilespmem:$0x63A0] =	vst v1  }
0x4e8: {  	v1 =	vld.idx.msk [tilespmem:v4+s7+$0x0], $0xffff;
	_ =	sdelay $0x4  }
0x4e9: {  	v2 =	vshrl.u32 v1, $0x1;
	v3 =	vmul.f32 $5.000000000e-01, v1  }
0x4ea: {  	v2 =	vsub.s32 $0x5F3759DF, v2  }
0x4eb: {  	v5 =	vmul.f32 v2, v3;
	_ =	sdelay $0x1  }
0x4ec: {  	v5 =	vmul.f32 v2, v5;
	_ =	sdelay $0x1  }
0x4ed: {  	v5 =	vsub.f32 $1.500000000e+00, v5;
	_ =	sdelay $0x1  }
0x4ee: {  	v2 =	vmul.f32 v2, v5;
	_ =	sdelay $0x1  }
0x4ef: {  	v5 =	vmul.f32 v2, v3;
	_ =	sdelay $0x1  }
0x4f0: {  	v5 =	vmul.f32 v5, v2;
	_ =	sdelay $0x1  }
0x4f1: {  	v5 =	vsub.f32 $1.500000000e+00, v5;
	_ =	sdelay $0x1  }
0x4f2: {  	v2 =	vmul.f32 v5, v2;
	_ =	sdelay $0x1  }
0x4f3: {  	v3 =	vmul.f32 v2, v3;
	_ =	sdelay $0x1  }
0x4f4: {  	v3 =	vmul.f32 v3, v2  }
0x4f5: {  	v5 =	vld [tilespmem:$0x6220]  }
0x4f6: {  	v4 =	vld.idx.msk [tilespmem:v4+s6+$0x0], $0xffff;
	v3 =	vsub.f32 $1.500000000e+00, v3;
	_ =	sdelay $0x1  }
0x4f7: {  	v2 =	vmul.f32 v3, v2;
	_ =	sdelay $0x1  }
0x4f8: {  	v1 =	vmul.f32 v2, v1  }
0x4f9: {  	[tilespmem:$0x62E0] =	vst v4  }
0x4fa: {  	[tilespmem:$0x63B0] =	vst v1  }
0x4fb: {  	v1 =	vld.idx.msk [tilespmem:v5+s7+$0x0], $0xffff;
	_ =	sdelay $0x4  }
0x4fc: {  	v2 =	vshrl.u32 v1, $0x1;
	v3 =	vmul.f32 $5.000000000e-01, v1  }
0x4fd: {  	v2 =	vsub.s32 $0x5F3759DF, v2  }
0x4fe: {  	v4 =	vmul.f32 v2, v3;
	_ =	sdelay $0x1  }
0x4ff: {  	v4 =	vmul.f32 v2, v4;
	_ =	sdelay $0x1  }
0x500: {  	v4 =	vsub.f32 $1.500000000e+00, v4;
	_ =	sdelay $0x1  }
0x501: {  	v2 =	vmul.f32 v2, v4;
	_ =	sdelay $0x1  }
0x502: {  	v4 =	vmul.f32 v2, v3;
	_ =	sdelay $0x1  }
0x503: {  	v4 =	vmul.f32 v4, v2;
	_ =	sdelay $0x1  }
0x504: {  	v4 =	vsub.f32 $1.500000000e+00, v4;
	_ =	sdelay $0x1  }
0x505: {  	v2 =	vmul.f32 v4, v2;
	_ =	sdelay $0x1  }
0x506: {  	v3 =	vmul.f32 v2, v3;
	_ =	sdelay $0x1  }
0x507: {  	v3 =	vmul.f32 v3, v2  }
0x508: {  	v4 =	vld [tilespmem:$0x6230]  }
0x509: {  	v5 =	vld.idx.msk [tilespmem:v5+s6+$0x0], $0xffff;
	v3 =	vsub.f32 $1.500000000e+00, v3;
	_ =	sdelay $0x1  }
0x50a: {  	v2 =	vmul.f32 v3, v2;
	_ =	sdelay $0x1  }
0x50b: {  	v1 =	vmul.f32 v2, v1  }
0x50c: {  	[tilespmem:$0x62F0] =	vst v5  }
0x50d: {  	[tilespmem:$0x63C0] =	vst v1  }
0x50e: {  	v1 =	vld.idx.msk [tilespmem:v4+s7+$0x0], $0xffff;
	_ =	sdelay $0x4  }
0x50f: {  	v2 =	vshrl.u32 v1, $0x1;
	v3 =	vmul.f32 $5.000000000e-01, v1  }
0x510: {  	v2 =	vsub.s32 $0x5F3759DF, v2  }
0x511: {  	v5 =	vmul.f32 v2, v3;
	_ =	sdelay $0x1  }
0x512: {  	v5 =	vmul.f32 v2, v5;
	_ =	sdelay $0x1  }
0x513: {  	v5 =	vsub.f32 $1.500000000e+00, v5;
	_ =	sdelay $0x1  }
0x514: {  	v2 =	vmul.f32 v2, v5;
	_ =	sdelay $0x1  }
0x515: {  	v5 =	vmul.f32 v2, v3;
	_ =	sdelay $0x1  }
0x516: {  	v5 =	vmul.f32 v5, v2;
	_ =	sdelay $0x1  }
0x517: {  	v5 =	vsub.f32 $1.500000000e+00, v5;
	_ =	sdelay $0x1  }
0x518: {  	v2 =	vmul.f32 v5, v2;
	_ =	sdelay $0x1  }
0x519: {  	v3 =	vmul.f32 v2, v3;
	_ =	sdelay $0x1  }
0x51a: {  	v3 =	vmul.f32 v3, v2  }
0x51b: {  	v5 =	vld [tilespmem:$0x6240]  }
0x51c: {  	v4 =	vld.idx.msk [tilespmem:v4+s6+$0x0], $0xffff;
	v3 =	vsub.f32 $1.500000000e+00, v3;
	_ =	sdelay $0x1  }
0x51d: {  	v2 =	vmul.f32 v3, v2;
	_ =	sdelay $0x1  }
0x51e: {  	v1 =	vmul.f32 v2, v1  }
0x51f: {  	[tilespmem:$0x6300] =	vst v4  }
0x520: {  	[tilespmem:$0x63D0] =	vst v1  }
0x521: {  	v1 =	vld.idx.msk [tilespmem:v5+s7+$0x0], $0xffff;
	_ =	sdelay $0x4  }
0x522: {  	v2 =	vshrl.u32 v1, $0x1;
	v3 =	vmul.f32 $5.000000000e-01, v1  }
0x523: {  	v2 =	vsub.s32 $0x5F3759DF, v2  }
0x524: {  	v4 =	vmul.f32 v2, v3;
	_ =	sdelay $0x1  }
0x525: {  	v4 =	vmul.f32 v2, v4;
	_ =	sdelay $0x1  }
0x526: {  	v4 =	vsub.f32 $1.500000000e+00, v4;
	_ =	sdelay $0x1  }
0x527: {  	v2 =	vmul.f32 v2, v4;
	_ =	sdelay $0x1  }
0x528: {  	v4 =	vmul.f32 v2, v3;
	_ =	sdelay $0x1  }
0x529: {  	v4 =	vmul.f32 v4, v2;
	_ =	sdelay $0x1  }
0x52a: {  	v4 =	vsub.f32 $1.500000000e+00, v4;
	_ =	sdelay $0x1  }
0x52b: {  	v2 =	vmul.f32 v4, v2;
	_ =	sdelay $0x1  }
0x52c: {  	v3 =	vmul.f32 v2, v3;
	_ =	sdelay $0x1  }
0x52d: {  	v3 =	vmul.f32 v3, v2  }
0x52e: {  	v4 =	vld [tilespmem:$0x6250]  }
0x52f: {  	v5 =	vld.idx.msk [tilespmem:v5+s6+$0x0], $0xffff;
	v3 =	vsub.f32 $1.500000000e+00, v3;
	_ =	sdelay $0x1  }
0x530: {  	v2 =	vmul.f32 v3, v2;
	_ =	sdelay $0x1  }
0x531: {  	v1 =	vmul.f32 v2, v1  }
0x532: {  	[tilespmem:$0x6310] =	vst v5  }
0x533: {  	[tilespmem:$0x63E0] =	vst v1  }
0x534: {  	v1 =	vld.idx.msk [tilespmem:v4+s7+$0x0], $0xffff;
	_ =	sdelay $0x4  }
0x535: {  	v2 =	vshrl.u32 v1, $0x1;
	v3 =	vmul.f32 $5.000000000e-01, v1  }
0x536: {  	v2 =	vsub.s32 $0x5F3759DF, v2  }
0x537: {  	v5 =	vmul.f32 v2, v3;
	_ =	sdelay $0x1  }
0x538: {  	v5 =	vmul.f32 v2, v5;
	_ =	sdelay $0x1  }
0x539: {  	v5 =	vsub.f32 $1.500000000e+00, v5;
	_ =	sdelay $0x1  }
0x53a: {  	v2 =	vmul.f32 v2, v5;
	_ =	sdelay $0x1  }
0x53b: {  	v5 =	vmul.f32 v2, v3;
	_ =	sdelay $0x1  }
0x53c: {  	v5 =	vmul.f32 v5, v2;
	_ =	sdelay $0x1  }
0x53d: {  	v5 =	vsub.f32 $1.500000000e+00, v5;
	_ =	sdelay $0x1  }
0x53e: {  	v2 =	vmul.f32 v5, v2;
	_ =	sdelay $0x1  }
0x53f: {  	v3 =	vmul.f32 v2, v3;
	_ =	sdelay $0x1  }
0x540: {  	v3 =	vmul.f32 v3, v2  }
0x541: {  	v5 =	vld [tilespmem:$0x6260]  }
0x542: {  	v4 =	vld.idx.msk [tilespmem:v4+s6+$0x0], $0xffff;
	v3 =	vsub.f32 $1.500000000e+00, v3;
	_ =	sdelay $0x1  }
0x543: {  	v2 =	vmul.f32 v3, v2;
	_ =	sdelay $0x1  }
0x544: {  	v1 =	vmul.f32 v2, v1  }
0x545: {  	[tilespmem:$0x6320] =	vst v4  }
0x546: {  	[tilespmem:$0x63F0] =	vst v1  }
0x547: {  	v1 =	vld.idx.msk [tilespmem:v5+s7+$0x0], $0xffff;
	_ =	sdelay $0x4  }
0x548: {  	v2 =	vshrl.u32 v1, $0x1;
	v3 =	vmul.f32 $5.000000000e-01, v1  }
0x549: {  	v2 =	vsub.s32 $0x5F3759DF, v2  }
0x54a: {  	v4 =	vmul.f32 v2, v3;
	_ =	sdelay $0x1  }
0x54b: {  	v4 =	vmul.f32 v2, v4;
	_ =	sdelay $0x1  }
0x54c: {  	v4 =	vsub.f32 $1.500000000e+00, v4;
	_ =	sdelay $0x1  }
0x54d: {  	v2 =	vmul.f32 v2, v4;
	_ =	sdelay $0x1  }
0x54e: {  	v4 =	vmul.f32 v2, v3;
	_ =	sdelay $0x1  }
0x54f: {  	v4 =	vmul.f32 v4, v2;
	_ =	sdelay $0x1  }
0x550: {  	v4 =	vsub.f32 $1.500000000e+00, v4;
	_ =	sdelay $0x1  }
0x551: {  	v2 =	vmul.f32 v4, v2;
	_ =	sdelay $0x1  }
0x552: {  	v3 =	vmul.f32 v2, v3;
	_ =	sdelay $0x1  }
0x553: {  	v3 =	vmul.f32 v3, v2  }
0x554: {  	v4 =	vld [tilespmem:$0x6270]  }
0x555: {  	v5 =	vld.idx.msk [tilespmem:v5+s6+$0x0], $0xffff;
	v3 =	vsub.f32 $1.500000000e+00, v3;
	_ =	sdelay $0x1  }
0x556: {  	v2 =	vmul.f32 v3, v2;
	_ =	sdelay $0x1  }
0x557: {  	v1 =	vmul.f32 v2, v1  }
0x558: {  	[tilespmem:$0x6330] =	vst v5  }
0x559: {  	[tilespmem:$0x6400] =	vst v1  }
0x55a: {  	v1 =	vld.idx.msk [tilespmem:v4+s7+$0x0], $0xffff;
	_ =	sdelay $0x4  }
0x55b: {  	v2 =	vshrl.u32 v1, $0x1;
	v3 =	vmul.f32 $5.000000000e-01, v1  }
0x55c: {  	v2 =	vsub.s32 $0x5F3759DF, v2  }
0x55d: {  	v5 =	vmul.f32 v2, v3;
	_ =	sdelay $0x1  }
0x55e: {  	v5 =	vmul.f32 v2, v5;
	_ =	sdelay $0x1  }
0x55f: {  	v5 =	vsub.f32 $1.500000000e+00, v5;
	_ =	sdelay $0x1  }
0x560: {  	v2 =	vmul.f32 v2, v5;
	_ =	sdelay $0x1  }
0x561: {  	v5 =	vmul.f32 v2, v3;
	_ =	sdelay $0x1  }
0x562: {  	v5 =	vmul.f32 v5, v2;
	_ =	sdelay $0x1  }
0x563: {  	v5 =	vsub.f32 $1.500000000e+00, v5;
	_ =	sdelay $0x1  }
0x564: {  	v2 =	vmul.f32 v5, v2;
	_ =	sdelay $0x1  }
0x565: {  	v3 =	vmul.f32 v2, v3;
	_ =	sdelay $0x1  }
0x566: {  	v3 =	vmul.f32 v3, v2;
	_ =	sdelay $0x1  }
0x567: {  	v4 =	vld.idx.msk [tilespmem:v4+s6+$0x0], $0xffff;
	v3 =	vsub.f32 $1.500000000e+00, v3;
	_ =	sdelay $0x1  }
0x568: {  	v2 =	vmul.f32 v3, v2;
	v3 =	vmov s10  }
0x569: {  	v7 =	vld [tilespmem:$0x62B0]  }
0x56a: {  	v6 =	vld [tilespmem:$0x62E0];
	v1 =	vmul.f32 v2, v1  }
0x56b: {  	[tilespmem:$0x6340] =	vst v4;
	v4 =	vld [tilespmem:$0x6280]  }
0x56c: {  	v5 =	vld [tilespmem:$0x6290];
	[tilespmem:$0x6410] =	vst v1  }
0x56d: {  	v12 =	vld.idx.msk [tilespmem:v3+s2+$0x0], $0xffff  }
0x56e: {  	v1 =	vld [tilespmem:$0x6340]  }
0x56f: {  	v2 =	vld [tilespmem:$0x62A0]  }
0x570: {  	v10 =	vld [tilespmem:$0x62C0]  }
0x571: {  	v14 =	vld [tilespmem:$0x62F0]  }
0x572: {  	v16 =	vld [tilespmem:$0x6310];
	v4 =	vadd.f32 v4, v12  }
0x573: {  	v9 =	vld [tilespmem:$0x6330];
	v1 =	vadd.f32 v1, v12;
	v5 =	vadd.f32 v5, v12  }
0x574: {  	v2 =	vadd.f32 v2, v12;
	v6 =	vadd.f32 v6, v12  }
0x575: {  	v7 =	vadd.f32 v7, v12;
	v10 =	vadd.f32 v10, v12  }
0x576: {  	v14 =	vadd.f32 v14, v12;
	v4 =	vmul.f32 $5.000000000e-01, v4;
	v11 =	vmul.f32 $5.000000000e-01, v1  }
0x577: {  	v22 =	vadd.f32 v16, v12;
	v5 =	vmul.f32 $5.000000000e-01, v5;
	v2 =	vmul.f32 $5.000000000e-01, v2  }
0x578: {  	v13 =	vld [tilespmem:$0x62D0];
	v24 =	vadd.f32 v9, v12;
	v6 =	vmul.f32 $5.000000000e-01, v6;
	v17 =	vmul.f32 $5.000000000e-01, v7  }
0x579: {  	v15 =	vmul.f32 $5.000000000e-01, v10;
	v14 =	vmul.f32 $5.000000000e-01, v14  }
0x57a: {  	v19 =	vld [tilespmem:$0x63B0];
	v25 =	vmul.f32 $5.000000000e-01, v22;
	v22 =	vmul.f32 $5.000000000e-01, v24  }
0x57b: {  	v8 =	vld [tilespmem:$0x6410];
	v4 =	vmul.f32 v4, v4;
	v2 =	vmul.f32 v2, v2  }
0x57c: {  	v1 =	vld.idx.msk [tilespmem:v3+s8+$0x0], $0xffff;
	v18 =	vmul.f32 v11, v11;
	v7 =	vmul.f32 v6, v6  }
0x57d: {  	v21 =	vld [tilespmem:$0x6320];
	v6 =	vadd.f32 v13, v12;
	v17 =	vmul.f32 v17, v17;
	v3 =	vmul.f32 v4, v4  }
0x57e: {  	v20 =	vld [tilespmem:$0x6400];
	v14 =	vmul.f32 v14, v14;
	v11 =	vmul.f32 v2, v2  }
0x57f: {  	s31 =	rddreg [dreg:$0xd];
	v23 =	vld [tilespmem:$0x6300];
	v10 =	vmul.f32 $5.000000000e-01, v6;
	v3 =	vmul.f32 v3, v4  }
0x580: {  	p0 =	sne.s32 s31, $0x1;
	v4 =	vmul.f32 v18, v18;
	v11 =	vmul.f32 v11, v2  }
.Ltmp12:
0x581: {  	v16 =	vld [tilespmem:$0x63A0];
	v2 =	vmul.f32 $4.000000000e+00, v3;
	v3 =	vmul.f32 v8, v1;
	(pc) =	sbr.rel @!p0 .LBB2_21-.Ltmp12, $4  }
0x582: {  	v6 =	vld [tilespmem:$0x63F0];
	v8 =	vmul.f32 $4.000000000e+00, v11;
	v11 =	vmul.f32 v5, v5  }
0x583: {  	v4 =	vmul.f32 v4, v18;
	v5 =	vmul.f32 v20, v1;
	v20 =	vadd.f32 v21, v12;
	v18 =	vld [tilespmem:$0x63D0]  }
0x584: {  	s6 =	rddreg [dreg:$0xf];
	v9 =	vmul.f32 v19, v1;
	v19 =	vld [tilespmem:$0x6370];
	v12 =	vadd.f32 v23, v12;
	v23 =	vmul.f32 v25, v25  }
0x585: {  	s11 =	smov.u32 s10;
	s3 =	sadd.s32 $0xFFFFFFFF, s31;
	s14 =	smov.u32 s6;
	v21 =	vld [tilespmem:$0x6390];
	v13 =	vmul.f32 v11, v11;
	v20 =	vmul.f32 $5.000000000e-01, v20  }
.LBB2_20:
0x586: {  	p0 =	sne.s32 s3, $0x1;
	v24 =	vmul.f32 v17, v17;
	v16 =	vmul.f32 v16, v1;
	s11 =	sadd.s32 $0x20, s11;
	s14 =	sadd.s32 $0x320, s14  }
0x587: {  	s3 =	sadd.s32 $0xFFFFFFFF, s3;
	v22 =	vmul.f32 v22, v22;
	v25 =	vld [tilespmem:$0x63C0];
	v26 =	vmul.f32 v23, v23  }
0x588: {  	v15 =	vmul.f32 v15, v15;
	v18 =	vmul.f32 v18, v1;
	v27 =	vld [tilespmem:$0x6380]  }
0x589: {  	v23 =	vmul.f32 v26, v23;
	v26 =	vmul.f32 v22, v22  }
0x58a: {  	v19 =	vmul.f32 v19, v1;
	v28 =	vmul.f32 v15, v15  }
0x58b: {  	v21 =	vmul.f32 v21, v1;
	v23 =	vmul.f32 $4.000000000e+00, v23  }
0x58c: {  	v20 =	vmul.f32 v20, v20;
	v17 =	vmul.f32 v24, v17;
	v29 =	vld [tilespmem:$0x6360]  }
0x58d: {  	v25 =	vmul.f32 v25, v1;
	v24 =	vmul.f32 v27, v1;
	v27 =	vld [tilespmem:$0x63E0]  }
0x58e: {  	v6 =	vmul.f32 v6, v1;
	v17 =	vmul.f32 $4.000000000e+00, v17  }
0x58f: {  	v15 =	vmul.f32 v28, v15;
	v28 =	vmul.f32 v7, v7  }
0x590: {  	v17 =	vmul.f32 v17, v24;
	v24 =	vmul.f32 v14, v14  }
0x591: {  	v15 =	vmul.f32 $4.000000000e+00, v15;
	v29 =	vmul.f32 v29, v1  }
0x592: {  	v12 =	vmul.f32 $5.000000000e-01, v12;
	v27 =	vmul.f32 v27, v1  }
0x593: {  	v10 =	vmul.f32 v10, v10;
	v7 =	vmul.f32 v28, v7;
	[tilespmem:$0x6450] =	vst v17  }
0x594: {  	v11 =	vmul.f32 v13, v11;
	v12 =	vmul.f32 v12, v12  }
0x595: {  	v13 =	vmul.f32 v15, v21;
	v14 =	vmul.f32 v24, v14  }
0x596: {  	v7 =	vmul.f32 $4.000000000e+00, v7;
	v15 =	vmul.f32 v12, v12  }
0x597: {  	v8 =	vmul.f32 v8, v19;
	v17 =	vmul.f32 v10, v10  }
0x598: {  	v12 =	vmul.f32 v15, v12;
	[tilespmem:$0x6460] =	vst v13;
	v13 =	vmul.f32 v20, v20  }
0x599: {  	v7 =	vmul.f32 v7, v9;
	[tilespmem:$0x6440] =	vst v8;
	v8 =	vmul.f32 v17, v10  }
0x59a: {  	v9 =	vmul.f32 $4.000000000e+00, v12;
	v10 =	vmul.f32 v13, v20  }
0x59b: {  	v8 =	vmul.f32 $4.000000000e+00, v8;
	[tilespmem:$0x6480] =	vst v7;
	v7 =	vmul.f32 v26, v22  }
0x59c: {  	v9 =	vmul.f32 v9, v18;
	v12 =	vld [tilespmem:$0x6350];
	v10 =	vmul.f32 $4.000000000e+00, v10  }
0x59d: {  	v13 =	vmul.f32 v23, v27;
	v7 =	vmul.f32 $4.000000000e+00, v7  }
0x59e: {  	v8 =	vmul.f32 v8, v16;
	[tilespmem:$0x64A0] =	vst v9;
	v6 =	vmul.f32 v10, v6  }
0x59f: {  	v9 =	vmul.f32 $4.000000000e+00, v14;
	[tilespmem:$0x64B0] =	vst v13;
	v5 =	vmul.f32 v7, v5  }
0x5a0: {  	v4 =	vmul.f32 $4.000000000e+00, v4;
	v7 =	vmul.f32 $4.000000000e+00, v11;
	[tilespmem:$0x64C0] =	vst v6  }
0x5a1: {  	v6 =	vmul.f32 v9, v25;
	v1 =	vmul.f32 v12, v1;
	[tilespmem:$0x6470] =	vst v8  }
0x5a2: {  	v3 =	vmul.f32 v4, v3;
	v7 =	vmul.f32 v7, v29;
	[tilespmem:$0x64D0] =	vst v5  }
0x5a3: {  	v1 =	vmul.f32 v2, v1;
	[tilespmem:$0x6490] =	vst v6  }
0x5a4: {  	[tilespmem:$0x64E0] =	vst v3  }
0x5a5: {  	[tilespmem:$0x6430] =	vst v7  }
0x5a6: {  	[tilespmem:$0x6420] =	vst v1  }
0x5a7: {  	[hbm4b:s6+s9] =	stream.linear.scatter [tilespmem:s0], [sflag:$0x5], $0xC8, $0x38;
	[tilespmem:$0x1DBF0] =	vst v63  }
0x5a8: {  	s6 =	smov.u32 s14;
	_ =	swait.ge [sflag:s1], $0xC8  }
0x5a9: {  	[sflag:s1] =	ssyncset.done $0x0  }
0x5aa: {  	[sflag:s1] =	ssyncadd.s32 $0xFFFFFF38  }
0x5ab: {  	v3 =	vld [tilespmem:$0x6410]  }
0x5ac: {  	v1 =	vmov s11;
	v4 =	vld [tilespmem:$0x6330]  }
0x5ad: {  	v6 =	vld [tilespmem:$0x63F0]  }
0x5ae: {  	v2 =	vld [tilespmem:$0x6320]  }
0x5af: {  	v5 =	vld [tilespmem:$0x62A0]  }
0x5b0: {  	v7 =	vld [tilespmem:$0x6340]  }
0x5b1: {  	v8 =	vld.idx.msk [tilespmem:v1+s2+$0x0], $0xffff  }
0x5b2: {  	v9 =	vld [tilespmem:$0x6280]  }
0x5b3: {  	v10 =	vld [tilespmem:$0x6290]  }
0x5b4: {  	v11 =	vld [tilespmem:$0x62E0]  }
0x5b5: {  	v12 =	vld [tilespmem:$0x62B0]  }
0x5b6: {  	v13 =	vld [tilespmem:$0x62D0]  }
0x5b7: {  	v7 =	vadd.f32 v7, v8;
	v9 =	vadd.f32 v9, v8;
	v14 =	vld [tilespmem:$0x62C0]  }
0x5b8: {  	v5 =	vadd.f32 v5, v8;
	v10 =	vadd.f32 v10, v8;
	v15 =	vld [tilespmem:$0x62F0]  }
0x5b9: {  	v7 =	vmul.f32 $5.000000000e-01, v7;
	v9 =	vmul.f32 $5.000000000e-01, v9;
	v11 =	vadd.f32 v11, v8;
	v17 =	vld [tilespmem:$0x6300]  }
0x5ba: {  	v5 =	vmul.f32 $5.000000000e-01, v5;
	v19 =	vmul.f32 $5.000000000e-01, v10;
	v10 =	vadd.f32 v12, v8;
	v18 =	vld [tilespmem:$0x6310]  }
0x5bb: {  	v1 =	vld.idx.msk [tilespmem:v1+s8+$0x0], $0xffff;
	v9 =	vmul.f32 v9, v9;
	v13 =	vadd.f32 v13, v8;
	v11 =	vmul.f32 $5.000000000e-01, v11  }
0x5bc: {  	v5 =	vmul.f32 v5, v5;
	v20 =	vmul.f32 $5.000000000e-01, v10;
	v10 =	vadd.f32 v14, v8;
	v14 =	vld [tilespmem:$0x63B0]  }
0x5bd: {  	v24 =	vmul.f32 v7, v7;
	v21 =	vmul.f32 v9, v9;
	v22 =	vadd.f32 v15, v8;
	v23 =	vld [tilespmem:$0x6400]  }
0x5be: {  	v15 =	vmul.f32 v5, v5;
	v7 =	vmul.f32 v11, v11;
	v16 =	vld [tilespmem:$0x63A0];
	v12 =	vadd.f32 v17, v8  }
0x5bf: {  	v9 =	vmul.f32 v21, v9;
	v17 =	vadd.f32 v18, v8;
	v21 =	vmul.f32 v24, v24  }
0x5c0: {  	v25 =	vadd.f32 v2, v8;
	v5 =	vmul.f32 v15, v5;
	v15 =	vmul.f32 $5.000000000e-01, v10  }
0x5c1: {  	v26 =	vadd.f32 v4, v8;
	v3 =	vmul.f32 v3, v1;
	v2 =	vmul.f32 $4.000000000e+00, v9  }
0x5c2: {  	v10 =	vmul.f32 $5.000000000e-01, v13;
	v8 =	vmul.f32 $4.000000000e+00, v5;
	v18 =	vld [tilespmem:$0x63D0]  }
0x5c3: {  	v11 =	vmul.f32 v19, v19;
	v4 =	vmul.f32 v21, v24  }
.Ltmp13:
0x5c4: {  	v9 =	vmul.f32 v14, v1;
	v5 =	vmul.f32 v23, v1;
	(pc) =	sbr.rel @p0 .LBB2_20-.Ltmp13, $4  }
0x5c5: {  	v13 =	vmul.f32 v11, v11;
	v14 =	vmul.f32 $5.000000000e-01, v22;
	v19 =	vld [tilespmem:$0x6370]  }
0x5c6: {  	v22 =	vmul.f32 $5.000000000e-01, v26;
	v23 =	vmul.f32 $5.000000000e-01, v17  }
0x5c7: {  	v17 =	vmul.f32 v20, v20;
	v14 =	vmul.f32 v14, v14;
	v21 =	vld [tilespmem:$0x6390]  }
0x5c8: {  	v20 =	vmul.f32 $5.000000000e-01, v25;
	v23 =	vmul.f32 v23, v23  }
.LBB2_21:
0x5c9: {  	v24 =	vmul.f32 v17, v17  }
0x5ca: {  	v16 =	vmul.f32 v16, v1;
	v22 =	vmul.f32 v22, v22  }
0x5cb: {  	v15 =	vmul.f32 v15, v15;
	v48 =	vmul.f32 v7, v7  }
0x5cc: {  	v49 =	vmul.f32 v14, v14;
	v12 =	vmul.f32 $5.000000000e-01, v12  }
0x5cd: {  	v10 =	vmul.f32 v10, v10;
	v4 =	vmul.f32 $4.000000000e+00, v4  }
0x5ce: {  	v25 =	vmul.f32 v23, v23;
	v20 =	vmul.f32 v20, v20  }
0x5cf: {  	v6 =	vmul.f32 v6, v1;
	v11 =	vmul.f32 v13, v11  }
0x5d0: {  	v18 =	vmul.f32 v18, v1;
	v44 =	vmul.f32 v22, v22  }
0x5d1: {  	v28 =	vmul.f32 v15, v15;
	v17 =	vmul.f32 v24, v17  }
0x5d2: {  	v7 =	vmul.f32 v48, v7;
	v12 =	vmul.f32 v12, v12  }
0x5d3: {  	v14 =	vmul.f32 v49, v14;
	v52 =	vmul.f32 v10, v10  }
0x5d4: {  	v3 =	vmul.f32 v4, v3;
	v23 =	vmul.f32 v25, v23  }
0x5d5: {  	v26 =	vld [tilespmem:$0x6380];
	v19 =	vmul.f32 v19, v1;
	v53 =	vmul.f32 v20, v20  }
0x5d6: {  	v27 =	vld [tilespmem:$0x63C0];
	v61 =	vmul.f32 $4.000000000e+00, v11;
	v21 =	vmul.f32 v21, v1  }
0x5d7: {  	v29 =	vld [tilespmem:$0x6360];
	v17 =	vmul.f32 $4.000000000e+00, v17;
	v15 =	vmul.f32 v28, v15  }
0x5d8: {  	v47 =	vld [tilespmem:$0x63E0];
	v51 =	vmul.f32 v12, v12;
	v7 =	vmul.f32 $4.000000000e+00, v7  }
0x5d9: {  	v57 =	vld [tilespmem:$0x6350];
	v10 =	vmul.f32 v52, v10;
	v54 =	vmul.f32 v44, v22  }
0x5da: {  	v60 =	vmul.f32 $4.000000000e+00, v14;
	v23 =	vmul.f32 $4.000000000e+00, v23  }
0x5db: {  	v45 =	vmul.f32 v26, v1;
	v46 =	vmul.f32 v27, v1  }
0x5dc: {  	v29 =	vmul.f32 v29, v1;
	v8 =	vmul.f32 v8, v19  }
0x5dd: {  	[tilespmem:$0x64E0] =	vst v3;
	v27 =	vmul.f32 v47, v1;
	v7 =	vmul.f32 v7, v9  }
0x5de: {  	v1 =	vmul.f32 v57, v1;
	v17 =	vmul.f32 v17, v45;
	[tilespmem:$0x6440] =	vst v8  }
0x5df: {  	v15 =	vmul.f32 $4.000000000e+00, v15;
	v58 =	vmul.f32 v23, v27;
	[tilespmem:$0x6480] =	vst v7  }
0x5e0: {  	v12 =	vmul.f32 v51, v12;
	v62 =	vmul.f32 v60, v46;
	[tilespmem:$0x6450] =	vst v17  }
0x5e1: {  	v10 =	vmul.f32 $4.000000000e+00, v10;
	v63 =	vmul.f32 v61, v29;
	[tilespmem:$0x64B0] =	vst v58  }
0x5e2: {  	v9 =	vmul.f32 $4.000000000e+00, v54;
	v1 =	vmul.f32 v2, v1;
	[tilespmem:$0x6490] =	vst v62  }
0x5e3: {  	v50 =	vmul.f32 v15, v21;
	v15 =	vmul.f32 v53, v20;
	[tilespmem:$0x6430] =	vst v63  }
0x5e4: {  	v12 =	vmul.f32 $4.000000000e+00, v12;
	v59 =	vmul.f32 v10, v16;
	[tilespmem:$0x6420] =	vst v1  }
0x5e5: {  	v5 =	vmul.f32 v9, v5;
	[tilespmem:$0x6460] =	vst v50;
	v56 =	vmul.f32 $4.000000000e+00, v15  }
0x5e6: {  	v55 =	vmul.f32 v12, v18;
	[tilespmem:$0x6470] =	vst v59  }
0x5e7: {  	[tilespmem:$0x64D0] =	vst v5;
	v6 =	vmul.f32 v56, v6  }
0x5e8: {  	[tilespmem:$0x64A0] =	vst v55  }
0x5e9: {  	[tilespmem:$0x64C0] =	vst v6  }
0x5ea: {  	[hbm4b:s6+s9] =	stream.linear.scatter [tilespmem:s0], [sflag:$0x5], $0xC8, $0x38;
	[tilespmem:$0x1DBF0] =	vst v63  }
0x5eb: {  	_ =	swait.ge [sflag:s1], $0xC8  }
0x5ec: {  	s5 =	rddreg [dreg:$0x10]  }
0x5ed: {  	s3 =	rddreg [dreg:$0xe];
	s5 =	sadd.s32 $0x1, s5  }
0x5ee: {  	p0 =	sne.s32 s5, s3  }
.Ltmp14:
0x5ef: {  	_ = 	snop;
	(pc) =	sbr.rel @p0 .LBB2_1-.Ltmp14, $3  }
0x5f0: {  	_ =	sdelay $0x1  }
0x5f1: {  	[sflag:s1] =	ssyncset.done $0x0  }
0x5f2: {  	[sflag:s1] =	ssyncadd.s32 $0xFFFFFF38  }
0x5f3: {  	_ =	sfence.sel $0x180000  }
0x5f4: {  	[bflag:$0x0] =	sbarrier.arrive $0xFFFF  }
0x5f5: {  	_ =	strace $0x90000047  }
0x5f6: {  	s0 =	stileid.u32;
	[bflag:$0x2] =	sbarrier.arrive $0xFFFF  }
0x5f7: {  	p0 =	sne.s32 s0, $0x0;
	s0 =	rddreg [dreg:$0x9]  }
0x5f8: {  	s0 =	sadd.s32 @!p0 $0x100000, s0  }
0x5f9: {  	[sflag:s0] =	ssyncadd.tile.s32 @!p0 $0x1;
	_ =	shalt  }
.Lfunc_end2:
_tile_overlayer_lowered:
.L_overlay_start_2:
0x5fa: {  	(tag) =	ssettag $0x2  }
0x5fb: {  	s0 =	rddreg [dreg:$0x0];
	s2 =	stileid.u32  }
0x5fc: {  	s1 =	rddreg [dreg:$0x1];
	p0 =	sne.s32 s2, $0x0  }
0x5fd: {  	s3 =	rddreg [dreg:$0x2];
	[bflag:$0x3] =	sbarrier.arrive $0xFFFF;
	s2 =	simm.s32 @!p0 $0x1C05  }
0x5fe: {  	[timem:s3], [sflag:s2] =	dma.local @!p0 [hbm:s0], s1  }
0x5ff: {  	s0 =	simm.s32 @!p0 $0x5  }
0x600: {  	_ =	swait.ge @!p0 [sflag:s0], s1  }
0x601: {  	s1 =	ssub.s32 @!p0 $0x0, s1;
	[sflag:s0] =	ssyncset.done @!p0 $0x0  }
0x602: {  	[sflag:s0] =	ssyncadd.s32 @!p0 s1  }
0x603: {  	[bflag:$0x3] =	sbarrier.arrive $0xFFFF  }
0x604: {  	_ =	shalt  }

</sc_bundles>
